<compile_context>
chip_gen: v7x
topology: tpu7x:2x2x1
jax: 0.10.2.dev20260603
libtpu: 0.0.44.dev20260713+nightly
codegen_flags: <defaults>
</compile_context>

<pallas_src>
import jax
import jax.numpy as jnp
from jax import lax
from jax.experimental import pallas as pl
from jax.experimental.pallas import tpu as pltpu
from jax.experimental.pallas import tpu_sc as plsc

_N = 10000
_E = 320000
_D = 128
_HD = 64
_G = 64

_NC, _NS = 2, 16
_NW = _NC * _NS
_KH = 80
_EPW = _E // _NW
_NCHH = _EPW // _KH
_K = 125
_EPS = _E // _NS
_NCH = _EPS // _K
_NBUF = 5
_NGRP = _NCH // _NBUF
_RPS = _N // _NS
_ZR = 125

_RB = 400
_NB = _N // _RB

_SC_PARAMS = pltpu.CompilerParams(use_tc_tiling_on_sc=False)


def _sc_mesh():
    return plsc.VectorSubcoreMesh(
        core_axis_name="c", subcore_axis_name="s",
        num_cores=_NC, num_subcores=_NS)



def _hist_body(dst_hbm, out_hbm, idx_v, ones_v, zro_v, hist_sh, semh):
    cid = lax.axis_index("c")
    sid = lax.axis_index("s")
    wid = cid * _NS + sid

    hidx = pltpu.async_copy(dst_hbm.at[wid], idx_v, semh)

    @pl.loop(0, _KH)
    def _(r):
        ones_v[r, :] = jnp.full((16,), 1.0, jnp.float32)

    @pl.loop(0, _RPS)
    def _(r):
        zro_v[r, :] = jnp.zeros((16,), jnp.float32)

    pltpu.sync_copy(zro_v, hist_sh.at[pl.ds(sid * _RPS, _RPS)])
    hidx.wait()
    plsc.subcore_barrier()

    @pl.loop(0, _NCHH)
    def _(c):
        pltpu.async_copy(ones_v, hist_sh.at[idx_v.at[c]], semh, add=True)

    @pl.loop(0, _NCHH)
    def _(c):
        pltpu.make_async_copy(out_hbm.at[cid, sid].at[pl.ds(0, _KH)],
                              ones_v, semh).wait()

    plsc.subcore_barrier()
    pltpu.sync_copy(hist_sh.at[pl.ds(sid * _RPS, _RPS)],
                    out_hbm.at[cid, sid])


def _sc_hist(dst3):
    k = pl.kernel(
        _hist_body,
        out_type=jax.ShapeDtypeStruct((_NC, _NS, _RPS, 16), jnp.float32),
        mesh=_sc_mesh(),
        scratch_types=[
            pltpu.VMEM((_NCHH, _KH), jnp.int32),
            pltpu.VMEM((_KH, 16), jnp.float32),
            pltpu.VMEM((_RPS, 16), jnp.float32),
            pltpu.VMEM_SHARED((_N, 16), jnp.float32),
            pltpu.SemaphoreType.DMA,
        ],
        compiler_params=_SC_PARAMS,
    )
    return k(dst3)


def _agg_body(p_hbm, src_hbm, dst_hbm, out_hbm, srcv, dstv,
              r0, r1, r2, r3, r4, zb, acc_sh, s0, s1, s2, s3, s4):
    cid = lax.axis_index("c")
    sid = lax.axis_index("s")
    rows = (r0, r1, r2, r3, r4)
    sems = (s0, s1, s2, s3, s4)

    hsrc = pltpu.async_copy(src_hbm.at[sid], srcv, s0)
    hdst = pltpu.async_copy(dst_hbm.at[sid], dstv, s1)

    @pl.loop(0, _ZR)
    def _(r):
        @pl.loop(0, _HD // 16)
        def _(c16):
            zb[r, pl.ds(c16 * 16, 16)] = jnp.zeros((16,), jnp.float32)

    for j in range(_RPS // _ZR):
        pltpu.sync_copy(zb, acc_sh.at[pl.ds(sid * _RPS + j * _ZR, _ZR)])

    hsrc.wait()
    hdst.wait()
    plsc.subcore_barrier()

    phalf = p_hbm.at[cid]

    def _fire_gather(c, j):
        pltpu.async_copy(phalf.at[srcv.at[c]], rows[j], sems[j])

    def _fire_scatter(c, j):
        pltpu.async_copy(rows[j], acc_sh.at[dstv.at[c]], sems[j], add=True)

    def _wait(j):
        pltpu.make_async_copy(phalf.at[pl.ds(0, _K)], rows[j], sems[j]).wait()

    for j in range(_NBUF):
        _fire_gather(j, j)

    @pl.loop(0, _NGRP - 1)
    def _(g):
        c0 = g * _NBUF
        for j in range(_NBUF):
            _wait(j)
            _fire_scatter(c0 + j, j)
        for j in range(_NBUF):
            _wait(j)
            _fire_gather(c0 + _NBUF + j, j)

    cl = (_NGRP - 1) * _NBUF
    for j in range(_NBUF):
        _wait(j)
        _fire_scatter(cl + j, j)
    for j in range(_NBUF):
        _wait(j)

    plsc.subcore_barrier()
    pltpu.sync_copy(acc_sh.at[pl.ds(sid * _RPS, _RPS)],
                    out_hbm.at[cid, sid])


def _sc_agg(p2, src3, dst3):
    k = pl.kernel(
        _agg_body,
        out_type=jax.ShapeDtypeStruct((_NC, _NS, _RPS, _HD), jnp.float32),
        mesh=_sc_mesh(),
        scratch_types=[
            pltpu.VMEM((_NCH, _K), jnp.int32),
            pltpu.VMEM((_NCH, _K), jnp.int32),
            pltpu.VMEM((_K, _HD), jnp.float32),
            pltpu.VMEM((_K, _HD), jnp.float32),
            pltpu.VMEM((_K, _HD), jnp.float32),
            pltpu.VMEM((_K, _HD), jnp.float32),
            pltpu.VMEM((_K, _HD), jnp.float32),
            pltpu.VMEM((_ZR, _HD), jnp.float32),
            pltpu.VMEM_SHARED((_N, _HD), jnp.float32),
            pltpu.SemaphoreType.DMA,
            pltpu.SemaphoreType.DMA,
            pltpu.SemaphoreType.DMA,
            pltpu.SemaphoreType.DMA,
            pltpu.SemaphoreType.DMA,
        ],
        compiler_params=_SC_PARAMS,
    )
    return k(p2, src3, dst3)



def _dis_block(hist_ref, i):
    d0 = hist_ref[0, pl.ds(i * _RB, _RB), 0:1]
    d1 = hist_ref[1, pl.ds(i * _RB, _RB), 0:1]
    return lax.rsqrt(d0 + d1 + 1.0)


def _dot(a, b):
    return jnp.dot(a, b, preferred_element_type=jnp.float32,
                   precision=lax.Precision.HIGHEST)


def _split_out(o_ref, p):
    o_ref[0] = p[:, :_HD]
    o_ref[1] = p[:, _HD:]


def _p1_body(hist_ref, x_ref, w_ref, o_ref):
    i = pl.program_id(0)
    dis = _dis_block(hist_ref, i)
    _split_out(o_ref, dis * _dot(x_ref[...], w_ref[...]))


def _tc_p1(hist, x, W1):
    return pl.pallas_call(
        _p1_body,
        grid=(_NB,),
        in_specs=[
            pl.BlockSpec((_NC, _N, 16), lambda i: (0, 0, 0)),
            pl.BlockSpec((_RB, _D), lambda i: (i, 0)),
            pl.BlockSpec((_D, _D), lambda i: (0, 0)),
        ],
        out_specs=pl.BlockSpec((_NC, _RB, _HD), lambda i: (0, i, 0)),
        out_shape=jax.ShapeDtypeStruct((_NC, _N, _HD), jnp.float32),
    )(hist, x, W1)


def _relu_h(hist_ref, agg_ref, p_ref, b_ref, i):
    dis = _dis_block(hist_ref, i)
    s = jnp.concatenate([agg_ref[0] + p_ref[0], agg_ref[1] + p_ref[1]],
                        axis=-1)
    return jnp.maximum(dis * s + b_ref[...], 0.0)


def _mid_body(hist_ref, agg_ref, p_ref, b_ref, w_ref, o_ref):
    i = pl.program_id(0)
    h = _relu_h(hist_ref, agg_ref, p_ref, b_ref, i)
    dis = _dis_block(hist_ref, i)
    _split_out(o_ref, dis * _dot(h, w_ref[...]))


def _tc_mid(hist, agg, p, b, W):
    return pl.pallas_call(
        _mid_body,
        grid=(_NB,),
        in_specs=[
            pl.BlockSpec((_NC, _N, 16), lambda i: (0, 0, 0)),
            pl.BlockSpec((_NC, _RB, _HD), lambda i: (0, i, 0)),
            pl.BlockSpec((_NC, _RB, _HD), lambda i: (0, i, 0)),
            pl.BlockSpec((1, _D), lambda i: (0, 0)),
            pl.BlockSpec((_D, _D), lambda i: (0, 0)),
        ],
        out_specs=pl.BlockSpec((_NC, _RB, _HD), lambda i: (0, i, 0)),
        out_shape=jax.ShapeDtypeStruct((_NC, _N, _HD), jnp.float32),
    )(hist, agg, p, b, W)


def _pool_body(hist_ref, agg_ref, p_ref, b_ref, batch_ref, o_ref, acc, cnt):
    i = pl.program_id(0)

    @pl.when(i == 0)
    def _():
        acc[...] = jnp.zeros_like(acc)
        cnt[...] = jnp.zeros_like(cnt)

    h = _relu_h(hist_ref, agg_ref, p_ref, b_ref, i)
    bb = batch_ref[i, :]
    oh = (lax.broadcasted_iota(jnp.int32, (_G, _RB), 0) == bb[None, :])
    oh = oh.astype(jnp.float32)
    acc[...] += _dot(oh, h)
    cnt[...] += _dot(oh, jnp.ones((_RB, _D), jnp.float32))

    @pl.when(i == _NB - 1)
    def _():
        o_ref[...] = acc[...] / jnp.maximum(cnt[...], 1.0)


def _tc_pool(hist, agg, p, b, batch2):
    return pl.pallas_call(
        _pool_body,
        grid=(_NB,),
        in_specs=[
            pl.BlockSpec((_NC, _N, 16), lambda i: (0, 0, 0)),
            pl.BlockSpec((_NC, _RB, _HD), lambda i: (0, i, 0)),
            pl.BlockSpec((_NC, _RB, _HD), lambda i: (0, i, 0)),
            pl.BlockSpec((1, _D), lambda i: (0, 0)),
            pl.BlockSpec((_NB, _RB), lambda i: (0, 0)),
        ],
        out_specs=pl.BlockSpec((_G, _D), lambda i: (0, 0)),
        out_shape=jax.ShapeDtypeStruct((_G, _D), jnp.float32),
        scratch_shapes=[
            pltpu.VMEM((_G, _D), jnp.float32),
            pltpu.VMEM((_G, _D), jnp.float32),
        ],
        compiler_params=pltpu.CompilerParams(
            dimension_semantics=("arbitrary",)),
    )(hist, agg, p, b, batch2)



def kernel(x, edge_index, batch, W1, b1, W2, b2, W3, b3):
    dsth = edge_index[1].reshape(_NW, _NCHH, _KH)
    src3 = edge_index[0].reshape(_NS, _NCH, _K)
    dst3 = edge_index[1].reshape(_NS, _NCH, _K)
    batch2 = batch.reshape(_NB, _RB)

    hist = _sc_hist(dsth).reshape(_NC, _N, 16)
    p1 = _tc_p1(hist, x, W1)
    a1 = _sc_agg(p1, src3, dst3).reshape(_NC, _N, _HD)
    p2 = _tc_mid(hist, a1, p1, b1.reshape(1, _D), W2)
    a2 = _sc_agg(p2, src3, dst3).reshape(_NC, _N, _HD)
    p3 = _tc_mid(hist, a2, p2, b2.reshape(1, _D), W3)
    a3 = _sc_agg(p3, src3, dst3).reshape(_NC, _N, _HD)
    return _tc_pool(hist, a3, p3, b3.reshape(1, _D), batch2)

# --- scband reference (transcript-rebuilt; emitter-appended) ---
"""Pipeline reference for scband-gcnencoder-42880953483411 (READ-ONLY COPY).

The authoritative reference and input builder live on the scoring server;
editing this copy changes nothing except your own understanding.
"""

import jax, jax.numpy as jnp
import numpy as np

N = 10000
E = 320000
D = 128
H = 128
G = 64


def setup_inputs(seed: int = 0) -> dict:
    key = jax.random.key(seed)
    ks = jax.random.split(key, 10)
    x = jax.random.normal(ks[0], (N, D), dtype=jnp.float32)
    edge_index = jax.random.randint(ks[1], (2, E), 0, N, dtype=jnp.int32)
    batch = jnp.sort(jax.random.randint(ks[2], (N,), 0, G, dtype=jnp.int32))
    # GCNConv parameters: depth=3, layer0: node_fdim->hidden, layers 1,2: hidden->hidden
    W1 = jax.random.normal(ks[3], (D, H), dtype=jnp.float32) * 0.05
    b1 = jnp.zeros((H,), dtype=jnp.float32)
    W2 = jax.random.normal(ks[4], (H, H), dtype=jnp.float32) * 0.05
    b2 = jnp.zeros((H,), dtype=jnp.float32)
    W3 = jax.random.normal(ks[5], (H, H), dtype=jnp.float32) * 0.05
    b3 = jnp.zeros((H,), dtype=jnp.float32)
    return {"x": x, "edge_index": edge_index, "batch": batch,
            "W1": W1, "b1": b1, "W2": W2, "b2": b2, "W3": W3, "b3": b3}


def _gcn_conv(h, src, dst, W, b):
    # PyG GCNConv with add_self_loops=True and symmetric normalization:
    # out = D^{-1/2} (A + I) D^{-1/2} (h @ W) + b
    loop = jnp.arange(N, dtype=src.dtype)
    s = jnp.concatenate([src, loop])
    d = jnp.concatenate([dst, loop])
    deg = jax.ops.segment_sum(jnp.ones_like(s, dtype=h.dtype), d, num_segments=N)
    dis = jnp.where(deg > 0, jax.lax.rsqrt(jnp.where(deg > 0, deg, 1.0)), 0.0)
    norm = dis[s] * dis[d]
    m = h @ W
    msg = m[s] * norm[:, None]
    out = jax.ops.segment_sum(msg, d, num_segments=N) + b
    return out


def reference(x, edge_index, batch, W1, b1, W2, b2, W3, b3):
    src = edge_index[0]
    dst = edge_index[1]
    h = x.astype(jnp.float32)
    for (W, b) in ((W1, b1), (W2, b2), (W3, b3)):
        h = _gcn_conv(h, src, dst, W, b)
        h = jax.nn.relu(h)
        # dropout p=0.0 (eval): identity
    # global_mean_pool over batch assignment
    counts = jax.ops.segment_sum(jnp.ones((N,), dtype=h.dtype), batch, num_segments=G)
    summed = jax.ops.segment_sum(h, batch, num_segments=G)
    pooled = summed / jnp.clip(counts, 1.0)[:, None]
    return pooled

if __name__ == "__main__":
    import jax
    _d = setup_inputs()
    print(jax.jit(kernel)(*tuple(_d.values())))

</pallas_src>

<mosaic_0001>
#map = affine_map<(d0, d1) -> (0, 0, 0)>
#map1 = affine_map<(d0, d1) -> (0, 0, 0, 0)>
module attributes {stable_mosaic.version = 14 : i64} {
  func.func @_agg_body(%arg0: i32, %arg1: i32, %arg2: memref<2x10000x64xf32, #tpu.memory_space<hbm>>, %arg3: memref<16x160x125xi32, #tpu.memory_space<hbm>>, %arg4: memref<16x160x125xi32, #tpu.memory_space<hbm>>, %arg5: memref<2x16x625x64xf32, #tpu.memory_space<hbm>>, %arg6: memref<160x125xi32, #tpu.memory_space<vmem>>, %arg7: memref<160x125xi32, #tpu.memory_space<vmem>>, %arg8: memref<125x64xf32, #tpu.memory_space<vmem>>, %arg9: memref<125x64xf32, #tpu.memory_space<vmem>>, %arg10: memref<125x64xf32, #tpu.memory_space<vmem>>, %arg11: memref<125x64xf32, #tpu.memory_space<vmem>>, %arg12: memref<125x64xf32, #tpu.memory_space<vmem>>, %arg13: memref<125x64xf32, #tpu.memory_space<vmem>>, %arg14: memref<10000x64xf32, #tpu.memory_space<vmem_shared>>, %arg15: memref<!tpu.dma_semaphore, #tpu.memory_space<semaphore_mem>>, %arg16: memref<!tpu.dma_semaphore, #tpu.memory_space<semaphore_mem>>, %arg17: memref<!tpu.dma_semaphore, #tpu.memory_space<semaphore_mem>>, %arg18: memref<!tpu.dma_semaphore, #tpu.memory_space<semaphore_mem>>, %arg19: memref<!tpu.dma_semaphore, #tpu.memory_space<semaphore_mem>>) attributes {dimension_semantics = [#tpu.dimension_semantics<core_parallel>, #tpu.dimension_semantics<subcore_parallel>], iteration_bounds = array<i64: 2, 16>, scalar_prefetch = 0 : i64, scratch_operands = 14 : i64, tpu.core_type = #tpu.core_type<sc_vector_subcore>, window_params = [{transform_indices = #map}, {transform_indices = #map}, {transform_indices = #map}, {transform_indices = #map1}]} {
    %dma_start3A = arith.constant 0 : i32
    %dma_start3A_0 = arith.constant 0 : i32
    %dma_start3A_1 = tpu.memref_slice %arg3[%arg1, %dma_start3A, %dma_start3A_0] : memref<16x160x125xi32, #tpu.memory_space<hbm>> -> memref<1x160x125xi32, #tpu.memory_space<hbm>>
    %dma_start3A_2 = tpu.memref_squeeze %dma_start3A_1 : memref<1x160x125xi32, #tpu.memory_space<hbm>> -> memref<160x125xi32, #tpu.memory_space<hbm>>
    %dma_start3A_3 = arith.constant 0 : i32
    %dma_start3A_4 = arith.constant 0 : i32
    %dma_start3A_5 = tpu.memref_slice %arg3[%arg1, %dma_start3A_3, %dma_start3A_4] : memref<16x160x125xi32, #tpu.memory_space<hbm>> -> memref<1x160x125xi32, #tpu.memory_space<hbm>>
    %dma_start3A_6 = tpu.memref_squeeze %dma_start3A_5 : memref<1x160x125xi32, #tpu.memory_space<hbm>> -> memref<160x125xi32, #tpu.memory_space<hbm>>
    tpu.enqueue_dma source(%dma_start3A_6 : memref<160x125xi32, #tpu.memory_space<hbm>>) target(%arg6 : memref<160x125xi32, #tpu.memory_space<vmem>>) target_semaphore(%arg15 : memref<!tpu.dma_semaphore, #tpu.memory_space<semaphore_mem>>)
    %dma_start3A_7 = arith.constant 0 : i32
    %dma_start3A_8 = arith.constant 0 : i32
    %dma_start3A_9 = tpu.memref_slice %arg4[%arg1, %dma_start3A_7, %dma_start3A_8] : memref<16x160x125xi32, #tpu.memory_space<hbm>> -> memref<1x160x125xi32, #tpu.memory_space<hbm>>
    %dma_start3A_10 = tpu.memref_squeeze %dma_start3A_9 : memref<1x160x125xi32, #tpu.memory_space<hbm>> -> memref<160x125xi32, #tpu.memory_space<hbm>>
    %dma_start3A_11 = arith.constant 0 : i32
    %dma_start3A_12 = arith.constant 0 : i32
    %dma_start3A_13 = tpu.memref_slice %arg4[%arg1, %dma_start3A_11, %dma_start3A_12] : memref<16x160x125xi32, #tpu.memory_space<hbm>> -> memref<1x160x125xi32, #tpu.memory_space<hbm>>
    %dma_start3A_14 = tpu.memref_squeeze %dma_start3A_13 : memref<1x160x125xi32, #tpu.memory_space<hbm>> -> memref<160x125xi32, #tpu.memory_space<hbm>>
    tpu.enqueue_dma source(%dma_start3A_14 : memref<160x125xi32, #tpu.memory_space<hbm>>) target(%arg7 : memref<160x125xi32, #tpu.memory_space<vmem>>) target_semaphore(%arg16 : memref<!tpu.dma_semaphore, #tpu.memory_space<semaphore_mem>>)
    %scan3A = arith.constant 0 : i32
    %scan3A_15 = arith.constant 125 : i32
    %scan3A_16 = arith.addi %scan3A, %scan3A_15 : i32
    %scan3A_17 = arith.constant 1 : i32
    scf.for %scan3A_290 = %scan3A to %scan3A_16 step %scan3A_17  : i32 {
      %mul3A_291 = arith.constant 1 : i32
      %mul3A_292 = arith.muli %scan3A_290, %mul3A_291 : i32
      %add3A_293 = arith.constant 0 : i32
      %add3A_294 = arith.addi %add3A_293, %mul3A_292 : i32
      %scan3A_295 = arith.constant 0 : i32
      %scan3A_296 = arith.constant 4 : i32
      %scan3A_297 = arith.addi %scan3A_295, %scan3A_296 : i32
      %scan3A_298 = arith.constant 1 : i32
      scf.for %scan3A_300 = %scan3A_295 to %scan3A_297 step %scan3A_298  : i32 {
        %mul3A_301 = arith.constant 1 : i32
        %mul3A_302 = arith.muli %scan3A_300, %mul3A_301 : i32
        %add3A_303 = arith.constant 0 : i32
        %add3A_304 = arith.addi %add3A_303, %mul3A_302 : i32
        %broadcast_in_dim3A = arith.constant 0.000000e+00 : f32
        %broadcast_in_dim3A_305 = vector.broadcast %broadcast_in_dim3A : f32 to vector<16xf32>
        %mul3A_306 = arith.constant 16 : i32
        %mul3A_307 = arith.muli %add3A_304, %mul3A_306 : i32
        %swap3A = arith.index_cast %add3A_294 : i32 to index
        %swap3A_308 = arith.index_cast %mul3A_307 : i32 to index
        %swap3A_309 = tpu.vector_load %arg13[%swap3A, %swap3A_308] {strides = array<i32>} : memref<125x64xf32, #tpu.memory_space<vmem>>, vector<1x16xf32>,
        %swap3A_310 = vector.shape_cast %swap3A_309 : vector<1x16xf32> to vector<16xf32>
        %swap3A_311 = vector.shape_cast %broadcast_in_dim3A_305 : vector<16xf32> to vector<1x16xf32>
        tpu.vector_store %arg13[%swap3A, %swap3A_308], %swap3A_311 {strides = array<i32>} : memref<125x64xf32, #tpu.memory_space<vmem>>, vector<1x16xf32>,
      }
      %scan3A_299 = arith.constant 4 : i32
    }
    %scan3A_18 = arith.constant 125 : i32
    %mul3A = arith.constant 625 : i32
    %mul3A_19 = arith.muli %arg1, %mul3A : i32
    %add3A = arith.constant 0 : i32
    %add3A_20 = arith.addi %mul3A_19, %add3A : i32
    "tpu.region"() ({
      %run_scoped3A = tpu.sem_alloc : memref<!tpu.dma_semaphore, #tpu.memory_space<semaphore_mem>>
      %dma_start3A_290 = arith.constant 0 : i32
      %dma_start3A_291 = tpu.memref_slice %arg14[%add3A_20, %dma_start3A_290] : memref<10000x64xf32, #tpu.memory_space<vmem_shared>> -> memref<125x64xf32, #tpu.memory_space<vmem_shared>>
      %dma_start3A_292 = arith.constant 0 : i32
      %dma_start3A_293 = tpu.memref_slice %arg14[%add3A_20, %dma_start3A_292] : memref<10000x64xf32, #tpu.memory_space<vmem_shared>> -> memref<125x64xf32, #tpu.memory_space<vmem_shared>>
      tpu.enqueue_dma source(%arg13 : memref<125x64xf32, #tpu.memory_space<vmem>>) target(%dma_start3A_293 : memref<125x64xf32, #tpu.memory_space<vmem_shared>>) target_semaphore(%run_scoped3A : memref<!tpu.dma_semaphore, #tpu.memory_space<semaphore_mem>>)
      %dma_wait3A_294 = arith.constant 0 : i32
      %dma_wait3A_295 = tpu.memref_slice %arg14[%add3A_20, %dma_wait3A_294] : memref<10000x64xf32, #tpu.memory_space<vmem_shared>> -> memref<125x64xf32, #tpu.memory_space<vmem_shared>>
      %dma_wait3A_296 = arith.constant 0 : i32
      %dma_wait3A_297 = tpu.memref_slice %arg14[%add3A_20, %dma_wait3A_296] : memref<10000x64xf32, #tpu.memory_space<vmem_shared>> -> memref<125x64xf32, #tpu.memory_space<vmem_shared>>
      tpu.wait_dma2 semaphore(%run_scoped3A : memref<!tpu.dma_semaphore, #tpu.memory_space<semaphore_mem>>) src(%arg13 : memref<125x64xf32, #tpu.memory_space<vmem>>) dst(%dma_wait3A_297 : memref<125x64xf32, #tpu.memory_space<vmem_shared>>)
      tpu.yield
    }) : () -> ()
    %mul3A_21 = arith.constant 625 : i32
    %mul3A_22 = arith.muli %arg1, %mul3A_21 : i32
    %add3A_23 = arith.constant 125 : i32
    %add3A_24 = arith.addi %mul3A_22, %add3A_23 : i32
    "tpu.region"() ({
      %run_scoped3A = tpu.sem_alloc : memref<!tpu.dma_semaphore, #tpu.memory_space<semaphore_mem>>
      %dma_start3A_290 = arith.constant 0 : i32
      %dma_start3A_291 = tpu.memref_slice %arg14[%add3A_24, %dma_start3A_290] : memref<10000x64xf32, #tpu.memory_space<vmem_shared>> -> memref<125x64xf32, #tpu.memory_space<vmem_shared>>
      %dma_start3A_292 = arith.constant 0 : i32
      %dma_start3A_293 = tpu.memref_slice %arg14[%add3A_24, %dma_start3A_292] : memref<10000x64xf32, #tpu.memory_space<vmem_shared>> -> memref<125x64xf32, #tpu.memory_space<vmem_shared>>
      tpu.enqueue_dma source(%arg13 : memref<125x64xf32, #tpu.memory_space<vmem>>) target(%dma_start3A_293 : memref<125x64xf32, #tpu.memory_space<vmem_shared>>) target_semaphore(%run_scoped3A : memref<!tpu.dma_semaphore, #tpu.memory_space<semaphore_mem>>)
      %dma_wait3A_294 = arith.constant 0 : i32
      %dma_wait3A_295 = tpu.memref_slice %arg14[%add3A_24, %dma_wait3A_294] : memref<10000x64xf32, #tpu.memory_space<vmem_shared>> -> memref<125x64xf32, #tpu.memory_space<vmem_shared>>
      %dma_wait3A_296 = arith.constant 0 : i32
      %dma_wait3A_297 = tpu.memref_slice %arg14[%add3A_24, %dma_wait3A_296] : memref<10000x64xf32, #tpu.memory_space<vmem_shared>> -> memref<125x64xf32, #tpu.memory_space<vmem_shared>>
      tpu.wait_dma2 semaphore(%run_scoped3A : memref<!tpu.dma_semaphore, #tpu.memory_space<semaphore_mem>>) src(%arg13 : memref<125x64xf32, #tpu.memory_space<vmem>>) dst(%dma_wait3A_297 : memref<125x64xf32, #tpu.memory_space<vmem_shared>>)
      tpu.yield
    }) : () -> ()
    %mul3A_25 = arith.constant 625 : i32
    %mul3A_26 = arith.muli %arg1, %mul3A_25 : i32
    %add3A_27 = arith.constant 250 : i32
    %add3A_28 = arith.addi %mul3A_26, %add3A_27 : i32
    "tpu.region"() ({
      %run_scoped3A = tpu.sem_alloc : memref<!tpu.dma_semaphore, #tpu.memory_space<semaphore_mem>>
      %dma_start3A_290 = arith.constant 0 : i32
      %dma_start3A_291 = tpu.memref_slice %arg14[%add3A_28, %dma_start3A_290] : memref<10000x64xf32, #tpu.memory_space<vmem_shared>> -> memref<125x64xf32, #tpu.memory_space<vmem_shared>>
      %dma_start3A_292 = arith.constant 0 : i32
      %dma_start3A_293 = tpu.memref_slice %arg14[%add3A_28, %dma_start3A_292] : memref<10000x64xf32, #tpu.memory_space<vmem_shared>> -> memref<125x64xf32, #tpu.memory_space<vmem_shared>>
      tpu.enqueue_dma source(%arg13 : memref<125x64xf32, #tpu.memory_space<vmem>>) target(%dma_start3A_293 : memref<125x64xf32, #tpu.memory_space<vmem_shared>>) target_semaphore(%run_scoped3A : memref<!tpu.dma_semaphore, #tpu.memory_space<semaphore_mem>>)
      %dma_wait3A_294 = arith.constant 0 : i32
      %dma_wait3A_295 = tpu.memref_slice %arg14[%add3A_28, %dma_wait3A_294] : memref<10000x64xf32, #tpu.memory_space<vmem_shared>> -> memref<125x64xf32, #tpu.memory_space<vmem_shared>>
      %dma_wait3A_296 = arith.constant 0 : i32
      %dma_wait3A_297 = tpu.memref_slice %arg14[%add3A_28, %dma_wait3A_296] : memref<10000x64xf32, #tpu.memory_space<vmem_shared>> -> memref<125x64xf32, #tpu.memory_space<vmem_shared>>
      tpu.wait_dma2 semaphore(%run_scoped3A : memref<!tpu.dma_semaphore, #tpu.memory_space<semaphore_mem>>) src(%arg13 : memref<125x64xf32, #tpu.memory_space<vmem>>) dst(%dma_wait3A_297 : memref<125x64xf32, #tpu.memory_space<vmem_shared>>)
      tpu.yield
    }) : () -> ()
    %mul3A_29 = arith.constant 625 : i32
    %mul3A_30 = arith.muli %arg1, %mul3A_29 : i32
    %add3A_31 = arith.constant 375 : i32
    %add3A_32 = arith.addi %mul3A_30, %add3A_31 : i32
    "tpu.region"() ({
      %run_scoped3A = tpu.sem_alloc : memref<!tpu.dma_semaphore, #tpu.memory_space<semaphore_mem>>
      %dma_start3A_290 = arith.constant 0 : i32
      %dma_start3A_291 = tpu.memref_slice %arg14[%add3A_32, %dma_start3A_290] : memref<10000x64xf32, #tpu.memory_space<vmem_shared>> -> memref<125x64xf32, #tpu.memory_space<vmem_shared>>
      %dma_start3A_292 = arith.constant 0 : i32
      %dma_start3A_293 = tpu.memref_slice %arg14[%add3A_32, %dma_start3A_292] : memref<10000x64xf32, #tpu.memory_space<vmem_shared>> -> memref<125x64xf32, #tpu.memory_space<vmem_shared>>
      tpu.enqueue_dma source(%arg13 : memref<125x64xf32, #tpu.memory_space<vmem>>) target(%dma_start3A_293 : memref<125x64xf32, #tpu.memory_space<vmem_shared>>) target_semaphore(%run_scoped3A : memref<!tpu.dma_semaphore, #tpu.memory_space<semaphore_mem>>)
      %dma_wait3A_294 = arith.constant 0 : i32
      %dma_wait3A_295 = tpu.memref_slice %arg14[%add3A_32, %dma_wait3A_294] : memref<10000x64xf32, #tpu.memory_space<vmem_shared>> -> memref<125x64xf32, #tpu.memory_space<vmem_shared>>
      %dma_wait3A_296 = arith.constant 0 : i32
      %dma_wait3A_297 = tpu.memref_slice %arg14[%add3A_32, %dma_wait3A_296] : memref<10000x64xf32, #tpu.memory_space<vmem_shared>> -> memref<125x64xf32, #tpu.memory_space<vmem_shared>>
      tpu.wait_dma2 semaphore(%run_scoped3A : memref<!tpu.dma_semaphore, #tpu.memory_space<semaphore_mem>>) src(%arg13 : memref<125x64xf32, #tpu.memory_space<vmem>>) dst(%dma_wait3A_297 : memref<125x64xf32, #tpu.memory_space<vmem_shared>>)
      tpu.yield
    }) : () -> ()
    %mul3A_33 = arith.constant 625 : i32
    %mul3A_34 = arith.muli %arg1, %mul3A_33 : i32
    %add3A_35 = arith.constant 500 : i32
    %add3A_36 = arith.addi %mul3A_34, %add3A_35 : i32
    "tpu.region"() ({
      %run_scoped3A = tpu.sem_alloc : memref<!tpu.dma_semaphore, #tpu.memory_space<semaphore_mem>>
      %dma_start3A_290 = arith.constant 0 : i32
      %dma_start3A_291 = tpu.memref_slice %arg14[%add3A_36, %dma_start3A_290] : memref<10000x64xf32, #tpu.memory_space<vmem_shared>> -> memref<125x64xf32, #tpu.memory_space<vmem_shared>>
      %dma_start3A_292 = arith.constant 0 : i32
      %dma_start3A_293 = tpu.memref_slice %arg14[%add3A_36, %dma_start3A_292] : memref<10000x64xf32, #tpu.memory_space<vmem_shared>> -> memref<125x64xf32, #tpu.memory_space<vmem_shared>>
      tpu.enqueue_dma source(%arg13 : memref<125x64xf32, #tpu.memory_space<vmem>>) target(%dma_start3A_293 : memref<125x64xf32, #tpu.memory_space<vmem_shared>>) target_semaphore(%run_scoped3A : memref<!tpu.dma_semaphore, #tpu.memory_space<semaphore_mem>>)
      %dma_wait3A_294 = arith.constant 0 : i32
      %dma_wait3A_295 = tpu.memref_slice %arg14[%add3A_36, %dma_wait3A_294] : memref<10000x64xf32, #tpu.memory_space<vmem_shared>> -> memref<125x64xf32, #tpu.memory_space<vmem_shared>>
      %dma_wait3A_296 = arith.constant 0 : i32
      %dma_wait3A_297 = tpu.memref_slice %arg14[%add3A_36, %dma_wait3A_296] : memref<10000x64xf32, #tpu.memory_space<vmem_shared>> -> memref<125x64xf32, #tpu.memory_space<vmem_shared>>
      tpu.wait_dma2 semaphore(%run_scoped3A : memref<!tpu.dma_semaphore, #tpu.memory_space<semaphore_mem>>) src(%arg13 : memref<125x64xf32, #tpu.memory_space<vmem>>) dst(%dma_wait3A_297 : memref<125x64xf32, #tpu.memory_space<vmem_shared>>)
      tpu.yield
    }) : () -> ()
    %dma_wait3A = arith.constant 0 : i32
    %dma_wait3A_37 = arith.constant 0 : i32
    %dma_wait3A_38 = tpu.memref_slice %arg3[%arg1, %dma_wait3A, %dma_wait3A_37] : memref<16x160x125xi32, #tpu.memory_space<hbm>> -> memref<1x160x125xi32, #tpu.memory_space<hbm>>
    %dma_wait3A_39 = tpu.memref_squeeze %dma_wait3A_38 : memref<1x160x125xi32, #tpu.memory_space<hbm>> -> memref<160x125xi32, #tpu.memory_space<hbm>>
    %dma_wait3A_40 = arith.constant 0 : i32
    %dma_wait3A_41 = arith.constant 0 : i32
    %dma_wait3A_42 = tpu.memref_slice %arg3[%arg1, %dma_wait3A_40, %dma_wait3A_41] : memref<16x160x125xi32, #tpu.memory_space<hbm>> -> memref<1x160x125xi32, #tpu.memory_space<hbm>>
    %dma_wait3A_43 = tpu.memref_squeeze %dma_wait3A_42 : memref<1x160x125xi32, #tpu.memory_space<hbm>> -> memref<160x125xi32, #tpu.memory_space<hbm>>
    tpu.wait_dma2 semaphore(%arg15 : memref<!tpu.dma_semaphore, #tpu.memory_space<semaphore_mem>>) src(%dma_wait3A_43 : memref<160x125xi32, #tpu.memory_space<hbm>>) dst(%arg6 : memref<160x125xi32, #tpu.memory_space<vmem>>)
    %dma_wait3A_44 = arith.constant 0 : i32
    %dma_wait3A_45 = arith.constant 0 : i32
    %dma_wait3A_46 = tpu.memref_slice %arg4[%arg1, %dma_wait3A_44, %dma_wait3A_45] : memref<16x160x125xi32, #tpu.memory_space<hbm>> -> memref<1x160x125xi32, #tpu.memory_space<hbm>>
    %dma_wait3A_47 = tpu.memref_squeeze %dma_wait3A_46 : memref<1x160x125xi32, #tpu.memory_space<hbm>> -> memref<160x125xi32, #tpu.memory_space<hbm>>
    %dma_wait3A_48 = arith.constant 0 : i32
    %dma_wait3A_49 = arith.constant 0 : i32
    %dma_wait3A_50 = tpu.memref_slice %arg4[%arg1, %dma_wait3A_48, %dma_wait3A_49] : memref<16x160x125xi32, #tpu.memory_space<hbm>> -> memref<1x160x125xi32, #tpu.memory_space<hbm>>
    %dma_wait3A_51 = tpu.memref_squeeze %dma_wait3A_50 : memref<1x160x125xi32, #tpu.memory_space<hbm>> -> memref<160x125xi32, #tpu.memory_space<hbm>>
    tpu.wait_dma2 semaphore(%arg16 : memref<!tpu.dma_semaphore, #tpu.memory_space<semaphore_mem>>) src(%dma_wait3A_51 : memref<160x125xi32, #tpu.memory_space<hbm>>) dst(%arg7 : memref<160x125xi32, #tpu.memory_space<vmem>>)
    %barrier3A = arith.constant 0 : index
    tpu.barrier barrier_id(%barrier3A)
    %dma_start3A_52 = arith.constant 0 : i32
    %dma_start3A_53 = arith.constant 0 : i32
    %dma_start3A_54 = tpu.memref_slice %arg6[%dma_start3A_52, %dma_start3A_53] : memref<160x125xi32, #tpu.memory_space<vmem>> -> memref<1x125xi32, #tpu.memory_space<vmem>>
    %dma_start3A_55 = tpu.memref_squeeze %dma_start3A_54 : memref<1x125xi32, #tpu.memory_space<vmem>> -> memref<125xi32, #tpu.memory_space<vmem>>
    %dma_start3A_56 = arith.constant 0 : i32
    %dma_start3A_57 = arith.constant 0 : i32
    %dma_start3A_58 = tpu.memref_slice %arg2[%arg0, %dma_start3A_56, %dma_start3A_57] : memref<2x10000x64xf32, #tpu.memory_space<hbm>> -> memref<1x10000x64xf32, #tpu.memory_space<hbm>>
    %dma_start3A_59 = tpu.memref_squeeze %dma_start3A_58 : memref<1x10000x64xf32, #tpu.memory_space<hbm>> -> memref<10000x64xf32, #tpu.memory_space<hbm>>
    %dma_start3A_60 = arith.constant 0 : i32
    %dma_start3A_61 = arith.constant 0 : i32
    %dma_start3A_62 = tpu.memref_slice %dma_start3A_59[%dma_start3A_60, %dma_start3A_61] : memref<10000x64xf32, #tpu.memory_space<hbm>> -> memref<10000x64xf32, #tpu.memory_space<hbm>>
    tpu.enqueue_indirect_dma source(%dma_start3A_62 : memref<10000x64xf32, #tpu.memory_space<hbm>>) target(%arg8 : memref<125x64xf32, #tpu.memory_space<vmem>>) offsets(%dma_start3A_55 : memref<125xi32, #tpu.memory_space<vmem>>) semaphore(%arg15 : memref<!tpu.dma_semaphore, #tpu.memory_space<semaphore_mem>>)
    %dma_start3A_63 = arith.constant 1 : i32
    %dma_start3A_64 = arith.constant 0 : i32
    %dma_start3A_65 = tpu.memref_slice %arg6[%dma_start3A_63, %dma_start3A_64] : memref<160x125xi32, #tpu.memory_space<vmem>> -> memref<1x125xi32, #tpu.memory_space<vmem>>
    %dma_start3A_66 = tpu.memref_squeeze %dma_start3A_65 : memref<1x125xi32, #tpu.memory_space<vmem>> -> memref<125xi32, #tpu.memory_space<vmem>>
    %dma_start3A_67 = arith.constant 0 : i32
    %dma_start3A_68 = arith.constant 0 : i32
    %dma_start3A_69 = tpu.memref_slice %arg2[%arg0, %dma_start3A_67, %dma_start3A_68] : memref<2x10000x64xf32, #tpu.memory_space<hbm>> -> memref<1x10000x64xf32, #tpu.memory_space<hbm>>
    %dma_start3A_70 = tpu.memref_squeeze %dma_start3A_69 : memref<1x10000x64xf32, #tpu.memory_space<hbm>> -> memref<10000x64xf32, #tpu.memory_space<hbm>>
    %dma_start3A_71 = arith.constant 0 : i32
    %dma_start3A_72 = arith.constant 0 : i32
    %dma_start3A_73 = tpu.memref_slice %dma_start3A_70[%dma_start3A_71, %dma_start3A_72] : memref<10000x64xf32, #tpu.memory_space<hbm>> -> memref<10000x64xf32, #tpu.memory_space<hbm>>
    tpu.enqueue_indirect_dma source(%dma_start3A_73 : memref<10000x64xf32, #tpu.memory_space<hbm>>) target(%arg9 : memref<125x64xf32, #tpu.memory_space<vmem>>) offsets(%dma_start3A_66 : memref<125xi32, #tpu.memory_space<vmem>>) semaphore(%arg16 : memref<!tpu.dma_semaphore, #tpu.memory_space<semaphore_mem>>)
    %dma_start3A_74 = arith.constant 2 : i32
    %dma_start3A_75 = arith.constant 0 : i32
    %dma_start3A_76 = tpu.memref_slice %arg6[%dma_start3A_74, %dma_start3A_75] : memref<160x125xi32, #tpu.memory_space<vmem>> -> memref<1x125xi32, #tpu.memory_space<vmem>>
    %dma_start3A_77 = tpu.memref_squeeze %dma_start3A_76 : memref<1x125xi32, #tpu.memory_space<vmem>> -> memref<125xi32, #tpu.memory_space<vmem>>
    %dma_start3A_78 = arith.constant 0 : i32
    %dma_start3A_79 = arith.constant 0 : i32
    %dma_start3A_80 = tpu.memref_slice %arg2[%arg0, %dma_start3A_78, %dma_start3A_79] : memref<2x10000x64xf32, #tpu.memory_space<hbm>> -> memref<1x10000x64xf32, #tpu.memory_space<hbm>>
    %dma_start3A_81 = tpu.memref_squeeze %dma_start3A_80 : memref<1x10000x64xf32, #tpu.memory_space<hbm>> -> memref<10000x64xf32, #tpu.memory_space<hbm>>
    %dma_start3A_82 = arith.constant 0 : i32
    %dma_start3A_83 = arith.constant 0 : i32
    %dma_start3A_84 = tpu.memref_slice %dma_start3A_81[%dma_start3A_82, %dma_start3A_83] : memref<10000x64xf32, #tpu.memory_space<hbm>> -> memref<10000x64xf32, #tpu.memory_space<hbm>>
    tpu.enqueue_indirect_dma source(%dma_start3A_84 : memref<10000x64xf32, #tpu.memory_space<hbm>>) target(%arg10 : memref<125x64xf32, #tpu.memory_space<vmem>>) offsets(%dma_start3A_77 : memref<125xi32, #tpu.memory_space<vmem>>) semaphore(%arg17 : memref<!tpu.dma_semaphore, #tpu.memory_space<semaphore_mem>>)
    %dma_start3A_85 = arith.constant 3 : i32
    %dma_start3A_86 = arith.constant 0 : i32
    %dma_start3A_87 = tpu.memref_slice %arg6[%dma_start3A_85, %dma_start3A_86] : memref<160x125xi32, #tpu.memory_space<vmem>> -> memref<1x125xi32, #tpu.memory_space<vmem>>
    %dma_start3A_88 = tpu.memref_squeeze %dma_start3A_87 : memref<1x125xi32, #tpu.memory_space<vmem>> -> memref<125xi32, #tpu.memory_space<vmem>>
    %dma_start3A_89 = arith.constant 0 : i32
    %dma_start3A_90 = arith.constant 0 : i32
    %dma_start3A_91 = tpu.memref_slice %arg2[%arg0, %dma_start3A_89, %dma_start3A_90] : memref<2x10000x64xf32, #tpu.memory_space<hbm>> -> memref<1x10000x64xf32, #tpu.memory_space<hbm>>
    %dma_start3A_92 = tpu.memref_squeeze %dma_start3A_91 : memref<1x10000x64xf32, #tpu.memory_space<hbm>> -> memref<10000x64xf32, #tpu.memory_space<hbm>>
    %dma_start3A_93 = arith.constant 0 : i32
    %dma_start3A_94 = arith.constant 0 : i32
    %dma_start3A_95 = tpu.memref_slice %dma_start3A_92[%dma_start3A_93, %dma_start3A_94] : memref<10000x64xf32, #tpu.memory_space<hbm>> -> memref<10000x64xf32, #tpu.memory_space<hbm>>
    tpu.enqueue_indirect_dma source(%dma_start3A_95 : memref<10000x64xf32, #tpu.memory_space<hbm>>) target(%arg11 : memref<125x64xf32, #tpu.memory_space<vmem>>) offsets(%dma_start3A_88 : memref<125xi32, #tpu.memory_space<vmem>>) semaphore(%arg18 : memref<!tpu.dma_semaphore, #tpu.memory_space<semaphore_mem>>)
    %dma_start3A_96 = arith.constant 4 : i32
    %dma_start3A_97 = arith.constant 0 : i32
    %dma_start3A_98 = tpu.memref_slice %arg6[%dma_start3A_96, %dma_start3A_97] : memref<160x125xi32, #tpu.memory_space<vmem>> -> memref<1x125xi32, #tpu.memory_space<vmem>>
    %dma_start3A_99 = tpu.memref_squeeze %dma_start3A_98 : memref<1x125xi32, #tpu.memory_space<vmem>> -> memref<125xi32, #tpu.memory_space<vmem>>
    %dma_start3A_100 = arith.constant 0 : i32
    %dma_start3A_101 = arith.constant 0 : i32
    %dma_start3A_102 = tpu.memref_slice %arg2[%arg0, %dma_start3A_100, %dma_start3A_101] : memref<2x10000x64xf32, #tpu.memory_space<hbm>> -> memref<1x10000x64xf32, #tpu.memory_space<hbm>>
    %dma_start3A_103 = tpu.memref_squeeze %dma_start3A_102 : memref<1x10000x64xf32, #tpu.memory_space<hbm>> -> memref<10000x64xf32, #tpu.memory_space<hbm>>
    %dma_start3A_104 = arith.constant 0 : i32
    %dma_start3A_105 = arith.constant 0 : i32
    %dma_start3A_106 = tpu.memref_slice %dma_start3A_103[%dma_start3A_104, %dma_start3A_105] : memref<10000x64xf32, #tpu.memory_space<hbm>> -> memref<10000x64xf32, #tpu.memory_space<hbm>>
    tpu.enqueue_indirect_dma source(%dma_start3A_106 : memref<10000x64xf32, #tpu.memory_space<hbm>>) target(%arg12 : memref<125x64xf32, #tpu.memory_space<vmem>>) offsets(%dma_start3A_99 : memref<125xi32, #tpu.memory_space<vmem>>) semaphore(%arg19 : memref<!tpu.dma_semaphore, #tpu.memory_space<semaphore_mem>>)
    %scan3A_107 = arith.constant 0 : i32
    %scan3A_108 = arith.constant 31 : i32
    %scan3A_109 = arith.addi %scan3A_107, %scan3A_108 : i32
    %scan3A_110 = arith.constant 1 : i32
    scf.for %scan3A_290 = %scan3A_107 to %scan3A_109 step %scan3A_110  : i32 {
      %mul3A_291 = arith.constant 1 : i32
      %mul3A_292 = arith.muli %scan3A_290, %mul3A_291 : i32
      %add3A_293 = arith.constant 0 : i32
      %add3A_294 = arith.addi %add3A_293, %mul3A_292 : i32
      %mul3A_295 = arith.constant 5 : i32
      %mul3A_296 = arith.muli %add3A_294, %mul3A_295 : i32
      %dma_wait3A_297 = arith.constant 0 : i32
      %dma_wait3A_298 = arith.constant 0 : i32
      %dma_wait3A_299 = tpu.memref_slice %arg2[%arg0, %dma_wait3A_297, %dma_wait3A_298] : memref<2x10000x64xf32, #tpu.memory_space<hbm>> -> memref<1x10000x64xf32, #tpu.memory_space<hbm>>
      %dma_wait3A_300 = tpu.memref_squeeze %dma_wait3A_299 : memref<1x10000x64xf32, #tpu.memory_space<hbm>> -> memref<10000x64xf32, #tpu.memory_space<hbm>>
      %dma_wait3A_301 = arith.constant 0 : i32
      %dma_wait3A_302 = arith.constant 0 : i32
      %dma_wait3A_303 = tpu.memref_slice %dma_wait3A_300[%dma_wait3A_301, %dma_wait3A_302] : memref<10000x64xf32, #tpu.memory_space<hbm>> -> memref<125x64xf32, #tpu.memory_space<hbm>>
      %dma_wait3A_304 = arith.constant 0 : i32
      %dma_wait3A_305 = arith.constant 0 : i32
      %dma_wait3A_306 = tpu.memref_slice %arg2[%arg0, %dma_wait3A_304, %dma_wait3A_305] : memref<2x10000x64xf32, #tpu.memory_space<hbm>> -> memref<1x10000x64xf32, #tpu.memory_space<hbm>>
      %dma_wait3A_307 = tpu.memref_squeeze %dma_wait3A_306 : memref<1x10000x64xf32, #tpu.memory_space<hbm>> -> memref<10000x64xf32, #tpu.memory_space<hbm>>
      %dma_wait3A_308 = arith.constant 0 : i32
      %dma_wait3A_309 = arith.constant 0 : i32
      %dma_wait3A_310 = tpu.memref_slice %dma_wait3A_307[%dma_wait3A_308, %dma_wait3A_309] : memref<10000x64xf32, #tpu.memory_space<hbm>> -> memref<125x64xf32, #tpu.memory_space<hbm>>
      tpu.wait_dma2 semaphore(%arg15 : memref<!tpu.dma_semaphore, #tpu.memory_space<semaphore_mem>>) src(%dma_wait3A_310 : memref<125x64xf32, #tpu.memory_space<hbm>>) dst(%arg8 : memref<125x64xf32, #tpu.memory_space<vmem>>)
      %add3A_311 = arith.constant 0 : i32
      %add3A_312 = arith.addi %mul3A_296, %add3A_311 : i32
      %dma_start3A_313 = arith.constant 0 : i32
      %dma_start3A_314 = tpu.memref_slice %arg7[%add3A_312, %dma_start3A_313] : memref<160x125xi32, #tpu.memory_space<vmem>> -> memref<1x125xi32, #tpu.memory_space<vmem>>
      %dma_start3A_315 = tpu.memref_squeeze %dma_start3A_314 : memref<1x125xi32, #tpu.memory_space<vmem>> -> memref<125xi32, #tpu.memory_space<vmem>>
      %dma_start3A_316 = arith.constant 0 : i32
      %dma_start3A_317 = arith.constant 0 : i32
      %dma_start3A_318 = tpu.memref_slice %arg14[%dma_start3A_316, %dma_start3A_317] : memref<10000x64xf32, #tpu.memory_space<vmem_shared>> -> memref<10000x64xf32, #tpu.memory_space<vmem_shared>>
      tpu.enqueue_indirect_dma source(%arg8 : memref<125x64xf32, #tpu.memory_space<vmem>>) target(%dma_start3A_318 : memref<10000x64xf32, #tpu.memory_space<vmem_shared>>) offsets(%dma_start3A_315 : memref<125xi32, #tpu.memory_space<vmem>>) semaphore(%arg15 : memref<!tpu.dma_semaphore, #tpu.memory_space<semaphore_mem>>) {add = true}
      %dma_wait3A_319 = arith.constant 0 : i32
      %dma_wait3A_320 = arith.constant 0 : i32
      %dma_wait3A_321 = tpu.memref_slice %arg2[%arg0, %dma_wait3A_319, %dma_wait3A_320] : memref<2x10000x64xf32, #tpu.memory_space<hbm>> -> memref<1x10000x64xf32, #tpu.memory_space<hbm>>
      %dma_wait3A_322 = tpu.memref_squeeze %dma_wait3A_321 : memref<1x10000x64xf32, #tpu.memory_space<hbm>> -> memref<10000x64xf32, #tpu.memory_space<hbm>>
      %dma_wait3A_323 = arith.constant 0 : i32
      %dma_wait3A_324 = arith.constant 0 : i32
      %dma_wait3A_325 = tpu.memref_slice %dma_wait3A_322[%dma_wait3A_323, %dma_wait3A_324] : memref<10000x64xf32, #tpu.memory_space<hbm>> -> memref<125x64xf32, #tpu.memory_space<hbm>>
      %dma_wait3A_326 = arith.constant 0 : i32
      %dma_wait3A_327 = arith.constant 0 : i32
      %dma_wait3A_328 = tpu.memref_slice %arg2[%arg0, %dma_wait3A_326, %dma_wait3A_327] : memref<2x10000x64xf32, #tpu.memory_space<hbm>> -> memref<1x10000x64xf32, #tpu.memory_space<hbm>>
      %dma_wait3A_329 = tpu.memref_squeeze %dma_wait3A_328 : memref<1x10000x64xf32, #tpu.memory_space<hbm>> -> memref<10000x64xf32, #tpu.memory_space<hbm>>
      %dma_wait3A_330 = arith.constant 0 : i32
      %dma_wait3A_331 = arith.constant 0 : i32
      %dma_wait3A_332 = tpu.memref_slice %dma_wait3A_329[%dma_wait3A_330, %dma_wait3A_331] : memref<10000x64xf32, #tpu.memory_space<hbm>> -> memref<125x64xf32, #tpu.memory_space<hbm>>
      tpu.wait_dma2 semaphore(%arg16 : memref<!tpu.dma_semaphore, #tpu.memory_space<semaphore_mem>>) src(%dma_wait3A_332 : memref<125x64xf32, #tpu.memory_space<hbm>>) dst(%arg9 : memref<125x64xf32, #tpu.memory_space<vmem>>)
      %add3A_333 = arith.constant 1 : i32
      %add3A_334 = arith.addi %mul3A_296, %add3A_333 : i32
      %dma_start3A_335 = arith.constant 0 : i32
      %dma_start3A_336 = tpu.memref_slice %arg7[%add3A_334, %dma_start3A_335] : memref<160x125xi32, #tpu.memory_space<vmem>> -> memref<1x125xi32, #tpu.memory_space<vmem>>
      %dma_start3A_337 = tpu.memref_squeeze %dma_start3A_336 : memref<1x125xi32, #tpu.memory_space<vmem>> -> memref<125xi32, #tpu.memory_space<vmem>>
      %dma_start3A_338 = arith.constant 0 : i32
      %dma_start3A_339 = arith.constant 0 : i32
      %dma_start3A_340 = tpu.memref_slice %arg14[%dma_start3A_338, %dma_start3A_339] : memref<10000x64xf32, #tpu.memory_space<vmem_shared>> -> memref<10000x64xf32, #tpu.memory_space<vmem_shared>>
      tpu.enqueue_indirect_dma source(%arg9 : memref<125x64xf32, #tpu.memory_space<vmem>>) target(%dma_start3A_340 : memref<10000x64xf32, #tpu.memory_space<vmem_shared>>) offsets(%dma_start3A_337 : memref<125xi32, #tpu.memory_space<vmem>>) semaphore(%arg16 : memref<!tpu.dma_semaphore, #tpu.memory_space<semaphore_mem>>) {add = true}
      %dma_wait3A_341 = arith.constant 0 : i32
      %dma_wait3A_342 = arith.constant 0 : i32
      %dma_wait3A_343 = tpu.memref_slice %arg2[%arg0, %dma_wait3A_341, %dma_wait3A_342] : memref<2x10000x64xf32, #tpu.memory_space<hbm>> -> memref<1x10000x64xf32, #tpu.memory_space<hbm>>
      %dma_wait3A_344 = tpu.memref_squeeze %dma_wait3A_343 : memref<1x10000x64xf32, #tpu.memory_space<hbm>> -> memref<10000x64xf32, #tpu.memory_space<hbm>>
      %dma_wait3A_345 = arith.constant 0 : i32
      %dma_wait3A_346 = arith.constant 0 : i32
      %dma_wait3A_347 = tpu.memref_slice %dma_wait3A_344[%dma_wait3A_345, %dma_wait3A_346] : memref<10000x64xf32, #tpu.memory_space<hbm>> -> memref<125x64xf32, #tpu.memory_space<hbm>>
      %dma_wait3A_348 = arith.constant 0 : i32
      %dma_wait3A_349 = arith.constant 0 : i32
      %dma_wait3A_350 = tpu.memref_slice %arg2[%arg0, %dma_wait3A_348, %dma_wait3A_349] : memref<2x10000x64xf32, #tpu.memory_space<hbm>> -> memref<1x10000x64xf32, #tpu.memory_space<hbm>>
      %dma_wait3A_351 = tpu.memref_squeeze %dma_wait3A_350 : memref<1x10000x64xf32, #tpu.memory_space<hbm>> -> memref<10000x64xf32, #tpu.memory_space<hbm>>
      %dma_wait3A_352 = arith.constant 0 : i32
      %dma_wait3A_353 = arith.constant 0 : i32
      %dma_wait3A_354 = tpu.memref_slice %dma_wait3A_351[%dma_wait3A_352, %dma_wait3A_353] : memref<10000x64xf32, #tpu.memory_space<hbm>> -> memref<125x64xf32, #tpu.memory_space<hbm>>
      tpu.wait_dma2 semaphore(%arg17 : memref<!tpu.dma_semaphore, #tpu.memory_space<semaphore_mem>>) src(%dma_wait3A_354 : memref<125x64xf32, #tpu.memory_space<hbm>>) dst(%arg10 : memref<125x64xf32, #tpu.memory_space<vmem>>)
      %add3A_355 = arith.constant 2 : i32
      %add3A_356 = arith.addi %mul3A_296, %add3A_355 : i32
      %dma_start3A_357 = arith.constant 0 : i32
      %dma_start3A_358 = tpu.memref_slice %arg7[%add3A_356, %dma_start3A_357] : memref<160x125xi32, #tpu.memory_space<vmem>> -> memref<1x125xi32, #tpu.memory_space<vmem>>
      %dma_start3A_359 = tpu.memref_squeeze %dma_start3A_358 : memref<1x125xi32, #tpu.memory_space<vmem>> -> memref<125xi32, #tpu.memory_space<vmem>>
      %dma_start3A_360 = arith.constant 0 : i32
      %dma_start3A_361 = arith.constant 0 : i32
      %dma_start3A_362 = tpu.memref_slice %arg14[%dma_start3A_360, %dma_start3A_361] : memref<10000x64xf32, #tpu.memory_space<vmem_shared>> -> memref<10000x64xf32, #tpu.memory_space<vmem_shared>>
      tpu.enqueue_indirect_dma source(%arg10 : memref<125x64xf32, #tpu.memory_space<vmem>>) target(%dma_start3A_362 : memref<10000x64xf32, #tpu.memory_space<vmem_shared>>) offsets(%dma_start3A_359 : memref<125xi32, #tpu.memory_space<vmem>>) semaphore(%arg17 : memref<!tpu.dma_semaphore, #tpu.memory_space<semaphore_mem>>) {add = true}
      %dma_wait3A_363 = arith.constant 0 : i32
      %dma_wait3A_364 = arith.constant 0 : i32
      %dma_wait3A_365 = tpu.memref_slice %arg2[%arg0, %dma_wait3A_363, %dma_wait3A_364] : memref<2x10000x64xf32, #tpu.memory_space<hbm>> -> memref<1x10000x64xf32, #tpu.memory_space<hbm>>
      %dma_wait3A_366 = tpu.memref_squeeze %dma_wait3A_365 : memref<1x10000x64xf32, #tpu.memory_space<hbm>> -> memref<10000x64xf32, #tpu.memory_space<hbm>>
      %dma_wait3A_367 = arith.constant 0 : i32
      %dma_wait3A_368 = arith.constant 0 : i32
      %dma_wait3A_369 = tpu.memref_slice %dma_wait3A_366[%dma_wait3A_367, %dma_wait3A_368] : memref<10000x64xf32, #tpu.memory_space<hbm>> -> memref<125x64xf32, #tpu.memory_space<hbm>>
      %dma_wait3A_370 = arith.constant 0 : i32
      %dma_wait3A_371 = arith.constant 0 : i32
      %dma_wait3A_372 = tpu.memref_slice %arg2[%arg0, %dma_wait3A_370, %dma_wait3A_371] : memref<2x10000x64xf32, #tpu.memory_space<hbm>> -> memref<1x10000x64xf32, #tpu.memory_space<hbm>>
      %dma_wait3A_373 = tpu.memref_squeeze %dma_wait3A_372 : memref<1x10000x64xf32, #tpu.memory_space<hbm>> -> memref<10000x64xf32, #tpu.memory_space<hbm>>
      %dma_wait3A_374 = arith.constant 0 : i32
      %dma_wait3A_375 = arith.constant 0 : i32
      %dma_wait3A_376 = tpu.memref_slice %dma_wait3A_373[%dma_wait3A_374, %dma_wait3A_375] : memref<10000x64xf32, #tpu.memory_space<hbm>> -> memref<125x64xf32, #tpu.memory_space<hbm>>
      tpu.wait_dma2 semaphore(%arg18 : memref<!tpu.dma_semaphore, #tpu.memory_space<semaphore_mem>>) src(%dma_wait3A_376 : memref<125x64xf32, #tpu.memory_space<hbm>>) dst(%arg11 : memref<125x64xf32, #tpu.memory_space<vmem>>)
      %add3A_377 = arith.constant 3 : i32
      %add3A_378 = arith.addi %mul3A_296, %add3A_377 : i32
      %dma_start3A_379 = arith.constant 0 : i32
      %dma_start3A_380 = tpu.memref_slice %arg7[%add3A_378, %dma_start3A_379] : memref<160x125xi32, #tpu.memory_space<vmem>> -> memref<1x125xi32, #tpu.memory_space<vmem>>
      %dma_start3A_381 = tpu.memref_squeeze %dma_start3A_380 : memref<1x125xi32, #tpu.memory_space<vmem>> -> memref<125xi32, #tpu.memory_space<vmem>>
      %dma_start3A_382 = arith.constant 0 : i32
      %dma_start3A_383 = arith.constant 0 : i32
      %dma_start3A_384 = tpu.memref_slice %arg14[%dma_start3A_382, %dma_start3A_383] : memref<10000x64xf32, #tpu.memory_space<vmem_shared>> -> memref<10000x64xf32, #tpu.memory_space<vmem_shared>>
      tpu.enqueue_indirect_dma source(%arg11 : memref<125x64xf32, #tpu.memory_space<vmem>>) target(%dma_start3A_384 : memref<10000x64xf32, #tpu.memory_space<vmem_shared>>) offsets(%dma_start3A_381 : memref<125xi32, #tpu.memory_space<vmem>>) semaphore(%arg18 : memref<!tpu.dma_semaphore, #tpu.memory_space<semaphore_mem>>) {add = true}
      %dma_wait3A_385 = arith.constant 0 : i32
      %dma_wait3A_386 = arith.constant 0 : i32
      %dma_wait3A_387 = tpu.memref_slice %arg2[%arg0, %dma_wait3A_385, %dma_wait3A_386] : memref<2x10000x64xf32, #tpu.memory_space<hbm>> -> memref<1x10000x64xf32, #tpu.memory_space<hbm>>
      %dma_wait3A_388 = tpu.memref_squeeze %dma_wait3A_387 : memref<1x10000x64xf32, #tpu.memory_space<hbm>> -> memref<10000x64xf32, #tpu.memory_space<hbm>>
      %dma_wait3A_389 = arith.constant 0 : i32
      %dma_wait3A_390 = arith.constant 0 : i32
      %dma_wait3A_391 = tpu.memref_slice %dma_wait3A_388[%dma_wait3A_389, %dma_wait3A_390] : memref<10000x64xf32, #tpu.memory_space<hbm>> -> memref<125x64xf32, #tpu.memory_space<hbm>>
      %dma_wait3A_392 = arith.constant 0 : i32
      %dma_wait3A_393 = arith.constant 0 : i32
      %dma_wait3A_394 = tpu.memref_slice %arg2[%arg0, %dma_wait3A_392, %dma_wait3A_393] : memref<2x10000x64xf32, #tpu.memory_space<hbm>> -> memref<1x10000x64xf32, #tpu.memory_space<hbm>>
      %dma_wait3A_395 = tpu.memref_squeeze %dma_wait3A_394 : memref<1x10000x64xf32, #tpu.memory_space<hbm>> -> memref<10000x64xf32, #tpu.memory_space<hbm>>
      %dma_wait3A_396 = arith.constant 0 : i32
      %dma_wait3A_397 = arith.constant 0 : i32
      %dma_wait3A_398 = tpu.memref_slice %dma_wait3A_395[%dma_wait3A_396, %dma_wait3A_397] : memref<10000x64xf32, #tpu.memory_space<hbm>> -> memref<125x64xf32, #tpu.memory_space<hbm>>
      tpu.wait_dma2 semaphore(%arg19 : memref<!tpu.dma_semaphore, #tpu.memory_space<semaphore_mem>>) src(%dma_wait3A_398 : memref<125x64xf32, #tpu.memory_space<hbm>>) dst(%arg12 : memref<125x64xf32, #tpu.memory_space<vmem>>)
      %add3A_399 = arith.constant 4 : i32
      %add3A_400 = arith.addi %mul3A_296, %add3A_399 : i32
      %dma_start3A_401 = arith.constant 0 : i32
      %dma_start3A_402 = tpu.memref_slice %arg7[%add3A_400, %dma_start3A_401] : memref<160x125xi32, #tpu.memory_space<vmem>> -> memref<1x125xi32, #tpu.memory_space<vmem>>
      %dma_start3A_403 = tpu.memref_squeeze %dma_start3A_402 : memref<1x125xi32, #tpu.memory_space<vmem>> -> memref<125xi32, #tpu.memory_space<vmem>>
      %dma_start3A_404 = arith.constant 0 : i32
      %dma_start3A_405 = arith.constant 0 : i32
      %dma_start3A_406 = tpu.memref_slice %arg14[%dma_start3A_404, %dma_start3A_405] : memref<10000x64xf32, #tpu.memory_space<vmem_shared>> -> memref<10000x64xf32, #tpu.memory_space<vmem_shared>>
      tpu.enqueue_indirect_dma source(%arg12 : memref<125x64xf32, #tpu.memory_space<vmem>>) target(%dma_start3A_406 : memref<10000x64xf32, #tpu.memory_space<vmem_shared>>) offsets(%dma_start3A_403 : memref<125xi32, #tpu.memory_space<vmem>>) semaphore(%arg19 : memref<!tpu.dma_semaphore, #tpu.memory_space<semaphore_mem>>) {add = true}
      %dma_wait3A_407 = arith.constant 0 : i32
      %dma_wait3A_408 = arith.constant 0 : i32
      %dma_wait3A_409 = tpu.memref_slice %arg2[%arg0, %dma_wait3A_407, %dma_wait3A_408] : memref<2x10000x64xf32, #tpu.memory_space<hbm>> -> memref<1x10000x64xf32, #tpu.memory_space<hbm>>
      %dma_wait3A_410 = tpu.memref_squeeze %dma_wait3A_409 : memref<1x10000x64xf32, #tpu.memory_space<hbm>> -> memref<10000x64xf32, #tpu.memory_space<hbm>>
      %dma_wait3A_411 = arith.constant 0 : i32
      %dma_wait3A_412 = arith.constant 0 : i32
      %dma_wait3A_413 = tpu.memref_slice %dma_wait3A_410[%dma_wait3A_411, %dma_wait3A_412] : memref<10000x64xf32, #tpu.memory_space<hbm>> -> memref<125x64xf32, #tpu.memory_space<hbm>>
      %dma_wait3A_414 = arith.constant 0 : i32
      %dma_wait3A_415 = arith.constant 0 : i32
      %dma_wait3A_416 = tpu.memref_slice %arg2[%arg0, %dma_wait3A_414, %dma_wait3A_415] : memref<2x10000x64xf32, #tpu.memory_space<hbm>> -> memref<1x10000x64xf32, #tpu.memory_space<hbm>>
      %dma_wait3A_417 = tpu.memref_squeeze %dma_wait3A_416 : memref<1x10000x64xf32, #tpu.memory_space<hbm>> -> memref<10000x64xf32, #tpu.memory_space<hbm>>
      %dma_wait3A_418 = arith.constant 0 : i32
      %dma_wait3A_419 = arith.constant 0 : i32
      %dma_wait3A_420 = tpu.memref_slice %dma_wait3A_417[%dma_wait3A_418, %dma_wait3A_419] : memref<10000x64xf32, #tpu.memory_space<hbm>> -> memref<125x64xf32, #tpu.memory_space<hbm>>
      tpu.wait_dma2 semaphore(%arg15 : memref<!tpu.dma_semaphore, #tpu.memory_space<semaphore_mem>>) src(%dma_wait3A_420 : memref<125x64xf32, #tpu.memory_space<hbm>>) dst(%arg8 : memref<125x64xf32, #tpu.memory_space<vmem>>)
      %add3A_421 = arith.constant 5 : i32
      %add3A_422 = arith.addi %mul3A_296, %add3A_421 : i32
      %add3A_423 = arith.constant 0 : i32
      %add3A_424 = arith.addi %add3A_422, %add3A_423 : i32
      %dma_start3A_425 = arith.constant 0 : i32
      %dma_start3A_426 = tpu.memref_slice %arg6[%add3A_424, %dma_start3A_425] : memref<160x125xi32, #tpu.memory_space<vmem>> -> memref<1x125xi32, #tpu.memory_space<vmem>>
      %dma_start3A_427 = tpu.memref_squeeze %dma_start3A_426 : memref<1x125xi32, #tpu.memory_space<vmem>> -> memref<125xi32, #tpu.memory_space<vmem>>
      %dma_start3A_428 = arith.constant 0 : i32
      %dma_start3A_429 = arith.constant 0 : i32
      %dma_start3A_430 = tpu.memref_slice %arg2[%arg0, %dma_start3A_428, %dma_start3A_429] : memref<2x10000x64xf32, #tpu.memory_space<hbm>> -> memref<1x10000x64xf32, #tpu.memory_space<hbm>>
      %dma_start3A_431 = tpu.memref_squeeze %dma_start3A_430 : memref<1x10000x64xf32, #tpu.memory_space<hbm>> -> memref<10000x64xf32, #tpu.memory_space<hbm>>
      %dma_start3A_432 = arith.constant 0 : i32
      %dma_start3A_433 = arith.constant 0 : i32
      %dma_start3A_434 = tpu.memref_slice %dma_start3A_431[%dma_start3A_432, %dma_start3A_433] : memref<10000x64xf32, #tpu.memory_space<hbm>> -> memref<10000x64xf32, #tpu.memory_space<hbm>>
      tpu.enqueue_indirect_dma source(%dma_start3A_434 : memref<10000x64xf32, #tpu.memory_space<hbm>>) target(%arg8 : memref<125x64xf32, #tpu.memory_space<vmem>>) offsets(%dma_start3A_427 : memref<125xi32, #tpu.memory_space<vmem>>) semaphore(%arg15 : memref<!tpu.dma_semaphore, #tpu.memory_space<semaphore_mem>>)
      %dma_wait3A_435 = arith.constant 0 : i32
      %dma_wait3A_436 = arith.constant 0 : i32
      %dma_wait3A_437 = tpu.memref_slice %arg2[%arg0, %dma_wait3A_435, %dma_wait3A_436] : memref<2x10000x64xf32, #tpu.memory_space<hbm>> -> memref<1x10000x64xf32, #tpu.memory_space<hbm>>
      %dma_wait3A_438 = tpu.memref_squeeze %dma_wait3A_437 : memref<1x10000x64xf32, #tpu.memory_space<hbm>> -> memref<10000x64xf32, #tpu.memory_space<hbm>>
      %dma_wait3A_439 = arith.constant 0 : i32
      %dma_wait3A_440 = arith.constant 0 : i32
      %dma_wait3A_441 = tpu.memref_slice %dma_wait3A_438[%dma_wait3A_439, %dma_wait3A_440] : memref<10000x64xf32, #tpu.memory_space<hbm>> -> memref<125x64xf32, #tpu.memory_space<hbm>>
      %dma_wait3A_442 = arith.constant 0 : i32
      %dma_wait3A_443 = arith.constant 0 : i32
      %dma_wait3A_444 = tpu.memref_slice %arg2[%arg0, %dma_wait3A_442, %dma_wait3A_443] : memref<2x10000x64xf32, #tpu.memory_space<hbm>> -> memref<1x10000x64xf32, #tpu.memory_space<hbm>>
      %dma_wait3A_445 = tpu.memref_squeeze %dma_wait3A_444 : memref<1x10000x64xf32, #tpu.memory_space<hbm>> -> memref<10000x64xf32, #tpu.memory_space<hbm>>
      %dma_wait3A_446 = arith.constant 0 : i32
      %dma_wait3A_447 = arith.constant 0 : i32
      %dma_wait3A_448 = tpu.memref_slice %dma_wait3A_445[%dma_wait3A_446, %dma_wait3A_447] : memref<10000x64xf32, #tpu.memory_space<hbm>> -> memref<125x64xf32, #tpu.memory_space<hbm>>
      tpu.wait_dma2 semaphore(%arg16 : memref<!tpu.dma_semaphore, #tpu.memory_space<semaphore_mem>>) src(%dma_wait3A_448 : memref<125x64xf32, #tpu.memory_space<hbm>>) dst(%arg9 : memref<125x64xf32, #tpu.memory_space<vmem>>)
      %add3A_449 = arith.constant 5 : i32
      %add3A_450 = arith.addi %mul3A_296, %add3A_449 : i32
      %add3A_451 = arith.constant 1 : i32
      %add3A_452 = arith.addi %add3A_450, %add3A_451 : i32
      %dma_start3A_453 = arith.constant 0 : i32
      %dma_start3A_454 = tpu.memref_slice %arg6[%add3A_452, %dma_start3A_453] : memref<160x125xi32, #tpu.memory_space<vmem>> -> memref<1x125xi32, #tpu.memory_space<vmem>>
      %dma_start3A_455 = tpu.memref_squeeze %dma_start3A_454 : memref<1x125xi32, #tpu.memory_space<vmem>> -> memref<125xi32, #tpu.memory_space<vmem>>
      %dma_start3A_456 = arith.constant 0 : i32
      %dma_start3A_457 = arith.constant 0 : i32
      %dma_start3A_458 = tpu.memref_slice %arg2[%arg0, %dma_start3A_456, %dma_start3A_457] : memref<2x10000x64xf32, #tpu.memory_space<hbm>> -> memref<1x10000x64xf32, #tpu.memory_space<hbm>>
      %dma_start3A_459 = tpu.memref_squeeze %dma_start3A_458 : memref<1x10000x64xf32, #tpu.memory_space<hbm>> -> memref<10000x64xf32, #tpu.memory_space<hbm>>
      %dma_start3A_460 = arith.constant 0 : i32
      %dma_start3A_461 = arith.constant 0 : i32
      %dma_start3A_462 = tpu.memref_slice %dma_start3A_459[%dma_start3A_460, %dma_start3A_461] : memref<10000x64xf32, #tpu.memory_space<hbm>> -> memref<10000x64xf32, #tpu.memory_space<hbm>>
      tpu.enqueue_indirect_dma source(%dma_start3A_462 : memref<10000x64xf32, #tpu.memory_space<hbm>>) target(%arg9 : memref<125x64xf32, #tpu.memory_space<vmem>>) offsets(%dma_start3A_455 : memref<125xi32, #tpu.memory_space<vmem>>) semaphore(%arg16 : memref<!tpu.dma_semaphore, #tpu.memory_space<semaphore_mem>>)
      %dma_wait3A_463 = arith.constant 0 : i32
      %dma_wait3A_464 = arith.constant 0 : i32
      %dma_wait3A_465 = tpu.memref_slice %arg2[%arg0, %dma_wait3A_463, %dma_wait3A_464] : memref<2x10000x64xf32, #tpu.memory_space<hbm>> -> memref<1x10000x64xf32, #tpu.memory_space<hbm>>
      %dma_wait3A_466 = tpu.memref_squeeze %dma_wait3A_465 : memref<1x10000x64xf32, #tpu.memory_space<hbm>> -> memref<10000x64xf32, #tpu.memory_space<hbm>>
      %dma_wait3A_467 = arith.constant 0 : i32
      %dma_wait3A_468 = arith.constant 0 : i32
      %dma_wait3A_469 = tpu.memref_slice %dma_wait3A_466[%dma_wait3A_467, %dma_wait3A_468] : memref<10000x64xf32, #tpu.memory_space<hbm>> -> memref<125x64xf32, #tpu.memory_space<hbm>>
      %dma_wait3A_470 = arith.constant 0 : i32
      %dma_wait3A_471 = arith.constant 0 : i32
      %dma_wait3A_472 = tpu.memref_slice %arg2[%arg0, %dma_wait3A_470, %dma_wait3A_471] : memref<2x10000x64xf32, #tpu.memory_space<hbm>> -> memref<1x10000x64xf32, #tpu.memory_space<hbm>>
      %dma_wait3A_473 = tpu.memref_squeeze %dma_wait3A_472 : memref<1x10000x64xf32, #tpu.memory_space<hbm>> -> memref<10000x64xf32, #tpu.memory_space<hbm>>
      %dma_wait3A_474 = arith.constant 0 : i32
      %dma_wait3A_475 = arith.constant 0 : i32
      %dma_wait3A_476 = tpu.memref_slice %dma_wait3A_473[%dma_wait3A_474, %dma_wait3A_475] : memref<10000x64xf32, #tpu.memory_space<hbm>> -> memref<125x64xf32, #tpu.memory_space<hbm>>
      tpu.wait_dma2 semaphore(%arg17 : memref<!tpu.dma_semaphore, #tpu.memory_space<semaphore_mem>>) src(%dma_wait3A_476 : memref<125x64xf32, #tpu.memory_space<hbm>>) dst(%arg10 : memref<125x64xf32, #tpu.memory_space<vmem>>)
      %add3A_477 = arith.constant 5 : i32
      %add3A_478 = arith.addi %mul3A_296, %add3A_477 : i32
      %add3A_479 = arith.constant 2 : i32
      %add3A_480 = arith.addi %add3A_478, %add3A_479 : i32
      %dma_start3A_481 = arith.constant 0 : i32
      %dma_start3A_482 = tpu.memref_slice %arg6[%add3A_480, %dma_start3A_481] : memref<160x125xi32, #tpu.memory_space<vmem>> -> memref<1x125xi32, #tpu.memory_space<vmem>>
      %dma_start3A_483 = tpu.memref_squeeze %dma_start3A_482 : memref<1x125xi32, #tpu.memory_space<vmem>> -> memref<125xi32, #tpu.memory_space<vmem>>
      %dma_start3A_484 = arith.constant 0 : i32
      %dma_start3A_485 = arith.constant 0 : i32
      %dma_start3A_486 = tpu.memref_slice %arg2[%arg0, %dma_start3A_484, %dma_start3A_485] : memref<2x10000x64xf32, #tpu.memory_space<hbm>> -> memref<1x10000x64xf32, #tpu.memory_space<hbm>>
      %dma_start3A_487 = tpu.memref_squeeze %dma_start3A_486 : memref<1x10000x64xf32, #tpu.memory_space<hbm>> -> memref<10000x64xf32, #tpu.memory_space<hbm>>
      %dma_start3A_488 = arith.constant 0 : i32
      %dma_start3A_489 = arith.constant 0 : i32
      %dma_start3A_490 = tpu.memref_slice %dma_start3A_487[%dma_start3A_488, %dma_start3A_489] : memref<10000x64xf32, #tpu.memory_space<hbm>> -> memref<10000x64xf32, #tpu.memory_space<hbm>>
      tpu.enqueue_indirect_dma source(%dma_start3A_490 : memref<10000x64xf32, #tpu.memory_space<hbm>>) target(%arg10 : memref<125x64xf32, #tpu.memory_space<vmem>>) offsets(%dma_start3A_483 : memref<125xi32, #tpu.memory_space<vmem>>) semaphore(%arg17 : memref<!tpu.dma_semaphore, #tpu.memory_space<semaphore_mem>>)
      %dma_wait3A_491 = arith.constant 0 : i32
      %dma_wait3A_492 = arith.constant 0 : i32
      %dma_wait3A_493 = tpu.memref_slice %arg2[%arg0, %dma_wait3A_491, %dma_wait3A_492] : memref<2x10000x64xf32, #tpu.memory_space<hbm>> -> memref<1x10000x64xf32, #tpu.memory_space<hbm>>
      %dma_wait3A_494 = tpu.memref_squeeze %dma_wait3A_493 : memref<1x10000x64xf32, #tpu.memory_space<hbm>> -> memref<10000x64xf32, #tpu.memory_space<hbm>>
      %dma_wait3A_495 = arith.constant 0 : i32
      %dma_wait3A_496 = arith.constant 0 : i32
      %dma_wait3A_497 = tpu.memref_slice %dma_wait3A_494[%dma_wait3A_495, %dma_wait3A_496] : memref<10000x64xf32, #tpu.memory_space<hbm>> -> memref<125x64xf32, #tpu.memory_space<hbm>>
      %dma_wait3A_498 = arith.constant 0 : i32
      %dma_wait3A_499 = arith.constant 0 : i32
      %dma_wait3A_500 = tpu.memref_slice %arg2[%arg0, %dma_wait3A_498, %dma_wait3A_499] : memref<2x10000x64xf32, #tpu.memory_space<hbm>> -> memref<1x10000x64xf32, #tpu.memory_space<hbm>>
      %dma_wait3A_501 = tpu.memref_squeeze %dma_wait3A_500 : memref<1x10000x64xf32, #tpu.memory_space<hbm>> -> memref<10000x64xf32, #tpu.memory_space<hbm>>
      %dma_wait3A_502 = arith.constant 0 : i32
      %dma_wait3A_503 = arith.constant 0 : i32
      %dma_wait3A_504 = tpu.memref_slice %dma_wait3A_501[%dma_wait3A_502, %dma_wait3A_503] : memref<10000x64xf32, #tpu.memory_space<hbm>> -> memref<125x64xf32, #tpu.memory_space<hbm>>
      tpu.wait_dma2 semaphore(%arg18 : memref<!tpu.dma_semaphore, #tpu.memory_space<semaphore_mem>>) src(%dma_wait3A_504 : memref<125x64xf32, #tpu.memory_space<hbm>>) dst(%arg11 : memref<125x64xf32, #tpu.memory_space<vmem>>)
      %add3A_505 = arith.constant 5 : i32
      %add3A_506 = arith.addi %mul3A_296, %add3A_505 : i32
      %add3A_507 = arith.constant 3 : i32
      %add3A_508 = arith.addi %add3A_506, %add3A_507 : i32
      %dma_start3A_509 = arith.constant 0 : i32
      %dma_start3A_510 = tpu.memref_slice %arg6[%add3A_508, %dma_start3A_509] : memref<160x125xi32, #tpu.memory_space<vmem>> -> memref<1x125xi32, #tpu.memory_space<vmem>>
      %dma_start3A_511 = tpu.memref_squeeze %dma_start3A_510 : memref<1x125xi32, #tpu.memory_space<vmem>> -> memref<125xi32, #tpu.memory_space<vmem>>
      %dma_start3A_512 = arith.constant 0 : i32
      %dma_start3A_513 = arith.constant 0 : i32
      %dma_start3A_514 = tpu.memref_slice %arg2[%arg0, %dma_start3A_512, %dma_start3A_513] : memref<2x10000x64xf32, #tpu.memory_space<hbm>> -> memref<1x10000x64xf32, #tpu.memory_space<hbm>>
      %dma_start3A_515 = tpu.memref_squeeze %dma_start3A_514 : memref<1x10000x64xf32, #tpu.memory_space<hbm>> -> memref<10000x64xf32, #tpu.memory_space<hbm>>
      %dma_start3A_516 = arith.constant 0 : i32
      %dma_start3A_517 = arith.constant 0 : i32
      %dma_start3A_518 = tpu.memref_slice %dma_start3A_515[%dma_start3A_516, %dma_start3A_517] : memref<10000x64xf32, #tpu.memory_space<hbm>> -> memref<10000x64xf32, #tpu.memory_space<hbm>>
      tpu.enqueue_indirect_dma source(%dma_start3A_518 : memref<10000x64xf32, #tpu.memory_space<hbm>>) target(%arg11 : memref<125x64xf32, #tpu.memory_space<vmem>>) offsets(%dma_start3A_511 : memref<125xi32, #tpu.memory_space<vmem>>) semaphore(%arg18 : memref<!tpu.dma_semaphore, #tpu.memory_space<semaphore_mem>>)
      %dma_wait3A_519 = arith.constant 0 : i32
      %dma_wait3A_520 = arith.constant 0 : i32
      %dma_wait3A_521 = tpu.memref_slice %arg2[%arg0, %dma_wait3A_519, %dma_wait3A_520] : memref<2x10000x64xf32, #tpu.memory_space<hbm>> -> memref<1x10000x64xf32, #tpu.memory_space<hbm>>
      %dma_wait3A_522 = tpu.memref_squeeze %dma_wait3A_521 : memref<1x10000x64xf32, #tpu.memory_space<hbm>> -> memref<10000x64xf32, #tpu.memory_space<hbm>>
      %dma_wait3A_523 = arith.constant 0 : i32
      %dma_wait3A_524 = arith.constant 0 : i32
      %dma_wait3A_525 = tpu.memref_slice %dma_wait3A_522[%dma_wait3A_523, %dma_wait3A_524] : memref<10000x64xf32, #tpu.memory_space<hbm>> -> memref<125x64xf32, #tpu.memory_space<hbm>>
      %dma_wait3A_526 = arith.constant 0 : i32
      %dma_wait3A_527 = arith.constant 0 : i32
      %dma_wait3A_528 = tpu.memref_slice %arg2[%arg0, %dma_wait3A_526, %dma_wait3A_527] : memref<2x10000x64xf32, #tpu.memory_space<hbm>> -> memref<1x10000x64xf32, #tpu.memory_space<hbm>>
      %dma_wait3A_529 = tpu.memref_squeeze %dma_wait3A_528 : memref<1x10000x64xf32, #tpu.memory_space<hbm>> -> memref<10000x64xf32, #tpu.memory_space<hbm>>
      %dma_wait3A_530 = arith.constant 0 : i32
      %dma_wait3A_531 = arith.constant 0 : i32
      %dma_wait3A_532 = tpu.memref_slice %dma_wait3A_529[%dma_wait3A_530, %dma_wait3A_531] : memref<10000x64xf32, #tpu.memory_space<hbm>> -> memref<125x64xf32, #tpu.memory_space<hbm>>
      tpu.wait_dma2 semaphore(%arg19 : memref<!tpu.dma_semaphore, #tpu.memory_space<semaphore_mem>>) src(%dma_wait3A_532 : memref<125x64xf32, #tpu.memory_space<hbm>>) dst(%arg12 : memref<125x64xf32, #tpu.memory_space<vmem>>)
      %add3A_533 = arith.constant 5 : i32
      %add3A_534 = arith.addi %mul3A_296, %add3A_533 : i32
      %add3A_535 = arith.constant 4 : i32
      %add3A_536 = arith.addi %add3A_534, %add3A_535 : i32
      %dma_start3A_537 = arith.constant 0 : i32
      %dma_start3A_538 = tpu.memref_slice %arg6[%add3A_536, %dma_start3A_537] : memref<160x125xi32, #tpu.memory_space<vmem>> -> memref<1x125xi32, #tpu.memory_space<vmem>>
      %dma_start3A_539 = tpu.memref_squeeze %dma_start3A_538 : memref<1x125xi32, #tpu.memory_space<vmem>> -> memref<125xi32, #tpu.memory_space<vmem>>
      %dma_start3A_540 = arith.constant 0 : i32
      %dma_start3A_541 = arith.constant 0 : i32
      %dma_start3A_542 = tpu.memref_slice %arg2[%arg0, %dma_start3A_540, %dma_start3A_541] : memref<2x10000x64xf32, #tpu.memory_space<hbm>> -> memref<1x10000x64xf32, #tpu.memory_space<hbm>>
      %dma_start3A_543 = tpu.memref_squeeze %dma_start3A_542 : memref<1x10000x64xf32, #tpu.memory_space<hbm>> -> memref<10000x64xf32, #tpu.memory_space<hbm>>
      %dma_start3A_544 = arith.constant 0 : i32
      %dma_start3A_545 = arith.constant 0 : i32
      %dma_start3A_546 = tpu.memref_slice %dma_start3A_543[%dma_start3A_544, %dma_start3A_545] : memref<10000x64xf32, #tpu.memory_space<hbm>> -> memref<10000x64xf32, #tpu.memory_space<hbm>>
      tpu.enqueue_indirect_dma source(%dma_start3A_546 : memref<10000x64xf32, #tpu.memory_space<hbm>>) target(%arg12 : memref<125x64xf32, #tpu.memory_space<vmem>>) offsets(%dma_start3A_539 : memref<125xi32, #tpu.memory_space<vmem>>) semaphore(%arg19 : memref<!tpu.dma_semaphore, #tpu.memory_space<semaphore_mem>>)
    }
    %scan3A_111 = arith.constant 31 : i32
    %dma_wait3A_112 = arith.constant 0 : i32
    %dma_wait3A_113 = arith.constant 0 : i32
    %dma_wait3A_114 = tpu.memref_slice %arg2[%arg0, %dma_wait3A_112, %dma_wait3A_113] : memref<2x10000x64xf32, #tpu.memory_space<hbm>> -> memref<1x10000x64xf32, #tpu.memory_space<hbm>>
    %dma_wait3A_115 = tpu.memref_squeeze %dma_wait3A_114 : memref<1x10000x64xf32, #tpu.memory_space<hbm>> -> memref<10000x64xf32, #tpu.memory_space<hbm>>
    %dma_wait3A_116 = arith.constant 0 : i32
    %dma_wait3A_117 = arith.constant 0 : i32
    %dma_wait3A_118 = tpu.memref_slice %dma_wait3A_115[%dma_wait3A_116, %dma_wait3A_117] : memref<10000x64xf32, #tpu.memory_space<hbm>> -> memref<125x64xf32, #tpu.memory_space<hbm>>
    %dma_wait3A_119 = arith.constant 0 : i32
    %dma_wait3A_120 = arith.constant 0 : i32
    %dma_wait3A_121 = tpu.memref_slice %arg2[%arg0, %dma_wait3A_119, %dma_wait3A_120] : memref<2x10000x64xf32, #tpu.memory_space<hbm>> -> memref<1x10000x64xf32, #tpu.memory_space<hbm>>
    %dma_wait3A_122 = tpu.memref_squeeze %dma_wait3A_121 : memref<1x10000x64xf32, #tpu.memory_space<hbm>> -> memref<10000x64xf32, #tpu.memory_space<hbm>>
    %dma_wait3A_123 = arith.constant 0 : i32
    %dma_wait3A_124 = arith.constant 0 : i32
    %dma_wait3A_125 = tpu.memref_slice %dma_wait3A_122[%dma_wait3A_123, %dma_wait3A_124] : memref<10000x64xf32, #tpu.memory_space<hbm>> -> memref<125x64xf32, #tpu.memory_space<hbm>>
    tpu.wait_dma2 semaphore(%arg15 : memref<!tpu.dma_semaphore, #tpu.memory_space<semaphore_mem>>) src(%dma_wait3A_125 : memref<125x64xf32, #tpu.memory_space<hbm>>) dst(%arg8 : memref<125x64xf32, #tpu.memory_space<vmem>>)
    %dma_start3A_126 = arith.constant 155 : i32
    %dma_start3A_127 = arith.constant 0 : i32
    %dma_start3A_128 = tpu.memref_slice %arg7[%dma_start3A_126, %dma_start3A_127] : memref<160x125xi32, #tpu.memory_space<vmem>> -> memref<1x125xi32, #tpu.memory_space<vmem>>
    %dma_start3A_129 = tpu.memref_squeeze %dma_start3A_128 : memref<1x125xi32, #tpu.memory_space<vmem>> -> memref<125xi32, #tpu.memory_space<vmem>>
    %dma_start3A_130 = arith.constant 0 : i32
    %dma_start3A_131 = arith.constant 0 : i32
    %dma_start3A_132 = tpu.memref_slice %arg14[%dma_start3A_130, %dma_start3A_131] : memref<10000x64xf32, #tpu.memory_space<vmem_shared>> -> memref<10000x64xf32, #tpu.memory_space<vmem_shared>>
    tpu.enqueue_indirect_dma source(%arg8 : memref<125x64xf32, #tpu.memory_space<vmem>>) target(%dma_start3A_132 : memref<10000x64xf32, #tpu.memory_space<vmem_shared>>) offsets(%dma_start3A_129 : memref<125xi32, #tpu.memory_space<vmem>>) semaphore(%arg15 : memref<!tpu.dma_semaphore, #tpu.memory_space<semaphore_mem>>) {add = true}
    %dma_wait3A_133 = arith.constant 0 : i32
    %dma_wait3A_134 = arith.constant 0 : i32
    %dma_wait3A_135 = tpu.memref_slice %arg2[%arg0, %dma_wait3A_133, %dma_wait3A_134] : memref<2x10000x64xf32, #tpu.memory_space<hbm>> -> memref<1x10000x64xf32, #tpu.memory_space<hbm>>
    %dma_wait3A_136 = tpu.memref_squeeze %dma_wait3A_135 : memref<1x10000x64xf32, #tpu.memory_space<hbm>> -> memref<10000x64xf32, #tpu.memory_space<hbm>>
    %dma_wait3A_137 = arith.constant 0 : i32
    %dma_wait3A_138 = arith.constant 0 : i32
    %dma_wait3A_139 = tpu.memref_slice %dma_wait3A_136[%dma_wait3A_137, %dma_wait3A_138] : memref<10000x64xf32, #tpu.memory_space<hbm>> -> memref<125x64xf32, #tpu.memory_space<hbm>>
    %dma_wait3A_140 = arith.constant 0 : i32
    %dma_wait3A_141 = arith.constant 0 : i32
    %dma_wait3A_142 = tpu.memref_slice %arg2[%arg0, %dma_wait3A_140, %dma_wait3A_141] : memref<2x10000x64xf32, #tpu.memory_space<hbm>> -> memref<1x10000x64xf32, #tpu.memory_space<hbm>>
    %dma_wait3A_143 = tpu.memref_squeeze %dma_wait3A_142 : memref<1x10000x64xf32, #tpu.memory_space<hbm>> -> memref<10000x64xf32, #tpu.memory_space<hbm>>
    %dma_wait3A_144 = arith.constant 0 : i32
    %dma_wait3A_145 = arith.constant 0 : i32
    %dma_wait3A_146 = tpu.memref_slice %dma_wait3A_143[%dma_wait3A_144, %dma_wait3A_145] : memref<10000x64xf32, #tpu.memory_space<hbm>> -> memref<125x64xf32, #tpu.memory_space<hbm>>
    tpu.wait_dma2 semaphore(%arg16 : memref<!tpu.dma_semaphore, #tpu.memory_space<semaphore_mem>>) src(%dma_wait3A_146 : memref<125x64xf32, #tpu.memory_space<hbm>>) dst(%arg9 : memref<125x64xf32, #tpu.memory_space<vmem>>)
    %dma_start3A_147 = arith.constant 156 : i32
    %dma_start3A_148 = arith.constant 0 : i32
    %dma_start3A_149 = tpu.memref_slice %arg7[%dma_start3A_147, %dma_start3A_148] : memref<160x125xi32, #tpu.memory_space<vmem>> -> memref<1x125xi32, #tpu.memory_space<vmem>>
    %dma_start3A_150 = tpu.memref_squeeze %dma_start3A_149 : memref<1x125xi32, #tpu.memory_space<vmem>> -> memref<125xi32, #tpu.memory_space<vmem>>
    %dma_start3A_151 = arith.constant 0 : i32
    %dma_start3A_152 = arith.constant 0 : i32
    %dma_start3A_153 = tpu.memref_slice %arg14[%dma_start3A_151, %dma_start3A_152] : memref<10000x64xf32, #tpu.memory_space<vmem_shared>> -> memref<10000x64xf32, #tpu.memory_space<vmem_shared>>
    tpu.enqueue_indirect_dma source(%arg9 : memref<125x64xf32, #tpu.memory_space<vmem>>) target(%dma_start3A_153 : memref<10000x64xf32, #tpu.memory_space<vmem_shared>>) offsets(%dma_start3A_150 : memref<125xi32, #tpu.memory_space<vmem>>) semaphore(%arg16 : memref<!tpu.dma_semaphore, #tpu.memory_space<semaphore_mem>>) {add = true}
    %dma_wait3A_154 = arith.constant 0 : i32
    %dma_wait3A_155 = arith.constant 0 : i32
    %dma_wait3A_156 = tpu.memref_slice %arg2[%arg0, %dma_wait3A_154, %dma_wait3A_155] : memref<2x10000x64xf32, #tpu.memory_space<hbm>> -> memref<1x10000x64xf32, #tpu.memory_space<hbm>>
    %dma_wait3A_157 = tpu.memref_squeeze %dma_wait3A_156 : memref<1x10000x64xf32, #tpu.memory_space<hbm>> -> memref<10000x64xf32, #tpu.memory_space<hbm>>
    %dma_wait3A_158 = arith.constant 0 : i32
    %dma_wait3A_159 = arith.constant 0 : i32
    %dma_wait3A_160 = tpu.memref_slice %dma_wait3A_157[%dma_wait3A_158, %dma_wait3A_159] : memref<10000x64xf32, #tpu.memory_space<hbm>> -> memref<125x64xf32, #tpu.memory_space<hbm>>
    %dma_wait3A_161 = arith.constant 0 : i32
    %dma_wait3A_162 = arith.constant 0 : i32
    %dma_wait3A_163 = tpu.memref_slice %arg2[%arg0, %dma_wait3A_161, %dma_wait3A_162] : memref<2x10000x64xf32, #tpu.memory_space<hbm>> -> memref<1x10000x64xf32, #tpu.memory_space<hbm>>
    %dma_wait3A_164 = tpu.memref_squeeze %dma_wait3A_163 : memref<1x10000x64xf32, #tpu.memory_space<hbm>> -> memref<10000x64xf32, #tpu.memory_space<hbm>>
    %dma_wait3A_165 = arith.constant 0 : i32
    %dma_wait3A_166 = arith.constant 0 : i32
    %dma_wait3A_167 = tpu.memref_slice %dma_wait3A_164[%dma_wait3A_165, %dma_wait3A_166] : memref<10000x64xf32, #tpu.memory_space<hbm>> -> memref<125x64xf32, #tpu.memory_space<hbm>>
    tpu.wait_dma2 semaphore(%arg17 : memref<!tpu.dma_semaphore, #tpu.memory_space<semaphore_mem>>) src(%dma_wait3A_167 : memref<125x64xf32, #tpu.memory_space<hbm>>) dst(%arg10 : memref<125x64xf32, #tpu.memory_space<vmem>>)
    %dma_start3A_168 = arith.constant 157 : i32
    %dma_start3A_169 = arith.constant 0 : i32
    %dma_start3A_170 = tpu.memref_slice %arg7[%dma_start3A_168, %dma_start3A_169] : memref<160x125xi32, #tpu.memory_space<vmem>> -> memref<1x125xi32, #tpu.memory_space<vmem>>
    %dma_start3A_171 = tpu.memref_squeeze %dma_start3A_170 : memref<1x125xi32, #tpu.memory_space<vmem>> -> memref<125xi32, #tpu.memory_space<vmem>>
    %dma_start3A_172 = arith.constant 0 : i32
    %dma_start3A_173 = arith.constant 0 : i32
    %dma_start3A_174 = tpu.memref_slice %arg14[%dma_start3A_172, %dma_start3A_173] : memref<10000x64xf32, #tpu.memory_space<vmem_shared>> -> memref<10000x64xf32, #tpu.memory_space<vmem_shared>>
    tpu.enqueue_indirect_dma source(%arg10 : memref<125x64xf32, #tpu.memory_space<vmem>>) target(%dma_start3A_174 : memref<10000x64xf32, #tpu.memory_space<vmem_shared>>) offsets(%dma_start3A_171 : memref<125xi32, #tpu.memory_space<vmem>>) semaphore(%arg17 : memref<!tpu.dma_semaphore, #tpu.memory_space<semaphore_mem>>) {add = true}
    %dma_wait3A_175 = arith.constant 0 : i32
    %dma_wait3A_176 = arith.constant 0 : i32
    %dma_wait3A_177 = tpu.memref_slice %arg2[%arg0, %dma_wait3A_175, %dma_wait3A_176] : memref<2x10000x64xf32, #tpu.memory_space<hbm>> -> memref<1x10000x64xf32, #tpu.memory_space<hbm>>
    %dma_wait3A_178 = tpu.memref_squeeze %dma_wait3A_177 : memref<1x10000x64xf32, #tpu.memory_space<hbm>> -> memref<10000x64xf32, #tpu.memory_space<hbm>>
    %dma_wait3A_179 = arith.constant 0 : i32
    %dma_wait3A_180 = arith.constant 0 : i32
    %dma_wait3A_181 = tpu.memref_slice %dma_wait3A_178[%dma_wait3A_179, %dma_wait3A_180] : memref<10000x64xf32, #tpu.memory_space<hbm>> -> memref<125x64xf32, #tpu.memory_space<hbm>>
    %dma_wait3A_182 = arith.constant 0 : i32
    %dma_wait3A_183 = arith.constant 0 : i32
    %dma_wait3A_184 = tpu.memref_slice %arg2[%arg0, %dma_wait3A_182, %dma_wait3A_183] : memref<2x10000x64xf32, #tpu.memory_space<hbm>> -> memref<1x10000x64xf32, #tpu.memory_space<hbm>>
    %dma_wait3A_185 = tpu.memref_squeeze %dma_wait3A_184 : memref<1x10000x64xf32, #tpu.memory_space<hbm>> -> memref<10000x64xf32, #tpu.memory_space<hbm>>
    %dma_wait3A_186 = arith.constant 0 : i32
    %dma_wait3A_187 = arith.constant 0 : i32
    %dma_wait3A_188 = tpu.memref_slice %dma_wait3A_185[%dma_wait3A_186, %dma_wait3A_187] : memref<10000x64xf32, #tpu.memory_space<hbm>> -> memref<125x64xf32, #tpu.memory_space<hbm>>
    tpu.wait_dma2 semaphore(%arg18 : memref<!tpu.dma_semaphore, #tpu.memory_space<semaphore_mem>>) src(%dma_wait3A_188 : memref<125x64xf32, #tpu.memory_space<hbm>>) dst(%arg11 : memref<125x64xf32, #tpu.memory_space<vmem>>)
    %dma_start3A_189 = arith.constant 158 : i32
    %dma_start3A_190 = arith.constant 0 : i32
    %dma_start3A_191 = tpu.memref_slice %arg7[%dma_start3A_189, %dma_start3A_190] : memref<160x125xi32, #tpu.memory_space<vmem>> -> memref<1x125xi32, #tpu.memory_space<vmem>>
    %dma_start3A_192 = tpu.memref_squeeze %dma_start3A_191 : memref<1x125xi32, #tpu.memory_space<vmem>> -> memref<125xi32, #tpu.memory_space<vmem>>
    %dma_start3A_193 = arith.constant 0 : i32
    %dma_start3A_194 = arith.constant 0 : i32
    %dma_start3A_195 = tpu.memref_slice %arg14[%dma_start3A_193, %dma_start3A_194] : memref<10000x64xf32, #tpu.memory_space<vmem_shared>> -> memref<10000x64xf32, #tpu.memory_space<vmem_shared>>
    tpu.enqueue_indirect_dma source(%arg11 : memref<125x64xf32, #tpu.memory_space<vmem>>) target(%dma_start3A_195 : memref<10000x64xf32, #tpu.memory_space<vmem_shared>>) offsets(%dma_start3A_192 : memref<125xi32, #tpu.memory_space<vmem>>) semaphore(%arg18 : memref<!tpu.dma_semaphore, #tpu.memory_space<semaphore_mem>>) {add = true}
    %dma_wait3A_196 = arith.constant 0 : i32
    %dma_wait3A_197 = arith.constant 0 : i32
    %dma_wait3A_198 = tpu.memref_slice %arg2[%arg0, %dma_wait3A_196, %dma_wait3A_197] : memref<2x10000x64xf32, #tpu.memory_space<hbm>> -> memref<1x10000x64xf32, #tpu.memory_space<hbm>>
    %dma_wait3A_199 = tpu.memref_squeeze %dma_wait3A_198 : memref<1x10000x64xf32, #tpu.memory_space<hbm>> -> memref<10000x64xf32, #tpu.memory_space<hbm>>
    %dma_wait3A_200 = arith.constant 0 : i32
    %dma_wait3A_201 = arith.constant 0 : i32
    %dma_wait3A_202 = tpu.memref_slice %dma_wait3A_199[%dma_wait3A_200, %dma_wait3A_201] : memref<10000x64xf32, #tpu.memory_space<hbm>> -> memref<125x64xf32, #tpu.memory_space<hbm>>
    %dma_wait3A_203 = arith.constant 0 : i32
    %dma_wait3A_204 = arith.constant 0 : i32
    %dma_wait3A_205 = tpu.memref_slice %arg2[%arg0, %dma_wait3A_203, %dma_wait3A_204] : memref<2x10000x64xf32, #tpu.memory_space<hbm>> -> memref<1x10000x64xf32, #tpu.memory_space<hbm>>
    %dma_wait3A_206 = tpu.memref_squeeze %dma_wait3A_205 : memref<1x10000x64xf32, #tpu.memory_space<hbm>> -> memref<10000x64xf32, #tpu.memory_space<hbm>>
    %dma_wait3A_207 = arith.constant 0 : i32
    %dma_wait3A_208 = arith.constant 0 : i32
    %dma_wait3A_209 = tpu.memref_slice %dma_wait3A_206[%dma_wait3A_207, %dma_wait3A_208] : memref<10000x64xf32, #tpu.memory_space<hbm>> -> memref<125x64xf32, #tpu.memory_space<hbm>>
    tpu.wait_dma2 semaphore(%arg19 : memref<!tpu.dma_semaphore, #tpu.memory_space<semaphore_mem>>) src(%dma_wait3A_209 : memref<125x64xf32, #tpu.memory_space<hbm>>) dst(%arg12 : memref<125x64xf32, #tpu.memory_space<vmem>>)
    %dma_start3A_210 = arith.constant 159 : i32
    %dma_start3A_211 = arith.constant 0 : i32
    %dma_start3A_212 = tpu.memref_slice %arg7[%dma_start3A_210, %dma_start3A_211] : memref<160x125xi32, #tpu.memory_space<vmem>> -> memref<1x125xi32, #tpu.memory_space<vmem>>
    %dma_start3A_213 = tpu.memref_squeeze %dma_start3A_212 : memref<1x125xi32, #tpu.memory_space<vmem>> -> memref<125xi32, #tpu.memory_space<vmem>>
    %dma_start3A_214 = arith.constant 0 : i32
    %dma_start3A_215 = arith.constant 0 : i32
    %dma_start3A_216 = tpu.memref_slice %arg14[%dma_start3A_214, %dma_start3A_215] : memref<10000x64xf32, #tpu.memory_space<vmem_shared>> -> memref<10000x64xf32, #tpu.memory_space<vmem_shared>>
    tpu.enqueue_indirect_dma source(%arg12 : memref<125x64xf32, #tpu.memory_space<vmem>>) target(%dma_start3A_216 : memref<10000x64xf32, #tpu.memory_space<vmem_shared>>) offsets(%dma_start3A_213 : memref<125xi32, #tpu.memory_space<vmem>>) semaphore(%arg19 : memref<!tpu.dma_semaphore, #tpu.memory_space<semaphore_mem>>) {add = true}
    %dma_wait3A_217 = arith.constant 0 : i32
    %dma_wait3A_218 = arith.constant 0 : i32
    %dma_wait3A_219 = tpu.memref_slice %arg2[%arg0, %dma_wait3A_217, %dma_wait3A_218] : memref<2x10000x64xf32, #tpu.memory_space<hbm>> -> memref<1x10000x64xf32, #tpu.memory_space<hbm>>
    %dma_wait3A_220 = tpu.memref_squeeze %dma_wait3A_219 : memref<1x10000x64xf32, #tpu.memory_space<hbm>> -> memref<10000x64xf32, #tpu.memory_space<hbm>>
    %dma_wait3A_221 = arith.constant 0 : i32
    %dma_wait3A_222 = arith.constant 0 : i32
    %dma_wait3A_223 = tpu.memref_slice %dma_wait3A_220[%dma_wait3A_221, %dma_wait3A_222] : memref<10000x64xf32, #tpu.memory_space<hbm>> -> memref<125x64xf32, #tpu.memory_space<hbm>>
    %dma_wait3A_224 = arith.constant 0 : i32
    %dma_wait3A_225 = arith.constant 0 : i32
    %dma_wait3A_226 = tpu.memref_slice %arg2[%arg0, %dma_wait3A_224, %dma_wait3A_225] : memref<2x10000x64xf32, #tpu.memory_space<hbm>> -> memref<1x10000x64xf32, #tpu.memory_space<hbm>>
    %dma_wait3A_227 = tpu.memref_squeeze %dma_wait3A_226 : memref<1x10000x64xf32, #tpu.memory_space<hbm>> -> memref<10000x64xf32, #tpu.memory_space<hbm>>
    %dma_wait3A_228 = arith.constant 0 : i32
    %dma_wait3A_229 = arith.constant 0 : i32
    %dma_wait3A_230 = tpu.memref_slice %dma_wait3A_227[%dma_wait3A_228, %dma_wait3A_229] : memref<10000x64xf32, #tpu.memory_space<hbm>> -> memref<125x64xf32, #tpu.memory_space<hbm>>
    tpu.wait_dma2 semaphore(%arg15 : memref<!tpu.dma_semaphore, #tpu.memory_space<semaphore_mem>>) src(%dma_wait3A_230 : memref<125x64xf32, #tpu.memory_space<hbm>>) dst(%arg8 : memref<125x64xf32, #tpu.memory_space<vmem>>)
    %dma_wait3A_231 = arith.constant 0 : i32
    %dma_wait3A_232 = arith.constant 0 : i32
    %dma_wait3A_233 = tpu.memref_slice %arg2[%arg0, %dma_wait3A_231, %dma_wait3A_232] : memref<2x10000x64xf32, #tpu.memory_space<hbm>> -> memref<1x10000x64xf32, #tpu.memory_space<hbm>>
    %dma_wait3A_234 = tpu.memref_squeeze %dma_wait3A_233 : memref<1x10000x64xf32, #tpu.memory_space<hbm>> -> memref<10000x64xf32, #tpu.memory_space<hbm>>
    %dma_wait3A_235 = arith.constant 0 : i32
    %dma_wait3A_236 = arith.constant 0 : i32
    %dma_wait3A_237 = tpu.memref_slice %dma_wait3A_234[%dma_wait3A_235, %dma_wait3A_236] : memref<10000x64xf32, #tpu.memory_space<hbm>> -> memref<125x64xf32, #tpu.memory_space<hbm>>
    %dma_wait3A_238 = arith.constant 0 : i32
    %dma_wait3A_239 = arith.constant 0 : i32
    %dma_wait3A_240 = tpu.memref_slice %arg2[%arg0, %dma_wait3A_238, %dma_wait3A_239] : memref<2x10000x64xf32, #tpu.memory_space<hbm>> -> memref<1x10000x64xf32, #tpu.memory_space<hbm>>
    %dma_wait3A_241 = tpu.memref_squeeze %dma_wait3A_240 : memref<1x10000x64xf32, #tpu.memory_space<hbm>> -> memref<10000x64xf32, #tpu.memory_space<hbm>>
    %dma_wait3A_242 = arith.constant 0 : i32
    %dma_wait3A_243 = arith.constant 0 : i32
    %dma_wait3A_244 = tpu.memref_slice %dma_wait3A_241[%dma_wait3A_242, %dma_wait3A_243] : memref<10000x64xf32, #tpu.memory_space<hbm>> -> memref<125x64xf32, #tpu.memory_space<hbm>>
    tpu.wait_dma2 semaphore(%arg16 : memref<!tpu.dma_semaphore, #tpu.memory_space<semaphore_mem>>) src(%dma_wait3A_244 : memref<125x64xf32, #tpu.memory_space<hbm>>) dst(%arg9 : memref<125x64xf32, #tpu.memory_space<vmem>>)
    %dma_wait3A_245 = arith.constant 0 : i32
    %dma_wait3A_246 = arith.constant 0 : i32
    %dma_wait3A_247 = tpu.memref_slice %arg2[%arg0, %dma_wait3A_245, %dma_wait3A_246] : memref<2x10000x64xf32, #tpu.memory_space<hbm>> -> memref<1x10000x64xf32, #tpu.memory_space<hbm>>
    %dma_wait3A_248 = tpu.memref_squeeze %dma_wait3A_247 : memref<1x10000x64xf32, #tpu.memory_space<hbm>> -> memref<10000x64xf32, #tpu.memory_space<hbm>>
    %dma_wait3A_249 = arith.constant 0 : i32
    %dma_wait3A_250 = arith.constant 0 : i32
    %dma_wait3A_251 = tpu.memref_slice %dma_wait3A_248[%dma_wait3A_249, %dma_wait3A_250] : memref<10000x64xf32, #tpu.memory_space<hbm>> -> memref<125x64xf32, #tpu.memory_space<hbm>>
    %dma_wait3A_252 = arith.constant 0 : i32
    %dma_wait3A_253 = arith.constant 0 : i32
    %dma_wait3A_254 = tpu.memref_slice %arg2[%arg0, %dma_wait3A_252, %dma_wait3A_253] : memref<2x10000x64xf32, #tpu.memory_space<hbm>> -> memref<1x10000x64xf32, #tpu.memory_space<hbm>>
    %dma_wait3A_255 = tpu.memref_squeeze %dma_wait3A_254 : memref<1x10000x64xf32, #tpu.memory_space<hbm>> -> memref<10000x64xf32, #tpu.memory_space<hbm>>
    %dma_wait3A_256 = arith.constant 0 : i32
    %dma_wait3A_257 = arith.constant 0 : i32
    %dma_wait3A_258 = tpu.memref_slice %dma_wait3A_255[%dma_wait3A_256, %dma_wait3A_257] : memref<10000x64xf32, #tpu.memory_space<hbm>> -> memref<125x64xf32, #tpu.memory_space<hbm>>
    tpu.wait_dma2 semaphore(%arg17 : memref<!tpu.dma_semaphore, #tpu.memory_space<semaphore_mem>>) src(%dma_wait3A_258 : memref<125x64xf32, #tpu.memory_space<hbm>>) dst(%arg10 : memref<125x64xf32, #tpu.memory_space<vmem>>)
    %dma_wait3A_259 = arith.constant 0 : i32
    %dma_wait3A_260 = arith.constant 0 : i32
    %dma_wait3A_261 = tpu.memref_slice %arg2[%arg0, %dma_wait3A_259, %dma_wait3A_260] : memref<2x10000x64xf32, #tpu.memory_space<hbm>> -> memref<1x10000x64xf32, #tpu.memory_space<hbm>>
    %dma_wait3A_262 = tpu.memref_squeeze %dma_wait3A_261 : memref<1x10000x64xf32, #tpu.memory_space<hbm>> -> memref<10000x64xf32, #tpu.memory_space<hbm>>
    %dma_wait3A_263 = arith.constant 0 : i32
    %dma_wait3A_264 = arith.constant 0 : i32
    %dma_wait3A_265 = tpu.memref_slice %dma_wait3A_262[%dma_wait3A_263, %dma_wait3A_264] : memref<10000x64xf32, #tpu.memory_space<hbm>> -> memref<125x64xf32, #tpu.memory_space<hbm>>
    %dma_wait3A_266 = arith.constant 0 : i32
    %dma_wait3A_267 = arith.constant 0 : i32
    %dma_wait3A_268 = tpu.memref_slice %arg2[%arg0, %dma_wait3A_266, %dma_wait3A_267] : memref<2x10000x64xf32, #tpu.memory_space<hbm>> -> memref<1x10000x64xf32, #tpu.memory_space<hbm>>
    %dma_wait3A_269 = tpu.memref_squeeze %dma_wait3A_268 : memref<1x10000x64xf32, #tpu.memory_space<hbm>> -> memref<10000x64xf32, #tpu.memory_space<hbm>>
    %dma_wait3A_270 = arith.constant 0 : i32
    %dma_wait3A_271 = arith.constant 0 : i32
    %dma_wait3A_272 = tpu.memref_slice %dma_wait3A_269[%dma_wait3A_270, %dma_wait3A_271] : memref<10000x64xf32, #tpu.memory_space<hbm>> -> memref<125x64xf32, #tpu.memory_space<hbm>>
    tpu.wait_dma2 semaphore(%arg18 : memref<!tpu.dma_semaphore, #tpu.memory_space<semaphore_mem>>) src(%dma_wait3A_272 : memref<125x64xf32, #tpu.memory_space<hbm>>) dst(%arg11 : memref<125x64xf32, #tpu.memory_space<vmem>>)
    %dma_wait3A_273 = arith.constant 0 : i32
    %dma_wait3A_274 = arith.constant 0 : i32
    %dma_wait3A_275 = tpu.memref_slice %arg2[%arg0, %dma_wait3A_273, %dma_wait3A_274] : memref<2x10000x64xf32, #tpu.memory_space<hbm>> -> memref<1x10000x64xf32, #tpu.memory_space<hbm>>
    %dma_wait3A_276 = tpu.memref_squeeze %dma_wait3A_275 : memref<1x10000x64xf32, #tpu.memory_space<hbm>> -> memref<10000x64xf32, #tpu.memory_space<hbm>>
    %dma_wait3A_277 = arith.constant 0 : i32
    %dma_wait3A_278 = arith.constant 0 : i32
    %dma_wait3A_279 = tpu.memref_slice %dma_wait3A_276[%dma_wait3A_277, %dma_wait3A_278] : memref<10000x64xf32, #tpu.memory_space<hbm>> -> memref<125x64xf32, #tpu.memory_space<hbm>>
    %dma_wait3A_280 = arith.constant 0 : i32
    %dma_wait3A_281 = arith.constant 0 : i32
    %dma_wait3A_282 = tpu.memref_slice %arg2[%arg0, %dma_wait3A_280, %dma_wait3A_281] : memref<2x10000x64xf32, #tpu.memory_space<hbm>> -> memref<1x10000x64xf32, #tpu.memory_space<hbm>>
    %dma_wait3A_283 = tpu.memref_squeeze %dma_wait3A_282 : memref<1x10000x64xf32, #tpu.memory_space<hbm>> -> memref<10000x64xf32, #tpu.memory_space<hbm>>
    %dma_wait3A_284 = arith.constant 0 : i32
    %dma_wait3A_285 = arith.constant 0 : i32
    %dma_wait3A_286 = tpu.memref_slice %dma_wait3A_283[%dma_wait3A_284, %dma_wait3A_285] : memref<10000x64xf32, #tpu.memory_space<hbm>> -> memref<125x64xf32, #tpu.memory_space<hbm>>
    tpu.wait_dma2 semaphore(%arg19 : memref<!tpu.dma_semaphore, #tpu.memory_space<semaphore_mem>>) src(%dma_wait3A_286 : memref<125x64xf32, #tpu.memory_space<hbm>>) dst(%arg12 : memref<125x64xf32, #tpu.memory_space<vmem>>)
    %barrier3A_287 = arith.constant 0 : index
    tpu.barrier barrier_id(%barrier3A_287)
    %mul3A_288 = arith.constant 625 : i32
    %mul3A_289 = arith.muli %arg1, %mul3A_288 : i32
    "tpu.region"() ({
      %run_scoped3A = tpu.sem_alloc : memref<!tpu.dma_semaphore, #tpu.memory_space<semaphore_mem>>
      %dma_start3A_290 = arith.constant 0 : i32
      %dma_start3A_291 = arith.constant 0 : i32
      %dma_start3A_292 = tpu.memref_slice %arg5[%arg0, %arg1, %dma_start3A_290, %dma_start3A_291] : memref<2x16x625x64xf32, #tpu.memory_space<hbm>> -> memref<1x1x625x64xf32, #tpu.memory_space<hbm>>
      %dma_start3A_293 = tpu.memref_squeeze %dma_start3A_292 : memref<1x1x625x64xf32, #tpu.memory_space<hbm>> -> memref<625x64xf32, #tpu.memory_space<hbm>>
      %dma_start3A_294 = arith.constant 0 : i32
      %dma_start3A_295 = tpu.memref_slice %arg14[%mul3A_289, %dma_start3A_294] : memref<10000x64xf32, #tpu.memory_space<vmem_shared>> -> memref<625x64xf32, #tpu.memory_space<vmem_shared>>
      tpu.enqueue_dma source(%dma_start3A_295 : memref<625x64xf32, #tpu.memory_space<vmem_shared>>) target(%dma_start3A_293 : memref<625x64xf32, #tpu.memory_space<hbm>>) target_semaphore(%run_scoped3A : memref<!tpu.dma_semaphore, #tpu.memory_space<semaphore_mem>>)
      %dma_wait3A_296 = arith.constant 0 : i32
      %dma_wait3A_297 = arith.constant 0 : i32
      %dma_wait3A_298 = tpu.memref_slice %arg5[%arg0, %arg1, %dma_wait3A_296, %dma_wait3A_297] : memref<2x16x625x64xf32, #tpu.memory_space<hbm>> -> memref<1x1x625x64xf32, #tpu.memory_space<hbm>>
      %dma_wait3A_299 = tpu.memref_squeeze %dma_wait3A_298 : memref<1x1x625x64xf32, #tpu.memory_space<hbm>> -> memref<625x64xf32, #tpu.memory_space<hbm>>
      %dma_wait3A_300 = arith.constant 0 : i32
      %dma_wait3A_301 = tpu.memref_slice %arg14[%mul3A_289, %dma_wait3A_300] : memref<10000x64xf32, #tpu.memory_space<vmem_shared>> -> memref<625x64xf32, #tpu.memory_space<vmem_shared>>
      tpu.wait_dma2 semaphore(%run_scoped3A : memref<!tpu.dma_semaphore, #tpu.memory_space<semaphore_mem>>) src(%dma_wait3A_301 : memref<625x64xf32, #tpu.memory_space<vmem_shared>>) dst(%dma_wait3A_299 : memref<625x64xf32, #tpu.memory_space<hbm>>)
      tpu.yield
    }) : () -> ()
    return
  }
}

#map = affine_map<(d0, d1) -> (0, 0, 0)>
#map1 = affine_map<(d0, d1) -> (0, 0, 0, 0)>
module attributes {stable_mosaic.version = 14 : i64} {
  func.func @_agg_body(%arg0: i32, %arg1: i32, %arg2: memref<2x10000x64xf32, #tpu.memory_space<hbm>>, %arg3: memref<16x160x125xi32, #tpu.memory_space<hbm>>, %arg4: memref<16x160x125xi32, #tpu.memory_space<hbm>>, %arg5: memref<2x16x625x64xf32, #tpu.memory_space<hbm>>, %arg6: memref<160x125xi32, #tpu.memory_space<vmem>>, %arg7: memref<160x125xi32, #tpu.memory_space<vmem>>, %arg8: memref<125x64xf32, #tpu.memory_space<vmem>>, %arg9: memref<125x64xf32, #tpu.memory_space<vmem>>, %arg10: memref<125x64xf32, #tpu.memory_space<vmem>>, %arg11: memref<125x64xf32, #tpu.memory_space<vmem>>, %arg12: memref<125x64xf32, #tpu.memory_space<vmem>>, %arg13: memref<125x64xf32, #tpu.memory_space<vmem>>, %arg14: memref<10000x64xf32, #tpu.memory_space<vmem_shared>>, %arg15: memref<!tpu.dma_semaphore, #tpu.memory_space<semaphore_mem>>, %arg16: memref<!tpu.dma_semaphore, #tpu.memory_space<semaphore_mem>>, %arg17: memref<!tpu.dma_semaphore, #tpu.memory_space<semaphore_mem>>, %arg18: memref<!tpu.dma_semaphore, #tpu.memory_space<semaphore_mem>>, %arg19: memref<!tpu.dma_semaphore, #tpu.memory_space<semaphore_mem>>) attributes {dimension_semantics = [#tpu.dimension_semantics<core_parallel>, #tpu.dimension_semantics<subcore_parallel>], iteration_bounds = array<i64: 2, 16>, scalar_prefetch = 0 : i64, scratch_operands = 14 : i64, tpu.core_type = #tpu.core_type<sc_vector_subcore>, window_params = [{transform_indices = #map}, {transform_indices = #map}, {transform_indices = #map}, {transform_indices = #map1}]} {
    %dma_start3A = arith.constant 0 : i32
    %dma_start3A_0 = arith.constant 0 : i32
    %dma_start3A_1 = tpu.memref_slice %arg3[%arg1, %dma_start3A, %dma_start3A_0] : memref<16x160x125xi32, #tpu.memory_space<hbm>> -> memref<1x160x125xi32, #tpu.memory_space<hbm>>
    %dma_start3A_2 = tpu.memref_squeeze %dma_start3A_1 : memref<1x160x125xi32, #tpu.memory_space<hbm>> -> memref<160x125xi32, #tpu.memory_space<hbm>>
    %dma_start3A_3 = arith.constant 0 : i32
    %dma_start3A_4 = arith.constant 0 : i32
    %dma_start3A_5 = tpu.memref_slice %arg3[%arg1, %dma_start3A_3, %dma_start3A_4] : memref<16x160x125xi32, #tpu.memory_space<hbm>> -> memref<1x160x125xi32, #tpu.memory_space<hbm>>
    %dma_start3A_6 = tpu.memref_squeeze %dma_start3A_5 : memref<1x160x125xi32, #tpu.memory_space<hbm>> -> memref<160x125xi32, #tpu.memory_space<hbm>>
    tpu.enqueue_dma source(%dma_start3A_6 : memref<160x125xi32, #tpu.memory_space<hbm>>) target(%arg6 : memref<160x125xi32, #tpu.memory_space<vmem>>) target_semaphore(%arg15 : memref<!tpu.dma_semaphore, #tpu.memory_space<semaphore_mem>>)
    %dma_start3A_7 = arith.constant 0 : i32
    %dma_start3A_8 = arith.constant 0 : i32
    %dma_start3A_9 = tpu.memref_slice %arg4[%arg1, %dma_start3A_7, %dma_start3A_8] : memref<16x160x125xi32, #tpu.memory_space<hbm>> -> memref<1x160x125xi32, #tpu.memory_space<hbm>>
    %dma_start3A_10 = tpu.memref_squeeze %dma_start3A_9 : memref<1x160x125xi32, #tpu.memory_space<hbm>> -> memref<160x125xi32, #tpu.memory_space<hbm>>
    %dma_start3A_11 = arith.constant 0 : i32
    %dma_start3A_12 = arith.constant 0 : i32
    %dma_start3A_13 = tpu.memref_slice %arg4[%arg1, %dma_start3A_11, %dma_start3A_12] : memref<16x160x125xi32, #tpu.memory_space<hbm>> -> memref<1x160x125xi32, #tpu.memory_space<hbm>>
    %dma_start3A_14 = tpu.memref_squeeze %dma_start3A_13 : memref<1x160x125xi32, #tpu.memory_space<hbm>> -> memref<160x125xi32, #tpu.memory_space<hbm>>
    tpu.enqueue_dma source(%dma_start3A_14 : memref<160x125xi32, #tpu.memory_space<hbm>>) target(%arg7 : memref<160x125xi32, #tpu.memory_space<vmem>>) target_semaphore(%arg16 : memref<!tpu.dma_semaphore, #tpu.memory_space<semaphore_mem>>)
    %scan3A = arith.constant 0 : i32
    %scan3A_15 = arith.constant 125 : i32
    %scan3A_16 = arith.addi %scan3A, %scan3A_15 : i32
    %scan3A_17 = arith.constant 1 : i32
    scf.for %scan3A_290 = %scan3A to %scan3A_16 step %scan3A_17  : i32 {
      %mul3A_291 = arith.constant 1 : i32
      %mul3A_292 = arith.muli %scan3A_290, %mul3A_291 : i32
      %add3A_293 = arith.constant 0 : i32
      %add3A_294 = arith.addi %add3A_293, %mul3A_292 : i32
      %scan3A_295 = arith.constant 0 : i32
      %scan3A_296 = arith.constant 4 : i32
      %scan3A_297 = arith.addi %scan3A_295, %scan3A_296 : i32
      %scan3A_298 = arith.constant 1 : i32
      scf.for %scan3A_300 = %scan3A_295 to %scan3A_297 step %scan3A_298  : i32 {
        %mul3A_301 = arith.constant 1 : i32
        %mul3A_302 = arith.muli %scan3A_300, %mul3A_301 : i32
        %add3A_303 = arith.constant 0 : i32
        %add3A_304 = arith.addi %add3A_303, %mul3A_302 : i32
        %broadcast_in_dim3A = arith.constant 0.000000e+00 : f32
        %broadcast_in_dim3A_305 = vector.broadcast %broadcast_in_dim3A : f32 to vector<16xf32>
        %mul3A_306 = arith.constant 16 : i32
        %mul3A_307 = arith.muli %add3A_304, %mul3A_306 : i32
        %swap3A = arith.index_cast %add3A_294 : i32 to index
        %swap3A_308 = arith.index_cast %mul3A_307 : i32 to index
        %swap3A_309 = tpu.vector_load %arg13[%swap3A, %swap3A_308] {strides = array<i32>} : memref<125x64xf32, #tpu.memory_space<vmem>>, vector<1x16xf32>,
        %swap3A_310 = vector.shape_cast %swap3A_309 : vector<1x16xf32> to vector<16xf32>
        %swap3A_311 = vector.shape_cast %broadcast_in_dim3A_305 : vector<16xf32> to vector<1x16xf32>
        tpu.vector_store %arg13[%swap3A, %swap3A_308], %swap3A_311 {strides = array<i32>} : memref<125x64xf32, #tpu.memory_space<vmem>>, vector<1x16xf32>,
      }
      %scan3A_299 = arith.constant 4 : i32
    }
    %scan3A_18 = arith.constant 125 : i32
    %mul3A = arith.constant 625 : i32
    %mul3A_19 = arith.muli %arg1, %mul3A : i32
    %add3A = arith.constant 0 : i32
    %add3A_20 = arith.addi %mul3A_19, %add3A : i32
    "tpu.region"() ({
      %run_scoped3A = tpu.sem_alloc : memref<!tpu.dma_semaphore, #tpu.memory_space<semaphore_mem>>
      %dma_start3A_290 = arith.constant 0 : i32
      %dma_start3A_291 = tpu.memref_slice %arg14[%add3A_20, %dma_start3A_290] : memref<10000x64xf32, #tpu.memory_space<vmem_shared>> -> memref<125x64xf32, #tpu.memory_space<vmem_shared>>
      %dma_start3A_292 = arith.constant 0 : i32
      %dma_start3A_293 = tpu.memref_slice %arg14[%add3A_20, %dma_start3A_292] : memref<10000x64xf32, #tpu.memory_space<vmem_shared>> -> memref<125x64xf32, #tpu.memory_space<vmem_shared>>
      tpu.enqueue_dma source(%arg13 : memref<125x64xf32, #tpu.memory_space<vmem>>) target(%dma_start3A_293 : memref<125x64xf32, #tpu.memory_space<vmem_shared>>) target_semaphore(%run_scoped3A : memref<!tpu.dma_semaphore, #tpu.memory_space<semaphore_mem>>)
      %dma_wait3A_294 = arith.constant 0 : i32
      %dma_wait3A_295 = tpu.memref_slice %arg14[%add3A_20, %dma_wait3A_294] : memref<10000x64xf32, #tpu.memory_space<vmem_shared>> -> memref<125x64xf32, #tpu.memory_space<vmem_shared>>
      %dma_wait3A_296 = arith.constant 0 : i32
      %dma_wait3A_297 = tpu.memref_slice %arg14[%add3A_20, %dma_wait3A_296] : memref<10000x64xf32, #tpu.memory_space<vmem_shared>> -> memref<125x64xf32, #tpu.memory_space<vmem_shared>>
      tpu.wait_dma2 semaphore(%run_scoped3A : memref<!tpu.dma_semaphore, #tpu.memory_space<semaphore_mem>>) src(%arg13 : memref<125x64xf32, #tpu.memory_space<vmem>>) dst(%dma_wait3A_297 : memref<125x64xf32, #tpu.memory_space<vmem_shared>>)
      tpu.yield
    }) : () -> ()
    %mul3A_21 = arith.constant 625 : i32
    %mul3A_22 = arith.muli %arg1, %mul3A_21 : i32
    %add3A_23 = arith.constant 125 : i32
    %add3A_24 = arith.addi %mul3A_22, %add3A_23 : i32
    "tpu.region"() ({
      %run_scoped3A = tpu.sem_alloc : memref<!tpu.dma_semaphore, #tpu.memory_space<semaphore_mem>>
      %dma_start3A_290 = arith.constant 0 : i32
      %dma_start3A_291 = tpu.memref_slice %arg14[%add3A_24, %dma_start3A_290] : memref<10000x64xf32, #tpu.memory_space<vmem_shared>> -> memref<125x64xf32, #tpu.memory_space<vmem_shared>>
      %dma_start3A_292 = arith.constant 0 : i32
      %dma_start3A_293 = tpu.memref_slice %arg14[%add3A_24, %dma_start3A_292] : memref<10000x64xf32, #tpu.memory_space<vmem_shared>> -> memref<125x64xf32, #tpu.memory_space<vmem_shared>>
      tpu.enqueue_dma source(%arg13 : memref<125x64xf32, #tpu.memory_space<vmem>>) target(%dma_start3A_293 : memref<125x64xf32, #tpu.memory_space<vmem_shared>>) target_semaphore(%run_scoped3A : memref<!tpu.dma_semaphore, #tpu.memory_space<semaphore_mem>>)
      %dma_wait3A_294 = arith.constant 0 : i32
      %dma_wait3A_295 = tpu.memref_slice %arg14[%add3A_24, %dma_wait3A_294] : memref<10000x64xf32, #tpu.memory_space<vmem_shared>> -> memref<125x64xf32, #tpu.memory_space<vmem_shared>>
      %dma_wait3A_296 = arith.constant 0 : i32
      %dma_wait3A_297 = tpu.memref_slice %arg14[%add3A_24, %dma_wait3A_296] : memref<10000x64xf32, #tpu.memory_space<vmem_shared>> -> memref<125x64xf32, #tpu.memory_space<vmem_shared>>
      tpu.wait_dma2 semaphore(%run_scoped3A : memref<!tpu.dma_semaphore, #tpu.memory_space<semaphore_mem>>) src(%arg13 : memref<125x64xf32, #tpu.memory_space<vmem>>) dst(%dma_wait3A_297 : memref<125x64xf32, #tpu.memory_space<vmem_shared>>)
      tpu.yield
    }) : () -> ()
    %mul3A_25 = arith.constant 625 : i32
    %mul3A_26 = arith.muli %arg1, %mul3A_25 : i32
    %add3A_27 = arith.constant 250 : i32
    %add3A_28 = arith.addi %mul3A_26, %add3A_27 : i32
    "tpu.region"() ({
      %run_scoped3A = tpu.sem_alloc : memref<!tpu.dma_semaphore, #tpu.memory_space<semaphore_mem>>
      %dma_start3A_290 = arith.constant 0 : i32
      %dma_start3A_291 = tpu.memref_slice %arg14[%add3A_28, %dma_start3A_290] : memref<10000x64xf32, #tpu.memory_space<vmem_shared>> -> memref<125x64xf32, #tpu.memory_space<vmem_shared>>
      %dma_start3A_292 = arith.constant 0 : i32
      %dma_start3A_293 = tpu.memref_slice %arg14[%add3A_28, %dma_start3A_292] : memref<10000x64xf32, #tpu.memory_space<vmem_shared>> -> memref<125x64xf32, #tpu.memory_space<vmem_shared>>
      tpu.enqueue_dma source(%arg13 : memref<125x64xf32, #tpu.memory_space<vmem>>) target(%dma_start3A_293 : memref<125x64xf32, #tpu.memory_space<vmem_shared>>) target_semaphore(%run_scoped3A : memref<!tpu.dma_semaphore, #tpu.memory_space<semaphore_mem>>)
      %dma_wait3A_294 = arith.constant 0 : i32
      %dma_wait3A_295 = tpu.memref_slice %arg14[%add3A_28, %dma_wait3A_294] : memref<10000x64xf32, #tpu.memory_space<vmem_shared>> -> memref<125x64xf32, #tpu.memory_space<vmem_shared>>
      %dma_wait3A_296 = arith.constant 0 : i32
      %dma_wait3A_297 = tpu.memref_slice %arg14[%add3A_28, %dma_wait3A_296] : memref<10000x64xf32, #tpu.memory_space<vmem_shared>> -> memref<125x64xf32, #tpu.memory_space<vmem_shared>>
      tpu.wait_dma2 semaphore(%run_scoped3A : memref<!tpu.dma_semaphore, #tpu.memory_space<semaphore_mem>>) src(%arg13 : memref<125x64xf32, #tpu.memory_space<vmem>>) dst(%dma_wait3A_297 : memref<125x64xf32, #tpu.memory_space<vmem_shared>>)
      tpu.yield
    }) : () -> ()
    %mul3A_29 = arith.constant 625 : i32
    %mul3A_30 = arith.muli %arg1, %mul3A_29 : i32
    %add3A_31 = arith.constant 375 : i32
    %add3A_32 = arith.addi %mul3A_30, %add3A_31 : i32
    "tpu.region"() ({
      %run_scoped3A = tpu.sem_alloc : memref<!tpu.dma_semaphore, #tpu.memory_space<semaphore_mem>>
      %dma_start3A_290 = arith.constant 0 : i32
      %dma_start3A_291 = tpu.memref_slice %arg14[%add3A_32, %dma_start3A_290] : memref<10000x64xf32, #tpu.memory_space<vmem_shared>> -> memref<125x64xf32, #tpu.memory_space<vmem_shared>>
      %dma_start3A_292 = arith.constant 0 : i32
      %dma_start3A_293 = tpu.memref_slice %arg14[%add3A_32, %dma_start3A_292] : memref<10000x64xf32, #tpu.memory_space<vmem_shared>> -> memref<125x64xf32, #tpu.memory_space<vmem_shared>>
      tpu.enqueue_dma source(%arg13 : memref<125x64xf32, #tpu.memory_space<vmem>>) target(%dma_start3A_293 : memref<125x64xf32, #tpu.memory_space<vmem_shared>>) target_semaphore(%run_scoped3A : memref<!tpu.dma_semaphore, #tpu.memory_space<semaphore_mem>>)
      %dma_wait3A_294 = arith.constant 0 : i32
      %dma_wait3A_295 = tpu.memref_slice %arg14[%add3A_32, %dma_wait3A_294] : memref<10000x64xf32, #tpu.memory_space<vmem_shared>> -> memref<125x64xf32, #tpu.memory_space<vmem_shared>>
      %dma_wait3A_296 = arith.constant 0 : i32
      %dma_wait3A_297 = tpu.memref_slice %arg14[%add3A_32, %dma_wait3A_296] : memref<10000x64xf32, #tpu.memory_space<vmem_shared>> -> memref<125x64xf32, #tpu.memory_space<vmem_shared>>
      tpu.wait_dma2 semaphore(%run_scoped3A : memref<!tpu.dma_semaphore, #tpu.memory_space<semaphore_mem>>) src(%arg13 : memref<125x64xf32, #tpu.memory_space<vmem>>) dst(%dma_wait3A_297 : memref<125x64xf32, #tpu.memory_space<vmem_shared>>)
      tpu.yield
    }) : () -> ()
    %mul3A_33 = arith.constant 625 : i32
    %mul3A_34 = arith.muli %arg1, %mul3A_33 : i32
    %add3A_35 = arith.constant 500 : i32
    %add3A_36 = arith.addi %mul3A_34, %add3A_35 : i32
    "tpu.region"() ({
      %run_scoped3A = tpu.sem_alloc : memref<!tpu.dma_semaphore, #tpu.memory_space<semaphore_mem>>
      %dma_start3A_290 = arith.constant 0 : i32
      %dma_start3A_291 = tpu.memref_slice %arg14[%add3A_36, %dma_start3A_290] : memref<10000x64xf32, #tpu.memory_space<vmem_shared>> -> memref<125x64xf32, #tpu.memory_space<vmem_shared>>
      %dma_start3A_292 = arith.constant 0 : i32
      %dma_start3A_293 = tpu.memref_slice %arg14[%add3A_36, %dma_start3A_292] : memref<10000x64xf32, #tpu.memory_space<vmem_shared>> -> memref<125x64xf32, #tpu.memory_space<vmem_shared>>
      tpu.enqueue_dma source(%arg13 : memref<125x64xf32, #tpu.memory_space<vmem>>) target(%dma_start3A_293 : memref<125x64xf32, #tpu.memory_space<vmem_shared>>) target_semaphore(%run_scoped3A : memref<!tpu.dma_semaphore, #tpu.memory_space<semaphore_mem>>)
      %dma_wait3A_294 = arith.constant 0 : i32
      %dma_wait3A_295 = tpu.memref_slice %arg14[%add3A_36, %dma_wait3A_294] : memref<10000x64xf32, #tpu.memory_space<vmem_shared>> -> memref<125x64xf32, #tpu.memory_space<vmem_shared>>
      %dma_wait3A_296 = arith.constant 0 : i32
      %dma_wait3A_297 = tpu.memref_slice %arg14[%add3A_36, %dma_wait3A_296] : memref<10000x64xf32, #tpu.memory_space<vmem_shared>> -> memref<125x64xf32, #tpu.memory_space<vmem_shared>>
      tpu.wait_dma2 semaphore(%run_scoped3A : memref<!tpu.dma_semaphore, #tpu.memory_space<semaphore_mem>>) src(%arg13 : memref<125x64xf32, #tpu.memory_space<vmem>>) dst(%dma_wait3A_297 : memref<125x64xf32, #tpu.memory_space<vmem_shared>>)
      tpu.yield
    }) : () -> ()
    %dma_wait3A = arith.constant 0 : i32
    %dma_wait3A_37 = arith.constant 0 : i32
    %dma_wait3A_38 = tpu.memref_slice %arg3[%arg1, %dma_wait3A, %dma_wait3A_37] : memref<16x160x125xi32, #tpu.memory_space<hbm>> -> memref<1x160x125xi32, #tpu.memory_space<hbm>>
    %dma_wait3A_39 = tpu.memref_squeeze %dma_wait3A_38 : memref<1x160x125xi32, #tpu.memory_space<hbm>> -> memref<160x125xi32, #tpu.memory_space<hbm>>
    %dma_wait3A_40 = arith.constant 0 : i32
    %dma_wait3A_41 = arith.constant 0 : i32
    %dma_wait3A_42 = tpu.memref_slice %arg3[%arg1, %dma_wait3A_40, %dma_wait3A_41] : memref<16x160x125xi32, #tpu.memory_space<hbm>> -> memref<1x160x125xi32, #tpu.memory_space<hbm>>
    %dma_wait3A_43 = tpu.memref_squeeze %dma_wait3A_42 : memref<1x160x125xi32, #tpu.memory_space<hbm>> -> memref<160x125xi32, #tpu.memory_space<hbm>>
    tpu.wait_dma2 semaphore(%arg15 : memref<!tpu.dma_semaphore, #tpu.memory_space<semaphore_mem>>) src(%dma_wait3A_43 : memref<160x125xi32, #tpu.memory_space<hbm>>) dst(%arg6 : memref<160x125xi32, #tpu.memory_space<vmem>>)
    %dma_wait3A_44 = arith.constant 0 : i32
    %dma_wait3A_45 = arith.constant 0 : i32
    %dma_wait3A_46 = tpu.memref_slice %arg4[%arg1, %dma_wait3A_44, %dma_wait3A_45] : memref<16x160x125xi32, #tpu.memory_space<hbm>> -> memref<1x160x125xi32, #tpu.memory_space<hbm>>
    %dma_wait3A_47 = tpu.memref_squeeze %dma_wait3A_46 : memref<1x160x125xi32, #tpu.memory_space<hbm>> -> memref<160x125xi32, #tpu.memory_space<hbm>>
    %dma_wait3A_48 = arith.constant 0 : i32
    %dma_wait3A_49 = arith.constant 0 : i32
    %dma_wait3A_50 = tpu.memref_slice %arg4[%arg1, %dma_wait3A_48, %dma_wait3A_49] : memref<16x160x125xi32, #tpu.memory_space<hbm>> -> memref<1x160x125xi32, #tpu.memory_space<hbm>>
    %dma_wait3A_51 = tpu.memref_squeeze %dma_wait3A_50 : memref<1x160x125xi32, #tpu.memory_space<hbm>> -> memref<160x125xi32, #tpu.memory_space<hbm>>
    tpu.wait_dma2 semaphore(%arg16 : memref<!tpu.dma_semaphore, #tpu.memory_space<semaphore_mem>>) src(%dma_wait3A_51 : memref<160x125xi32, #tpu.memory_space<hbm>>) dst(%arg7 : memref<160x125xi32, #tpu.memory_space<vmem>>)
    %barrier3A = arith.constant 0 : index
    tpu.barrier barrier_id(%barrier3A)
    %dma_start3A_52 = arith.constant 0 : i32
    %dma_start3A_53 = arith.constant 0 : i32
    %dma_start3A_54 = tpu.memref_slice %arg6[%dma_start3A_52, %dma_start3A_53] : memref<160x125xi32, #tpu.memory_space<vmem>> -> memref<1x125xi32, #tpu.memory_space<vmem>>
    %dma_start3A_55 = tpu.memref_squeeze %dma_start3A_54 : memref<1x125xi32, #tpu.memory_space<vmem>> -> memref<125xi32, #tpu.memory_space<vmem>>
    %dma_start3A_56 = arith.constant 0 : i32
    %dma_start3A_57 = arith.constant 0 : i32
    %dma_start3A_58 = tpu.memref_slice %arg2[%arg0, %dma_start3A_56, %dma_start3A_57] : memref<2x10000x64xf32, #tpu.memory_space<hbm>> -> memref<1x10000x64xf32, #tpu.memory_space<hbm>>
    %dma_start3A_59 = tpu.memref_squeeze %dma_start3A_58 : memref<1x10000x64xf32, #tpu.memory_space<hbm>> -> memref<10000x64xf32, #tpu.memory_space<hbm>>
    %dma_start3A_60 = arith.constant 0 : i32
    %dma_start3A_61 = arith.constant 0 : i32
    %dma_start3A_62 = tpu.memref_slice %dma_start3A_59[%dma_start3A_60, %dma_start3A_61] : memref<10000x64xf32, #tpu.memory_space<hbm>> -> memref<10000x64xf32, #tpu.memory_space<hbm>>
    tpu.enqueue_indirect_dma source(%dma_start3A_62 : memref<10000x64xf32, #tpu.memory_space<hbm>>) target(%arg8 : memref<125x64xf32, #tpu.memory_space<vmem>>) offsets(%dma_start3A_55 : memref<125xi32, #tpu.memory_space<vmem>>) semaphore(%arg15 : memref<!tpu.dma_semaphore, #tpu.memory_space<semaphore_mem>>)
    %dma_start3A_63 = arith.constant 1 : i32
    %dma_start3A_64 = arith.constant 0 : i32
    %dma_start3A_65 = tpu.memref_slice %arg6[%dma_start3A_63, %dma_start3A_64] : memref<160x125xi32, #tpu.memory_space<vmem>> -> memref<1x125xi32, #tpu.memory_space<vmem>>
    %dma_start3A_66 = tpu.memref_squeeze %dma_start3A_65 : memref<1x125xi32, #tpu.memory_space<vmem>> -> memref<125xi32, #tpu.memory_space<vmem>>
    %dma_start3A_67 = arith.constant 0 : i32
    %dma_start3A_68 = arith.constant 0 : i32
    %dma_start3A_69 = tpu.memref_slice %arg2[%arg0, %dma_start3A_67, %dma_start3A_68] : memref<2x10000x64xf32, #tpu.memory_space<hbm>> -> memref<1x10000x64xf32, #tpu.memory_space<hbm>>
    %dma_start3A_70 = tpu.memref_squeeze %dma_start3A_69 : memref<1x10000x64xf32, #tpu.memory_space<hbm>> -> memref<10000x64xf32, #tpu.memory_space<hbm>>
    %dma_start3A_71 = arith.constant 0 : i32
    %dma_start3A_72 = arith.constant 0 : i32
    %dma_start3A_73 = tpu.memref_slice %dma_start3A_70[%dma_start3A_71, %dma_start3A_72] : memref<10000x64xf32, #tpu.memory_space<hbm>> -> memref<10000x64xf32, #tpu.memory_space<hbm>>
    tpu.enqueue_indirect_dma source(%dma_start3A_73 : memref<10000x64xf32, #tpu.memory_space<hbm>>) target(%arg9 : memref<125x64xf32, #tpu.memory_space<vmem>>) offsets(%dma_start3A_66 : memref<125xi32, #tpu.memory_space<vmem>>) semaphore(%arg16 : memref<!tpu.dma_semaphore, #tpu.memory_space<semaphore_mem>>)
    %dma_start3A_74 = arith.constant 2 : i32
    %dma_start3A_75 = arith.constant 0 : i32
    %dma_start3A_76 = tpu.memref_slice %arg6[%dma_start3A_74, %dma_start3A_75] : memref<160x125xi32, #tpu.memory_space<vmem>> -> memref<1x125xi32, #tpu.memory_space<vmem>>
    %dma_start3A_77 = tpu.memref_squeeze %dma_start3A_76 : memref<1x125xi32, #tpu.memory_space<vmem>> -> memref<125xi32, #tpu.memory_space<vmem>>
    %dma_start3A_78 = arith.constant 0 : i32
    %dma_start3A_79 = arith.constant 0 : i32
    %dma_start3A_80 = tpu.memref_slice %arg2[%arg0, %dma_start3A_78, %dma_start3A_79] : memref<2x10000x64xf32, #tpu.memory_space<hbm>> -> memref<1x10000x64xf32, #tpu.memory_space<hbm>>
    %dma_start3A_81 = tpu.memref_squeeze %dma_start3A_80 : memref<1x10000x64xf32, #tpu.memory_space<hbm>> -> memref<10000x64xf32, #tpu.memory_space<hbm>>
    %dma_start3A_82 = arith.constant 0 : i32
    %dma_start3A_83 = arith.constant 0 : i32
    %dma_start3A_84 = tpu.memref_slice %dma_start3A_81[%dma_start3A_82, %dma_start3A_83] : memref<10000x64xf32, #tpu.memory_space<hbm>> -> memref<10000x64xf32, #tpu.memory_space<hbm>>
    tpu.enqueue_indirect_dma source(%dma_start3A_84 : memref<10000x64xf32, #tpu.memory_space<hbm>>) target(%arg10 : memref<125x64xf32, #tpu.memory_space<vmem>>) offsets(%dma_start3A_77 : memref<125xi32, #tpu.memory_space<vmem>>) semaphore(%arg17 : memref<!tpu.dma_semaphore, #tpu.memory_space<semaphore_mem>>)
    %dma_start3A_85 = arith.constant 3 : i32
    %dma_start3A_86 = arith.constant 0 : i32
    %dma_start3A_87 = tpu.memref_slice %arg6[%dma_start3A_85, %dma_start3A_86] : memref<160x125xi32, #tpu.memory_space<vmem>> -> memref<1x125xi32, #tpu.memory_space<vmem>>
    %dma_start3A_88 = tpu.memref_squeeze %dma_start3A_87 : memref<1x125xi32, #tpu.memory_space<vmem>> -> memref<125xi32, #tpu.memory_space<vmem>>
    %dma_start3A_89 = arith.constant 0 : i32
    %dma_start3A_90 = arith.constant 0 : i32
    %dma_start3A_91 = tpu.memref_slice %arg2[%arg0, %dma_start3A_89, %dma_start3A_90] : memref<2x10000x64xf32, #tpu.memory_space<hbm>> -> memref<1x10000x64xf32, #tpu.memory_space<hbm>>
    %dma_start3A_92 = tpu.memref_squeeze %dma_start3A_91 : memref<1x10000x64xf32, #tpu.memory_space<hbm>> -> memref<10000x64xf32, #tpu.memory_space<hbm>>
    %dma_start3A_93 = arith.constant 0 : i32
    %dma_start3A_94 = arith.constant 0 : i32
    %dma_start3A_95 = tpu.memref_slice %dma_start3A_92[%dma_start3A_93, %dma_start3A_94] : memref<10000x64xf32, #tpu.memory_space<hbm>> -> memref<10000x64xf32, #tpu.memory_space<hbm>>
    tpu.enqueue_indirect_dma source(%dma_start3A_95 : memref<10000x64xf32, #tpu.memory_space<hbm>>) target(%arg11 : memref<125x64xf32, #tpu.memory_space<vmem>>) offsets(%dma_start3A_88 : memref<125xi32, #tpu.memory_space<vmem>>) semaphore(%arg18 : memref<!tpu.dma_semaphore, #tpu.memory_space<semaphore_mem>>)
    %dma_start3A_96 = arith.constant 4 : i32
    %dma_start3A_97 = arith.constant 0 : i32
    %dma_start3A_98 = tpu.memref_slice %arg6[%dma_start3A_96, %dma_start3A_97] : memref<160x125xi32, #tpu.memory_space<vmem>> -> memref<1x125xi32, #tpu.memory_space<vmem>>
    %dma_start3A_99 = tpu.memref_squeeze %dma_start3A_98 : memref<1x125xi32, #tpu.memory_space<vmem>> -> memref<125xi32, #tpu.memory_space<vmem>>
    %dma_start3A_100 = arith.constant 0 : i32
    %dma_start3A_101 = arith.constant 0 : i32
    %dma_start3A_102 = tpu.memref_slice %arg2[%arg0, %dma_start3A_100, %dma_start3A_101] : memref<2x10000x64xf32, #tpu.memory_space<hbm>> -> memref<1x10000x64xf32, #tpu.memory_space<hbm>>
    %dma_start3A_103 = tpu.memref_squeeze %dma_start3A_102 : memref<1x10000x64xf32, #tpu.memory_space<hbm>> -> memref<10000x64xf32, #tpu.memory_space<hbm>>
    %dma_start3A_104 = arith.constant 0 : i32
    %dma_start3A_105 = arith.constant 0 : i32
    %dma_start3A_106 = tpu.memref_slice %dma_start3A_103[%dma_start3A_104, %dma_start3A_105] : memref<10000x64xf32, #tpu.memory_space<hbm>> -> memref<10000x64xf32, #tpu.memory_space<hbm>>
    tpu.enqueue_indirect_dma source(%dma_start3A_106 : memref<10000x64xf32, #tpu.memory_space<hbm>>) target(%arg12 : memref<125x64xf32, #tpu.memory_space<vmem>>) offsets(%dma_start3A_99 : memref<125xi32, #tpu.memory_space<vmem>>) semaphore(%arg19 : memref<!tpu.dma_semaphore, #tpu.memory_space<semaphore_mem>>)
    %scan3A_107 = arith.constant 0 : i32
    %scan3A_108 = arith.constant 31 : i32
    %scan3A_109 = arith.addi %scan3A_107, %scan3A_108 : i32
    %scan3A_110 = arith.constant 1 : i32
    scf.for %scan3A_290 = %scan3A_107 to %scan3A_109 step %scan3A_110  : i32 {
      %mul3A_291 = arith.constant 1 : i32
      %mul3A_292 = arith.muli %scan3A_290, %mul3A_291 : i32
      %add3A_293 = arith.constant 0 : i32
      %add3A_294 = arith.addi %add3A_293, %mul3A_292 : i32
      %mul3A_295 = arith.constant 5 : i32
      %mul3A_296 = arith.muli %add3A_294, %mul3A_295 : i32
      %dma_wait3A_297 = arith.constant 0 : i32
      %dma_wait3A_298 = arith.constant 0 : i32
      %dma_wait3A_299 = tpu.memref_slice %arg2[%arg0, %dma_wait3A_297, %dma_wait3A_298] : memref<2x10000x64xf32, #tpu.memory_space<hbm>> -> memref<1x10000x64xf32, #tpu.memory_space<hbm>>
      %dma_wait3A_300 = tpu.memref_squeeze %dma_wait3A_299 : memref<1x10000x64xf32, #tpu.memory_space<hbm>> -> memref<10000x64xf32, #tpu.memory_space<hbm>>
      %dma_wait3A_301 = arith.constant 0 : i32
      %dma_wait3A_302 = arith.constant 0 : i32
      %dma_wait3A_303 = tpu.memref_slice %dma_wait3A_300[%dma_wait3A_301, %dma_wait3A_302] : memref<10000x64xf32, #tpu.memory_space<hbm>> -> memref<125x64xf32, #tpu.memory_space<hbm>>
      %dma_wait3A_304 = arith.constant 0 : i32
      %dma_wait3A_305 = arith.constant 0 : i32
      %dma_wait3A_306 = tpu.memref_slice %arg2[%arg0, %dma_wait3A_304, %dma_wait3A_305] : memref<2x10000x64xf32, #tpu.memory_space<hbm>> -> memref<1x10000x64xf32, #tpu.memory_space<hbm>>
      %dma_wait3A_307 = tpu.memref_squeeze %dma_wait3A_306 : memref<1x10000x64xf32, #tpu.memory_space<hbm>> -> memref<10000x64xf32, #tpu.memory_space<hbm>>
      %dma_wait3A_308 = arith.constant 0 : i32
      %dma_wait3A_309 = arith.constant 0 : i32
      %dma_wait3A_310 = tpu.memref_slice %dma_wait3A_307[%dma_wait3A_308, %dma_wait3A_309] : memref<10000x64xf32, #tpu.memory_space<hbm>> -> memref<125x64xf32, #tpu.memory_space<hbm>>
      tpu.wait_dma2 semaphore(%arg15 : memref<!tpu.dma_semaphore, #tpu.memory_space<semaphore_mem>>) src(%dma_wait3A_310 : memref<125x64xf32, #tpu.memory_space<hbm>>) dst(%arg8 : memref<125x64xf32, #tpu.memory_space<vmem>>)
      %add3A_311 = arith.constant 0 : i32
      %add3A_312 = arith.addi %mul3A_296, %add3A_311 : i32
      %dma_start3A_313 = arith.constant 0 : i32
      %dma_start3A_314 = tpu.memref_slice %arg7[%add3A_312, %dma_start3A_313] : memref<160x125xi32, #tpu.memory_space<vmem>> -> memref<1x125xi32, #tpu.memory_space<vmem>>
      %dma_start3A_315 = tpu.memref_squeeze %dma_start3A_314 : memref<1x125xi32, #tpu.memory_space<vmem>> -> memref<125xi32, #tpu.memory_space<vmem>>
      %dma_start3A_316 = arith.constant 0 : i32
      %dma_start3A_317 = arith.constant 0 : i32
      %dma_start3A_318 = tpu.memref_slice %arg14[%dma_start3A_316, %dma_start3A_317] : memref<10000x64xf32, #tpu.memory_space<vmem_shared>> -> memref<10000x64xf32, #tpu.memory_space<vmem_shared>>
      tpu.enqueue_indirect_dma source(%arg8 : memref<125x64xf32, #tpu.memory_space<vmem>>) target(%dma_start3A_318 : memref<10000x64xf32, #tpu.memory_space<vmem_shared>>) offsets(%dma_start3A_315 : memref<125xi32, #tpu.memory_space<vmem>>) semaphore(%arg15 : memref<!tpu.dma_semaphore, #tpu.memory_space<semaphore_mem>>) {add = true}
      %dma_wait3A_319 = arith.constant 0 : i32
      %dma_wait3A_320 = arith.constant 0 : i32
      %dma_wait3A_321 = tpu.memref_slice %arg2[%arg0, %dma_wait3A_319, %dma_wait3A_320] : memref<2x10000x64xf32, #tpu.memory_space<hbm>> -> memref<1x10000x64xf32, #tpu.memory_space<hbm>>
      %dma_wait3A_322 = tpu.memref_squeeze %dma_wait3A_321 : memref<1x10000x64xf32, #tpu.memory_space<hbm>> -> memref<10000x64xf32, #tpu.memory_space<hbm>>
      %dma_wait3A_323 = arith.constant 0 : i32
      %dma_wait3A_324 = arith.constant 0 : i32
      %dma_wait3A_325 = tpu.memref_slice %dma_wait3A_322[%dma_wait3A_323, %dma_wait3A_324] : memref<10000x64xf32, #tpu.memory_space<hbm>> -> memref<125x64xf32, #tpu.memory_space<hbm>>
      %dma_wait3A_326 = arith.constant 0 : i32
      %dma_wait3A_327 = arith.constant 0 : i32
      %dma_wait3A_328 = tpu.memref_slice %arg2[%arg0, %dma_wait3A_326, %dma_wait3A_327] : memref<2x10000x64xf32, #tpu.memory_space<hbm>> -> memref<1x10000x64xf32, #tpu.memory_space<hbm>>
      %dma_wait3A_329 = tpu.memref_squeeze %dma_wait3A_328 : memref<1x10000x64xf32, #tpu.memory_space<hbm>> -> memref<10000x64xf32, #tpu.memory_space<hbm>>
      %dma_wait3A_330 = arith.constant 0 : i32
      %dma_wait3A_331 = arith.constant 0 : i32
      %dma_wait3A_332 = tpu.memref_slice %dma_wait3A_329[%dma_wait3A_330, %dma_wait3A_331] : memref<10000x64xf32, #tpu.memory_space<hbm>> -> memref<125x64xf32, #tpu.memory_space<hbm>>
      tpu.wait_dma2 semaphore(%arg16 : memref<!tpu.dma_semaphore, #tpu.memory_space<semaphore_mem>>) src(%dma_wait3A_332 : memref<125x64xf32, #tpu.memory_space<hbm>>) dst(%arg9 : memref<125x64xf32, #tpu.memory_space<vmem>>)
      %add3A_333 = arith.constant 1 : i32
      %add3A_334 = arith.addi %mul3A_296, %add3A_333 : i32
      %dma_start3A_335 = arith.constant 0 : i32
      %dma_start3A_336 = tpu.memref_slice %arg7[%add3A_334, %dma_start3A_335] : memref<160x125xi32, #tpu.memory_space<vmem>> -> memref<1x125xi32, #tpu.memory_space<vmem>>
      %dma_start3A_337 = tpu.memref_squeeze %dma_start3A_336 : memref<1x125xi32, #tpu.memory_space<vmem>> -> memref<125xi32, #tpu.memory_space<vmem>>
      %dma_start3A_338 = arith.constant 0 : i32
      %dma_start3A_339 = arith.constant 0 : i32
      %dma_start3A_340 = tpu.memref_slice %arg14[%dma_start3A_338, %dma_start3A_339] : memref<10000x64xf32, #tpu.memory_space<vmem_shared>> -> memref<10000x64xf32, #tpu.memory_space<vmem_shared>>
      tpu.enqueue_indirect_dma source(%arg9 : memref<125x64xf32, #tpu.memory_space<vmem>>) target(%dma_start3A_340 : memref<10000x64xf32, #tpu.memory_space<vmem_shared>>) offsets(%dma_start3A_337 : memref<125xi32, #tpu.memory_space<vmem>>) semaphore(%arg16 : memref<!tpu.dma_semaphore, #tpu.memory_space<semaphore_mem>>) {add = true}
      %dma_wait3A_341 = arith.constant 0 : i32
      %dma_wait3A_342 = arith.constant 0 : i32
      %dma_wait3A_343 = tpu.memref_slice %arg2[%arg0, %dma_wait3A_341, %dma_wait3A_342] : memref<2x10000x64xf32, #tpu.memory_space<hbm>> -> memref<1x10000x64xf32, #tpu.memory_space<hbm>>
      %dma_wait3A_344 = tpu.memref_squeeze %dma_wait3A_343 : memref<1x10000x64xf32, #tpu.memory_space<hbm>> -> memref<10000x64xf32, #tpu.memory_space<hbm>>
      %dma_wait3A_345 = arith.constant 0 : i32
      %dma_wait3A_346 = arith.constant 0 : i32
      %dma_wait3A_347 = tpu.memref_slice %dma_wait3A_344[%dma_wait3A_345, %dma_wait3A_346] : memref<10000x64xf32, #tpu.memory_space<hbm>> -> memref<125x64xf32, #tpu.memory_space<hbm>>
      %dma_wait3A_348 = arith.constant 0 : i32
      %dma_wait3A_349 = arith.constant 0 : i32
      %dma_wait3A_350 = tpu.memref_slice %arg2[%arg0, %dma_wait3A_348, %dma_wait3A_349] : memref<2x10000x64xf32, #tpu.memory_space<hbm>> -> memref<1x10000x64xf32, #tpu.memory_space<hbm>>
      %dma_wait3A_351 = tpu.memref_squeeze %dma_wait3A_350 : memref<1x10000x64xf32, #tpu.memory_space<hbm>> -> memref<10000x64xf32, #tpu.memory_space<hbm>>
      %dma_wait3A_352 = arith.constant 0 : i32
      %dma_wait3A_353 = arith.constant 0 : i32
      %dma_wait3A_354 = tpu.memref_slice %dma_wait3A_351[%dma_wait3A_352, %dma_wait3A_353] : memref<10000x64xf32, #tpu.memory_space<hbm>> -> memref<125x64xf32, #tpu.memory_space<hbm>>
      tpu.wait_dma2 semaphore(%arg17 : memref<!tpu.dma_semaphore, #tpu.memory_space<semaphore_mem>>) src(%dma_wait3A_354 : memref<125x64xf32, #tpu.memory_space<hbm>>) dst(%arg10 : memref<125x64xf32, #tpu.memory_space<vmem>>)
      %add3A_355 = arith.constant 2 : i32
      %add3A_356 = arith.addi %mul3A_296, %add3A_355 : i32
      %dma_start3A_357 = arith.constant 0 : i32
      %dma_start3A_358 = tpu.memref_slice %arg7[%add3A_356, %dma_start3A_357] : memref<160x125xi32, #tpu.memory_space<vmem>> -> memref<1x125xi32, #tpu.memory_space<vmem>>
      %dma_start3A_359 = tpu.memref_squeeze %dma_start3A_358 : memref<1x125xi32, #tpu.memory_space<vmem>> -> memref<125xi32, #tpu.memory_space<vmem>>
      %dma_start3A_360 = arith.constant 0 : i32
      %dma_start3A_361 = arith.constant 0 : i32
      %dma_start3A_362 = tpu.memref_slice %arg14[%dma_start3A_360, %dma_start3A_361] : memref<10000x64xf32, #tpu.memory_space<vmem_shared>> -> memref<10000x64xf32, #tpu.memory_space<vmem_shared>>
      tpu.enqueue_indirect_dma source(%arg10 : memref<125x64xf32, #tpu.memory_space<vmem>>) target(%dma_start3A_362 : memref<10000x64xf32, #tpu.memory_space<vmem_shared>>) offsets(%dma_start3A_359 : memref<125xi32, #tpu.memory_space<vmem>>) semaphore(%arg17 : memref<!tpu.dma_semaphore, #tpu.memory_space<semaphore_mem>>) {add = true}
      %dma_wait3A_363 = arith.constant 0 : i32
      %dma_wait3A_364 = arith.constant 0 : i32
      %dma_wait3A_365 = tpu.memref_slice %arg2[%arg0, %dma_wait3A_363, %dma_wait3A_364] : memref<2x10000x64xf32, #tpu.memory_space<hbm>> -> memref<1x10000x64xf32, #tpu.memory_space<hbm>>
      %dma_wait3A_366 = tpu.memref_squeeze %dma_wait3A_365 : memref<1x10000x64xf32, #tpu.memory_space<hbm>> -> memref<10000x64xf32, #tpu.memory_space<hbm>>
      %dma_wait3A_367 = arith.constant 0 : i32
      %dma_wait3A_368 = arith.constant 0 : i32
      %dma_wait3A_369 = tpu.memref_slice %dma_wait3A_366[%dma_wait3A_367, %dma_wait3A_368] : memref<10000x64xf32, #tpu.memory_space<hbm>> -> memref<125x64xf32, #tpu.memory_space<hbm>>
      %dma_wait3A_370 = arith.constant 0 : i32
      %dma_wait3A_371 = arith.constant 0 : i32
      %dma_wait3A_372 = tpu.memref_slice %arg2[%arg0, %dma_wait3A_370, %dma_wait3A_371] : memref<2x10000x64xf32, #tpu.memory_space<hbm>> -> memref<1x10000x64xf32, #tpu.memory_space<hbm>>
      %dma_wait3A_373 = tpu.memref_squeeze %dma_wait3A_372 : memref<1x10000x64xf32, #tpu.memory_space<hbm>> -> memref<10000x64xf32, #tpu.memory_space<hbm>>
      %dma_wait3A_374 = arith.constant 0 : i32
      %dma_wait3A_375 = arith.constant 0 : i32
      %dma_wait3A_376 = tpu.memref_slice %dma_wait3A_373[%dma_wait3A_374, %dma_wait3A_375] : memref<10000x64xf32, #tpu.memory_space<hbm>> -> memref<125x64xf32, #tpu.memory_space<hbm>>
      tpu.wait_dma2 semaphore(%arg18 : memref<!tpu.dma_semaphore, #tpu.memory_space<semaphore_mem>>) src(%dma_wait3A_376 : memref<125x64xf32, #tpu.memory_space<hbm>>) dst(%arg11 : memref<125x64xf32, #tpu.memory_space<vmem>>)
      %add3A_377 = arith.constant 3 : i32
      %add3A_378 = arith.addi %mul3A_296, %add3A_377 : i32
      %dma_start3A_379 = arith.constant 0 : i32
      %dma_start3A_380 = tpu.memref_slice %arg7[%add3A_378, %dma_start3A_379] : memref<160x125xi32, #tpu.memory_space<vmem>> -> memref<1x125xi32, #tpu.memory_space<vmem>>
      %dma_start3A_381 = tpu.memref_squeeze %dma_start3A_380 : memref<1x125xi32, #tpu.memory_space<vmem>> -> memref<125xi32, #tpu.memory_space<vmem>>
      %dma_start3A_382 = arith.constant 0 : i32
      %dma_start3A_383 = arith.constant 0 : i32
      %dma_start3A_384 = tpu.memref_slice %arg14[%dma_start3A_382, %dma_start3A_383] : memref<10000x64xf32, #tpu.memory_space<vmem_shared>> -> memref<10000x64xf32, #tpu.memory_space<vmem_shared>>
      tpu.enqueue_indirect_dma source(%arg11 : memref<125x64xf32, #tpu.memory_space<vmem>>) target(%dma_start3A_384 : memref<10000x64xf32, #tpu.memory_space<vmem_shared>>) offsets(%dma_start3A_381 : memref<125xi32, #tpu.memory_space<vmem>>) semaphore(%arg18 : memref<!tpu.dma_semaphore, #tpu.memory_space<semaphore_mem>>) {add = true}
      %dma_wait3A_385 = arith.constant 0 : i32
      %dma_wait3A_386 = arith.constant 0 : i32
      %dma_wait3A_387 = tpu.memref_slice %arg2[%arg0, %dma_wait3A_385, %dma_wait3A_386] : memref<2x10000x64xf32, #tpu.memory_space<hbm>> -> memref<1x10000x64xf32, #tpu.memory_space<hbm>>
      %dma_wait3A_388 = tpu.memref_squeeze %dma_wait3A_387 : memref<1x10000x64xf32, #tpu.memory_space<hbm>> -> memref<10000x64xf32, #tpu.memory_space<hbm>>
      %dma_wait3A_389 = arith.constant 0 : i32
      %dma_wait3A_390 = arith.constant 0 : i32
      %dma_wait3A_391 = tpu.memref_slice %dma_wait3A_388[%dma_wait3A_389, %dma_wait3A_390] : memref<10000x64xf32, #tpu.memory_space<hbm>> -> memref<125x64xf32, #tpu.memory_space<hbm>>
      %dma_wait3A_392 = arith.constant 0 : i32
      %dma_wait3A_393 = arith.constant 0 : i32
      %dma_wait3A_394 = tpu.memref_slice %arg2[%arg0, %dma_wait3A_392, %dma_wait3A_393] : memref<2x10000x64xf32, #tpu.memory_space<hbm>> -> memref<1x10000x64xf32, #tpu.memory_space<hbm>>
      %dma_wait3A_395 = tpu.memref_squeeze %dma_wait3A_394 : memref<1x10000x64xf32, #tpu.memory_space<hbm>> -> memref<10000x64xf32, #tpu.memory_space<hbm>>
      %dma_wait3A_396 = arith.constant 0 : i32
      %dma_wait3A_397 = arith.constant 0 : i32
      %dma_wait3A_398 = tpu.memref_slice %dma_wait3A_395[%dma_wait3A_396, %dma_wait3A_397] : memref<10000x64xf32, #tpu.memory_space<hbm>> -> memref<125x64xf32, #tpu.memory_space<hbm>>
      tpu.wait_dma2 semaphore(%arg19 : memref<!tpu.dma_semaphore, #tpu.memory_space<semaphore_mem>>) src(%dma_wait3A_398 : memref<125x64xf32, #tpu.memory_space<hbm>>) dst(%arg12 : memref<125x64xf32, #tpu.memory_space<vmem>>)
      %add3A_399 = arith.constant 4 : i32
      %add3A_400 = arith.addi %mul3A_296, %add3A_399 : i32
      %dma_start3A_401 = arith.constant 0 : i32
      %dma_start3A_402 = tpu.memref_slice %arg7[%add3A_400, %dma_start3A_401] : memref<160x125xi32, #tpu.memory_space<vmem>> -> memref<1x125xi32, #tpu.memory_space<vmem>>
      %dma_start3A_403 = tpu.memref_squeeze %dma_start3A_402 : memref<1x125xi32, #tpu.memory_space<vmem>> -> memref<125xi32, #tpu.memory_space<vmem>>
      %dma_start3A_404 = arith.constant 0 : i32
      %dma_start3A_405 = arith.constant 0 : i32
      %dma_start3A_406 = tpu.memref_slice %arg14[%dma_start3A_404, %dma_start3A_405] : memref<10000x64xf32, #tpu.memory_space<vmem_shared>> -> memref<10000x64xf32, #tpu.memory_space<vmem_shared>>
      tpu.enqueue_indirect_dma source(%arg12 : memref<125x64xf32, #tpu.memory_space<vmem>>) target(%dma_start3A_406 : memref<10000x64xf32, #tpu.memory_space<vmem_shared>>) offsets(%dma_start3A_403 : memref<125xi32, #tpu.memory_space<vmem>>) semaphore(%arg19 : memref<!tpu.dma_semaphore, #tpu.memory_space<semaphore_mem>>) {add = true}
      %dma_wait3A_407 = arith.constant 0 : i32
      %dma_wait3A_408 = arith.constant 0 : i32
      %dma_wait3A_409 = tpu.memref_slice %arg2[%arg0, %dma_wait3A_407, %dma_wait3A_408] : memref<2x10000x64xf32, #tpu.memory_space<hbm>> -> memref<1x10000x64xf32, #tpu.memory_space<hbm>>
      %dma_wait3A_410 = tpu.memref_squeeze %dma_wait3A_409 : memref<1x10000x64xf32, #tpu.memory_space<hbm>> -> memref<10000x64xf32, #tpu.memory_space<hbm>>
      %dma_wait3A_411 = arith.constant 0 : i32
      %dma_wait3A_412 = arith.constant 0 : i32
      %dma_wait3A_413 = tpu.memref_slice %dma_wait3A_410[%dma_wait3A_411, %dma_wait3A_412] : memref<10000x64xf32, #tpu.memory_space<hbm>> -> memref<125x64xf32, #tpu.memory_space<hbm>>
      %dma_wait3A_414 = arith.constant 0 : i32
      %dma_wait3A_415 = arith.constant 0 : i32
      %dma_wait3A_416 = tpu.memref_slice %arg2[%arg0, %dma_wait3A_414, %dma_wait3A_415] : memref<2x10000x64xf32, #tpu.memory_space<hbm>> -> memref<1x10000x64xf32, #tpu.memory_space<hbm>>
      %dma_wait3A_417 = tpu.memref_squeeze %dma_wait3A_416 : memref<1x10000x64xf32, #tpu.memory_space<hbm>> -> memref<10000x64xf32, #tpu.memory_space<hbm>>
      %dma_wait3A_418 = arith.constant 0 : i32
      %dma_wait3A_419 = arith.constant 0 : i32
      %dma_wait3A_420 = tpu.memref_slice %dma_wait3A_417[%dma_wait3A_418, %dma_wait3A_419] : memref<10000x64xf32, #tpu.memory_space<hbm>> -> memref<125x64xf32, #tpu.memory_space<hbm>>
      tpu.wait_dma2 semaphore(%arg15 : memref<!tpu.dma_semaphore, #tpu.memory_space<semaphore_mem>>) src(%dma_wait3A_420 : memref<125x64xf32, #tpu.memory_space<hbm>>) dst(%arg8 : memref<125x64xf32, #tpu.memory_space<vmem>>)
      %add3A_421 = arith.constant 5 : i32
      %add3A_422 = arith.addi %mul3A_296, %add3A_421 : i32
      %add3A_423 = arith.constant 0 : i32
      %add3A_424 = arith.addi %add3A_422, %add3A_423 : i32
      %dma_start3A_425 = arith.constant 0 : i32
      %dma_start3A_426 = tpu.memref_slice %arg6[%add3A_424, %dma_start3A_425] : memref<160x125xi32, #tpu.memory_space<vmem>> -> memref<1x125xi32, #tpu.memory_space<vmem>>
      %dma_start3A_427 = tpu.memref_squeeze %dma_start3A_426 : memref<1x125xi32, #tpu.memory_space<vmem>> -> memref<125xi32, #tpu.memory_space<vmem>>
      %dma_start3A_428 = arith.constant 0 : i32
      %dma_start3A_429 = arith.constant 0 : i32
      %dma_start3A_430 = tpu.memref_slice %arg2[%arg0, %dma_start3A_428, %dma_start3A_429] : memref<2x10000x64xf32, #tpu.memory_space<hbm>> -> memref<1x10000x64xf32, #tpu.memory_space<hbm>>
      %dma_start3A_431 = tpu.memref_squeeze %dma_start3A_430 : memref<1x10000x64xf32, #tpu.memory_space<hbm>> -> memref<10000x64xf32, #tpu.memory_space<hbm>>
      %dma_start3A_432 = arith.constant 0 : i32
      %dma_start3A_433 = arith.constant 0 : i32
      %dma_start3A_434 = tpu.memref_slice %dma_start3A_431[%dma_start3A_432, %dma_start3A_433] : memref<10000x64xf32, #tpu.memory_space<hbm>> -> memref<10000x64xf32, #tpu.memory_space<hbm>>
      tpu.enqueue_indirect_dma source(%dma_start3A_434 : memref<10000x64xf32, #tpu.memory_space<hbm>>) target(%arg8 : memref<125x64xf32, #tpu.memory_space<vmem>>) offsets(%dma_start3A_427 : memref<125xi32, #tpu.memory_space<vmem>>) semaphore(%arg15 : memref<!tpu.dma_semaphore, #tpu.memory_space<semaphore_mem>>)
      %dma_wait3A_435 = arith.constant 0 : i32
      %dma_wait3A_436 = arith.constant 0 : i32
      %dma_wait3A_437 = tpu.memref_slice %arg2[%arg0, %dma_wait3A_435, %dma_wait3A_436] : memref<2x10000x64xf32, #tpu.memory_space<hbm>> -> memref<1x10000x64xf32, #tpu.memory_space<hbm>>
      %dma_wait3A_438 = tpu.memref_squeeze %dma_wait3A_437 : memref<1x10000x64xf32, #tpu.memory_space<hbm>> -> memref<10000x64xf32, #tpu.memory_space<hbm>>
      %dma_wait3A_439 = arith.constant 0 : i32
      %dma_wait3A_440 = arith.constant 0 : i32
      %dma_wait3A_441 = tpu.memref_slice %dma_wait3A_438[%dma_wait3A_439, %dma_wait3A_440] : memref<10000x64xf32, #tpu.memory_space<hbm>> -> memref<125x64xf32, #tpu.memory_space<hbm>>
      %dma_wait3A_442 = arith.constant 0 : i32
      %dma_wait3A_443 = arith.constant 0 : i32
      %dma_wait3A_444 = tpu.memref_slice %arg2[%arg0, %dma_wait3A_442, %dma_wait3A_443] : memref<2x10000x64xf32, #tpu.memory_space<hbm>> -> memref<1x10000x64xf32, #tpu.memory_space<hbm>>
      %dma_wait3A_445 = tpu.memref_squeeze %dma_wait3A_444 : memref<1x10000x64xf32, #tpu.memory_space<hbm>> -> memref<10000x64xf32, #tpu.memory_space<hbm>>
      %dma_wait3A_446 = arith.constant 0 : i32
      %dma_wait3A_447 = arith.constant 0 : i32
      %dma_wait3A_448 = tpu.memref_slice %dma_wait3A_445[%dma_wait3A_446, %dma_wait3A_447] : memref<10000x64xf32, #tpu.memory_space<hbm>> -> memref<125x64xf32, #tpu.memory_space<hbm>>
      tpu.wait_dma2 semaphore(%arg16 : memref<!tpu.dma_semaphore, #tpu.memory_space<semaphore_mem>>) src(%dma_wait3A_448 : memref<125x64xf32, #tpu.memory_space<hbm>>) dst(%arg9 : memref<125x64xf32, #tpu.memory_space<vmem>>)
      %add3A_449 = arith.constant 5 : i32
      %add3A_450 = arith.addi %mul3A_296, %add3A_449 : i32
      %add3A_451 = arith.constant 1 : i32
      %add3A_452 = arith.addi %add3A_450, %add3A_451 : i32
      %dma_start3A_453 = arith.constant 0 : i32
      %dma_start3A_454 = tpu.memref_slice %arg6[%add3A_452, %dma_start3A_453] : memref<160x125xi32, #tpu.memory_space<vmem>> -> memref<1x125xi32, #tpu.memory_space<vmem>>
      %dma_start3A_455 = tpu.memref_squeeze %dma_start3A_454 : memref<1x125xi32, #tpu.memory_space<vmem>> -> memref<125xi32, #tpu.memory_space<vmem>>
      %dma_start3A_456 = arith.constant 0 : i32
      %dma_start3A_457 = arith.constant 0 : i32
      %dma_start3A_458 = tpu.memref_slice %arg2[%arg0, %dma_start3A_456, %dma_start3A_457] : memref<2x10000x64xf32, #tpu.memory_space<hbm>> -> memref<1x10000x64xf32, #tpu.memory_space<hbm>>
      %dma_start3A_459 = tpu.memref_squeeze %dma_start3A_458 : memref<1x10000x64xf32, #tpu.memory_space<hbm>> -> memref<10000x64xf32, #tpu.memory_space<hbm>>
      %dma_start3A_460 = arith.constant 0 : i32
      %dma_start3A_461 = arith.constant 0 : i32
      %dma_start3A_462 = tpu.memref_slice %dma_start3A_459[%dma_start3A_460, %dma_start3A_461] : memref<10000x64xf32, #tpu.memory_space<hbm>> -> memref<10000x64xf32, #tpu.memory_space<hbm>>
      tpu.enqueue_indirect_dma source(%dma_start3A_462 : memref<10000x64xf32, #tpu.memory_space<hbm>>) target(%arg9 : memref<125x64xf32, #tpu.memory_space<vmem>>) offsets(%dma_start3A_455 : memref<125xi32, #tpu.memory_space<vmem>>) semaphore(%arg16 : memref<!tpu.dma_semaphore, #tpu.memory_space<semaphore_mem>>)
      %dma_wait3A_463 = arith.constant 0 : i32
      %dma_wait3A_464 = arith.constant 0 : i32
      %dma_wait3A_465 = tpu.memref_slice %arg2[%arg0, %dma_wait3A_463, %dma_wait3A_464] : memref<2x10000x64xf32, #tpu.memory_space<hbm>> -> memref<1x10000x64xf32, #tpu.memory_space<hbm>>
      %dma_wait3A_466 = tpu.memref_squeeze %dma_wait3A_465 : memref<1x10000x64xf32, #tpu.memory_space<hbm>> -> memref<10000x64xf32, #tpu.memory_space<hbm>>
      %dma_wait3A_467 = arith.constant 0 : i32
      %dma_wait3A_468 = arith.constant 0 : i32
      %dma_wait3A_469 = tpu.memref_slice %dma_wait3A_466[%dma_wait3A_467, %dma_wait3A_468] : memref<10000x64xf32, #tpu.memory_space<hbm>> -> memref<125x64xf32, #tpu.memory_space<hbm>>
      %dma_wait3A_470 = arith.constant 0 : i32
      %dma_wait3A_471 = arith.constant 0 : i32
      %dma_wait3A_472 = tpu.memref_slice %arg2[%arg0, %dma_wait3A_470, %dma_wait3A_471] : memref<2x10000x64xf32, #tpu.memory_space<hbm>> -> memref<1x10000x64xf32, #tpu.memory_space<hbm>>
      %dma_wait3A_473 = tpu.memref_squeeze %dma_wait3A_472 : memref<1x10000x64xf32, #tpu.memory_space<hbm>> -> memref<10000x64xf32, #tpu.memory_space<hbm>>
      %dma_wait3A_474 = arith.constant 0 : i32
      %dma_wait3A_475 = arith.constant 0 : i32
      %dma_wait3A_476 = tpu.memref_slice %dma_wait3A_473[%dma_wait3A_474, %dma_wait3A_475] : memref<10000x64xf32, #tpu.memory_space<hbm>> -> memref<125x64xf32, #tpu.memory_space<hbm>>
      tpu.wait_dma2 semaphore(%arg17 : memref<!tpu.dma_semaphore, #tpu.memory_space<semaphore_mem>>) src(%dma_wait3A_476 : memref<125x64xf32, #tpu.memory_space<hbm>>) dst(%arg10 : memref<125x64xf32, #tpu.memory_space<vmem>>)
      %add3A_477 = arith.constant 5 : i32
      %add3A_478 = arith.addi %mul3A_296, %add3A_477 : i32
      %add3A_479 = arith.constant 2 : i32
      %add3A_480 = arith.addi %add3A_478, %add3A_479 : i32
      %dma_start3A_481 = arith.constant 0 : i32
      %dma_start3A_482 = tpu.memref_slice %arg6[%add3A_480, %dma_start3A_481] : memref<160x125xi32, #tpu.memory_space<vmem>> -> memref<1x125xi32, #tpu.memory_space<vmem>>
      %dma_start3A_483 = tpu.memref_squeeze %dma_start3A_482 : memref<1x125xi32, #tpu.memory_space<vmem>> -> memref<125xi32, #tpu.memory_space<vmem>>
      %dma_start3A_484 = arith.constant 0 : i32
      %dma_start3A_485 = arith.constant 0 : i32
      %dma_start3A_486 = tpu.memref_slice %arg2[%arg0, %dma_start3A_484, %dma_start3A_485] : memref<2x10000x64xf32, #tpu.memory_space<hbm>> -> memref<1x10000x64xf32, #tpu.memory_space<hbm>>
      %dma_start3A_487 = tpu.memref_squeeze %dma_start3A_486 : memref<1x10000x64xf32, #tpu.memory_space<hbm>> -> memref<10000x64xf32, #tpu.memory_space<hbm>>
      %dma_start3A_488 = arith.constant 0 : i32
      %dma_start3A_489 = arith.constant 0 : i32
      %dma_start3A_490 = tpu.memref_slice %dma_start3A_487[%dma_start3A_488, %dma_start3A_489] : memref<10000x64xf32, #tpu.memory_space<hbm>> -> memref<10000x64xf32, #tpu.memory_space<hbm>>
      tpu.enqueue_indirect_dma source(%dma_start3A_490 : memref<10000x64xf32, #tpu.memory_space<hbm>>) target(%arg10 : memref<125x64xf32, #tpu.memory_space<vmem>>) offsets(%dma_start3A_483 : memref<125xi32, #tpu.memory_space<vmem>>) semaphore(%arg17 : memref<!tpu.dma_semaphore, #tpu.memory_space<semaphore_mem>>)
      %dma_wait3A_491 = arith.constant 0 : i32
      %dma_wait3A_492 = arith.constant 0 : i32
      %dma_wait3A_493 = tpu.memref_slice %arg2[%arg0, %dma_wait3A_491, %dma_wait3A_492] : memref<2x10000x64xf32, #tpu.memory_space<hbm>> -> memref<1x10000x64xf32, #tpu.memory_space<hbm>>
      %dma_wait3A_494 = tpu.memref_squeeze %dma_wait3A_493 : memref<1x10000x64xf32, #tpu.memory_space<hbm>> -> memref<10000x64xf32, #tpu.memory_space<hbm>>
      %dma_wait3A_495 = arith.constant 0 : i32
      %dma_wait3A_496 = arith.constant 0 : i32
      %dma_wait3A_497 = tpu.memref_slice %dma_wait3A_494[%dma_wait3A_495, %dma_wait3A_496] : memref<10000x64xf32, #tpu.memory_space<hbm>> -> memref<125x64xf32, #tpu.memory_space<hbm>>
      %dma_wait3A_498 = arith.constant 0 : i32
      %dma_wait3A_499 = arith.constant 0 : i32
      %dma_wait3A_500 = tpu.memref_slice %arg2[%arg0, %dma_wait3A_498, %dma_wait3A_499] : memref<2x10000x64xf32, #tpu.memory_space<hbm>> -> memref<1x10000x64xf32, #tpu.memory_space<hbm>>
      %dma_wait3A_501 = tpu.memref_squeeze %dma_wait3A_500 : memref<1x10000x64xf32, #tpu.memory_space<hbm>> -> memref<10000x64xf32, #tpu.memory_space<hbm>>
      %dma_wait3A_502 = arith.constant 0 : i32
      %dma_wait3A_503 = arith.constant 0 : i32
      %dma_wait3A_504 = tpu.memref_slice %dma_wait3A_501[%dma_wait3A_502, %dma_wait3A_503] : memref<10000x64xf32, #tpu.memory_space<hbm>> -> memref<125x64xf32, #tpu.memory_space<hbm>>
      tpu.wait_dma2 semaphore(%arg18 : memref<!tpu.dma_semaphore, #tpu.memory_space<semaphore_mem>>) src(%dma_wait3A_504 : memref<125x64xf32, #tpu.memory_space<hbm>>) dst(%arg11 : memref<125x64xf32, #tpu.memory_space<vmem>>)
      %add3A_505 = arith.constant 5 : i32
      %add3A_506 = arith.addi %mul3A_296, %add3A_505 : i32
      %add3A_507 = arith.constant 3 : i32
      %add3A_508 = arith.addi %add3A_506, %add3A_507 : i32
      %dma_start3A_509 = arith.constant 0 : i32
      %dma_start3A_510 = tpu.memref_slice %arg6[%add3A_508, %dma_start3A_509] : memref<160x125xi32, #tpu.memory_space<vmem>> -> memref<1x125xi32, #tpu.memory_space<vmem>>
      %dma_start3A_511 = tpu.memref_squeeze %dma_start3A_510 : memref<1x125xi32, #tpu.memory_space<vmem>> -> memref<125xi32, #tpu.memory_space<vmem>>
      %dma_start3A_512 = arith.constant 0 : i32
      %dma_start3A_513 = arith.constant 0 : i32
      %dma_start3A_514 = tpu.memref_slice %arg2[%arg0, %dma_start3A_512, %dma_start3A_513] : memref<2x10000x64xf32, #tpu.memory_space<hbm>> -> memref<1x10000x64xf32, #tpu.memory_space<hbm>>
      %dma_start3A_515 = tpu.memref_squeeze %dma_start3A_514 : memref<1x10000x64xf32, #tpu.memory_space<hbm>> -> memref<10000x64xf32, #tpu.memory_space<hbm>>
      %dma_start3A_516 = arith.constant 0 : i32
      %dma_start3A_517 = arith.constant 0 : i32
      %dma_start3A_518 = tpu.memref_slice %dma_start3A_515[%dma_start3A_516, %dma_start3A_517] : memref<10000x64xf32, #tpu.memory_space<hbm>> -> memref<10000x64xf32, #tpu.memory_space<hbm>>
      tpu.enqueue_indirect_dma source(%dma_start3A_518 : memref<10000x64xf32, #tpu.memory_space<hbm>>) target(%arg11 : memref<125x64xf32, #tpu.memory_space<vmem>>) offsets(%dma_start3A_511 : memref<125xi32, #tpu.memory_space<vmem>>) semaphore(%arg18 : memref<!tpu.dma_semaphore, #tpu.memory_space<semaphore_mem>>)
      %dma_wait3A_519 = arith.constant 0 : i32
      %dma_wait3A_520 = arith.constant 0 : i32
      %dma_wait3A_521 = tpu.memref_slice %arg2[%arg0, %dma_wait3A_519, %dma_wait3A_520] : memref<2x10000x64xf32, #tpu.memory_space<hbm>> -> memref<1x10000x64xf32, #tpu.memory_space<hbm>>
      %dma_wait3A_522 = tpu.memref_squeeze %dma_wait3A_521 : memref<1x10000x64xf32, #tpu.memory_space<hbm>> -> memref<10000x64xf32, #tpu.memory_space<hbm>>
      %dma_wait3A_523 = arith.constant 0 : i32
      %dma_wait3A_524 = arith.constant 0 : i32
      %dma_wait3A_525 = tpu.memref_slice %dma_wait3A_522[%dma_wait3A_523, %dma_wait3A_524] : memref<10000x64xf32, #tpu.memory_space<hbm>> -> memref<125x64xf32, #tpu.memory_space<hbm>>
      %dma_wait3A_526 = arith.constant 0 : i32
      %dma_wait3A_527 = arith.constant 0 : i32
      %dma_wait3A_528 = tpu.memref_slice %arg2[%arg0, %dma_wait3A_526, %dma_wait3A_527] : memref<2x10000x64xf32, #tpu.memory_space<hbm>> -> memref<1x10000x64xf32, #tpu.memory_space<hbm>>
      %dma_wait3A_529 = tpu.memref_squeeze %dma_wait3A_528 : memref<1x10000x64xf32, #tpu.memory_space<hbm>> -> memref<10000x64xf32, #tpu.memory_space<hbm>>
      %dma_wait3A_530 = arith.constant 0 : i32
      %dma_wait3A_531 = arith.constant 0 : i32
      %dma_wait3A_532 = tpu.memref_slice %dma_wait3A_529[%dma_wait3A_530, %dma_wait3A_531] : memref<10000x64xf32, #tpu.memory_space<hbm>> -> memref<125x64xf32, #tpu.memory_space<hbm>>
      tpu.wait_dma2 semaphore(%arg19 : memref<!tpu.dma_semaphore, #tpu.memory_space<semaphore_mem>>) src(%dma_wait3A_532 : memref<125x64xf32, #tpu.memory_space<hbm>>) dst(%arg12 : memref<125x64xf32, #tpu.memory_space<vmem>>)
      %add3A_533 = arith.constant 5 : i32
      %add3A_534 = arith.addi %mul3A_296, %add3A_533 : i32
      %add3A_535 = arith.constant 4 : i32
      %add3A_536 = arith.addi %add3A_534, %add3A_535 : i32
      %dma_start3A_537 = arith.constant 0 : i32
      %dma_start3A_538 = tpu.memref_slice %arg6[%add3A_536, %dma_start3A_537] : memref<160x125xi32, #tpu.memory_space<vmem>> -> memref<1x125xi32, #tpu.memory_space<vmem>>
      %dma_start3A_539 = tpu.memref_squeeze %dma_start3A_538 : memref<1x125xi32, #tpu.memory_space<vmem>> -> memref<125xi32, #tpu.memory_space<vmem>>
      %dma_start3A_540 = arith.constant 0 : i32
      %dma_start3A_541 = arith.constant 0 : i32
      %dma_start3A_542 = tpu.memref_slice %arg2[%arg0, %dma_start3A_540, %dma_start3A_541] : memref<2x10000x64xf32, #tpu.memory_space<hbm>> -> memref<1x10000x64xf32, #tpu.memory_space<hbm>>
      %dma_start3A_543 = tpu.memref_squeeze %dma_start3A_542 : memref<1x10000x64xf32, #tpu.memory_space<hbm>> -> memref<10000x64xf32, #tpu.memory_space<hbm>>
      %dma_start3A_544 = arith.constant 0 : i32
      %dma_start3A_545 = arith.constant 0 : i32
      %dma_start3A_546 = tpu.memref_slice %dma_start3A_543[%dma_start3A_544, %dma_start3A_545] : memref<10000x64xf32, #tpu.memory_space<hbm>> -> memref<10000x64xf32, #tpu.memory_space<hbm>>
      tpu.enqueue_indirect_dma source(%dma_start3A_546 : memref<10000x64xf32, #tpu.memory_space<hbm>>) target(%arg12 : memref<125x64xf32, #tpu.memory_space<vmem>>) offsets(%dma_start3A_539 : memref<125xi32, #tpu.memory_space<vmem>>) semaphore(%arg19 : memref<!tpu.dma_semaphore, #tpu.memory_space<semaphore_mem>>)
    }
    %scan3A_111 = arith.constant 31 : i32
    %dma_wait3A_112 = arith.constant 0 : i32
    %dma_wait3A_113 = arith.constant 0 : i32
    %dma_wait3A_114 = tpu.memref_slice %arg2[%arg0, %dma_wait3A_112, %dma_wait3A_113] : memref<2x10000x64xf32, #tpu.memory_space<hbm>> -> memref<1x10000x64xf32, #tpu.memory_space<hbm>>
    %dma_wait3A_115 = tpu.memref_squeeze %dma_wait3A_114 : memref<1x10000x64xf32, #tpu.memory_space<hbm>> -> memref<10000x64xf32, #tpu.memory_space<hbm>>
    %dma_wait3A_116 = arith.constant 0 : i32
    %dma_wait3A_117 = arith.constant 0 : i32
    %dma_wait3A_118 = tpu.memref_slice %dma_wait3A_115[%dma_wait3A_116, %dma_wait3A_117] : memref<10000x64xf32, #tpu.memory_space<hbm>> -> memref<125x64xf32, #tpu.memory_space<hbm>>
    %dma_wait3A_119 = arith.constant 0 : i32
    %dma_wait3A_120 = arith.constant 0 : i32
    %dma_wait3A_121 = tpu.memref_slice %arg2[%arg0, %dma_wait3A_119, %dma_wait3A_120] : memref<2x10000x64xf32, #tpu.memory_space<hbm>> -> memref<1x10000x64xf32, #tpu.memory_space<hbm>>
    %dma_wait3A_122 = tpu.memref_squeeze %dma_wait3A_121 : memref<1x10000x64xf32, #tpu.memory_space<hbm>> -> memref<10000x64xf32, #tpu.memory_space<hbm>>
    %dma_wait3A_123 = arith.constant 0 : i32
    %dma_wait3A_124 = arith.constant 0 : i32
    %dma_wait3A_125 = tpu.memref_slice %dma_wait3A_122[%dma_wait3A_123, %dma_wait3A_124] : memref<10000x64xf32, #tpu.memory_space<hbm>> -> memref<125x64xf32, #tpu.memory_space<hbm>>
    tpu.wait_dma2 semaphore(%arg15 : memref<!tpu.dma_semaphore, #tpu.memory_space<semaphore_mem>>) src(%dma_wait3A_125 : memref<125x64xf32, #tpu.memory_space<hbm>>) dst(%arg8 : memref<125x64xf32, #tpu.memory_space<vmem>>)
    %dma_start3A_126 = arith.constant 155 : i32
    %dma_start3A_127 = arith.constant 0 : i32
    %dma_start3A_128 = tpu.memref_slice %arg7[%dma_start3A_126, %dma_start3A_127] : memref<160x125xi32, #tpu.memory_space<vmem>> -> memref<1x125xi32, #tpu.memory_space<vmem>>
    %dma_start3A_129 = tpu.memref_squeeze %dma_start3A_128 : memref<1x125xi32, #tpu.memory_space<vmem>> -> memref<125xi32, #tpu.memory_space<vmem>>
    %dma_start3A_130 = arith.constant 0 : i32
    %dma_start3A_131 = arith.constant 0 : i32
    %dma_start3A_132 = tpu.memref_slice %arg14[%dma_start3A_130, %dma_start3A_131] : memref<10000x64xf32, #tpu.memory_space<vmem_shared>> -> memref<10000x64xf32, #tpu.memory_space<vmem_shared>>
    tpu.enqueue_indirect_dma source(%arg8 : memref<125x64xf32, #tpu.memory_space<vmem>>) target(%dma_start3A_132 : memref<10000x64xf32, #tpu.memory_space<vmem_shared>>) offsets(%dma_start3A_129 : memref<125xi32, #tpu.memory_space<vmem>>) semaphore(%arg15 : memref<!tpu.dma_semaphore, #tpu.memory_space<semaphore_mem>>) {add = true}
    %dma_wait3A_133 = arith.constant 0 : i32
    %dma_wait3A_134 = arith.constant 0 : i32
    %dma_wait3A_135 = tpu.memref_slice %arg2[%arg0, %dma_wait3A_133, %dma_wait3A_134] : memref<2x10000x64xf32, #tpu.memory_space<hbm>> -> memref<1x10000x64xf32, #tpu.memory_space<hbm>>
    %dma_wait3A_136 = tpu.memref_squeeze %dma_wait3A_135 : memref<1x10000x64xf32, #tpu.memory_space<hbm>> -> memref<10000x64xf32, #tpu.memory_space<hbm>>
    %dma_wait3A_137 = arith.constant 0 : i32
    %dma_wait3A_138 = arith.constant 0 : i32
    %dma_wait3A_139 = tpu.memref_slice %dma_wait3A_136[%dma_wait3A_137, %dma_wait3A_138] : memref<10000x64xf32, #tpu.memory_space<hbm>> -> memref<125x64xf32, #tpu.memory_space<hbm>>
    %dma_wait3A_140 = arith.constant 0 : i32
    %dma_wait3A_141 = arith.constant 0 : i32
    %dma_wait3A_142 = tpu.memref_slice %arg2[%arg0, %dma_wait3A_140, %dma_wait3A_141] : memref<2x10000x64xf32, #tpu.memory_space<hbm>> -> memref<1x10000x64xf32, #tpu.memory_space<hbm>>
    %dma_wait3A_143 = tpu.memref_squeeze %dma_wait3A_142 : memref<1x10000x64xf32, #tpu.memory_space<hbm>> -> memref<10000x64xf32, #tpu.memory_space<hbm>>
    %dma_wait3A_144 = arith.constant 0 : i32
    %dma_wait3A_145 = arith.constant 0 : i32
    %dma_wait3A_146 = tpu.memref_slice %dma_wait3A_143[%dma_wait3A_144, %dma_wait3A_145] : memref<10000x64xf32, #tpu.memory_space<hbm>> -> memref<125x64xf32, #tpu.memory_space<hbm>>
    tpu.wait_dma2 semaphore(%arg16 : memref<!tpu.dma_semaphore, #tpu.memory_space<semaphore_mem>>) src(%dma_wait3A_146 : memref<125x64xf32, #tpu.memory_space<hbm>>) dst(%arg9 : memref<125x64xf32, #tpu.memory_space<vmem>>)
    %dma_start3A_147 = arith.constant 156 : i32
    %dma_start3A_148 = arith.constant 0 : i32
    %dma_start3A_149 = tpu.memref_slice %arg7[%dma_start3A_147, %dma_start3A_148] : memref<160x125xi32, #tpu.memory_space<vmem>> -> memref<1x125xi32, #tpu.memory_space<vmem>>
    %dma_start3A_150 = tpu.memref_squeeze %dma_start3A_149 : memref<1x125xi32, #tpu.memory_space<vmem>> -> memref<125xi32, #tpu.memory_space<vmem>>
    %dma_start3A_151 = arith.constant 0 : i32
    %dma_start3A_152 = arith.constant 0 : i32
    %dma_start3A_153 = tpu.memref_slice %arg14[%dma_start3A_151, %dma_start3A_152] : memref<10000x64xf32, #tpu.memory_space<vmem_shared>> -> memref<10000x64xf32, #tpu.memory_space<vmem_shared>>
    tpu.enqueue_indirect_dma source(%arg9 : memref<125x64xf32, #tpu.memory_space<vmem>>) target(%dma_start3A_153 : memref<10000x64xf32, #tpu.memory_space<vmem_shared>>) offsets(%dma_start3A_150 : memref<125xi32, #tpu.memory_space<vmem>>) semaphore(%arg16 : memref<!tpu.dma_semaphore, #tpu.memory_space<semaphore_mem>>) {add = true}
    %dma_wait3A_154 = arith.constant 0 : i32
    %dma_wait3A_155 = arith.constant 0 : i32
    %dma_wait3A_156 = tpu.memref_slice %arg2[%arg0, %dma_wait3A_154, %dma_wait3A_155] : memref<2x10000x64xf32, #tpu.memory_space<hbm>> -> memref<1x10000x64xf32, #tpu.memory_space<hbm>>
    %dma_wait3A_157 = tpu.memref_squeeze %dma_wait3A_156 : memref<1x10000x64xf32, #tpu.memory_space<hbm>> -> memref<10000x64xf32, #tpu.memory_space<hbm>>
    %dma_wait3A_158 = arith.constant 0 : i32
    %dma_wait3A_159 = arith.constant 0 : i32
    %dma_wait3A_160 = tpu.memref_slice %dma_wait3A_157[%dma_wait3A_158, %dma_wait3A_159] : memref<10000x64xf32, #tpu.memory_space<hbm>> -> memref<125x64xf32, #tpu.memory_space<hbm>>
    %dma_wait3A_161 = arith.constant 0 : i32
    %dma_wait3A_162 = arith.constant 0 : i32
    %dma_wait3A_163 = tpu.memref_slice %arg2[%arg0, %dma_wait3A_161, %dma_wait3A_162] : memref<2x10000x64xf32, #tpu.memory_space<hbm>> -> memref<1x10000x64xf32, #tpu.memory_space<hbm>>
    %dma_wait3A_164 = tpu.memref_squeeze %dma_wait3A_163 : memref<1x10000x64xf32, #tpu.memory_space<hbm>> -> memref<10000x64xf32, #tpu.memory_space<hbm>>
    %dma_wait3A_165 = arith.constant 0 : i32
    %dma_wait3A_166 = arith.constant 0 : i32
    %dma_wait3A_167 = tpu.memref_slice %dma_wait3A_164[%dma_wait3A_165, %dma_wait3A_166] : memref<10000x64xf32, #tpu.memory_space<hbm>> -> memref<125x64xf32, #tpu.memory_space<hbm>>
    tpu.wait_dma2 semaphore(%arg17 : memref<!tpu.dma_semaphore, #tpu.memory_space<semaphore_mem>>) src(%dma_wait3A_167 : memref<125x64xf32, #tpu.memory_space<hbm>>) dst(%arg10 : memref<125x64xf32, #tpu.memory_space<vmem>>)
    %dma_start3A_168 = arith.constant 157 : i32
    %dma_start3A_169 = arith.constant 0 : i32
    %dma_start3A_170 = tpu.memref_slice %arg7[%dma_start3A_168, %dma_start3A_169] : memref<160x125xi32, #tpu.memory_space<vmem>> -> memref<1x125xi32, #tpu.memory_space<vmem>>
    %dma_start3A_171 = tpu.memref_squeeze %dma_start3A_170 : memref<1x125xi32, #tpu.memory_space<vmem>> -> memref<125xi32, #tpu.memory_space<vmem>>
    %dma_start3A_172 = arith.constant 0 : i32
    %dma_start3A_173 = arith.constant 0 : i32
    %dma_start3A_174 = tpu.memref_slice %arg14[%dma_start3A_172, %dma_start3A_173] : memref<10000x64xf32, #tpu.memory_space<vmem_shared>> -> memref<10000x64xf32, #tpu.memory_space<vmem_shared>>
    tpu.enqueue_indirect_dma source(%arg10 : memref<125x64xf32, #tpu.memory_space<vmem>>) target(%dma_start3A_174 : memref<10000x64xf32, #tpu.memory_space<vmem_shared>>) offsets(%dma_start3A_171 : memref<125xi32, #tpu.memory_space<vmem>>) semaphore(%arg17 : memref<!tpu.dma_semaphore, #tpu.memory_space<semaphore_mem>>) {add = true}
    %dma_wait3A_175 = arith.constant 0 : i32
    %dma_wait3A_176 = arith.constant 0 : i32
    %dma_wait3A_177 = tpu.memref_slice %arg2[%arg0, %dma_wait3A_175, %dma_wait3A_176] : memref<2x10000x64xf32, #tpu.memory_space<hbm>> -> memref<1x10000x64xf32, #tpu.memory_space<hbm>>
    %dma_wait3A_178 = tpu.memref_squeeze %dma_wait3A_177 : memref<1x10000x64xf32, #tpu.memory_space<hbm>> -> memref<10000x64xf32, #tpu.memory_space<hbm>>
    %dma_wait3A_179 = arith.constant 0 : i32
    %dma_wait3A_180 = arith.constant 0 : i32
    %dma_wait3A_181 = tpu.memref_slice %dma_wait3A_178[%dma_wait3A_179, %dma_wait3A_180] : memref<10000x64xf32, #tpu.memory_space<hbm>> -> memref<125x64xf32, #tpu.memory_space<hbm>>
    %dma_wait3A_182 = arith.constant 0 : i32
    %dma_wait3A_183 = arith.constant 0 : i32
    %dma_wait3A_184 = tpu.memref_slice %arg2[%arg0, %dma_wait3A_182, %dma_wait3A_183] : memref<2x10000x64xf32, #tpu.memory_space<hbm>> -> memref<1x10000x64xf32, #tpu.memory_space<hbm>>
    %dma_wait3A_185 = tpu.memref_squeeze %dma_wait3A_184 : memref<1x10000x64xf32, #tpu.memory_space<hbm>> -> memref<10000x64xf32, #tpu.memory_space<hbm>>
    %dma_wait3A_186 = arith.constant 0 : i32
    %dma_wait3A_187 = arith.constant 0 : i32
    %dma_wait3A_188 = tpu.memref_slice %dma_wait3A_185[%dma_wait3A_186, %dma_wait3A_187] : memref<10000x64xf32, #tpu.memory_space<hbm>> -> memref<125x64xf32, #tpu.memory_space<hbm>>
    tpu.wait_dma2 semaphore(%arg18 : memref<!tpu.dma_semaphore, #tpu.memory_space<semaphore_mem>>) src(%dma_wait3A_188 : memref<125x64xf32, #tpu.memory_space<hbm>>) dst(%arg11 : memref<125x64xf32, #tpu.memory_space<vmem>>)
    %dma_start3A_189 = arith.constant 158 : i32
    %dma_start3A_190 = arith.constant 0 : i32
    %dma_start3A_191 = tpu.memref_slice %arg7[%dma_start3A_189, %dma_start3A_190] : memref<160x125xi32, #tpu.memory_space<vmem>> -> memref<1x125xi32, #tpu.memory_space<vmem>>
    %dma_start3A_192 = tpu.memref_squeeze %dma_start3A_191 : memref<1x125xi32, #tpu.memory_space<vmem>> -> memref<125xi32, #tpu.memory_space<vmem>>
    %dma_start3A_193 = arith.constant 0 : i32
    %dma_start3A_194 = arith.constant 0 : i32
    %dma_start3A_195 = tpu.memref_slice %arg14[%dma_start3A_193, %dma_start3A_194] : memref<10000x64xf32, #tpu.memory_space<vmem_shared>> -> memref<10000x64xf32, #tpu.memory_space<vmem_shared>>
    tpu.enqueue_indirect_dma source(%arg11 : memref<125x64xf32, #tpu.memory_space<vmem>>) target(%dma_start3A_195 : memref<10000x64xf32, #tpu.memory_space<vmem_shared>>) offsets(%dma_start3A_192 : memref<125xi32, #tpu.memory_space<vmem>>) semaphore(%arg18 : memref<!tpu.dma_semaphore, #tpu.memory_space<semaphore_mem>>) {add = true}
    %dma_wait3A_196 = arith.constant 0 : i32
    %dma_wait3A_197 = arith.constant 0 : i32
    %dma_wait3A_198 = tpu.memref_slice %arg2[%arg0, %dma_wait3A_196, %dma_wait3A_197] : memref<2x10000x64xf32, #tpu.memory_space<hbm>> -> memref<1x10000x64xf32, #tpu.memory_space<hbm>>
    %dma_wait3A_199 = tpu.memref_squeeze %dma_wait3A_198 : memref<1x10000x64xf32, #tpu.memory_space<hbm>> -> memref<10000x64xf32, #tpu.memory_space<hbm>>
    %dma_wait3A_200 = arith.constant 0 : i32
    %dma_wait3A_201 = arith.constant 0 : i32
    %dma_wait3A_202 = tpu.memref_slice %dma_wait3A_199[%dma_wait3A_200, %dma_wait3A_201] : memref<10000x64xf32, #tpu.memory_space<hbm>> -> memref<125x64xf32, #tpu.memory_space<hbm>>
    %dma_wait3A_203 = arith.constant 0 : i32
    %dma_wait3A_204 = arith.constant 0 : i32
    %dma_wait3A_205 = tpu.memref_slice %arg2[%arg0, %dma_wait3A_203, %dma_wait3A_204] : memref<2x10000x64xf32, #tpu.memory_space<hbm>> -> memref<1x10000x64xf32, #tpu.memory_space<hbm>>
    %dma_wait3A_206 = tpu.memref_squeeze %dma_wait3A_205 : memref<1x10000x64xf32, #tpu.memory_space<hbm>> -> memref<10000x64xf32, #tpu.memory_space<hbm>>
    %dma_wait3A_207 = arith.constant 0 : i32
    %dma_wait3A_208 = arith.constant 0 : i32
    %dma_wait3A_209 = tpu.memref_slice %dma_wait3A_206[%dma_wait3A_207, %dma_wait3A_208] : memref<10000x64xf32, #tpu.memory_space<hbm>> -> memref<125x64xf32, #tpu.memory_space<hbm>>
    tpu.wait_dma2 semaphore(%arg19 : memref<!tpu.dma_semaphore, #tpu.memory_space<semaphore_mem>>) src(%dma_wait3A_209 : memref<125x64xf32, #tpu.memory_space<hbm>>) dst(%arg12 : memref<125x64xf32, #tpu.memory_space<vmem>>)
    %dma_start3A_210 = arith.constant 159 : i32
    %dma_start3A_211 = arith.constant 0 : i32
    %dma_start3A_212 = tpu.memref_slice %arg7[%dma_start3A_210, %dma_start3A_211] : memref<160x125xi32, #tpu.memory_space<vmem>> -> memref<1x125xi32, #tpu.memory_space<vmem>>
    %dma_start3A_213 = tpu.memref_squeeze %dma_start3A_212 : memref<1x125xi32, #tpu.memory_space<vmem>> -> memref<125xi32, #tpu.memory_space<vmem>>
    %dma_start3A_214 = arith.constant 0 : i32
    %dma_start3A_215 = arith.constant 0 : i32
    %dma_start3A_216 = tpu.memref_slice %arg14[%dma_start3A_214, %dma_start3A_215] : memref<10000x64xf32, #tpu.memory_space<vmem_shared>> -> memref<10000x64xf32, #tpu.memory_space<vmem_shared>>
    tpu.enqueue_indirect_dma source(%arg12 : memref<125x64xf32, #tpu.memory_space<vmem>>) target(%dma_start3A_216 : memref<10000x64xf32, #tpu.memory_space<vmem_shared>>) offsets(%dma_start3A_213 : memref<125xi32, #tpu.memory_space<vmem>>) semaphore(%arg19 : memref<!tpu.dma_semaphore, #tpu.memory_space<semaphore_mem>>) {add = true}
    %dma_wait3A_217 = arith.constant 0 : i32
    %dma_wait3A_218 = arith.constant 0 : i32
    %dma_wait3A_219 = tpu.memref_slice %arg2[%arg0, %dma_wait3A_217, %dma_wait3A_218] : memref<2x10000x64xf32, #tpu.memory_space<hbm>> -> memref<1x10000x64xf32, #tpu.memory_space<hbm>>
    %dma_wait3A_220 = tpu.memref_squeeze %dma_wait3A_219 : memref<1x10000x64xf32, #tpu.memory_space<hbm>> -> memref<10000x64xf32, #tpu.memory_space<hbm>>
    %dma_wait3A_221 = arith.constant 0 : i32
    %dma_wait3A_222 = arith.constant 0 : i32
    %dma_wait3A_223 = tpu.memref_slice %dma_wait3A_220[%dma_wait3A_221, %dma_wait3A_222] : memref<10000x64xf32, #tpu.memory_space<hbm>> -> memref<125x64xf32, #tpu.memory_space<hbm>>
    %dma_wait3A_224 = arith.constant 0 : i32
    %dma_wait3A_225 = arith.constant 0 : i32
    %dma_wait3A_226 = tpu.memref_slice %arg2[%arg0, %dma_wait3A_224, %dma_wait3A_225] : memref<2x10000x64xf32, #tpu.memory_space<hbm>> -> memref<1x10000x64xf32, #tpu.memory_space<hbm>>
    %dma_wait3A_227 = tpu.memref_squeeze %dma_wait3A_226 : memref<1x10000x64xf32, #tpu.memory_space<hbm>> -> memref<10000x64xf32, #tpu.memory_space<hbm>>
    %dma_wait3A_228 = arith.constant 0 : i32
    %dma_wait3A_229 = arith.constant 0 : i32
    %dma_wait3A_230 = tpu.memref_slice %dma_wait3A_227[%dma_wait3A_228, %dma_wait3A_229] : memref<10000x64xf32, #tpu.memory_space<hbm>> -> memref<125x64xf32, #tpu.memory_space<hbm>>
    tpu.wait_dma2 semaphore(%arg15 : memref<!tpu.dma_semaphore, #tpu.memory_space<semaphore_mem>>) src(%dma_wait3A_230 : memref<125x64xf32, #tpu.memory_space<hbm>>) dst(%arg8 : memref<125x64xf32, #tpu.memory_space<vmem>>)
    %dma_wait3A_231 = arith.constant 0 : i32
    %dma_wait3A_232 = arith.constant 0 : i32
    %dma_wait3A_233 = tpu.memref_slice %arg2[%arg0, %dma_wait3A_231, %dma_wait3A_232] : memref<2x10000x64xf32, #tpu.memory_space<hbm>> -> memref<1x10000x64xf32, #tpu.memory_space<hbm>>
    %dma_wait3A_234 = tpu.memref_squeeze %dma_wait3A_233 : memref<1x10000x64xf32, #tpu.memory_space<hbm>> -> memref<10000x64xf32, #tpu.memory_space<hbm>>
    %dma_wait3A_235 = arith.constant 0 : i32
    %dma_wait3A_236 = arith.constant 0 : i32
    %dma_wait3A_237 = tpu.memref_slice %dma_wait3A_234[%dma_wait3A_235, %dma_wait3A_236] : memref<10000x64xf32, #tpu.memory_space<hbm>> -> memref<125x64xf32, #tpu.memory_space<hbm>>
    %dma_wait3A_238 = arith.constant 0 : i32
    %dma_wait3A_239 = arith.constant 0 : i32
    %dma_wait3A_240 = tpu.memref_slice %arg2[%arg0, %dma_wait3A_238, %dma_wait3A_239] : memref<2x10000x64xf32, #tpu.memory_space<hbm>> -> memref<1x10000x64xf32, #tpu.memory_space<hbm>>
    %dma_wait3A_241 = tpu.memref_squeeze %dma_wait3A_240 : memref<1x10000x64xf32, #tpu.memory_space<hbm>> -> memref<10000x64xf32, #tpu.memory_space<hbm>>
    %dma_wait3A_242 = arith.constant 0 : i32
    %dma_wait3A_243 = arith.constant 0 : i32
    %dma_wait3A_244 = tpu.memref_slice %dma_wait3A_241[%dma_wait3A_242, %dma_wait3A_243] : memref<10000x64xf32, #tpu.memory_space<hbm>> -> memref<125x64xf32, #tpu.memory_space<hbm>>
    tpu.wait_dma2 semaphore(%arg16 : memref<!tpu.dma_semaphore, #tpu.memory_space<semaphore_mem>>) src(%dma_wait3A_244 : memref<125x64xf32, #tpu.memory_space<hbm>>) dst(%arg9 : memref<125x64xf32, #tpu.memory_space<vmem>>)
    %dma_wait3A_245 = arith.constant 0 : i32
    %dma_wait3A_246 = arith.constant 0 : i32
    %dma_wait3A_247 = tpu.memref_slice %arg2[%arg0, %dma_wait3A_245, %dma_wait3A_246] : memref<2x10000x64xf32, #tpu.memory_space<hbm>> -> memref<1x10000x64xf32, #tpu.memory_space<hbm>>
    %dma_wait3A_248 = tpu.memref_squeeze %dma_wait3A_247 : memref<1x10000x64xf32, #tpu.memory_space<hbm>> -> memref<10000x64xf32, #tpu.memory_space<hbm>>
    %dma_wait3A_249 = arith.constant 0 : i32
    %dma_wait3A_250 = arith.constant 0 : i32
    %dma_wait3A_251 = tpu.memref_slice %dma_wait3A_248[%dma_wait3A_249, %dma_wait3A_250] : memref<10000x64xf32, #tpu.memory_space<hbm>> -> memref<125x64xf32, #tpu.memory_space<hbm>>
    %dma_wait3A_252 = arith.constant 0 : i32
    %dma_wait3A_253 = arith.constant 0 : i32
    %dma_wait3A_254 = tpu.memref_slice %arg2[%arg0, %dma_wait3A_252, %dma_wait3A_253] : memref<2x10000x64xf32, #tpu.memory_space<hbm>> -> memref<1x10000x64xf32, #tpu.memory_space<hbm>>
    %dma_wait3A_255 = tpu.memref_squeeze %dma_wait3A_254 : memref<1x10000x64xf32, #tpu.memory_space<hbm>> -> memref<10000x64xf32, #tpu.memory_space<hbm>>
    %dma_wait3A_256 = arith.constant 0 : i32
    %dma_wait3A_257 = arith.constant 0 : i32
    %dma_wait3A_258 = tpu.memref_slice %dma_wait3A_255[%dma_wait3A_256, %dma_wait3A_257] : memref<10000x64xf32, #tpu.memory_space<hbm>> -> memref<125x64xf32, #tpu.memory_space<hbm>>
    tpu.wait_dma2 semaphore(%arg17 : memref<!tpu.dma_semaphore, #tpu.memory_space<semaphore_mem>>) src(%dma_wait3A_258 : memref<125x64xf32, #tpu.memory_space<hbm>>) dst(%arg10 : memref<125x64xf32, #tpu.memory_space<vmem>>)
    %dma_wait3A_259 = arith.constant 0 : i32
    %dma_wait3A_260 = arith.constant 0 : i32
    %dma_wait3A_261 = tpu.memref_slice %arg2[%arg0, %dma_wait3A_259, %dma_wait3A_260] : memref<2x10000x64xf32, #tpu.memory_space<hbm>> -> memref<1x10000x64xf32, #tpu.memory_space<hbm>>
    %dma_wait3A_262 = tpu.memref_squeeze %dma_wait3A_261 : memref<1x10000x64xf32, #tpu.memory_space<hbm>> -> memref<10000x64xf32, #tpu.memory_space<hbm>>
    %dma_wait3A_263 = arith.constant 0 : i32
    %dma_wait3A_264 = arith.constant 0 : i32
    %dma_wait3A_265 = tpu.memref_slice %dma_wait3A_262[%dma_wait3A_263, %dma_wait3A_264] : memref<10000x64xf32, #tpu.memory_space<hbm>> -> memref<125x64xf32, #tpu.memory_space<hbm>>
    %dma_wait3A_266 = arith.constant 0 : i32
    %dma_wait3A_267 = arith.constant 0 : i32
    %dma_wait3A_268 = tpu.memref_slice %arg2[%arg0, %dma_wait3A_266, %dma_wait3A_267] : memref<2x10000x64xf32, #tpu.memory_space<hbm>> -> memref<1x10000x64xf32, #tpu.memory_space<hbm>>
    %dma_wait3A_269 = tpu.memref_squeeze %dma_wait3A_268 : memref<1x10000x64xf32, #tpu.memory_space<hbm>> -> memref<10000x64xf32, #tpu.memory_space<hbm>>
    %dma_wait3A_270 = arith.constant 0 : i32
    %dma_wait3A_271 = arith.constant 0 : i32
    %dma_wait3A_272 = tpu.memref_slice %dma_wait3A_269[%dma_wait3A_270, %dma_wait3A_271] : memref<10000x64xf32, #tpu.memory_space<hbm>> -> memref<125x64xf32, #tpu.memory_space<hbm>>
    tpu.wait_dma2 semaphore(%arg18 : memref<!tpu.dma_semaphore, #tpu.memory_space<semaphore_mem>>) src(%dma_wait3A_272 : memref<125x64xf32, #tpu.memory_space<hbm>>) dst(%arg11 : memref<125x64xf32, #tpu.memory_space<vmem>>)
    %dma_wait3A_273 = arith.constant 0 : i32
    %dma_wait3A_274 = arith.constant 0 : i32
    %dma_wait3A_275 = tpu.memref_slice %arg2[%arg0, %dma_wait3A_273, %dma_wait3A_274] : memref<2x10000x64xf32, #tpu.memory_space<hbm>> -> memref<1x10000x64xf32, #tpu.memory_space<hbm>>
    %dma_wait3A_276 = tpu.memref_squeeze %dma_wait3A_275 : memref<1x10000x64xf32, #tpu.memory_space<hbm>> -> memref<10000x64xf32, #tpu.memory_space<hbm>>
    %dma_wait3A_277 = arith.constant 0 : i32
    %dma_wait3A_278 = arith.constant 0 : i32
    %dma_wait3A_279 = tpu.memref_slice %dma_wait3A_276[%dma_wait3A_277, %dma_wait3A_278] : memref<10000x64xf32, #tpu.memory_space<hbm>> -> memref<125x64xf32, #tpu.memory_space<hbm>>
    %dma_wait3A_280 = arith.constant 0 : i32
    %dma_wait3A_281 = arith.constant 0 : i32
    %dma_wait3A_282 = tpu.memref_slice %arg2[%arg0, %dma_wait3A_280, %dma_wait3A_281] : memref<2x10000x64xf32, #tpu.memory_space<hbm>> -> memref<1x10000x64xf32, #tpu.memory_space<hbm>>
    %dma_wait3A_283 = tpu.memref_squeeze %dma_wait3A_282 : memref<1x10000x64xf32, #tpu.memory_space<hbm>> -> memref<10000x64xf32, #tpu.memory_space<hbm>>
    %dma_wait3A_284 = arith.constant 0 : i32
    %dma_wait3A_285 = arith.constant 0 : i32
    %dma_wait3A_286 = tpu.memref_slice %dma_wait3A_283[%dma_wait3A_284, %dma_wait3A_285] : memref<10000x64xf32, #tpu.memory_space<hbm>> -> memref<125x64xf32, #tpu.memory_space<hbm>>
    tpu.wait_dma2 semaphore(%arg19 : memref<!tpu.dma_semaphore, #tpu.memory_space<semaphore_mem>>) src(%dma_wait3A_286 : memref<125x64xf32, #tpu.memory_space<hbm>>) dst(%arg12 : memref<125x64xf32, #tpu.memory_space<vmem>>)
    %barrier3A_287 = arith.constant 0 : index
    tpu.barrier barrier_id(%barrier3A_287)
    %mul3A_288 = arith.constant 625 : i32
    %mul3A_289 = arith.muli %arg1, %mul3A_288 : i32
    "tpu.region"() ({
      %run_scoped3A = tpu.sem_alloc : memref<!tpu.dma_semaphore, #tpu.memory_space<semaphore_mem>>
      %dma_start3A_290 = arith.constant 0 : i32
      %dma_start3A_291 = arith.constant 0 : i32
      %dma_start3A_292 = tpu.memref_slice %arg5[%arg0, %arg1, %dma_start3A_290, %dma_start3A_291] : memref<2x16x625x64xf32, #tpu.memory_space<hbm>> -> memref<1x1x625x64xf32, #tpu.memory_space<hbm>>
      %dma_start3A_293 = tpu.memref_squeeze %dma_start3A_292 : memref<1x1x625x64xf32, #tpu.memory_space<hbm>> -> memref<625x64xf32, #tpu.memory_space<hbm>>
      %dma_start3A_294 = arith.constant 0 : i32
      %dma_start3A_295 = tpu.memref_slice %arg14[%mul3A_289, %dma_start3A_294] : memref<10000x64xf32, #tpu.memory_space<vmem_shared>> -> memref<625x64xf32, #tpu.memory_space<vmem_shared>>
      tpu.enqueue_dma source(%dma_start3A_295 : memref<625x64xf32, #tpu.memory_space<vmem_shared>>) target(%dma_start3A_293 : memref<625x64xf32, #tpu.memory_space<hbm>>) target_semaphore(%run_scoped3A : memref<!tpu.dma_semaphore, #tpu.memory_space<semaphore_mem>>)
      %dma_wait3A_296 = arith.constant 0 : i32
      %dma_wait3A_297 = arith.constant 0 : i32
      %dma_wait3A_298 = tpu.memref_slice %arg5[%arg0, %arg1, %dma_wait3A_296, %dma_wait3A_297] : memref<2x16x625x64xf32, #tpu.memory_space<hbm>> -> memref<1x1x625x64xf32, #tpu.memory_space<hbm>>
      %dma_wait3A_299 = tpu.memref_squeeze %dma_wait3A_298 : memref<1x1x625x64xf32, #tpu.memory_space<hbm>> -> memref<625x64xf32, #tpu.memory_space<hbm>>
      %dma_wait3A_300 = arith.constant 0 : i32
      %dma_wait3A_301 = tpu.memref_slice %arg14[%mul3A_289, %dma_wait3A_300] : memref<10000x64xf32, #tpu.memory_space<vmem_shared>> -> memref<625x64xf32, #tpu.memory_space<vmem_shared>>
      tpu.wait_dma2 semaphore(%run_scoped3A : memref<!tpu.dma_semaphore, #tpu.memory_space<semaphore_mem>>) src(%dma_wait3A_301 : memref<625x64xf32, #tpu.memory_space<vmem_shared>>) dst(%dma_wait3A_299 : memref<625x64xf32, #tpu.memory_space<hbm>>)
      tpu.yield
    }) : () -> ()
    return
  }
}

#map = affine_map<(d0, d1) -> (0, 0, 0)>
#map1 = affine_map<(d0, d1) -> (0, 0, 0, 0)>
module attributes {stable_mosaic.version = 14 : i64} {
  func.func @_hist_body(%arg0: i32, %arg1: i32, %arg2: memref<32x125x80xi32, #tpu.memory_space<hbm>>, %arg3: memref<2x16x625x16xf32, #tpu.memory_space<hbm>>, %arg4: memref<125x80xi32, #tpu.memory_space<vmem>>, %arg5: memref<80x16xf32, #tpu.memory_space<vmem>>, %arg6: memref<625x16xf32, #tpu.memory_space<vmem>>, %arg7: memref<10000x16xf32, #tpu.memory_space<vmem_shared>>, %arg8: memref<!tpu.dma_semaphore, #tpu.memory_space<semaphore_mem>>) attributes {dimension_semantics = [#tpu.dimension_semantics<core_parallel>, #tpu.dimension_semantics<subcore_parallel>], iteration_bounds = array<i64: 2, 16>, scalar_prefetch = 0 : i64, scratch_operands = 5 : i64, tpu.core_type = #tpu.core_type<sc_vector_subcore>, window_params = [{transform_indices = #map}, {transform_indices = #map1}]} {
    %mul3A = arith.constant 16 : i32
    %mul3A_0 = arith.muli %arg0, %mul3A : i32
    %add3A = arith.addi %mul3A_0, %arg1 : i32
    %dma_start3A = arith.constant 0 : i32
    %dma_start3A_1 = arith.constant 0 : i32
    %dma_start3A_2 = tpu.memref_slice %arg2[%add3A, %dma_start3A, %dma_start3A_1] : memref<32x125x80xi32, #tpu.memory_space<hbm>> -> memref<1x125x80xi32, #tpu.memory_space<hbm>>
    %dma_start3A_3 = tpu.memref_squeeze %dma_start3A_2 : memref<1x125x80xi32, #tpu.memory_space<hbm>> -> memref<125x80xi32, #tpu.memory_space<hbm>>
    %dma_start3A_4 = arith.constant 0 : i32
    %dma_start3A_5 = arith.constant 0 : i32
    %dma_start3A_6 = tpu.memref_slice %arg2[%add3A, %dma_start3A_4, %dma_start3A_5] : memref<32x125x80xi32, #tpu.memory_space<hbm>> -> memref<1x125x80xi32, #tpu.memory_space<hbm>>
    %dma_start3A_7 = tpu.memref_squeeze %dma_start3A_6 : memref<1x125x80xi32, #tpu.memory_space<hbm>> -> memref<125x80xi32, #tpu.memory_space<hbm>>
    tpu.enqueue_dma source(%dma_start3A_7 : memref<125x80xi32, #tpu.memory_space<hbm>>) target(%arg4 : memref<125x80xi32, #tpu.memory_space<vmem>>) target_semaphore(%arg8 : memref<!tpu.dma_semaphore, #tpu.memory_space<semaphore_mem>>)
    %scan3A = arith.constant 0 : i32
    %scan3A_8 = arith.constant 80 : i32
    %scan3A_9 = arith.addi %scan3A, %scan3A_8 : i32
    %scan3A_10 = arith.constant 1 : i32
    scf.for %scan3A_39 = %scan3A to %scan3A_9 step %scan3A_10  : i32 {
      %mul3A_40 = arith.constant 1 : i32
      %mul3A_41 = arith.muli %scan3A_39, %mul3A_40 : i32
      %add3A_42 = arith.constant 0 : i32
      %add3A_43 = arith.addi %add3A_42, %mul3A_41 : i32
      %broadcast_in_dim3A = arith.constant 1.000000e+00 : f32
      %broadcast_in_dim3A_44 = vector.broadcast %broadcast_in_dim3A : f32 to vector<16xf32>
      %swap3A = arith.index_cast %add3A_43 : i32 to index
      %swap3A_45 = arith.constant 0 : index
      %swap3A_46 = tpu.vector_load %arg5[%swap3A, %swap3A_45] {strides = array<i32>} : memref<80x16xf32, #tpu.memory_space<vmem>>, vector<1x16xf32>,
      %swap3A_47 = vector.shape_cast %swap3A_46 : vector<1x16xf32> to vector<16xf32>
      %swap3A_48 = vector.shape_cast %broadcast_in_dim3A_44 : vector<16xf32> to vector<1x16xf32>
      tpu.vector_store %arg5[%swap3A, %swap3A_45], %swap3A_48 {strides = array<i32>} : memref<80x16xf32, #tpu.memory_space<vmem>>, vector<1x16xf32>,
    }
    %scan3A_11 = arith.constant 80 : i32
    %scan3A_12 = arith.constant 0 : i32
    %scan3A_13 = arith.constant 625 : i32
    %scan3A_14 = arith.addi %scan3A_12, %scan3A_13 : i32
    %scan3A_15 = arith.constant 1 : i32
    scf.for %scan3A_39 = %scan3A_12 to %scan3A_14 step %scan3A_15  : i32 {
      %mul3A_40 = arith.constant 1 : i32
      %mul3A_41 = arith.muli %scan3A_39, %mul3A_40 : i32
      %add3A_42 = arith.constant 0 : i32
      %add3A_43 = arith.addi %add3A_42, %mul3A_41 : i32
      %broadcast_in_dim3A = arith.constant 0.000000e+00 : f32
      %broadcast_in_dim3A_44 = vector.broadcast %broadcast_in_dim3A : f32 to vector<16xf32>
      %swap3A = arith.index_cast %add3A_43 : i32 to index
      %swap3A_45 = arith.constant 0 : index
      %swap3A_46 = tpu.vector_load %arg6[%swap3A, %swap3A_45] {strides = array<i32>} : memref<625x16xf32, #tpu.memory_space<vmem>>, vector<1x16xf32>,
      %swap3A_47 = vector.shape_cast %swap3A_46 : vector<1x16xf32> to vector<16xf32>
      %swap3A_48 = vector.shape_cast %broadcast_in_dim3A_44 : vector<16xf32> to vector<1x16xf32>
      tpu.vector_store %arg6[%swap3A, %swap3A_45], %swap3A_48 {strides = array<i32>} : memref<625x16xf32, #tpu.memory_space<vmem>>, vector<1x16xf32>,
    }
    %scan3A_16 = arith.constant 625 : i32
    %mul3A_17 = arith.constant 625 : i32
    %mul3A_18 = arith.muli %arg1, %mul3A_17 : i32
    "tpu.region"() ({
      %run_scoped3A = tpu.sem_alloc : memref<!tpu.dma_semaphore, #tpu.memory_space<semaphore_mem>>
      %dma_start3A_39 = arith.constant 0 : i32
      %dma_start3A_40 = tpu.memref_slice %arg7[%mul3A_18, %dma_start3A_39] : memref<10000x16xf32, #tpu.memory_space<vmem_shared>> -> memref<625x16xf32, #tpu.memory_space<vmem_shared>>
      %dma_start3A_41 = arith.constant 0 : i32
      %dma_start3A_42 = tpu.memref_slice %arg7[%mul3A_18, %dma_start3A_41] : memref<10000x16xf32, #tpu.memory_space<vmem_shared>> -> memref<625x16xf32, #tpu.memory_space<vmem_shared>>
      tpu.enqueue_dma source(%arg6 : memref<625x16xf32, #tpu.memory_space<vmem>>) target(%dma_start3A_42 : memref<625x16xf32, #tpu.memory_space<vmem_shared>>) target_semaphore(%run_scoped3A : memref<!tpu.dma_semaphore, #tpu.memory_space<semaphore_mem>>)
      %dma_wait3A_43 = arith.constant 0 : i32
      %dma_wait3A_44 = tpu.memref_slice %arg7[%mul3A_18, %dma_wait3A_43] : memref<10000x16xf32, #tpu.memory_space<vmem_shared>> -> memref<625x16xf32, #tpu.memory_space<vmem_shared>>
      %dma_wait3A_45 = arith.constant 0 : i32
      %dma_wait3A_46 = tpu.memref_slice %arg7[%mul3A_18, %dma_wait3A_45] : memref<10000x16xf32, #tpu.memory_space<vmem_shared>> -> memref<625x16xf32, #tpu.memory_space<vmem_shared>>
      tpu.wait_dma2 semaphore(%run_scoped3A : memref<!tpu.dma_semaphore, #tpu.memory_space<semaphore_mem>>) src(%arg6 : memref<625x16xf32, #tpu.memory_space<vmem>>) dst(%dma_wait3A_46 : memref<625x16xf32, #tpu.memory_space<vmem_shared>>)
      tpu.yield
    }) : () -> ()
    %dma_wait3A = arith.constant 0 : i32
    %dma_wait3A_19 = arith.constant 0 : i32
    %dma_wait3A_20 = tpu.memref_slice %arg2[%add3A, %dma_wait3A, %dma_wait3A_19] : memref<32x125x80xi32, #tpu.memory_space<hbm>> -> memref<1x125x80xi32, #tpu.memory_space<hbm>>
    %dma_wait3A_21 = tpu.memref_squeeze %dma_wait3A_20 : memref<1x125x80xi32, #tpu.memory_space<hbm>> -> memref<125x80xi32, #tpu.memory_space<hbm>>
    %dma_wait3A_22 = arith.constant 0 : i32
    %dma_wait3A_23 = arith.constant 0 : i32
    %dma_wait3A_24 = tpu.memref_slice %arg2[%add3A, %dma_wait3A_22, %dma_wait3A_23] : memref<32x125x80xi32, #tpu.memory_space<hbm>> -> memref<1x125x80xi32, #tpu.memory_space<hbm>>
    %dma_wait3A_25 = tpu.memref_squeeze %dma_wait3A_24 : memref<1x125x80xi32, #tpu.memory_space<hbm>> -> memref<125x80xi32, #tpu.memory_space<hbm>>
    tpu.wait_dma2 semaphore(%arg8 : memref<!tpu.dma_semaphore, #tpu.memory_space<semaphore_mem>>) src(%dma_wait3A_25 : memref<125x80xi32, #tpu.memory_space<hbm>>) dst(%arg4 : memref<125x80xi32, #tpu.memory_space<vmem>>)
    %barrier3A = arith.constant 0 : index
    tpu.barrier barrier_id(%barrier3A)
    %scan3A_26 = arith.constant 0 : i32
    %scan3A_27 = arith.constant 125 : i32
    %scan3A_28 = arith.addi %scan3A_26, %scan3A_27 : i32
    %scan3A_29 = arith.constant 1 : i32
    scf.for %scan3A_39 = %scan3A_26 to %scan3A_28 step %scan3A_29  : i32 {
      %mul3A_40 = arith.constant 1 : i32
      %mul3A_41 = arith.muli %scan3A_39, %mul3A_40 : i32
      %add3A_42 = arith.constant 0 : i32
      %add3A_43 = arith.addi %add3A_42, %mul3A_41 : i32
      %dma_start3A_44 = arith.constant 0 : i32
      %dma_start3A_45 = tpu.memref_slice %arg4[%add3A_43, %dma_start3A_44] : memref<125x80xi32, #tpu.memory_space<vmem>> -> memref<1x80xi32, #tpu.memory_space<vmem>>
      %dma_start3A_46 = tpu.memref_squeeze %dma_start3A_45 : memref<1x80xi32, #tpu.memory_space<vmem>> -> memref<80xi32, #tpu.memory_space<vmem>>
      %dma_start3A_47 = arith.constant 0 : i32
      %dma_start3A_48 = arith.constant 0 : i32
      %dma_start3A_49 = tpu.memref_slice %arg7[%dma_start3A_47, %dma_start3A_48] : memref<10000x16xf32, #tpu.memory_space<vmem_shared>> -> memref<10000x16xf32, #tpu.memory_space<vmem_shared>>
      tpu.enqueue_indirect_dma source(%arg5 : memref<80x16xf32, #tpu.memory_space<vmem>>) target(%dma_start3A_49 : memref<10000x16xf32, #tpu.memory_space<vmem_shared>>) offsets(%dma_start3A_46 : memref<80xi32, #tpu.memory_space<vmem>>) semaphore(%arg8 : memref<!tpu.dma_semaphore, #tpu.memory_space<semaphore_mem>>) {add = true}
    }
    %scan3A_30 = arith.constant 125 : i32
    %scan3A_31 = arith.constant 0 : i32
    %scan3A_32 = arith.constant 125 : i32
    %scan3A_33 = arith.addi %scan3A_31, %scan3A_32 : i32
    %scan3A_34 = arith.constant 1 : i32
    scf.for %scan3A_39 = %scan3A_31 to %scan3A_33 step %scan3A_34  : i32 {
      %mul3A_40 = arith.constant 1 : i32
      %mul3A_41 = arith.muli %scan3A_39, %mul3A_40 : i32
      %add3A_42 = arith.constant 0 : i32
      %add3A_43 = arith.addi %add3A_42, %mul3A_41 : i32
      %dma_wait3A_44 = arith.constant 0 : i32
      %dma_wait3A_45 = arith.constant 0 : i32
      %dma_wait3A_46 = tpu.memref_slice %arg3[%arg0, %arg1, %dma_wait3A_44, %dma_wait3A_45] : memref<2x16x625x16xf32, #tpu.memory_space<hbm>> -> memref<1x1x625x16xf32, #tpu.memory_space<hbm>>
      %dma_wait3A_47 = tpu.memref_squeeze %dma_wait3A_46 : memref<1x1x625x16xf32, #tpu.memory_space<hbm>> -> memref<625x16xf32, #tpu.memory_space<hbm>>
      %dma_wait3A_48 = arith.constant 0 : i32
      %dma_wait3A_49 = arith.constant 0 : i32
      %dma_wait3A_50 = tpu.memref_slice %dma_wait3A_47[%dma_wait3A_48, %dma_wait3A_49] : memref<625x16xf32, #tpu.memory_space<hbm>> -> memref<80x16xf32, #tpu.memory_space<hbm>>
      %dma_wait3A_51 = arith.constant 0 : i32
      %dma_wait3A_52 = arith.constant 0 : i32
      %dma_wait3A_53 = tpu.memref_slice %arg3[%arg0, %arg1, %dma_wait3A_51, %dma_wait3A_52] : memref<2x16x625x16xf32, #tpu.memory_space<hbm>> -> memref<1x1x625x16xf32, #tpu.memory_space<hbm>>
      %dma_wait3A_54 = tpu.memref_squeeze %dma_wait3A_53 : memref<1x1x625x16xf32, #tpu.memory_space<hbm>> -> memref<625x16xf32, #tpu.memory_space<hbm>>
      %dma_wait3A_55 = arith.constant 0 : i32
      %dma_wait3A_56 = arith.constant 0 : i32
      %dma_wait3A_57 = tpu.memref_slice %dma_wait3A_54[%dma_wait3A_55, %dma_wait3A_56] : memref<625x16xf32, #tpu.memory_space<hbm>> -> memref<80x16xf32, #tpu.memory_space<hbm>>
      tpu.wait_dma2 semaphore(%arg8 : memref<!tpu.dma_semaphore, #tpu.memory_space<semaphore_mem>>) src(%dma_wait3A_57 : memref<80x16xf32, #tpu.memory_space<hbm>>) dst(%arg5 : memref<80x16xf32, #tpu.memory_space<vmem>>)
    }
    %scan3A_35 = arith.constant 125 : i32
    %barrier3A_36 = arith.constant 0 : index
    tpu.barrier barrier_id(%barrier3A_36)
    %mul3A_37 = arith.constant 625 : i32
    %mul3A_38 = arith.muli %arg1, %mul3A_37 : i32
    "tpu.region"() ({
      %run_scoped3A = tpu.sem_alloc : memref<!tpu.dma_semaphore, #tpu.memory_space<semaphore_mem>>
      %dma_start3A_39 = arith.constant 0 : i32
      %dma_start3A_40 = arith.constant 0 : i32
      %dma_start3A_41 = tpu.memref_slice %arg3[%arg0, %arg1, %dma_start3A_39, %dma_start3A_40] : memref<2x16x625x16xf32, #tpu.memory_space<hbm>> -> memref<1x1x625x16xf32, #tpu.memory_space<hbm>>
      %dma_start3A_42 = tpu.memref_squeeze %dma_start3A_41 : memref<1x1x625x16xf32, #tpu.memory_space<hbm>> -> memref<625x16xf32, #tpu.memory_space<hbm>>
      %dma_start3A_43 = arith.constant 0 : i32
      %dma_start3A_44 = tpu.memref_slice %arg7[%mul3A_38, %dma_start3A_43] : memref<10000x16xf32, #tpu.memory_space<vmem_shared>> -> memref<625x16xf32, #tpu.memory_space<vmem_shared>>
      tpu.enqueue_dma source(%dma_start3A_44 : memref<625x16xf32, #tpu.memory_space<vmem_shared>>) target(%dma_start3A_42 : memref<625x16xf32, #tpu.memory_space<hbm>>) target_semaphore(%run_scoped3A : memref<!tpu.dma_semaphore, #tpu.memory_space<semaphore_mem>>)
      %dma_wait3A_45 = arith.constant 0 : i32
      %dma_wait3A_46 = arith.constant 0 : i32
      %dma_wait3A_47 = tpu.memref_slice %arg3[%arg0, %arg1, %dma_wait3A_45, %dma_wait3A_46] : memref<2x16x625x16xf32, #tpu.memory_space<hbm>> -> memref<1x1x625x16xf32, #tpu.memory_space<hbm>>
      %dma_wait3A_48 = tpu.memref_squeeze %dma_wait3A_47 : memref<1x1x625x16xf32, #tpu.memory_space<hbm>> -> memref<625x16xf32, #tpu.memory_space<hbm>>
      %dma_wait3A_49 = arith.constant 0 : i32
      %dma_wait3A_50 = tpu.memref_slice %arg7[%mul3A_38, %dma_wait3A_49] : memref<10000x16xf32, #tpu.memory_space<vmem_shared>> -> memref<625x16xf32, #tpu.memory_space<vmem_shared>>
      tpu.wait_dma2 semaphore(%run_scoped3A : memref<!tpu.dma_semaphore, #tpu.memory_space<semaphore_mem>>) src(%dma_wait3A_50 : memref<625x16xf32, #tpu.memory_space<vmem_shared>>) dst(%dma_wait3A_48 : memref<625x16xf32, #tpu.memory_space<hbm>>)
      tpu.yield
    }) : () -> ()
    return
  }
}

#map = affine_map<(d0, d1) -> (0, 0, 0)>
#map1 = affine_map<(d0, d1) -> (0, 0, 0, 0)>
module attributes {stable_mosaic.version = 14 : i64} {
  func.func @_agg_body(%arg0: i32, %arg1: i32, %arg2: memref<2x10000x64xf32, #tpu.memory_space<hbm>>, %arg3: memref<16x160x125xi32, #tpu.memory_space<hbm>>, %arg4: memref<16x160x125xi32, #tpu.memory_space<hbm>>, %arg5: memref<2x16x625x64xf32, #tpu.memory_space<hbm>>, %arg6: memref<160x125xi32, #tpu.memory_space<vmem>>, %arg7: memref<160x125xi32, #tpu.memory_space<vmem>>, %arg8: memref<125x64xf32, #tpu.memory_space<vmem>>, %arg9: memref<125x64xf32, #tpu.memory_space<vmem>>, %arg10: memref<125x64xf32, #tpu.memory_space<vmem>>, %arg11: memref<125x64xf32, #tpu.memory_space<vmem>>, %arg12: memref<125x64xf32, #tpu.memory_space<vmem>>, %arg13: memref<125x64xf32, #tpu.memory_space<vmem>>, %arg14: memref<10000x64xf32, #tpu.memory_space<vmem_shared>>, %arg15: memref<!tpu.dma_semaphore, #tpu.memory_space<semaphore_mem>>, %arg16: memref<!tpu.dma_semaphore, #tpu.memory_space<semaphore_mem>>, %arg17: memref<!tpu.dma_semaphore, #tpu.memory_space<semaphore_mem>>, %arg18: memref<!tpu.dma_semaphore, #tpu.memory_space<semaphore_mem>>, %arg19: memref<!tpu.dma_semaphore, #tpu.memory_space<semaphore_mem>>) attributes {dimension_semantics = [#tpu.dimension_semantics<core_parallel>, #tpu.dimension_semantics<subcore_parallel>], iteration_bounds = array<i64: 2, 16>, scalar_prefetch = 0 : i64, scratch_operands = 14 : i64, tpu.core_type = #tpu.core_type<sc_vector_subcore>, window_params = [{transform_indices = #map}, {transform_indices = #map}, {transform_indices = #map}, {transform_indices = #map1}]} {
    %dma_start3A = arith.constant 0 : i32
    %dma_start3A_0 = arith.constant 0 : i32
    %dma_start3A_1 = tpu.memref_slice %arg3[%arg1, %dma_start3A, %dma_start3A_0] : memref<16x160x125xi32, #tpu.memory_space<hbm>> -> memref<1x160x125xi32, #tpu.memory_space<hbm>>
    %dma_start3A_2 = tpu.memref_squeeze %dma_start3A_1 : memref<1x160x125xi32, #tpu.memory_space<hbm>> -> memref<160x125xi32, #tpu.memory_space<hbm>>
    %dma_start3A_3 = arith.constant 0 : i32
    %dma_start3A_4 = arith.constant 0 : i32
    %dma_start3A_5 = tpu.memref_slice %arg3[%arg1, %dma_start3A_3, %dma_start3A_4] : memref<16x160x125xi32, #tpu.memory_space<hbm>> -> memref<1x160x125xi32, #tpu.memory_space<hbm>>
    %dma_start3A_6 = tpu.memref_squeeze %dma_start3A_5 : memref<1x160x125xi32, #tpu.memory_space<hbm>> -> memref<160x125xi32, #tpu.memory_space<hbm>>
    tpu.enqueue_dma source(%dma_start3A_6 : memref<160x125xi32, #tpu.memory_space<hbm>>) target(%arg6 : memref<160x125xi32, #tpu.memory_space<vmem>>) target_semaphore(%arg15 : memref<!tpu.dma_semaphore, #tpu.memory_space<semaphore_mem>>)
    %dma_start3A_7 = arith.constant 0 : i32
    %dma_start3A_8 = arith.constant 0 : i32
    %dma_start3A_9 = tpu.memref_slice %arg4[%arg1, %dma_start3A_7, %dma_start3A_8] : memref<16x160x125xi32, #tpu.memory_space<hbm>> -> memref<1x160x125xi32, #tpu.memory_space<hbm>>
    %dma_start3A_10 = tpu.memref_squeeze %dma_start3A_9 : memref<1x160x125xi32, #tpu.memory_space<hbm>> -> memref<160x125xi32, #tpu.memory_space<hbm>>
    %dma_start3A_11 = arith.constant 0 : i32
    %dma_start3A_12 = arith.constant 0 : i32
    %dma_start3A_13 = tpu.memref_slice %arg4[%arg1, %dma_start3A_11, %dma_start3A_12] : memref<16x160x125xi32, #tpu.memory_space<hbm>> -> memref<1x160x125xi32, #tpu.memory_space<hbm>>
    %dma_start3A_14 = tpu.memref_squeeze %dma_start3A_13 : memref<1x160x125xi32, #tpu.memory_space<hbm>> -> memref<160x125xi32, #tpu.memory_space<hbm>>
    tpu.enqueue_dma source(%dma_start3A_14 : memref<160x125xi32, #tpu.memory_space<hbm>>) target(%arg7 : memref<160x125xi32, #tpu.memory_space<vmem>>) target_semaphore(%arg16 : memref<!tpu.dma_semaphore, #tpu.memory_space<semaphore_mem>>)
    %scan3A = arith.constant 0 : i32
    %scan3A_15 = arith.constant 125 : i32
    %scan3A_16 = arith.addi %scan3A, %scan3A_15 : i32
    %scan3A_17 = arith.constant 1 : i32
    scf.for %scan3A_290 = %scan3A to %scan3A_16 step %scan3A_17  : i32 {
      %mul3A_291 = arith.constant 1 : i32
      %mul3A_292 = arith.muli %scan3A_290, %mul3A_291 : i32
      %add3A_293 = arith.constant 0 : i32
      %add3A_294 = arith.addi %add3A_293, %mul3A_292 : i32
      %scan3A_295 = arith.constant 0 : i32
      %scan3A_296 = arith.constant 4 : i32
      %scan3A_297 = arith.addi %scan3A_295, %scan3A_296 : i32
      %scan3A_298 = arith.constant 1 : i32
      scf.for %scan3A_300 = %scan3A_295 to %scan3A_297 step %scan3A_298  : i32 {
        %mul3A_301 = arith.constant 1 : i32
        %mul3A_302 = arith.muli %scan3A_300, %mul3A_301 : i32
        %add3A_303 = arith.constant 0 : i32
        %add3A_304 = arith.addi %add3A_303, %mul3A_302 : i32
        %broadcast_in_dim3A = arith.constant 0.000000e+00 : f32
        %broadcast_in_dim3A_305 = vector.broadcast %broadcast_in_dim3A : f32 to vector<16xf32>
        %mul3A_306 = arith.constant 16 : i32
        %mul3A_307 = arith.muli %add3A_304, %mul3A_306 : i32
        %swap3A = arith.index_cast %add3A_294 : i32 to index
        %swap3A_308 = arith.index_cast %mul3A_307 : i32 to index
        %swap3A_309 = tpu.vector_load %arg13[%swap3A, %swap3A_308] {strides = array<i32>} : memref<125x64xf32, #tpu.memory_space<vmem>>, vector<1x16xf32>,
        %swap3A_310 = vector.shape_cast %swap3A_309 : vector<1x16xf32> to vector<16xf32>
        %swap3A_311 = vector.shape_cast %broadcast_in_dim3A_305 : vector<16xf32> to vector<1x16xf32>
        tpu.vector_store %arg13[%swap3A, %swap3A_308], %swap3A_311 {strides = array<i32>} : memref<125x64xf32, #tpu.memory_space<vmem>>, vector<1x16xf32>,
      }
      %scan3A_299 = arith.constant 4 : i32
    }
    %scan3A_18 = arith.constant 125 : i32
    %mul3A = arith.constant 625 : i32
    %mul3A_19 = arith.muli %arg1, %mul3A : i32
    %add3A = arith.constant 0 : i32
    %add3A_20 = arith.addi %mul3A_19, %add3A : i32
    "tpu.region"() ({
      %run_scoped3A = tpu.sem_alloc : memref<!tpu.dma_semaphore, #tpu.memory_space<semaphore_mem>>
      %dma_start3A_290 = arith.constant 0 : i32
      %dma_start3A_291 = tpu.memref_slice %arg14[%add3A_20, %dma_start3A_290] : memref<10000x64xf32, #tpu.memory_space<vmem_shared>> -> memref<125x64xf32, #tpu.memory_space<vmem_shared>>
      %dma_start3A_292 = arith.constant 0 : i32
      %dma_start3A_293 = tpu.memref_slice %arg14[%add3A_20, %dma_start3A_292] : memref<10000x64xf32, #tpu.memory_space<vmem_shared>> -> memref<125x64xf32, #tpu.memory_space<vmem_shared>>
      tpu.enqueue_dma source(%arg13 : memref<125x64xf32, #tpu.memory_space<vmem>>) target(%dma_start3A_293 : memref<125x64xf32, #tpu.memory_space<vmem_shared>>) target_semaphore(%run_scoped3A : memref<!tpu.dma_semaphore, #tpu.memory_space<semaphore_mem>>)
      %dma_wait3A_294 = arith.constant 0 : i32
      %dma_wait3A_295 = tpu.memref_slice %arg14[%add3A_20, %dma_wait3A_294] : memref<10000x64xf32, #tpu.memory_space<vmem_shared>> -> memref<125x64xf32, #tpu.memory_space<vmem_shared>>
      %dma_wait3A_296 = arith.constant 0 : i32
      %dma_wait3A_297 = tpu.memref_slice %arg14[%add3A_20, %dma_wait3A_296] : memref<10000x64xf32, #tpu.memory_space<vmem_shared>> -> memref<125x64xf32, #tpu.memory_space<vmem_shared>>
      tpu.wait_dma2 semaphore(%run_scoped3A : memref<!tpu.dma_semaphore, #tpu.memory_space<semaphore_mem>>) src(%arg13 : memref<125x64xf32, #tpu.memory_space<vmem>>) dst(%dma_wait3A_297 : memref<125x64xf32, #tpu.memory_space<vmem_shared>>)
      tpu.yield
    }) : () -> ()
    %mul3A_21 = arith.constant 625 : i32
    %mul3A_22 = arith.muli %arg1, %mul3A_21 : i32
    %add3A_23 = arith.constant 125 : i32
    %add3A_24 = arith.addi %mul3A_22, %add3A_23 : i32
    "tpu.region"() ({
      %run_scoped3A = tpu.sem_alloc : memref<!tpu.dma_semaphore, #tpu.memory_space<semaphore_mem>>
      %dma_start3A_290 = arith.constant 0 : i32
      %dma_start3A_291 = tpu.memref_slice %arg14[%add3A_24, %dma_start3A_290] : memref<10000x64xf32, #tpu.memory_space<vmem_shared>> -> memref<125x64xf32, #tpu.memory_space<vmem_shared>>
      %dma_start3A_292 = arith.constant 0 : i32
      %dma_start3A_293 = tpu.memref_slice %arg14[%add3A_24, %dma_start3A_292] : memref<10000x64xf32, #tpu.memory_space<vmem_shared>> -> memref<125x64xf32, #tpu.memory_space<vmem_shared>>
      tpu.enqueue_dma source(%arg13 : memref<125x64xf32, #tpu.memory_space<vmem>>) target(%dma_start3A_293 : memref<125x64xf32, #tpu.memory_space<vmem_shared>>) target_semaphore(%run_scoped3A : memref<!tpu.dma_semaphore, #tpu.memory_space<semaphore_mem>>)
      %dma_wait3A_294 = arith.constant 0 : i32
      %dma_wait3A_295 = tpu.memref_slice %arg14[%add3A_24, %dma_wait3A_294] : memref<10000x64xf32, #tpu.memory_space<vmem_shared>> -> memref<125x64xf32, #tpu.memory_space<vmem_shared>>
      %dma_wait3A_296 = arith.constant 0 : i32
      %dma_wait3A_297 = tpu.memref_slice %arg14[%add3A_24, %dma_wait3A_296] : memref<10000x64xf32, #tpu.memory_space<vmem_shared>> -> memref<125x64xf32, #tpu.memory_space<vmem_shared>>
      tpu.wait_dma2 semaphore(%run_scoped3A : memref<!tpu.dma_semaphore, #tpu.memory_space<semaphore_mem>>) src(%arg13 : memref<125x64xf32, #tpu.memory_space<vmem>>) dst(%dma_wait3A_297 : memref<125x64xf32, #tpu.memory_space<vmem_shared>>)
      tpu.yield
    }) : () -> ()
    %mul3A_25 = arith.constant 625 : i32
    %mul3A_26 = arith.muli %arg1, %mul3A_25 : i32
    %add3A_27 = arith.constant 250 : i32
    %add3A_28 = arith.addi %mul3A_26, %add3A_27 : i32
    "tpu.region"() ({
      %run_scoped3A = tpu.sem_alloc : memref<!tpu.dma_semaphore, #tpu.memory_space<semaphore_mem>>
      %dma_start3A_290 = arith.constant 0 : i32
      %dma_start3A_291 = tpu.memref_slice %arg14[%add3A_28, %dma_start3A_290] : memref<10000x64xf32, #tpu.memory_space<vmem_shared>> -> memref<125x64xf32, #tpu.memory_space<vmem_shared>>
      %dma_start3A_292 = arith.constant 0 : i32
      %dma_start3A_293 = tpu.memref_slice %arg14[%add3A_28, %dma_start3A_292] : memref<10000x64xf32, #tpu.memory_space<vmem_shared>> -> memref<125x64xf32, #tpu.memory_space<vmem_shared>>
      tpu.enqueue_dma source(%arg13 : memref<125x64xf32, #tpu.memory_space<vmem>>) target(%dma_start3A_293 : memref<125x64xf32, #tpu.memory_space<vmem_shared>>) target_semaphore(%run_scoped3A : memref<!tpu.dma_semaphore, #tpu.memory_space<semaphore_mem>>)
      %dma_wait3A_294 = arith.constant 0 : i32
      %dma_wait3A_295 = tpu.memref_slice %arg14[%add3A_28, %dma_wait3A_294] : memref<10000x64xf32, #tpu.memory_space<vmem_shared>> -> memref<125x64xf32, #tpu.memory_space<vmem_shared>>
      %dma_wait3A_296 = arith.constant 0 : i32
      %dma_wait3A_297 = tpu.memref_slice %arg14[%add3A_28, %dma_wait3A_296] : memref<10000x64xf32, #tpu.memory_space<vmem_shared>> -> memref<125x64xf32, #tpu.memory_space<vmem_shared>>
      tpu.wait_dma2 semaphore(%run_scoped3A : memref<!tpu.dma_semaphore, #tpu.memory_space<semaphore_mem>>) src(%arg13 : memref<125x64xf32, #tpu.memory_space<vmem>>) dst(%dma_wait3A_297 : memref<125x64xf32, #tpu.memory_space<vmem_shared>>)
      tpu.yield
    }) : () -> ()
    %mul3A_29 = arith.constant 625 : i32
    %mul3A_30 = arith.muli %arg1, %mul3A_29 : i32
    %add3A_31 = arith.constant 375 : i32
    %add3A_32 = arith.addi %mul3A_30, %add3A_31 : i32
    "tpu.region"() ({
      %run_scoped3A = tpu.sem_alloc : memref<!tpu.dma_semaphore, #tpu.memory_space<semaphore_mem>>
      %dma_start3A_290 = arith.constant 0 : i32
      %dma_start3A_291 = tpu.memref_slice %arg14[%add3A_32, %dma_start3A_290] : memref<10000x64xf32, #tpu.memory_space<vmem_shared>> -> memref<125x64xf32, #tpu.memory_space<vmem_shared>>
      %dma_start3A_292 = arith.constant 0 : i32
      %dma_start3A_293 = tpu.memref_slice %arg14[%add3A_32, %dma_start3A_292] : memref<10000x64xf32, #tpu.memory_space<vmem_shared>> -> memref<125x64xf32, #tpu.memory_space<vmem_shared>>
      tpu.enqueue_dma source(%arg13 : memref<125x64xf32, #tpu.memory_space<vmem>>) target(%dma_start3A_293 : memref<125x64xf32, #tpu.memory_space<vmem_shared>>) target_semaphore(%run_scoped3A : memref<!tpu.dma_semaphore, #tpu.memory_space<semaphore_mem>>)
      %dma_wait3A_294 = arith.constant 0 : i32
      %dma_wait3A_295 = tpu.memref_slice %arg14[%add3A_32, %dma_wait3A_294] : memref<10000x64xf32, #tpu.memory_space<vmem_shared>> -> memref<125x64xf32, #tpu.memory_space<vmem_shared>>
      %dma_wait3A_296 = arith.constant 0 : i32
      %dma_wait3A_297 = tpu.memref_slice %arg14[%add3A_32, %dma_wait3A_296] : memref<10000x64xf32, #tpu.memory_space<vmem_shared>> -> memref<125x64xf32, #tpu.memory_space<vmem_shared>>
      tpu.wait_dma2 semaphore(%run_scoped3A : memref<!tpu.dma_semaphore, #tpu.memory_space<semaphore_mem>>) src(%arg13 : memref<125x64xf32, #tpu.memory_space<vmem>>) dst(%dma_wait3A_297 : memref<125x64xf32, #tpu.memory_space<vmem_shared>>)
      tpu.yield
    }) : () -> ()
    %mul3A_33 = arith.constant 625 : i32
    %mul3A_34 = arith.muli %arg1, %mul3A_33 : i32
    %add3A_35 = arith.constant 500 : i32
    %add3A_36 = arith.addi %mul3A_34, %add3A_35 : i32
    "tpu.region"() ({
      %run_scoped3A = tpu.sem_alloc : memref<!tpu.dma_semaphore, #tpu.memory_space<semaphore_mem>>
      %dma_start3A_290 = arith.constant 0 : i32
      %dma_start3A_291 = tpu.memref_slice %arg14[%add3A_36, %dma_start3A_290] : memref<10000x64xf32, #tpu.memory_space<vmem_shared>> -> memref<125x64xf32, #tpu.memory_space<vmem_shared>>
      %dma_start3A_292 = arith.constant 0 : i32
      %dma_start3A_293 = tpu.memref_slice %arg14[%add3A_36, %dma_start3A_292] : memref<10000x64xf32, #tpu.memory_space<vmem_shared>> -> memref<125x64xf32, #tpu.memory_space<vmem_shared>>
      tpu.enqueue_dma source(%arg13 : memref<125x64xf32, #tpu.memory_space<vmem>>) target(%dma_start3A_293 : memref<125x64xf32, #tpu.memory_space<vmem_shared>>) target_semaphore(%run_scoped3A : memref<!tpu.dma_semaphore, #tpu.memory_space<semaphore_mem>>)
      %dma_wait3A_294 = arith.constant 0 : i32
      %dma_wait3A_295 = tpu.memref_slice %arg14[%add3A_36, %dma_wait3A_294] : memref<10000x64xf32, #tpu.memory_space<vmem_shared>> -> memref<125x64xf32, #tpu.memory_space<vmem_shared>>
      %dma_wait3A_296 = arith.constant 0 : i32
      %dma_wait3A_297 = tpu.memref_slice %arg14[%add3A_36, %dma_wait3A_296] : memref<10000x64xf32, #tpu.memory_space<vmem_shared>> -> memref<125x64xf32, #tpu.memory_space<vmem_shared>>
      tpu.wait_dma2 semaphore(%run_scoped3A : memref<!tpu.dma_semaphore, #tpu.memory_space<semaphore_mem>>) src(%arg13 : memref<125x64xf32, #tpu.memory_space<vmem>>) dst(%dma_wait3A_297 : memref<125x64xf32, #tpu.memory_space<vmem_shared>>)
      tpu.yield
    }) : () -> ()
    %dma_wait3A = arith.constant 0 : i32
    %dma_wait3A_37 = arith.constant 0 : i32
    %dma_wait3A_38 = tpu.memref_slice %arg3[%arg1, %dma_wait3A, %dma_wait3A_37] : memref<16x160x125xi32, #tpu.memory_space<hbm>> -> memref<1x160x125xi32, #tpu.memory_space<hbm>>
    %dma_wait3A_39 = tpu.memref_squeeze %dma_wait3A_38 : memref<1x160x125xi32, #tpu.memory_space<hbm>> -> memref<160x125xi32, #tpu.memory_space<hbm>>
    %dma_wait3A_40 = arith.constant 0 : i32
    %dma_wait3A_41 = arith.constant 0 : i32
    %dma_wait3A_42 = tpu.memref_slice %arg3[%arg1, %dma_wait3A_40, %dma_wait3A_41] : memref<16x160x125xi32, #tpu.memory_space<hbm>> -> memref<1x160x125xi32, #tpu.memory_space<hbm>>
    %dma_wait3A_43 = tpu.memref_squeeze %dma_wait3A_42 : memref<1x160x125xi32, #tpu.memory_space<hbm>> -> memref<160x125xi32, #tpu.memory_space<hbm>>
    tpu.wait_dma2 semaphore(%arg15 : memref<!tpu.dma_semaphore, #tpu.memory_space<semaphore_mem>>) src(%dma_wait3A_43 : memref<160x125xi32, #tpu.memory_space<hbm>>) dst(%arg6 : memref<160x125xi32, #tpu.memory_space<vmem>>)
    %dma_wait3A_44 = arith.constant 0 : i32
    %dma_wait3A_45 = arith.constant 0 : i32
    %dma_wait3A_46 = tpu.memref_slice %arg4[%arg1, %dma_wait3A_44, %dma_wait3A_45] : memref<16x160x125xi32, #tpu.memory_space<hbm>> -> memref<1x160x125xi32, #tpu.memory_space<hbm>>
    %dma_wait3A_47 = tpu.memref_squeeze %dma_wait3A_46 : memref<1x160x125xi32, #tpu.memory_space<hbm>> -> memref<160x125xi32, #tpu.memory_space<hbm>>
    %dma_wait3A_48 = arith.constant 0 : i32
    %dma_wait3A_49 = arith.constant 0 : i32
    %dma_wait3A_50 = tpu.memref_slice %arg4[%arg1, %dma_wait3A_48, %dma_wait3A_49] : memref<16x160x125xi32, #tpu.memory_space<hbm>> -> memref<1x160x125xi32, #tpu.memory_space<hbm>>
    %dma_wait3A_51 = tpu.memref_squeeze %dma_wait3A_50 : memref<1x160x125xi32, #tpu.memory_space<hbm>> -> memref<160x125xi32, #tpu.memory_space<hbm>>
    tpu.wait_dma2 semaphore(%arg16 : memref<!tpu.dma_semaphore, #tpu.memory_space<semaphore_mem>>) src(%dma_wait3A_51 : memref<160x125xi32, #tpu.memory_space<hbm>>) dst(%arg7 : memref<160x125xi32, #tpu.memory_space<vmem>>)
    %barrier3A = arith.constant 0 : index
    tpu.barrier barrier_id(%barrier3A)
    %dma_start3A_52 = arith.constant 0 : i32
    %dma_start3A_53 = arith.constant 0 : i32
    %dma_start3A_54 = tpu.memref_slice %arg6[%dma_start3A_52, %dma_start3A_53] : memref<160x125xi32, #tpu.memory_space<vmem>> -> memref<1x125xi32, #tpu.memory_space<vmem>>
    %dma_start3A_55 = tpu.memref_squeeze %dma_start3A_54 : memref<1x125xi32, #tpu.memory_space<vmem>> -> memref<125xi32, #tpu.memory_space<vmem>>
    %dma_start3A_56 = arith.constant 0 : i32
    %dma_start3A_57 = arith.constant 0 : i32
    %dma_start3A_58 = tpu.memref_slice %arg2[%arg0, %dma_start3A_56, %dma_start3A_57] : memref<2x10000x64xf32, #tpu.memory_space<hbm>> -> memref<1x10000x64xf32, #tpu.memory_space<hbm>>
    %dma_start3A_59 = tpu.memref_squeeze %dma_start3A_58 : memref<1x10000x64xf32, #tpu.memory_space<hbm>> -> memref<10000x64xf32, #tpu.memory_space<hbm>>
    %dma_start3A_60 = arith.constant 0 : i32
    %dma_start3A_61 = arith.constant 0 : i32
    %dma_start3A_62 = tpu.memref_slice %dma_start3A_59[%dma_start3A_60, %dma_start3A_61] : memref<10000x64xf32, #tpu.memory_space<hbm>> -> memref<10000x64xf32, #tpu.memory_space<hbm>>
    tpu.enqueue_indirect_dma source(%dma_start3A_62 : memref<10000x64xf32, #tpu.memory_space<hbm>>) target(%arg8 : memref<125x64xf32, #tpu.memory_space<vmem>>) offsets(%dma_start3A_55 : memref<125xi32, #tpu.memory_space<vmem>>) semaphore(%arg15 : memref<!tpu.dma_semaphore, #tpu.memory_space<semaphore_mem>>)
    %dma_start3A_63 = arith.constant 1 : i32
    %dma_start3A_64 = arith.constant 0 : i32
    %dma_start3A_65 = tpu.memref_slice %arg6[%dma_start3A_63, %dma_start3A_64] : memref<160x125xi32, #tpu.memory_space<vmem>> -> memref<1x125xi32, #tpu.memory_space<vmem>>
    %dma_start3A_66 = tpu.memref_squeeze %dma_start3A_65 : memref<1x125xi32, #tpu.memory_space<vmem>> -> memref<125xi32, #tpu.memory_space<vmem>>
    %dma_start3A_67 = arith.constant 0 : i32
    %dma_start3A_68 = arith.constant 0 : i32
    %dma_start3A_69 = tpu.memref_slice %arg2[%arg0, %dma_start3A_67, %dma_start3A_68] : memref<2x10000x64xf32, #tpu.memory_space<hbm>> -> memref<1x10000x64xf32, #tpu.memory_space<hbm>>
    %dma_start3A_70 = tpu.memref_squeeze %dma_start3A_69 : memref<1x10000x64xf32, #tpu.memory_space<hbm>> -> memref<10000x64xf32, #tpu.memory_space<hbm>>
    %dma_start3A_71 = arith.constant 0 : i32
    %dma_start3A_72 = arith.constant 0 : i32
    %dma_start3A_73 = tpu.memref_slice %dma_start3A_70[%dma_start3A_71, %dma_start3A_72] : memref<10000x64xf32, #tpu.memory_space<hbm>> -> memref<10000x64xf32, #tpu.memory_space<hbm>>
    tpu.enqueue_indirect_dma source(%dma_start3A_73 : memref<10000x64xf32, #tpu.memory_space<hbm>>) target(%arg9 : memref<125x64xf32, #tpu.memory_space<vmem>>) offsets(%dma_start3A_66 : memref<125xi32, #tpu.memory_space<vmem>>) semaphore(%arg16 : memref<!tpu.dma_semaphore, #tpu.memory_space<semaphore_mem>>)
    %dma_start3A_74 = arith.constant 2 : i32
    %dma_start3A_75 = arith.constant 0 : i32
    %dma_start3A_76 = tpu.memref_slice %arg6[%dma_start3A_74, %dma_start3A_75] : memref<160x125xi32, #tpu.memory_space<vmem>> -> memref<1x125xi32, #tpu.memory_space<vmem>>
    %dma_start3A_77 = tpu.memref_squeeze %dma_start3A_76 : memref<1x125xi32, #tpu.memory_space<vmem>> -> memref<125xi32, #tpu.memory_space<vmem>>
    %dma_start3A_78 = arith.constant 0 : i32
    %dma_start3A_79 = arith.constant 0 : i32
    %dma_start3A_80 = tpu.memref_slice %arg2[%arg0, %dma_start3A_78, %dma_start3A_79] : memref<2x10000x64xf32, #tpu.memory_space<hbm>> -> memref<1x10000x64xf32, #tpu.memory_space<hbm>>
    %dma_start3A_81 = tpu.memref_squeeze %dma_start3A_80 : memref<1x10000x64xf32, #tpu.memory_space<hbm>> -> memref<10000x64xf32, #tpu.memory_space<hbm>>
    %dma_start3A_82 = arith.constant 0 : i32
    %dma_start3A_83 = arith.constant 0 : i32
    %dma_start3A_84 = tpu.memref_slice %dma_start3A_81[%dma_start3A_82, %dma_start3A_83] : memref<10000x64xf32, #tpu.memory_space<hbm>> -> memref<10000x64xf32, #tpu.memory_space<hbm>>
    tpu.enqueue_indirect_dma source(%dma_start3A_84 : memref<10000x64xf32, #tpu.memory_space<hbm>>) target(%arg10 : memref<125x64xf32, #tpu.memory_space<vmem>>) offsets(%dma_start3A_77 : memref<125xi32, #tpu.memory_space<vmem>>) semaphore(%arg17 : memref<!tpu.dma_semaphore, #tpu.memory_space<semaphore_mem>>)
    %dma_start3A_85 = arith.constant 3 : i32
    %dma_start3A_86 = arith.constant 0 : i32
    %dma_start3A_87 = tpu.memref_slice %arg6[%dma_start3A_85, %dma_start3A_86] : memref<160x125xi32, #tpu.memory_space<vmem>> -> memref<1x125xi32, #tpu.memory_space<vmem>>
    %dma_start3A_88 = tpu.memref_squeeze %dma_start3A_87 : memref<1x125xi32, #tpu.memory_space<vmem>> -> memref<125xi32, #tpu.memory_space<vmem>>
    %dma_start3A_89 = arith.constant 0 : i32
    %dma_start3A_90 = arith.constant 0 : i32
    %dma_start3A_91 = tpu.memref_slice %arg2[%arg0, %dma_start3A_89, %dma_start3A_90] : memref<2x10000x64xf32, #tpu.memory_space<hbm>> -> memref<1x10000x64xf32, #tpu.memory_space<hbm>>
    %dma_start3A_92 = tpu.memref_squeeze %dma_start3A_91 : memref<1x10000x64xf32, #tpu.memory_space<hbm>> -> memref<10000x64xf32, #tpu.memory_space<hbm>>
    %dma_start3A_93 = arith.constant 0 : i32
    %dma_start3A_94 = arith.constant 0 : i32
    %dma_start3A_95 = tpu.memref_slice %dma_start3A_92[%dma_start3A_93, %dma_start3A_94] : memref<10000x64xf32, #tpu.memory_space<hbm>> -> memref<10000x64xf32, #tpu.memory_space<hbm>>
    tpu.enqueue_indirect_dma source(%dma_start3A_95 : memref<10000x64xf32, #tpu.memory_space<hbm>>) target(%arg11 : memref<125x64xf32, #tpu.memory_space<vmem>>) offsets(%dma_start3A_88 : memref<125xi32, #tpu.memory_space<vmem>>) semaphore(%arg18 : memref<!tpu.dma_semaphore, #tpu.memory_space<semaphore_mem>>)
    %dma_start3A_96 = arith.constant 4 : i32
    %dma_start3A_97 = arith.constant 0 : i32
    %dma_start3A_98 = tpu.memref_slice %arg6[%dma_start3A_96, %dma_start3A_97] : memref<160x125xi32, #tpu.memory_space<vmem>> -> memref<1x125xi32, #tpu.memory_space<vmem>>
    %dma_start3A_99 = tpu.memref_squeeze %dma_start3A_98 : memref<1x125xi32, #tpu.memory_space<vmem>> -> memref<125xi32, #tpu.memory_space<vmem>>
    %dma_start3A_100 = arith.constant 0 : i32
    %dma_start3A_101 = arith.constant 0 : i32
    %dma_start3A_102 = tpu.memref_slice %arg2[%arg0, %dma_start3A_100, %dma_start3A_101] : memref<2x10000x64xf32, #tpu.memory_space<hbm>> -> memref<1x10000x64xf32, #tpu.memory_space<hbm>>
    %dma_start3A_103 = tpu.memref_squeeze %dma_start3A_102 : memref<1x10000x64xf32, #tpu.memory_space<hbm>> -> memref<10000x64xf32, #tpu.memory_space<hbm>>
    %dma_start3A_104 = arith.constant 0 : i32
    %dma_start3A_105 = arith.constant 0 : i32
    %dma_start3A_106 = tpu.memref_slice %dma_start3A_103[%dma_start3A_104, %dma_start3A_105] : memref<10000x64xf32, #tpu.memory_space<hbm>> -> memref<10000x64xf32, #tpu.memory_space<hbm>>
    tpu.enqueue_indirect_dma source(%dma_start3A_106 : memref<10000x64xf32, #tpu.memory_space<hbm>>) target(%arg12 : memref<125x64xf32, #tpu.memory_space<vmem>>) offsets(%dma_start3A_99 : memref<125xi32, #tpu.memory_space<vmem>>) semaphore(%arg19 : memref<!tpu.dma_semaphore, #tpu.memory_space<semaphore_mem>>)
    %scan3A_107 = arith.constant 0 : i32
    %scan3A_108 = arith.constant 31 : i32
    %scan3A_109 = arith.addi %scan3A_107, %scan3A_108 : i32
    %scan3A_110 = arith.constant 1 : i32
    scf.for %scan3A_290 = %scan3A_107 to %scan3A_109 step %scan3A_110  : i32 {
      %mul3A_291 = arith.constant 1 : i32
      %mul3A_292 = arith.muli %scan3A_290, %mul3A_291 : i32
      %add3A_293 = arith.constant 0 : i32
      %add3A_294 = arith.addi %add3A_293, %mul3A_292 : i32
      %mul3A_295 = arith.constant 5 : i32
      %mul3A_296 = arith.muli %add3A_294, %mul3A_295 : i32
      %dma_wait3A_297 = arith.constant 0 : i32
      %dma_wait3A_298 = arith.constant 0 : i32
      %dma_wait3A_299 = tpu.memref_slice %arg2[%arg0, %dma_wait3A_297, %dma_wait3A_298] : memref<2x10000x64xf32, #tpu.memory_space<hbm>> -> memref<1x10000x64xf32, #tpu.memory_space<hbm>>
      %dma_wait3A_300 = tpu.memref_squeeze %dma_wait3A_299 : memref<1x10000x64xf32, #tpu.memory_space<hbm>> -> memref<10000x64xf32, #tpu.memory_space<hbm>>
      %dma_wait3A_301 = arith.constant 0 : i32
      %dma_wait3A_302 = arith.constant 0 : i32
      %dma_wait3A_303 = tpu.memref_slice %dma_wait3A_300[%dma_wait3A_301, %dma_wait3A_302] : memref<10000x64xf32, #tpu.memory_space<hbm>> -> memref<125x64xf32, #tpu.memory_space<hbm>>
      %dma_wait3A_304 = arith.constant 0 : i32
      %dma_wait3A_305 = arith.constant 0 : i32
      %dma_wait3A_306 = tpu.memref_slice %arg2[%arg0, %dma_wait3A_304, %dma_wait3A_305] : memref<2x10000x64xf32, #tpu.memory_space<hbm>> -> memref<1x10000x64xf32, #tpu.memory_space<hbm>>
      %dma_wait3A_307 = tpu.memref_squeeze %dma_wait3A_306 : memref<1x10000x64xf32, #tpu.memory_space<hbm>> -> memref<10000x64xf32, #tpu.memory_space<hbm>>
      %dma_wait3A_308 = arith.constant 0 : i32
      %dma_wait3A_309 = arith.constant 0 : i32
      %dma_wait3A_310 = tpu.memref_slice %dma_wait3A_307[%dma_wait3A_308, %dma_wait3A_309] : memref<10000x64xf32, #tpu.memory_space<hbm>> -> memref<125x64xf32, #tpu.memory_space<hbm>>
      tpu.wait_dma2 semaphore(%arg15 : memref<!tpu.dma_semaphore, #tpu.memory_space<semaphore_mem>>) src(%dma_wait3A_310 : memref<125x64xf32, #tpu.memory_space<hbm>>) dst(%arg8 : memref<125x64xf32, #tpu.memory_space<vmem>>)
      %add3A_311 = arith.constant 0 : i32
      %add3A_312 = arith.addi %mul3A_296, %add3A_311 : i32
      %dma_start3A_313 = arith.constant 0 : i32
      %dma_start3A_314 = tpu.memref_slice %arg7[%add3A_312, %dma_start3A_313] : memref<160x125xi32, #tpu.memory_space<vmem>> -> memref<1x125xi32, #tpu.memory_space<vmem>>
      %dma_start3A_315 = tpu.memref_squeeze %dma_start3A_314 : memref<1x125xi32, #tpu.memory_space<vmem>> -> memref<125xi32, #tpu.memory_space<vmem>>
      %dma_start3A_316 = arith.constant 0 : i32
      %dma_start3A_317 = arith.constant 0 : i32
      %dma_start3A_318 = tpu.memref_slice %arg14[%dma_start3A_316, %dma_start3A_317] : memref<10000x64xf32, #tpu.memory_space<vmem_shared>> -> memref<10000x64xf32, #tpu.memory_space<vmem_shared>>
      tpu.enqueue_indirect_dma source(%arg8 : memref<125x64xf32, #tpu.memory_space<vmem>>) target(%dma_start3A_318 : memref<10000x64xf32, #tpu.memory_space<vmem_shared>>) offsets(%dma_start3A_315 : memref<125xi32, #tpu.memory_space<vmem>>) semaphore(%arg15 : memref<!tpu.dma_semaphore, #tpu.memory_space<semaphore_mem>>) {add = true}
      %dma_wait3A_319 = arith.constant 0 : i32
      %dma_wait3A_320 = arith.constant 0 : i32
      %dma_wait3A_321 = tpu.memref_slice %arg2[%arg0, %dma_wait3A_319, %dma_wait3A_320] : memref<2x10000x64xf32, #tpu.memory_space<hbm>> -> memref<1x10000x64xf32, #tpu.memory_space<hbm>>
      %dma_wait3A_322 = tpu.memref_squeeze %dma_wait3A_321 : memref<1x10000x64xf32, #tpu.memory_space<hbm>> -> memref<10000x64xf32, #tpu.memory_space<hbm>>
      %dma_wait3A_323 = arith.constant 0 : i32
      %dma_wait3A_324 = arith.constant 0 : i32
      %dma_wait3A_325 = tpu.memref_slice %dma_wait3A_322[%dma_wait3A_323, %dma_wait3A_324] : memref<10000x64xf32, #tpu.memory_space<hbm>> -> memref<125x64xf32, #tpu.memory_space<hbm>>
      %dma_wait3A_326 = arith.constant 0 : i32
      %dma_wait3A_327 = arith.constant 0 : i32
      %dma_wait3A_328 = tpu.memref_slice %arg2[%arg0, %dma_wait3A_326, %dma_wait3A_327] : memref<2x10000x64xf32, #tpu.memory_space<hbm>> -> memref<1x10000x64xf32, #tpu.memory_space<hbm>>
      %dma_wait3A_329 = tpu.memref_squeeze %dma_wait3A_328 : memref<1x10000x64xf32, #tpu.memory_space<hbm>> -> memref<10000x64xf32, #tpu.memory_space<hbm>>
      %dma_wait3A_330 = arith.constant 0 : i32
      %dma_wait3A_331 = arith.constant 0 : i32
      %dma_wait3A_332 = tpu.memref_slice %dma_wait3A_329[%dma_wait3A_330, %dma_wait3A_331] : memref<10000x64xf32, #tpu.memory_space<hbm>> -> memref<125x64xf32, #tpu.memory_space<hbm>>
      tpu.wait_dma2 semaphore(%arg16 : memref<!tpu.dma_semaphore, #tpu.memory_space<semaphore_mem>>) src(%dma_wait3A_332 : memref<125x64xf32, #tpu.memory_space<hbm>>) dst(%arg9 : memref<125x64xf32, #tpu.memory_space<vmem>>)
      %add3A_333 = arith.constant 1 : i32
      %add3A_334 = arith.addi %mul3A_296, %add3A_333 : i32
      %dma_start3A_335 = arith.constant 0 : i32
      %dma_start3A_336 = tpu.memref_slice %arg7[%add3A_334, %dma_start3A_335] : memref<160x125xi32, #tpu.memory_space<vmem>> -> memref<1x125xi32, #tpu.memory_space<vmem>>
      %dma_start3A_337 = tpu.memref_squeeze %dma_start3A_336 : memref<1x125xi32, #tpu.memory_space<vmem>> -> memref<125xi32, #tpu.memory_space<vmem>>
      %dma_start3A_338 = arith.constant 0 : i32
      %dma_start3A_339 = arith.constant 0 : i32
      %dma_start3A_340 = tpu.memref_slice %arg14[%dma_start3A_338, %dma_start3A_339] : memref<10000x64xf32, #tpu.memory_space<vmem_shared>> -> memref<10000x64xf32, #tpu.memory_space<vmem_shared>>
      tpu.enqueue_indirect_dma source(%arg9 : memref<125x64xf32, #tpu.memory_space<vmem>>) target(%dma_start3A_340 : memref<10000x64xf32, #tpu.memory_space<vmem_shared>>) offsets(%dma_start3A_337 : memref<125xi32, #tpu.memory_space<vmem>>) semaphore(%arg16 : memref<!tpu.dma_semaphore, #tpu.memory_space<semaphore_mem>>) {add = true}
      %dma_wait3A_341 = arith.constant 0 : i32
      %dma_wait3A_342 = arith.constant 0 : i32
      %dma_wait3A_343 = tpu.memref_slice %arg2[%arg0, %dma_wait3A_341, %dma_wait3A_342] : memref<2x10000x64xf32, #tpu.memory_space<hbm>> -> memref<1x10000x64xf32, #tpu.memory_space<hbm>>
      %dma_wait3A_344 = tpu.memref_squeeze %dma_wait3A_343 : memref<1x10000x64xf32, #tpu.memory_space<hbm>> -> memref<10000x64xf32, #tpu.memory_space<hbm>>
      %dma_wait3A_345 = arith.constant 0 : i32
      %dma_wait3A_346 = arith.constant 0 : i32
      %dma_wait3A_347 = tpu.memref_slice %dma_wait3A_344[%dma_wait3A_345, %dma_wait3A_346] : memref<10000x64xf32, #tpu.memory_space<hbm>> -> memref<125x64xf32, #tpu.memory_space<hbm>>
      %dma_wait3A_348 = arith.constant 0 : i32
      %dma_wait3A_349 = arith.constant 0 : i32
      %dma_wait3A_350 = tpu.memref_slice %arg2[%arg0, %dma_wait3A_348, %dma_wait3A_349] : memref<2x10000x64xf32, #tpu.memory_space<hbm>> -> memref<1x10000x64xf32, #tpu.memory_space<hbm>>
      %dma_wait3A_351 = tpu.memref_squeeze %dma_wait3A_350 : memref<1x10000x64xf32, #tpu.memory_space<hbm>> -> memref<10000x64xf32, #tpu.memory_space<hbm>>
      %dma_wait3A_352 = arith.constant 0 : i32
      %dma_wait3A_353 = arith.constant 0 : i32
      %dma_wait3A_354 = tpu.memref_slice %dma_wait3A_351[%dma_wait3A_352, %dma_wait3A_353] : memref<10000x64xf32, #tpu.memory_space<hbm>> -> memref<125x64xf32, #tpu.memory_space<hbm>>
      tpu.wait_dma2 semaphore(%arg17 : memref<!tpu.dma_semaphore, #tpu.memory_space<semaphore_mem>>) src(%dma_wait3A_354 : memref<125x64xf32, #tpu.memory_space<hbm>>) dst(%arg10 : memref<125x64xf32, #tpu.memory_space<vmem>>)
      %add3A_355 = arith.constant 2 : i32
      %add3A_356 = arith.addi %mul3A_296, %add3A_355 : i32
      %dma_start3A_357 = arith.constant 0 : i32
      %dma_start3A_358 = tpu.memref_slice %arg7[%add3A_356, %dma_start3A_357] : memref<160x125xi32, #tpu.memory_space<vmem>> -> memref<1x125xi32, #tpu.memory_space<vmem>>
      %dma_start3A_359 = tpu.memref_squeeze %dma_start3A_358 : memref<1x125xi32, #tpu.memory_space<vmem>> -> memref<125xi32, #tpu.memory_space<vmem>>
      %dma_start3A_360 = arith.constant 0 : i32
      %dma_start3A_361 = arith.constant 0 : i32
      %dma_start3A_362 = tpu.memref_slice %arg14[%dma_start3A_360, %dma_start3A_361] : memref<10000x64xf32, #tpu.memory_space<vmem_shared>> -> memref<10000x64xf32, #tpu.memory_space<vmem_shared>>
      tpu.enqueue_indirect_dma source(%arg10 : memref<125x64xf32, #tpu.memory_space<vmem>>) target(%dma_start3A_362 : memref<10000x64xf32, #tpu.memory_space<vmem_shared>>) offsets(%dma_start3A_359 : memref<125xi32, #tpu.memory_space<vmem>>) semaphore(%arg17 : memref<!tpu.dma_semaphore, #tpu.memory_space<semaphore_mem>>) {add = true}
      %dma_wait3A_363 = arith.constant 0 : i32
      %dma_wait3A_364 = arith.constant 0 : i32
      %dma_wait3A_365 = tpu.memref_slice %arg2[%arg0, %dma_wait3A_363, %dma_wait3A_364] : memref<2x10000x64xf32, #tpu.memory_space<hbm>> -> memref<1x10000x64xf32, #tpu.memory_space<hbm>>
      %dma_wait3A_366 = tpu.memref_squeeze %dma_wait3A_365 : memref<1x10000x64xf32, #tpu.memory_space<hbm>> -> memref<10000x64xf32, #tpu.memory_space<hbm>>
      %dma_wait3A_367 = arith.constant 0 : i32
      %dma_wait3A_368 = arith.constant 0 : i32
      %dma_wait3A_369 = tpu.memref_slice %dma_wait3A_366[%dma_wait3A_367, %dma_wait3A_368] : memref<10000x64xf32, #tpu.memory_space<hbm>> -> memref<125x64xf32, #tpu.memory_space<hbm>>
      %dma_wait3A_370 = arith.constant 0 : i32
      %dma_wait3A_371 = arith.constant 0 : i32
      %dma_wait3A_372 = tpu.memref_slice %arg2[%arg0, %dma_wait3A_370, %dma_wait3A_371] : memref<2x10000x64xf32, #tpu.memory_space<hbm>> -> memref<1x10000x64xf32, #tpu.memory_space<hbm>>
      %dma_wait3A_373 = tpu.memref_squeeze %dma_wait3A_372 : memref<1x10000x64xf32, #tpu.memory_space<hbm>> -> memref<10000x64xf32, #tpu.memory_space<hbm>>
      %dma_wait3A_374 = arith.constant 0 : i32
      %dma_wait3A_375 = arith.constant 0 : i32
      %dma_wait3A_376 = tpu.memref_slice %dma_wait3A_373[%dma_wait3A_374, %dma_wait3A_375] : memref<10000x64xf32, #tpu.memory_space<hbm>> -> memref<125x64xf32, #tpu.memory_space<hbm>>
      tpu.wait_dma2 semaphore(%arg18 : memref<!tpu.dma_semaphore, #tpu.memory_space<semaphore_mem>>) src(%dma_wait3A_376 : memref<125x64xf32, #tpu.memory_space<hbm>>) dst(%arg11 : memref<125x64xf32, #tpu.memory_space<vmem>>)
      %add3A_377 = arith.constant 3 : i32
      %add3A_378 = arith.addi %mul3A_296, %add3A_377 : i32
      %dma_start3A_379 = arith.constant 0 : i32
      %dma_start3A_380 = tpu.memref_slice %arg7[%add3A_378, %dma_start3A_379] : memref<160x125xi32, #tpu.memory_space<vmem>> -> memref<1x125xi32, #tpu.memory_space<vmem>>
      %dma_start3A_381 = tpu.memref_squeeze %dma_start3A_380 : memref<1x125xi32, #tpu.memory_space<vmem>> -> memref<125xi32, #tpu.memory_space<vmem>>
      %dma_start3A_382 = arith.constant 0 : i32
      %dma_start3A_383 = arith.constant 0 : i32
      %dma_start3A_384 = tpu.memref_slice %arg14[%dma_start3A_382, %dma_start3A_383] : memref<10000x64xf32, #tpu.memory_space<vmem_shared>> -> memref<10000x64xf32, #tpu.memory_space<vmem_shared>>
      tpu.enqueue_indirect_dma source(%arg11 : memref<125x64xf32, #tpu.memory_space<vmem>>) target(%dma_start3A_384 : memref<10000x64xf32, #tpu.memory_space<vmem_shared>>) offsets(%dma_start3A_381 : memref<125xi32, #tpu.memory_space<vmem>>) semaphore(%arg18 : memref<!tpu.dma_semaphore, #tpu.memory_space<semaphore_mem>>) {add = true}
      %dma_wait3A_385 = arith.constant 0 : i32
      %dma_wait3A_386 = arith.constant 0 : i32
      %dma_wait3A_387 = tpu.memref_slice %arg2[%arg0, %dma_wait3A_385, %dma_wait3A_386] : memref<2x10000x64xf32, #tpu.memory_space<hbm>> -> memref<1x10000x64xf32, #tpu.memory_space<hbm>>
      %dma_wait3A_388 = tpu.memref_squeeze %dma_wait3A_387 : memref<1x10000x64xf32, #tpu.memory_space<hbm>> -> memref<10000x64xf32, #tpu.memory_space<hbm>>
      %dma_wait3A_389 = arith.constant 0 : i32
      %dma_wait3A_390 = arith.constant 0 : i32
      %dma_wait3A_391 = tpu.memref_slice %dma_wait3A_388[%dma_wait3A_389, %dma_wait3A_390] : memref<10000x64xf32, #tpu.memory_space<hbm>> -> memref<125x64xf32, #tpu.memory_space<hbm>>
      %dma_wait3A_392 = arith.constant 0 : i32
      %dma_wait3A_393 = arith.constant 0 : i32
      %dma_wait3A_394 = tpu.memref_slice %arg2[%arg0, %dma_wait3A_392, %dma_wait3A_393] : memref<2x10000x64xf32, #tpu.memory_space<hbm>> -> memref<1x10000x64xf32, #tpu.memory_space<hbm>>
      %dma_wait3A_395 = tpu.memref_squeeze %dma_wait3A_394 : memref<1x10000x64xf32, #tpu.memory_space<hbm>> -> memref<10000x64xf32, #tpu.memory_space<hbm>>
      %dma_wait3A_396 = arith.constant 0 : i32
      %dma_wait3A_397 = arith.constant 0 : i32
      %dma_wait3A_398 = tpu.memref_slice %dma_wait3A_395[%dma_wait3A_396, %dma_wait3A_397] : memref<10000x64xf32, #tpu.memory_space<hbm>> -> memref<125x64xf32, #tpu.memory_space<hbm>>
      tpu.wait_dma2 semaphore(%arg19 : memref<!tpu.dma_semaphore, #tpu.memory_space<semaphore_mem>>) src(%dma_wait3A_398 : memref<125x64xf32, #tpu.memory_space<hbm>>) dst(%arg12 : memref<125x64xf32, #tpu.memory_space<vmem>>)
      %add3A_399 = arith.constant 4 : i32
      %add3A_400 = arith.addi %mul3A_296, %add3A_399 : i32
      %dma_start3A_401 = arith.constant 0 : i32
      %dma_start3A_402 = tpu.memref_slice %arg7[%add3A_400, %dma_start3A_401] : memref<160x125xi32, #tpu.memory_space<vmem>> -> memref<1x125xi32, #tpu.memory_space<vmem>>
      %dma_start3A_403 = tpu.memref_squeeze %dma_start3A_402 : memref<1x125xi32, #tpu.memory_space<vmem>> -> memref<125xi32, #tpu.memory_space<vmem>>
      %dma_start3A_404 = arith.constant 0 : i32
      %dma_start3A_405 = arith.constant 0 : i32
      %dma_start3A_406 = tpu.memref_slice %arg14[%dma_start3A_404, %dma_start3A_405] : memref<10000x64xf32, #tpu.memory_space<vmem_shared>> -> memref<10000x64xf32, #tpu.memory_space<vmem_shared>>
      tpu.enqueue_indirect_dma source(%arg12 : memref<125x64xf32, #tpu.memory_space<vmem>>) target(%dma_start3A_406 : memref<10000x64xf32, #tpu.memory_space<vmem_shared>>) offsets(%dma_start3A_403 : memref<125xi32, #tpu.memory_space<vmem>>) semaphore(%arg19 : memref<!tpu.dma_semaphore, #tpu.memory_space<semaphore_mem>>) {add = true}
      %dma_wait3A_407 = arith.constant 0 : i32
      %dma_wait3A_408 = arith.constant 0 : i32
      %dma_wait3A_409 = tpu.memref_slice %arg2[%arg0, %dma_wait3A_407, %dma_wait3A_408] : memref<2x10000x64xf32, #tpu.memory_space<hbm>> -> memref<1x10000x64xf32, #tpu.memory_space<hbm>>
      %dma_wait3A_410 = tpu.memref_squeeze %dma_wait3A_409 : memref<1x10000x64xf32, #tpu.memory_space<hbm>> -> memref<10000x64xf32, #tpu.memory_space<hbm>>
      %dma_wait3A_411 = arith.constant 0 : i32
      %dma_wait3A_412 = arith.constant 0 : i32
      %dma_wait3A_413 = tpu.memref_slice %dma_wait3A_410[%dma_wait3A_411, %dma_wait3A_412] : memref<10000x64xf32, #tpu.memory_space<hbm>> -> memref<125x64xf32, #tpu.memory_space<hbm>>
      %dma_wait3A_414 = arith.constant 0 : i32
      %dma_wait3A_415 = arith.constant 0 : i32
      %dma_wait3A_416 = tpu.memref_slice %arg2[%arg0, %dma_wait3A_414, %dma_wait3A_415] : memref<2x10000x64xf32, #tpu.memory_space<hbm>> -> memref<1x10000x64xf32, #tpu.memory_space<hbm>>
      %dma_wait3A_417 = tpu.memref_squeeze %dma_wait3A_416 : memref<1x10000x64xf32, #tpu.memory_space<hbm>> -> memref<10000x64xf32, #tpu.memory_space<hbm>>
      %dma_wait3A_418 = arith.constant 0 : i32
      %dma_wait3A_419 = arith.constant 0 : i32
      %dma_wait3A_420 = tpu.memref_slice %dma_wait3A_417[%dma_wait3A_418, %dma_wait3A_419] : memref<10000x64xf32, #tpu.memory_space<hbm>> -> memref<125x64xf32, #tpu.memory_space<hbm>>
      tpu.wait_dma2 semaphore(%arg15 : memref<!tpu.dma_semaphore, #tpu.memory_space<semaphore_mem>>) src(%dma_wait3A_420 : memref<125x64xf32, #tpu.memory_space<hbm>>) dst(%arg8 : memref<125x64xf32, #tpu.memory_space<vmem>>)
      %add3A_421 = arith.constant 5 : i32
      %add3A_422 = arith.addi %mul3A_296, %add3A_421 : i32
      %add3A_423 = arith.constant 0 : i32
      %add3A_424 = arith.addi %add3A_422, %add3A_423 : i32
      %dma_start3A_425 = arith.constant 0 : i32
      %dma_start3A_426 = tpu.memref_slice %arg6[%add3A_424, %dma_start3A_425] : memref<160x125xi32, #tpu.memory_space<vmem>> -> memref<1x125xi32, #tpu.memory_space<vmem>>
      %dma_start3A_427 = tpu.memref_squeeze %dma_start3A_426 : memref<1x125xi32, #tpu.memory_space<vmem>> -> memref<125xi32, #tpu.memory_space<vmem>>
      %dma_start3A_428 = arith.constant 0 : i32
      %dma_start3A_429 = arith.constant 0 : i32
      %dma_start3A_430 = tpu.memref_slice %arg2[%arg0, %dma_start3A_428, %dma_start3A_429] : memref<2x10000x64xf32, #tpu.memory_space<hbm>> -> memref<1x10000x64xf32, #tpu.memory_space<hbm>>
      %dma_start3A_431 = tpu.memref_squeeze %dma_start3A_430 : memref<1x10000x64xf32, #tpu.memory_space<hbm>> -> memref<10000x64xf32, #tpu.memory_space<hbm>>
      %dma_start3A_432 = arith.constant 0 : i32
      %dma_start3A_433 = arith.constant 0 : i32
      %dma_start3A_434 = tpu.memref_slice %dma_start3A_431[%dma_start3A_432, %dma_start3A_433] : memref<10000x64xf32, #tpu.memory_space<hbm>> -> memref<10000x64xf32, #tpu.memory_space<hbm>>
      tpu.enqueue_indirect_dma source(%dma_start3A_434 : memref<10000x64xf32, #tpu.memory_space<hbm>>) target(%arg8 : memref<125x64xf32, #tpu.memory_space<vmem>>) offsets(%dma_start3A_427 : memref<125xi32, #tpu.memory_space<vmem>>) semaphore(%arg15 : memref<!tpu.dma_semaphore, #tpu.memory_space<semaphore_mem>>)
      %dma_wait3A_435 = arith.constant 0 : i32
      %dma_wait3A_436 = arith.constant 0 : i32
      %dma_wait3A_437 = tpu.memref_slice %arg2[%arg0, %dma_wait3A_435, %dma_wait3A_436] : memref<2x10000x64xf32, #tpu.memory_space<hbm>> -> memref<1x10000x64xf32, #tpu.memory_space<hbm>>
      %dma_wait3A_438 = tpu.memref_squeeze %dma_wait3A_437 : memref<1x10000x64xf32, #tpu.memory_space<hbm>> -> memref<10000x64xf32, #tpu.memory_space<hbm>>
      %dma_wait3A_439 = arith.constant 0 : i32
      %dma_wait3A_440 = arith.constant 0 : i32
      %dma_wait3A_441 = tpu.memref_slice %dma_wait3A_438[%dma_wait3A_439, %dma_wait3A_440] : memref<10000x64xf32, #tpu.memory_space<hbm>> -> memref<125x64xf32, #tpu.memory_space<hbm>>
      %dma_wait3A_442 = arith.constant 0 : i32
      %dma_wait3A_443 = arith.constant 0 : i32
      %dma_wait3A_444 = tpu.memref_slice %arg2[%arg0, %dma_wait3A_442, %dma_wait3A_443] : memref<2x10000x64xf32, #tpu.memory_space<hbm>> -> memref<1x10000x64xf32, #tpu.memory_space<hbm>>
      %dma_wait3A_445 = tpu.memref_squeeze %dma_wait3A_444 : memref<1x10000x64xf32, #tpu.memory_space<hbm>> -> memref<10000x64xf32, #tpu.memory_space<hbm>>
      %dma_wait3A_446 = arith.constant 0 : i32
      %dma_wait3A_447 = arith.constant 0 : i32
      %dma_wait3A_448 = tpu.memref_slice %dma_wait3A_445[%dma_wait3A_446, %dma_wait3A_447] : memref<10000x64xf32, #tpu.memory_space<hbm>> -> memref<125x64xf32, #tpu.memory_space<hbm>>
      tpu.wait_dma2 semaphore(%arg16 : memref<!tpu.dma_semaphore, #tpu.memory_space<semaphore_mem>>) src(%dma_wait3A_448 : memref<125x64xf32, #tpu.memory_space<hbm>>) dst(%arg9 : memref<125x64xf32, #tpu.memory_space<vmem>>)
      %add3A_449 = arith.constant 5 : i32
      %add3A_450 = arith.addi %mul3A_296, %add3A_449 : i32
      %add3A_451 = arith.constant 1 : i32
      %add3A_452 = arith.addi %add3A_450, %add3A_451 : i32
      %dma_start3A_453 = arith.constant 0 : i32
      %dma_start3A_454 = tpu.memref_slice %arg6[%add3A_452, %dma_start3A_453] : memref<160x125xi32, #tpu.memory_space<vmem>> -> memref<1x125xi32, #tpu.memory_space<vmem>>
      %dma_start3A_455 = tpu.memref_squeeze %dma_start3A_454 : memref<1x125xi32, #tpu.memory_space<vmem>> -> memref<125xi32, #tpu.memory_space<vmem>>
      %dma_start3A_456 = arith.constant 0 : i32
      %dma_start3A_457 = arith.constant 0 : i32
      %dma_start3A_458 = tpu.memref_slice %arg2[%arg0, %dma_start3A_456, %dma_start3A_457] : memref<2x10000x64xf32, #tpu.memory_space<hbm>> -> memref<1x10000x64xf32, #tpu.memory_space<hbm>>
      %dma_start3A_459 = tpu.memref_squeeze %dma_start3A_458 : memref<1x10000x64xf32, #tpu.memory_space<hbm>> -> memref<10000x64xf32, #tpu.memory_space<hbm>>
      %dma_start3A_460 = arith.constant 0 : i32
      %dma_start3A_461 = arith.constant 0 : i32
      %dma_start3A_462 = tpu.memref_slice %dma_start3A_459[%dma_start3A_460, %dma_start3A_461] : memref<10000x64xf32, #tpu.memory_space<hbm>> -> memref<10000x64xf32, #tpu.memory_space<hbm>>
      tpu.enqueue_indirect_dma source(%dma_start3A_462 : memref<10000x64xf32, #tpu.memory_space<hbm>>) target(%arg9 : memref<125x64xf32, #tpu.memory_space<vmem>>) offsets(%dma_start3A_455 : memref<125xi32, #tpu.memory_space<vmem>>) semaphore(%arg16 : memref<!tpu.dma_semaphore, #tpu.memory_space<semaphore_mem>>)
      %dma_wait3A_463 = arith.constant 0 : i32
      %dma_wait3A_464 = arith.constant 0 : i32
      %dma_wait3A_465 = tpu.memref_slice %arg2[%arg0, %dma_wait3A_463, %dma_wait3A_464] : memref<2x10000x64xf32, #tpu.memory_space<hbm>> -> memref<1x10000x64xf32, #tpu.memory_space<hbm>>
      %dma_wait3A_466 = tpu.memref_squeeze %dma_wait3A_465 : memref<1x10000x64xf32, #tpu.memory_space<hbm>> -> memref<10000x64xf32, #tpu.memory_space<hbm>>
      %dma_wait3A_467 = arith.constant 0 : i32
      %dma_wait3A_468 = arith.constant 0 : i32
      %dma_wait3A_469 = tpu.memref_slice %dma_wait3A_466[%dma_wait3A_467, %dma_wait3A_468] : memref<10000x64xf32, #tpu.memory_space<hbm>> -> memref<125x64xf32, #tpu.memory_space<hbm>>
      %dma_wait3A_470 = arith.constant 0 : i32
      %dma_wait3A_471 = arith.constant 0 : i32
      %dma_wait3A_472 = tpu.memref_slice %arg2[%arg0, %dma_wait3A_470, %dma_wait3A_471] : memref<2x10000x64xf32, #tpu.memory_space<hbm>> -> memref<1x10000x64xf32, #tpu.memory_space<hbm>>
      %dma_wait3A_473 = tpu.memref_squeeze %dma_wait3A_472 : memref<1x10000x64xf32, #tpu.memory_space<hbm>> -> memref<10000x64xf32, #tpu.memory_space<hbm>>
      %dma_wait3A_474 = arith.constant 0 : i32
      %dma_wait3A_475 = arith.constant 0 : i32
      %dma_wait3A_476 = tpu.memref_slice %dma_wait3A_473[%dma_wait3A_474, %dma_wait3A_475] : memref<10000x64xf32, #tpu.memory_space<hbm>> -> memref<125x64xf32, #tpu.memory_space<hbm>>
      tpu.wait_dma2 semaphore(%arg17 : memref<!tpu.dma_semaphore, #tpu.memory_space<semaphore_mem>>) src(%dma_wait3A_476 : memref<125x64xf32, #tpu.memory_space<hbm>>) dst(%arg10 : memref<125x64xf32, #tpu.memory_space<vmem>>)
      %add3A_477 = arith.constant 5 : i32
      %add3A_478 = arith.addi %mul3A_296, %add3A_477 : i32
      %add3A_479 = arith.constant 2 : i32
      %add3A_480 = arith.addi %add3A_478, %add3A_479 : i32
      %dma_start3A_481 = arith.constant 0 : i32
      %dma_start3A_482 = tpu.memref_slice %arg6[%add3A_480, %dma_start3A_481] : memref<160x125xi32, #tpu.memory_space<vmem>> -> memref<1x125xi32, #tpu.memory_space<vmem>>
      %dma_start3A_483 = tpu.memref_squeeze %dma_start3A_482 : memref<1x125xi32, #tpu.memory_space<vmem>> -> memref<125xi32, #tpu.memory_space<vmem>>
      %dma_start3A_484 = arith.constant 0 : i32
      %dma_start3A_485 = arith.constant 0 : i32
      %dma_start3A_486 = tpu.memref_slice %arg2[%arg0, %dma_start3A_484, %dma_start3A_485] : memref<2x10000x64xf32, #tpu.memory_space<hbm>> -> memref<1x10000x64xf32, #tpu.memory_space<hbm>>
      %dma_start3A_487 = tpu.memref_squeeze %dma_start3A_486 : memref<1x10000x64xf32, #tpu.memory_space<hbm>> -> memref<10000x64xf32, #tpu.memory_space<hbm>>
      %dma_start3A_488 = arith.constant 0 : i32
      %dma_start3A_489 = arith.constant 0 : i32
      %dma_start3A_490 = tpu.memref_slice %dma_start3A_487[%dma_start3A_488, %dma_start3A_489] : memref<10000x64xf32, #tpu.memory_space<hbm>> -> memref<10000x64xf32, #tpu.memory_space<hbm>>
      tpu.enqueue_indirect_dma source(%dma_start3A_490 : memref<10000x64xf32, #tpu.memory_space<hbm>>) target(%arg10 : memref<125x64xf32, #tpu.memory_space<vmem>>) offsets(%dma_start3A_483 : memref<125xi32, #tpu.memory_space<vmem>>) semaphore(%arg17 : memref<!tpu.dma_semaphore, #tpu.memory_space<semaphore_mem>>)
      %dma_wait3A_491 = arith.constant 0 : i32
      %dma_wait3A_492 = arith.constant 0 : i32
      %dma_wait3A_493 = tpu.memref_slice %arg2[%arg0, %dma_wait3A_491, %dma_wait3A_492] : memref<2x10000x64xf32, #tpu.memory_space<hbm>> -> memref<1x10000x64xf32, #tpu.memory_space<hbm>>
      %dma_wait3A_494 = tpu.memref_squeeze %dma_wait3A_493 : memref<1x10000x64xf32, #tpu.memory_space<hbm>> -> memref<10000x64xf32, #tpu.memory_space<hbm>>
      %dma_wait3A_495 = arith.constant 0 : i32
      %dma_wait3A_496 = arith.constant 0 : i32
      %dma_wait3A_497 = tpu.memref_slice %dma_wait3A_494[%dma_wait3A_495, %dma_wait3A_496] : memref<10000x64xf32, #tpu.memory_space<hbm>> -> memref<125x64xf32, #tpu.memory_space<hbm>>
      %dma_wait3A_498 = arith.constant 0 : i32
      %dma_wait3A_499 = arith.constant 0 : i32
      %dma_wait3A_500 = tpu.memref_slice %arg2[%arg0, %dma_wait3A_498, %dma_wait3A_499] : memref<2x10000x64xf32, #tpu.memory_space<hbm>> -> memref<1x10000x64xf32, #tpu.memory_space<hbm>>
      %dma_wait3A_501 = tpu.memref_squeeze %dma_wait3A_500 : memref<1x10000x64xf32, #tpu.memory_space<hbm>> -> memref<10000x64xf32, #tpu.memory_space<hbm>>
      %dma_wait3A_502 = arith.constant 0 : i32
      %dma_wait3A_503 = arith.constant 0 : i32
      %dma_wait3A_504 = tpu.memref_slice %dma_wait3A_501[%dma_wait3A_502, %dma_wait3A_503] : memref<10000x64xf32, #tpu.memory_space<hbm>> -> memref<125x64xf32, #tpu.memory_space<hbm>>
      tpu.wait_dma2 semaphore(%arg18 : memref<!tpu.dma_semaphore, #tpu.memory_space<semaphore_mem>>) src(%dma_wait3A_504 : memref<125x64xf32, #tpu.memory_space<hbm>>) dst(%arg11 : memref<125x64xf32, #tpu.memory_space<vmem>>)
      %add3A_505 = arith.constant 5 : i32
      %add3A_506 = arith.addi %mul3A_296, %add3A_505 : i32
      %add3A_507 = arith.constant 3 : i32
      %add3A_508 = arith.addi %add3A_506, %add3A_507 : i32
      %dma_start3A_509 = arith.constant 0 : i32
      %dma_start3A_510 = tpu.memref_slice %arg6[%add3A_508, %dma_start3A_509] : memref<160x125xi32, #tpu.memory_space<vmem>> -> memref<1x125xi32, #tpu.memory_space<vmem>>
      %dma_start3A_511 = tpu.memref_squeeze %dma_start3A_510 : memref<1x125xi32, #tpu.memory_space<vmem>> -> memref<125xi32, #tpu.memory_space<vmem>>
      %dma_start3A_512 = arith.constant 0 : i32
      %dma_start3A_513 = arith.constant 0 : i32
      %dma_start3A_514 = tpu.memref_slice %arg2[%arg0, %dma_start3A_512, %dma_start3A_513] : memref<2x10000x64xf32, #tpu.memory_space<hbm>> -> memref<1x10000x64xf32, #tpu.memory_space<hbm>>
      %dma_start3A_515 = tpu.memref_squeeze %dma_start3A_514 : memref<1x10000x64xf32, #tpu.memory_space<hbm>> -> memref<10000x64xf32, #tpu.memory_space<hbm>>
      %dma_start3A_516 = arith.constant 0 : i32
      %dma_start3A_517 = arith.constant 0 : i32
      %dma_start3A_518 = tpu.memref_slice %dma_start3A_515[%dma_start3A_516, %dma_start3A_517] : memref<10000x64xf32, #tpu.memory_space<hbm>> -> memref<10000x64xf32, #tpu.memory_space<hbm>>
      tpu.enqueue_indirect_dma source(%dma_start3A_518 : memref<10000x64xf32, #tpu.memory_space<hbm>>) target(%arg11 : memref<125x64xf32, #tpu.memory_space<vmem>>) offsets(%dma_start3A_511 : memref<125xi32, #tpu.memory_space<vmem>>) semaphore(%arg18 : memref<!tpu.dma_semaphore, #tpu.memory_space<semaphore_mem>>)
      %dma_wait3A_519 = arith.constant 0 : i32
      %dma_wait3A_520 = arith.constant 0 : i32
      %dma_wait3A_521 = tpu.memref_slice %arg2[%arg0, %dma_wait3A_519, %dma_wait3A_520] : memref<2x10000x64xf32, #tpu.memory_space<hbm>> -> memref<1x10000x64xf32, #tpu.memory_space<hbm>>
      %dma_wait3A_522 = tpu.memref_squeeze %dma_wait3A_521 : memref<1x10000x64xf32, #tpu.memory_space<hbm>> -> memref<10000x64xf32, #tpu.memory_space<hbm>>
      %dma_wait3A_523 = arith.constant 0 : i32
      %dma_wait3A_524 = arith.constant 0 : i32
      %dma_wait3A_525 = tpu.memref_slice %dma_wait3A_522[%dma_wait3A_523, %dma_wait3A_524] : memref<10000x64xf32, #tpu.memory_space<hbm>> -> memref<125x64xf32, #tpu.memory_space<hbm>>
      %dma_wait3A_526 = arith.constant 0 : i32
      %dma_wait3A_527 = arith.constant 0 : i32
      %dma_wait3A_528 = tpu.memref_slice %arg2[%arg0, %dma_wait3A_526, %dma_wait3A_527] : memref<2x10000x64xf32, #tpu.memory_space<hbm>> -> memref<1x10000x64xf32, #tpu.memory_space<hbm>>
      %dma_wait3A_529 = tpu.memref_squeeze %dma_wait3A_528 : memref<1x10000x64xf32, #tpu.memory_space<hbm>> -> memref<10000x64xf32, #tpu.memory_space<hbm>>
      %dma_wait3A_530 = arith.constant 0 : i32
      %dma_wait3A_531 = arith.constant 0 : i32
      %dma_wait3A_532 = tpu.memref_slice %dma_wait3A_529[%dma_wait3A_530, %dma_wait3A_531] : memref<10000x64xf32, #tpu.memory_space<hbm>> -> memref<125x64xf32, #tpu.memory_space<hbm>>
      tpu.wait_dma2 semaphore(%arg19 : memref<!tpu.dma_semaphore, #tpu.memory_space<semaphore_mem>>) src(%dma_wait3A_532 : memref<125x64xf32, #tpu.memory_space<hbm>>) dst(%arg12 : memref<125x64xf32, #tpu.memory_space<vmem>>)
      %add3A_533 = arith.constant 5 : i32
      %add3A_534 = arith.addi %mul3A_296, %add3A_533 : i32
      %add3A_535 = arith.constant 4 : i32
      %add3A_536 = arith.addi %add3A_534, %add3A_535 : i32
      %dma_start3A_537 = arith.constant 0 : i32
      %dma_start3A_538 = tpu.memref_slice %arg6[%add3A_536, %dma_start3A_537] : memref<160x125xi32, #tpu.memory_space<vmem>> -> memref<1x125xi32, #tpu.memory_space<vmem>>
      %dma_start3A_539 = tpu.memref_squeeze %dma_start3A_538 : memref<1x125xi32, #tpu.memory_space<vmem>> -> memref<125xi32, #tpu.memory_space<vmem>>
      %dma_start3A_540 = arith.constant 0 : i32
      %dma_start3A_541 = arith.constant 0 : i32
      %dma_start3A_542 = tpu.memref_slice %arg2[%arg0, %dma_start3A_540, %dma_start3A_541] : memref<2x10000x64xf32, #tpu.memory_space<hbm>> -> memref<1x10000x64xf32, #tpu.memory_space<hbm>>
      %dma_start3A_543 = tpu.memref_squeeze %dma_start3A_542 : memref<1x10000x64xf32, #tpu.memory_space<hbm>> -> memref<10000x64xf32, #tpu.memory_space<hbm>>
      %dma_start3A_544 = arith.constant 0 : i32
      %dma_start3A_545 = arith.constant 0 : i32
      %dma_start3A_546 = tpu.memref_slice %dma_start3A_543[%dma_start3A_544, %dma_start3A_545] : memref<10000x64xf32, #tpu.memory_space<hbm>> -> memref<10000x64xf32, #tpu.memory_space<hbm>>
      tpu.enqueue_indirect_dma source(%dma_start3A_546 : memref<10000x64xf32, #tpu.memory_space<hbm>>) target(%arg12 : memref<125x64xf32, #tpu.memory_space<vmem>>) offsets(%dma_start3A_539 : memref<125xi32, #tpu.memory_space<vmem>>) semaphore(%arg19 : memref<!tpu.dma_semaphore, #tpu.memory_space<semaphore_mem>>)
    }
    %scan3A_111 = arith.constant 31 : i32
    %dma_wait3A_112 = arith.constant 0 : i32
    %dma_wait3A_113 = arith.constant 0 : i32
    %dma_wait3A_114 = tpu.memref_slice %arg2[%arg0, %dma_wait3A_112, %dma_wait3A_113] : memref<2x10000x64xf32, #tpu.memory_space<hbm>> -> memref<1x10000x64xf32, #tpu.memory_space<hbm>>
    %dma_wait3A_115 = tpu.memref_squeeze %dma_wait3A_114 : memref<1x10000x64xf32, #tpu.memory_space<hbm>> -> memref<10000x64xf32, #tpu.memory_space<hbm>>
    %dma_wait3A_116 = arith.constant 0 : i32
    %dma_wait3A_117 = arith.constant 0 : i32
    %dma_wait3A_118 = tpu.memref_slice %dma_wait3A_115[%dma_wait3A_116, %dma_wait3A_117] : memref<10000x64xf32, #tpu.memory_space<hbm>> -> memref<125x64xf32, #tpu.memory_space<hbm>>
    %dma_wait3A_119 = arith.constant 0 : i32
    %dma_wait3A_120 = arith.constant 0 : i32
    %dma_wait3A_121 = tpu.memref_slice %arg2[%arg0, %dma_wait3A_119, %dma_wait3A_120] : memref<2x10000x64xf32, #tpu.memory_space<hbm>> -> memref<1x10000x64xf32, #tpu.memory_space<hbm>>
    %dma_wait3A_122 = tpu.memref_squeeze %dma_wait3A_121 : memref<1x10000x64xf32, #tpu.memory_space<hbm>> -> memref<10000x64xf32, #tpu.memory_space<hbm>>
    %dma_wait3A_123 = arith.constant 0 : i32
    %dma_wait3A_124 = arith.constant 0 : i32
    %dma_wait3A_125 = tpu.memref_slice %dma_wait3A_122[%dma_wait3A_123, %dma_wait3A_124] : memref<10000x64xf32, #tpu.memory_space<hbm>> -> memref<125x64xf32, #tpu.memory_space<hbm>>
    tpu.wait_dma2 semaphore(%arg15 : memref<!tpu.dma_semaphore, #tpu.memory_space<semaphore_mem>>) src(%dma_wait3A_125 : memref<125x64xf32, #tpu.memory_space<hbm>>) dst(%arg8 : memref<125x64xf32, #tpu.memory_space<vmem>>)
    %dma_start3A_126 = arith.constant 155 : i32
    %dma_start3A_127 = arith.constant 0 : i32
    %dma_start3A_128 = tpu.memref_slice %arg7[%dma_start3A_126, %dma_start3A_127] : memref<160x125xi32, #tpu.memory_space<vmem>> -> memref<1x125xi32, #tpu.memory_space<vmem>>
    %dma_start3A_129 = tpu.memref_squeeze %dma_start3A_128 : memref<1x125xi32, #tpu.memory_space<vmem>> -> memref<125xi32, #tpu.memory_space<vmem>>
    %dma_start3A_130 = arith.constant 0 : i32
    %dma_start3A_131 = arith.constant 0 : i32
    %dma_start3A_132 = tpu.memref_slice %arg14[%dma_start3A_130, %dma_start3A_131] : memref<10000x64xf32, #tpu.memory_space<vmem_shared>> -> memref<10000x64xf32, #tpu.memory_space<vmem_shared>>
    tpu.enqueue_indirect_dma source(%arg8 : memref<125x64xf32, #tpu.memory_space<vmem>>) target(%dma_start3A_132 : memref<10000x64xf32, #tpu.memory_space<vmem_shared>>) offsets(%dma_start3A_129 : memref<125xi32, #tpu.memory_space<vmem>>) semaphore(%arg15 : memref<!tpu.dma_semaphore, #tpu.memory_space<semaphore_mem>>) {add = true}
    %dma_wait3A_133 = arith.constant 0 : i32
    %dma_wait3A_134 = arith.constant 0 : i32
    %dma_wait3A_135 = tpu.memref_slice %arg2[%arg0, %dma_wait3A_133, %dma_wait3A_134] : memref<2x10000x64xf32, #tpu.memory_space<hbm>> -> memref<1x10000x64xf32, #tpu.memory_space<hbm>>
    %dma_wait3A_136 = tpu.memref_squeeze %dma_wait3A_135 : memref<1x10000x64xf32, #tpu.memory_space<hbm>> -> memref<10000x64xf32, #tpu.memory_space<hbm>>
    %dma_wait3A_137 = arith.constant 0 : i32
    %dma_wait3A_138 = arith.constant 0 : i32
    %dma_wait3A_139 = tpu.memref_slice %dma_wait3A_136[%dma_wait3A_137, %dma_wait3A_138] : memref<10000x64xf32, #tpu.memory_space<hbm>> -> memref<125x64xf32, #tpu.memory_space<hbm>>
    %dma_wait3A_140 = arith.constant 0 : i32
    %dma_wait3A_141 = arith.constant 0 : i32
    %dma_wait3A_142 = tpu.memref_slice %arg2[%arg0, %dma_wait3A_140, %dma_wait3A_141] : memref<2x10000x64xf32, #tpu.memory_space<hbm>> -> memref<1x10000x64xf32, #tpu.memory_space<hbm>>
    %dma_wait3A_143 = tpu.memref_squeeze %dma_wait3A_142 : memref<1x10000x64xf32, #tpu.memory_space<hbm>> -> memref<10000x64xf32, #tpu.memory_space<hbm>>
    %dma_wait3A_144 = arith.constant 0 : i32
    %dma_wait3A_145 = arith.constant 0 : i32
    %dma_wait3A_146 = tpu.memref_slice %dma_wait3A_143[%dma_wait3A_144, %dma_wait3A_145] : memref<10000x64xf32, #tpu.memory_space<hbm>> -> memref<125x64xf32, #tpu.memory_space<hbm>>
    tpu.wait_dma2 semaphore(%arg16 : memref<!tpu.dma_semaphore, #tpu.memory_space<semaphore_mem>>) src(%dma_wait3A_146 : memref<125x64xf32, #tpu.memory_space<hbm>>) dst(%arg9 : memref<125x64xf32, #tpu.memory_space<vmem>>)
    %dma_start3A_147 = arith.constant 156 : i32
    %dma_start3A_148 = arith.constant 0 : i32
    %dma_start3A_149 = tpu.memref_slice %arg7[%dma_start3A_147, %dma_start3A_148] : memref<160x125xi32, #tpu.memory_space<vmem>> -> memref<1x125xi32, #tpu.memory_space<vmem>>
    %dma_start3A_150 = tpu.memref_squeeze %dma_start3A_149 : memref<1x125xi32, #tpu.memory_space<vmem>> -> memref<125xi32, #tpu.memory_space<vmem>>
    %dma_start3A_151 = arith.constant 0 : i32
    %dma_start3A_152 = arith.constant 0 : i32
    %dma_start3A_153 = tpu.memref_slice %arg14[%dma_start3A_151, %dma_start3A_152] : memref<10000x64xf32, #tpu.memory_space<vmem_shared>> -> memref<10000x64xf32, #tpu.memory_space<vmem_shared>>
    tpu.enqueue_indirect_dma source(%arg9 : memref<125x64xf32, #tpu.memory_space<vmem>>) target(%dma_start3A_153 : memref<10000x64xf32, #tpu.memory_space<vmem_shared>>) offsets(%dma_start3A_150 : memref<125xi32, #tpu.memory_space<vmem>>) semaphore(%arg16 : memref<!tpu.dma_semaphore, #tpu.memory_space<semaphore_mem>>) {add = true}
    %dma_wait3A_154 = arith.constant 0 : i32
    %dma_wait3A_155 = arith.constant 0 : i32
    %dma_wait3A_156 = tpu.memref_slice %arg2[%arg0, %dma_wait3A_154, %dma_wait3A_155] : memref<2x10000x64xf32, #tpu.memory_space<hbm>> -> memref<1x10000x64xf32, #tpu.memory_space<hbm>>
    %dma_wait3A_157 = tpu.memref_squeeze %dma_wait3A_156 : memref<1x10000x64xf32, #tpu.memory_space<hbm>> -> memref<10000x64xf32, #tpu.memory_space<hbm>>
    %dma_wait3A_158 = arith.constant 0 : i32
    %dma_wait3A_159 = arith.constant 0 : i32
    %dma_wait3A_160 = tpu.memref_slice %dma_wait3A_157[%dma_wait3A_158, %dma_wait3A_159] : memref<10000x64xf32, #tpu.memory_space<hbm>> -> memref<125x64xf32, #tpu.memory_space<hbm>>
    %dma_wait3A_161 = arith.constant 0 : i32
    %dma_wait3A_162 = arith.constant 0 : i32
    %dma_wait3A_163 = tpu.memref_slice %arg2[%arg0, %dma_wait3A_161, %dma_wait3A_162] : memref<2x10000x64xf32, #tpu.memory_space<hbm>> -> memref<1x10000x64xf32, #tpu.memory_space<hbm>>
    %dma_wait3A_164 = tpu.memref_squeeze %dma_wait3A_163 : memref<1x10000x64xf32, #tpu.memory_space<hbm>> -> memref<10000x64xf32, #tpu.memory_space<hbm>>
    %dma_wait3A_165 = arith.constant 0 : i32
    %dma_wait3A_166 = arith.constant 0 : i32
    %dma_wait3A_167 = tpu.memref_slice %dma_wait3A_164[%dma_wait3A_165, %dma_wait3A_166] : memref<10000x64xf32, #tpu.memory_space<hbm>> -> memref<125x64xf32, #tpu.memory_space<hbm>>
    tpu.wait_dma2 semaphore(%arg17 : memref<!tpu.dma_semaphore, #tpu.memory_space<semaphore_mem>>) src(%dma_wait3A_167 : memref<125x64xf32, #tpu.memory_space<hbm>>) dst(%arg10 : memref<125x64xf32, #tpu.memory_space<vmem>>)
    %dma_start3A_168 = arith.constant 157 : i32
    %dma_start3A_169 = arith.constant 0 : i32
    %dma_start3A_170 = tpu.memref_slice %arg7[%dma_start3A_168, %dma_start3A_169] : memref<160x125xi32, #tpu.memory_space<vmem>> -> memref<1x125xi32, #tpu.memory_space<vmem>>
    %dma_start3A_171 = tpu.memref_squeeze %dma_start3A_170 : memref<1x125xi32, #tpu.memory_space<vmem>> -> memref<125xi32, #tpu.memory_space<vmem>>
    %dma_start3A_172 = arith.constant 0 : i32
    %dma_start3A_173 = arith.constant 0 : i32
    %dma_start3A_174 = tpu.memref_slice %arg14[%dma_start3A_172, %dma_start3A_173] : memref<10000x64xf32, #tpu.memory_space<vmem_shared>> -> memref<10000x64xf32, #tpu.memory_space<vmem_shared>>
    tpu.enqueue_indirect_dma source(%arg10 : memref<125x64xf32, #tpu.memory_space<vmem>>) target(%dma_start3A_174 : memref<10000x64xf32, #tpu.memory_space<vmem_shared>>) offsets(%dma_start3A_171 : memref<125xi32, #tpu.memory_space<vmem>>) semaphore(%arg17 : memref<!tpu.dma_semaphore, #tpu.memory_space<semaphore_mem>>) {add = true}
    %dma_wait3A_175 = arith.constant 0 : i32
    %dma_wait3A_176 = arith.constant 0 : i32
    %dma_wait3A_177 = tpu.memref_slice %arg2[%arg0, %dma_wait3A_175, %dma_wait3A_176] : memref<2x10000x64xf32, #tpu.memory_space<hbm>> -> memref<1x10000x64xf32, #tpu.memory_space<hbm>>
    %dma_wait3A_178 = tpu.memref_squeeze %dma_wait3A_177 : memref<1x10000x64xf32, #tpu.memory_space<hbm>> -> memref<10000x64xf32, #tpu.memory_space<hbm>>
    %dma_wait3A_179 = arith.constant 0 : i32
    %dma_wait3A_180 = arith.constant 0 : i32
    %dma_wait3A_181 = tpu.memref_slice %dma_wait3A_178[%dma_wait3A_179, %dma_wait3A_180] : memref<10000x64xf32, #tpu.memory_space<hbm>> -> memref<125x64xf32, #tpu.memory_space<hbm>>
    %dma_wait3A_182 = arith.constant 0 : i32
    %dma_wait3A_183 = arith.constant 0 : i32
    %dma_wait3A_184 = tpu.memref_slice %arg2[%arg0, %dma_wait3A_182, %dma_wait3A_183] : memref<2x10000x64xf32, #tpu.memory_space<hbm>> -> memref<1x10000x64xf32, #tpu.memory_space<hbm>>
    %dma_wait3A_185 = tpu.memref_squeeze %dma_wait3A_184 : memref<1x10000x64xf32, #tpu.memory_space<hbm>> -> memref<10000x64xf32, #tpu.memory_space<hbm>>
    %dma_wait3A_186 = arith.constant 0 : i32
    %dma_wait3A_187 = arith.constant 0 : i32
    %dma_wait3A_188 = tpu.memref_slice %dma_wait3A_185[%dma_wait3A_186, %dma_wait3A_187] : memref<10000x64xf32, #tpu.memory_space<hbm>> -> memref<125x64xf32, #tpu.memory_space<hbm>>
    tpu.wait_dma2 semaphore(%arg18 : memref<!tpu.dma_semaphore, #tpu.memory_space<semaphore_mem>>) src(%dma_wait3A_188 : memref<125x64xf32, #tpu.memory_space<hbm>>) dst(%arg11 : memref<125x64xf32, #tpu.memory_space<vmem>>)
    %dma_start3A_189 = arith.constant 158 : i32
    %dma_start3A_190 = arith.constant 0 : i32
    %dma_start3A_191 = tpu.memref_slice %arg7[%dma_start3A_189, %dma_start3A_190] : memref<160x125xi32, #tpu.memory_space<vmem>> -> memref<1x125xi32, #tpu.memory_space<vmem>>
    %dma_start3A_192 = tpu.memref_squeeze %dma_start3A_191 : memref<1x125xi32, #tpu.memory_space<vmem>> -> memref<125xi32, #tpu.memory_space<vmem>>
    %dma_start3A_193 = arith.constant 0 : i32
    %dma_start3A_194 = arith.constant 0 : i32
    %dma_start3A_195 = tpu.memref_slice %arg14[%dma_start3A_193, %dma_start3A_194] : memref<10000x64xf32, #tpu.memory_space<vmem_shared>> -> memref<10000x64xf32, #tpu.memory_space<vmem_shared>>
    tpu.enqueue_indirect_dma source(%arg11 : memref<125x64xf32, #tpu.memory_space<vmem>>) target(%dma_start3A_195 : memref<10000x64xf32, #tpu.memory_space<vmem_shared>>) offsets(%dma_start3A_192 : memref<125xi32, #tpu.memory_space<vmem>>) semaphore(%arg18 : memref<!tpu.dma_semaphore, #tpu.memory_space<semaphore_mem>>) {add = true}
    %dma_wait3A_196 = arith.constant 0 : i32
    %dma_wait3A_197 = arith.constant 0 : i32
    %dma_wait3A_198 = tpu.memref_slice %arg2[%arg0, %dma_wait3A_196, %dma_wait3A_197] : memref<2x10000x64xf32, #tpu.memory_space<hbm>> -> memref<1x10000x64xf32, #tpu.memory_space<hbm>>
    %dma_wait3A_199 = tpu.memref_squeeze %dma_wait3A_198 : memref<1x10000x64xf32, #tpu.memory_space<hbm>> -> memref<10000x64xf32, #tpu.memory_space<hbm>>
    %dma_wait3A_200 = arith.constant 0 : i32
    %dma_wait3A_201 = arith.constant 0 : i32
    %dma_wait3A_202 = tpu.memref_slice %dma_wait3A_199[%dma_wait3A_200, %dma_wait3A_201] : memref<10000x64xf32, #tpu.memory_space<hbm>> -> memref<125x64xf32, #tpu.memory_space<hbm>>
    %dma_wait3A_203 = arith.constant 0 : i32
    %dma_wait3A_204 = arith.constant 0 : i32
    %dma_wait3A_205 = tpu.memref_slice %arg2[%arg0, %dma_wait3A_203, %dma_wait3A_204] : memref<2x10000x64xf32, #tpu.memory_space<hbm>> -> memref<1x10000x64xf32, #tpu.memory_space<hbm>>
    %dma_wait3A_206 = tpu.memref_squeeze %dma_wait3A_205 : memref<1x10000x64xf32, #tpu.memory_space<hbm>> -> memref<10000x64xf32, #tpu.memory_space<hbm>>
    %dma_wait3A_207 = arith.constant 0 : i32
    %dma_wait3A_208 = arith.constant 0 : i32
    %dma_wait3A_209 = tpu.memref_slice %dma_wait3A_206[%dma_wait3A_207, %dma_wait3A_208] : memref<10000x64xf32, #tpu.memory_space<hbm>> -> memref<125x64xf32, #tpu.memory_space<hbm>>
    tpu.wait_dma2 semaphore(%arg19 : memref<!tpu.dma_semaphore, #tpu.memory_space<semaphore_mem>>) src(%dma_wait3A_209 : memref<125x64xf32, #tpu.memory_space<hbm>>) dst(%arg12 : memref<125x64xf32, #tpu.memory_space<vmem>>)
    %dma_start3A_210 = arith.constant 159 : i32
    %dma_start3A_211 = arith.constant 0 : i32
    %dma_start3A_212 = tpu.memref_slice %arg7[%dma_start3A_210, %dma_start3A_211] : memref<160x125xi32, #tpu.memory_space<vmem>> -> memref<1x125xi32, #tpu.memory_space<vmem>>
    %dma_start3A_213 = tpu.memref_squeeze %dma_start3A_212 : memref<1x125xi32, #tpu.memory_space<vmem>> -> memref<125xi32, #tpu.memory_space<vmem>>
    %dma_start3A_214 = arith.constant 0 : i32
    %dma_start3A_215 = arith.constant 0 : i32
    %dma_start3A_216 = tpu.memref_slice %arg14[%dma_start3A_214, %dma_start3A_215] : memref<10000x64xf32, #tpu.memory_space<vmem_shared>> -> memref<10000x64xf32, #tpu.memory_space<vmem_shared>>
    tpu.enqueue_indirect_dma source(%arg12 : memref<125x64xf32, #tpu.memory_space<vmem>>) target(%dma_start3A_216 : memref<10000x64xf32, #tpu.memory_space<vmem_shared>>) offsets(%dma_start3A_213 : memref<125xi32, #tpu.memory_space<vmem>>) semaphore(%arg19 : memref<!tpu.dma_semaphore, #tpu.memory_space<semaphore_mem>>) {add = true}
    %dma_wait3A_217 = arith.constant 0 : i32
    %dma_wait3A_218 = arith.constant 0 : i32
    %dma_wait3A_219 = tpu.memref_slice %arg2[%arg0, %dma_wait3A_217, %dma_wait3A_218] : memref<2x10000x64xf32, #tpu.memory_space<hbm>> -> memref<1x10000x64xf32, #tpu.memory_space<hbm>>
    %dma_wait3A_220 = tpu.memref_squeeze %dma_wait3A_219 : memref<1x10000x64xf32, #tpu.memory_space<hbm>> -> memref<10000x64xf32, #tpu.memory_space<hbm>>
    %dma_wait3A_221 = arith.constant 0 : i32
    %dma_wait3A_222 = arith.constant 0 : i32
    %dma_wait3A_223 = tpu.memref_slice %dma_wait3A_220[%dma_wait3A_221, %dma_wait3A_222] : memref<10000x64xf32, #tpu.memory_space<hbm>> -> memref<125x64xf32, #tpu.memory_space<hbm>>
    %dma_wait3A_224 = arith.constant 0 : i32
    %dma_wait3A_225 = arith.constant 0 : i32
    %dma_wait3A_226 = tpu.memref_slice %arg2[%arg0, %dma_wait3A_224, %dma_wait3A_225] : memref<2x10000x64xf32, #tpu.memory_space<hbm>> -> memref<1x10000x64xf32, #tpu.memory_space<hbm>>
    %dma_wait3A_227 = tpu.memref_squeeze %dma_wait3A_226 : memref<1x10000x64xf32, #tpu.memory_space<hbm>> -> memref<10000x64xf32, #tpu.memory_space<hbm>>
    %dma_wait3A_228 = arith.constant 0 : i32
    %dma_wait3A_229 = arith.constant 0 : i32
    %dma_wait3A_230 = tpu.memref_slice %dma_wait3A_227[%dma_wait3A_228, %dma_wait3A_229] : memref<10000x64xf32, #tpu.memory_space<hbm>> -> memref<125x64xf32, #tpu.memory_space<hbm>>
    tpu.wait_dma2 semaphore(%arg15 : memref<!tpu.dma_semaphore, #tpu.memory_space<semaphore_mem>>) src(%dma_wait3A_230 : memref<125x64xf32, #tpu.memory_space<hbm>>) dst(%arg8 : memref<125x64xf32, #tpu.memory_space<vmem>>)
    %dma_wait3A_231 = arith.constant 0 : i32
    %dma_wait3A_232 = arith.constant 0 : i32
    %dma_wait3A_233 = tpu.memref_slice %arg2[%arg0, %dma_wait3A_231, %dma_wait3A_232] : memref<2x10000x64xf32, #tpu.memory_space<hbm>> -> memref<1x10000x64xf32, #tpu.memory_space<hbm>>
    %dma_wait3A_234 = tpu.memref_squeeze %dma_wait3A_233 : memref<1x10000x64xf32, #tpu.memory_space<hbm>> -> memref<10000x64xf32, #tpu.memory_space<hbm>>
    %dma_wait3A_235 = arith.constant 0 : i32
    %dma_wait3A_236 = arith.constant 0 : i32
    %dma_wait3A_237 = tpu.memref_slice %dma_wait3A_234[%dma_wait3A_235, %dma_wait3A_236] : memref<10000x64xf32, #tpu.memory_space<hbm>> -> memref<125x64xf32, #tpu.memory_space<hbm>>
    %dma_wait3A_238 = arith.constant 0 : i32
    %dma_wait3A_239 = arith.constant 0 : i32
    %dma_wait3A_240 = tpu.memref_slice %arg2[%arg0, %dma_wait3A_238, %dma_wait3A_239] : memref<2x10000x64xf32, #tpu.memory_space<hbm>> -> memref<1x10000x64xf32, #tpu.memory_space<hbm>>
    %dma_wait3A_241 = tpu.memref_squeeze %dma_wait3A_240 : memref<1x10000x64xf32, #tpu.memory_space<hbm>> -> memref<10000x64xf32, #tpu.memory_space<hbm>>
    %dma_wait3A_242 = arith.constant 0 : i32
    %dma_wait3A_243 = arith.constant 0 : i32
    %dma_wait3A_244 = tpu.memref_slice %dma_wait3A_241[%dma_wait3A_242, %dma_wait3A_243] : memref<10000x64xf32, #tpu.memory_space<hbm>> -> memref<125x64xf32, #tpu.memory_space<hbm>>
    tpu.wait_dma2 semaphore(%arg16 : memref<!tpu.dma_semaphore, #tpu.memory_space<semaphore_mem>>) src(%dma_wait3A_244 : memref<125x64xf32, #tpu.memory_space<hbm>>) dst(%arg9 : memref<125x64xf32, #tpu.memory_space<vmem>>)
    %dma_wait3A_245 = arith.constant 0 : i32
    %dma_wait3A_246 = arith.constant 0 : i32
    %dma_wait3A_247 = tpu.memref_slice %arg2[%arg0, %dma_wait3A_245, %dma_wait3A_246] : memref<2x10000x64xf32, #tpu.memory_space<hbm>> -> memref<1x10000x64xf32, #tpu.memory_space<hbm>>
    %dma_wait3A_248 = tpu.memref_squeeze %dma_wait3A_247 : memref<1x10000x64xf32, #tpu.memory_space<hbm>> -> memref<10000x64xf32, #tpu.memory_space<hbm>>
    %dma_wait3A_249 = arith.constant 0 : i32
    %dma_wait3A_250 = arith.constant 0 : i32
    %dma_wait3A_251 = tpu.memref_slice %dma_wait3A_248[%dma_wait3A_249, %dma_wait3A_250] : memref<10000x64xf32, #tpu.memory_space<hbm>> -> memref<125x64xf32, #tpu.memory_space<hbm>>
    %dma_wait3A_252 = arith.constant 0 : i32
    %dma_wait3A_253 = arith.constant 0 : i32
    %dma_wait3A_254 = tpu.memref_slice %arg2[%arg0, %dma_wait3A_252, %dma_wait3A_253] : memref<2x10000x64xf32, #tpu.memory_space<hbm>> -> memref<1x10000x64xf32, #tpu.memory_space<hbm>>
    %dma_wait3A_255 = tpu.memref_squeeze %dma_wait3A_254 : memref<1x10000x64xf32, #tpu.memory_space<hbm>> -> memref<10000x64xf32, #tpu.memory_space<hbm>>
    %dma_wait3A_256 = arith.constant 0 : i32
    %dma_wait3A_257 = arith.constant 0 : i32
    %dma_wait3A_258 = tpu.memref_slice %dma_wait3A_255[%dma_wait3A_256, %dma_wait3A_257] : memref<10000x64xf32, #tpu.memory_space<hbm>> -> memref<125x64xf32, #tpu.memory_space<hbm>>
    tpu.wait_dma2 semaphore(%arg17 : memref<!tpu.dma_semaphore, #tpu.memory_space<semaphore_mem>>) src(%dma_wait3A_258 : memref<125x64xf32, #tpu.memory_space<hbm>>) dst(%arg10 : memref<125x64xf32, #tpu.memory_space<vmem>>)
    %dma_wait3A_259 = arith.constant 0 : i32
    %dma_wait3A_260 = arith.constant 0 : i32
    %dma_wait3A_261 = tpu.memref_slice %arg2[%arg0, %dma_wait3A_259, %dma_wait3A_260] : memref<2x10000x64xf32, #tpu.memory_space<hbm>> -> memref<1x10000x64xf32, #tpu.memory_space<hbm>>
    %dma_wait3A_262 = tpu.memref_squeeze %dma_wait3A_261 : memref<1x10000x64xf32, #tpu.memory_space<hbm>> -> memref<10000x64xf32, #tpu.memory_space<hbm>>
    %dma_wait3A_263 = arith.constant 0 : i32
    %dma_wait3A_264 = arith.constant 0 : i32
    %dma_wait3A_265 = tpu.memref_slice %dma_wait3A_262[%dma_wait3A_263, %dma_wait3A_264] : memref<10000x64xf32, #tpu.memory_space<hbm>> -> memref<125x64xf32, #tpu.memory_space<hbm>>
    %dma_wait3A_266 = arith.constant 0 : i32
    %dma_wait3A_267 = arith.constant 0 : i32
    %dma_wait3A_268 = tpu.memref_slice %arg2[%arg0, %dma_wait3A_266, %dma_wait3A_267] : memref<2x10000x64xf32, #tpu.memory_space<hbm>> -> memref<1x10000x64xf32, #tpu.memory_space<hbm>>
    %dma_wait3A_269 = tpu.memref_squeeze %dma_wait3A_268 : memref<1x10000x64xf32, #tpu.memory_space<hbm>> -> memref<10000x64xf32, #tpu.memory_space<hbm>>
    %dma_wait3A_270 = arith.constant 0 : i32
    %dma_wait3A_271 = arith.constant 0 : i32
    %dma_wait3A_272 = tpu.memref_slice %dma_wait3A_269[%dma_wait3A_270, %dma_wait3A_271] : memref<10000x64xf32, #tpu.memory_space<hbm>> -> memref<125x64xf32, #tpu.memory_space<hbm>>
    tpu.wait_dma2 semaphore(%arg18 : memref<!tpu.dma_semaphore, #tpu.memory_space<semaphore_mem>>) src(%dma_wait3A_272 : memref<125x64xf32, #tpu.memory_space<hbm>>) dst(%arg11 : memref<125x64xf32, #tpu.memory_space<vmem>>)
    %dma_wait3A_273 = arith.constant 0 : i32
    %dma_wait3A_274 = arith.constant 0 : i32
    %dma_wait3A_275 = tpu.memref_slice %arg2[%arg0, %dma_wait3A_273, %dma_wait3A_274] : memref<2x10000x64xf32, #tpu.memory_space<hbm>> -> memref<1x10000x64xf32, #tpu.memory_space<hbm>>
    %dma_wait3A_276 = tpu.memref_squeeze %dma_wait3A_275 : memref<1x10000x64xf32, #tpu.memory_space<hbm>> -> memref<10000x64xf32, #tpu.memory_space<hbm>>
    %dma_wait3A_277 = arith.constant 0 : i32
    %dma_wait3A_278 = arith.constant 0 : i32
    %dma_wait3A_279 = tpu.memref_slice %dma_wait3A_276[%dma_wait3A_277, %dma_wait3A_278] : memref<10000x64xf32, #tpu.memory_space<hbm>> -> memref<125x64xf32, #tpu.memory_space<hbm>>
    %dma_wait3A_280 = arith.constant 0 : i32
    %dma_wait3A_281 = arith.constant 0 : i32
    %dma_wait3A_282 = tpu.memref_slice %arg2[%arg0, %dma_wait3A_280, %dma_wait3A_281] : memref<2x10000x64xf32, #tpu.memory_space<hbm>> -> memref<1x10000x64xf32, #tpu.memory_space<hbm>>
    %dma_wait3A_283 = tpu.memref_squeeze %dma_wait3A_282 : memref<1x10000x64xf32, #tpu.memory_space<hbm>> -> memref<10000x64xf32, #tpu.memory_space<hbm>>
    %dma_wait3A_284 = arith.constant 0 : i32
    %dma_wait3A_285 = arith.constant 0 : i32
    %dma_wait3A_286 = tpu.memref_slice %dma_wait3A_283[%dma_wait3A_284, %dma_wait3A_285] : memref<10000x64xf32, #tpu.memory_space<hbm>> -> memref<125x64xf32, #tpu.memory_space<hbm>>
    tpu.wait_dma2 semaphore(%arg19 : memref<!tpu.dma_semaphore, #tpu.memory_space<semaphore_mem>>) src(%dma_wait3A_286 : memref<125x64xf32, #tpu.memory_space<hbm>>) dst(%arg12 : memref<125x64xf32, #tpu.memory_space<vmem>>)
    %barrier3A_287 = arith.constant 0 : index
    tpu.barrier barrier_id(%barrier3A_287)
    %mul3A_288 = arith.constant 625 : i32
    %mul3A_289 = arith.muli %arg1, %mul3A_288 : i32
    "tpu.region"() ({
      %run_scoped3A = tpu.sem_alloc : memref<!tpu.dma_semaphore, #tpu.memory_space<semaphore_mem>>
      %dma_start3A_290 = arith.constant 0 : i32
      %dma_start3A_291 = arith.constant 0 : i32
      %dma_start3A_292 = tpu.memref_slice %arg5[%arg0, %arg1, %dma_start3A_290, %dma_start3A_291] : memref<2x16x625x64xf32, #tpu.memory_space<hbm>> -> memref<1x1x625x64xf32, #tpu.memory_space<hbm>>
      %dma_start3A_293 = tpu.memref_squeeze %dma_start3A_292 : memref<1x1x625x64xf32, #tpu.memory_space<hbm>> -> memref<625x64xf32, #tpu.memory_space<hbm>>
      %dma_start3A_294 = arith.constant 0 : i32
      %dma_start3A_295 = tpu.memref_slice %arg14[%mul3A_289, %dma_start3A_294] : memref<10000x64xf32, #tpu.memory_space<vmem_shared>> -> memref<625x64xf32, #tpu.memory_space<vmem_shared>>
      tpu.enqueue_dma source(%dma_start3A_295 : memref<625x64xf32, #tpu.memory_space<vmem_shared>>) target(%dma_start3A_293 : memref<625x64xf32, #tpu.memory_space<hbm>>) target_semaphore(%run_scoped3A : memref<!tpu.dma_semaphore, #tpu.memory_space<semaphore_mem>>)
      %dma_wait3A_296 = arith.constant 0 : i32
      %dma_wait3A_297 = arith.constant 0 : i32
      %dma_wait3A_298 = tpu.memref_slice %arg5[%arg0, %arg1, %dma_wait3A_296, %dma_wait3A_297] : memref<2x16x625x64xf32, #tpu.memory_space<hbm>> -> memref<1x1x625x64xf32, #tpu.memory_space<hbm>>
      %dma_wait3A_299 = tpu.memref_squeeze %dma_wait3A_298 : memref<1x1x625x64xf32, #tpu.memory_space<hbm>> -> memref<625x64xf32, #tpu.memory_space<hbm>>
      %dma_wait3A_300 = arith.constant 0 : i32
      %dma_wait3A_301 = tpu.memref_slice %arg14[%mul3A_289, %dma_wait3A_300] : memref<10000x64xf32, #tpu.memory_space<vmem_shared>> -> memref<625x64xf32, #tpu.memory_space<vmem_shared>>
      tpu.wait_dma2 semaphore(%run_scoped3A : memref<!tpu.dma_semaphore, #tpu.memory_space<semaphore_mem>>) src(%dma_wait3A_301 : memref<625x64xf32, #tpu.memory_space<vmem_shared>>) dst(%dma_wait3A_299 : memref<625x64xf32, #tpu.memory_space<hbm>>)
      tpu.yield
    }) : () -> ()
    return
  }
}

module attributes {stable_mosaic.version = 14 : i64} {
  func.func @_p1_body(%arg0: i32, %arg1: memref<2x10000x16xf32, #tpu.memory_space<vmem>>, %arg2: memref<400x128xf32, #tpu.memory_space<vmem>>, %arg3: memref<128x128xf32, #tpu.memory_space<vmem>>, %arg4: memref<2x400x64xf32, #tpu.memory_space<vmem>>) attributes {dimension_semantics = [#tpu.dimension_semantics<arbitrary>], iteration_bounds = array<i64: 25>, scalar_prefetch = 0 : i64, scratch_operands = 0 : i64, tpu.core_type = #tpu.core_type<tc>, window_params = [{pipeline_mode = #tpu.pipeline_mode<synchronous>, transform_indices = @transform_0, window_bounds = array<i64: 2, 10000, 16>}, {transform_indices = @transform_1, window_bounds = array<i64: 400, 128>}, {pipeline_mode = #tpu.pipeline_mode<synchronous>, transform_indices = @transform_2, window_bounds = array<i64: 128, 128>}, {transform_indices = @transform_3, window_bounds = array<i64: 2, 400, 64>}]} {
    %mul3A = arith.constant 400 : i32
    %mul3A_0 = arith.muli %arg0, %mul3A : i32
    %get3A = arith.constant 0 : index
    %get3A_1 = arith.index_cast %mul3A_0 : i32 to index
    %get3A_2 = arith.constant 0 : index
    %get3A_3 = vector.load %arg1[%get3A, %get3A_1, %get3A_2] : memref<2x10000x16xf32, #tpu.memory_space<vmem>>, vector<1x400x1xf32>
    %get3A_4 = vector.shape_cast %get3A_3 : vector<1x400x1xf32> to vector<400x1xf32>
    %mul3A_5 = arith.constant 400 : i32
    %mul3A_6 = arith.muli %arg0, %mul3A_5 : i32
    %get3A_7 = arith.constant 1 : index
    %get3A_8 = arith.index_cast %mul3A_6 : i32 to index
    %get3A_9 = arith.constant 0 : index
    %get3A_10 = vector.load %arg1[%get3A_7, %get3A_8, %get3A_9] : memref<2x10000x16xf32, #tpu.memory_space<vmem>>, vector<1x400x1xf32>
    %get3A_11 = vector.shape_cast %get3A_10 : vector<1x400x1xf32> to vector<400x1xf32>
    %add3A = arith.addf %get3A_4, %get3A_11 : vector<400x1xf32>
    %add3A_12 = arith.constant 1.000000e+00 : f32
    %add3A_13 = vector.broadcast %add3A_12 : f32 to vector<400x1xf32>
    %add3A_14 = arith.addf %add3A, %add3A_13 : vector<400x1xf32>
    %rsqrt3A = math.rsqrt %add3A_14 : vector<400x1xf32>
    %get3A_15 = arith.constant 0 : index
    %get3A_16 = arith.constant 0 : index
    %get3A_17 = vector.load %arg2[%get3A_15, %get3A_16] : memref<400x128xf32, #tpu.memory_space<vmem>>, vector<400x128xf32>
    %get3A_18 = arith.constant 0 : index
    %get3A_19 = arith.constant 0 : index
    %get3A_20 = vector.load %arg3[%get3A_18, %get3A_19] : memref<128x128xf32, #tpu.memory_space<vmem>>, vector<128x128xf32>
    %dot_general3A = arith.constant dense<0.000000e+00> : vector<400x128xf32>
    %dot_general3A_21 = tpu.matmul %get3A_17, %get3A_20, %dot_general3A {dimension_numbers = #tpu.dot_dimension_numbers<[1], [0], [0], [1], [0, 0, 1, 1], [], []>, precision = #tpu.contract_precision<fp32>, transpose_lhs_hint = false} : vector<400x128xf32>, vector<128x128xf32>, vector<400x128xf32> -> vector<400x128xf32>
    %mul3A_22 = vector.broadcast %rsqrt3A : vector<400x1xf32> to vector<400x128xf32>
    %mul3A_23 = arith.mulf %mul3A_22, %dot_general3A_21 : vector<400x128xf32>
    %slice3A = vector.extract_strided_slice %mul3A_23 {offsets = [0, 0], sizes = [400, 64], strides = [1, 1]} : vector<400x128xf32> to vector<400x64xf32>
    %swap3A = arith.constant 0 : index
    %swap3A_24 = arith.constant 0 : index
    %swap3A_25 = arith.constant 0 : index
    %swap3A_26 = vector.load %arg4[%swap3A, %swap3A_24, %swap3A_25] : memref<2x400x64xf32, #tpu.memory_space<vmem>>, vector<1x400x64xf32>
    %swap3A_27 = vector.shape_cast %swap3A_26 : vector<1x400x64xf32> to vector<400x64xf32>
    %swap3A_28 = vector.shape_cast %slice3A : vector<400x64xf32> to vector<1x400x64xf32>
    tpu.vector_store %arg4[%swap3A, %swap3A_24, %swap3A_25], %swap3A_28 {strides = array<i32>} : memref<2x400x64xf32, #tpu.memory_space<vmem>>, vector<1x400x64xf32>,
    %slice3A_29 = vector.extract_strided_slice %mul3A_23 {offsets = [0, 64], sizes = [400, 64], strides = [1, 1]} : vector<400x128xf32> to vector<400x64xf32>
    %swap3A_30 = arith.constant 1 : index
    %swap3A_31 = arith.constant 0 : index
    %swap3A_32 = arith.constant 0 : index
    %swap3A_33 = vector.load %arg4[%swap3A_30, %swap3A_31, %swap3A_32] : memref<2x400x64xf32, #tpu.memory_space<vmem>>, vector<1x400x64xf32>
    %swap3A_34 = vector.shape_cast %swap3A_33 : vector<1x400x64xf32> to vector<400x64xf32>
    %swap3A_35 = vector.shape_cast %slice3A_29 : vector<400x64xf32> to vector<1x400x64xf32>
    tpu.vector_store %arg4[%swap3A_30, %swap3A_31, %swap3A_32], %swap3A_35 {strides = array<i32>} : memref<2x400x64xf32, #tpu.memory_space<vmem>>, vector<1x400x64xf32>,
    return
  }
  func.func @transform_0(%arg0: i32) -> (i32, i32, i32) {
    %c0_i32 = arith.constant 0 : i32
    %c0_i32_0 = arith.constant 0 : i32
    %c0_i32_1 = arith.constant 0 : i32
    %c0_i32_2 = arith.constant 0 : i32
    return %c0_i32, %c0_i32_0, %c0_i32_1 : i32, i32, i32
  }
  func.func @transform_1(%arg0: i32) -> (i32, i32) {
    %c0_i32 = arith.constant 0 : i32
    %c0_i32_0 = arith.constant 0 : i32
    return %arg0, %c0_i32 : i32, i32
  }
  func.func @transform_2(%arg0: i32) -> (i32, i32) {
    %c0_i32 = arith.constant 0 : i32
    %c0_i32_0 = arith.constant 0 : i32
    %c0_i32_1 = arith.constant 0 : i32
    return %c0_i32, %c0_i32_0 : i32, i32
  }
  func.func @transform_3(%arg0: i32) -> (i32, i32, i32) {
    %c0_i32 = arith.constant 0 : i32
    %c0_i32_0 = arith.constant 0 : i32
    %c0_i32_1 = arith.constant 0 : i32
    return %c0_i32, %arg0, %c0_i32_0 : i32, i32, i32
  }
}

module attributes {stable_mosaic.version = 14 : i64} {
  func.func @_mid_body(%arg0: i32, %arg1: memref<2x10000x16xf32, #tpu.memory_space<vmem>>, %arg2: memref<2x400x64xf32, #tpu.memory_space<vmem>>, %arg3: memref<2x400x64xf32, #tpu.memory_space<vmem>>, %arg4: memref<1x128xf32, #tpu.memory_space<vmem>>, %arg5: memref<128x128xf32, #tpu.memory_space<vmem>>, %arg6: memref<2x400x64xf32, #tpu.memory_space<vmem>>) attributes {dimension_semantics = [#tpu.dimension_semantics<arbitrary>], iteration_bounds = array<i64: 25>, scalar_prefetch = 0 : i64, scratch_operands = 0 : i64, tpu.core_type = #tpu.core_type<tc>, window_params = [{pipeline_mode = #tpu.pipeline_mode<synchronous>, transform_indices = @transform_0, window_bounds = array<i64: 2, 10000, 16>}, {transform_indices = @transform_1, window_bounds = array<i64: 2, 400, 64>}, {transform_indices = @transform_2, window_bounds = array<i64: 2, 400, 64>}, {pipeline_mode = #tpu.pipeline_mode<synchronous>, transform_indices = @transform_3, window_bounds = array<i64: 1, 128>}, {pipeline_mode = #tpu.pipeline_mode<synchronous>, transform_indices = @transform_4, window_bounds = array<i64: 128, 128>}, {transform_indices = @transform_5, window_bounds = array<i64: 2, 400, 64>}]} {
    %mul3A = arith.constant 400 : i32
    %mul3A_0 = arith.muli %arg0, %mul3A : i32
    %get3A = arith.constant 0 : index
    %get3A_1 = arith.index_cast %mul3A_0 : i32 to index
    %get3A_2 = arith.constant 0 : index
    %get3A_3 = vector.load %arg1[%get3A, %get3A_1, %get3A_2] : memref<2x10000x16xf32, #tpu.memory_space<vmem>>, vector<1x400x1xf32>
    %get3A_4 = vector.shape_cast %get3A_3 : vector<1x400x1xf32> to vector<400x1xf32>
    %mul3A_5 = arith.constant 400 : i32
    %mul3A_6 = arith.muli %arg0, %mul3A_5 : i32
    %get3A_7 = arith.constant 1 : index
    %get3A_8 = arith.index_cast %mul3A_6 : i32 to index
    %get3A_9 = arith.constant 0 : index
    %get3A_10 = vector.load %arg1[%get3A_7, %get3A_8, %get3A_9] : memref<2x10000x16xf32, #tpu.memory_space<vmem>>, vector<1x400x1xf32>
    %get3A_11 = vector.shape_cast %get3A_10 : vector<1x400x1xf32> to vector<400x1xf32>
    %add3A = arith.addf %get3A_4, %get3A_11 : vector<400x1xf32>
    %add3A_12 = arith.constant 1.000000e+00 : f32
    %add3A_13 = vector.broadcast %add3A_12 : f32 to vector<400x1xf32>
    %add3A_14 = arith.addf %add3A, %add3A_13 : vector<400x1xf32>
    %rsqrt3A = math.rsqrt %add3A_14 : vector<400x1xf32>
    %get3A_15 = arith.constant 0 : index
    %get3A_16 = arith.constant 0 : index
    %get3A_17 = arith.constant 0 : index
    %get3A_18 = vector.load %arg2[%get3A_15, %get3A_16, %get3A_17] : memref<2x400x64xf32, #tpu.memory_space<vmem>>, vector<1x400x64xf32>
    %get3A_19 = vector.shape_cast %get3A_18 : vector<1x400x64xf32> to vector<400x64xf32>
    %get3A_20 = arith.constant 0 : index
    %get3A_21 = arith.constant 0 : index
    %get3A_22 = arith.constant 0 : index
    %get3A_23 = vector.load %arg3[%get3A_20, %get3A_21, %get3A_22] : memref<2x400x64xf32, #tpu.memory_space<vmem>>, vector<1x400x64xf32>
    %get3A_24 = vector.shape_cast %get3A_23 : vector<1x400x64xf32> to vector<400x64xf32>
    %add3A_25 = arith.addf %get3A_19, %get3A_24 : vector<400x64xf32>
    %get3A_26 = arith.constant 1 : index
    %get3A_27 = arith.constant 0 : index
    %get3A_28 = arith.constant 0 : index
    %get3A_29 = vector.load %arg2[%get3A_26, %get3A_27, %get3A_28] : memref<2x400x64xf32, #tpu.memory_space<vmem>>, vector<1x400x64xf32>
    %get3A_30 = vector.shape_cast %get3A_29 : vector<1x400x64xf32> to vector<400x64xf32>
    %get3A_31 = arith.constant 1 : index
    %get3A_32 = arith.constant 0 : index
    %get3A_33 = arith.constant 0 : index
    %get3A_34 = vector.load %arg3[%get3A_31, %get3A_32, %get3A_33] : memref<2x400x64xf32, #tpu.memory_space<vmem>>, vector<1x400x64xf32>
    %get3A_35 = vector.shape_cast %get3A_34 : vector<1x400x64xf32> to vector<400x64xf32>
    %add3A_36 = arith.addf %get3A_30, %get3A_35 : vector<400x64xf32>
    %concatenate3A = tpu.concatenate %add3A_25, %add3A_36 in 1 : vector<400x64xf32>, vector<400x64xf32> -> vector<400x128xf32>
    %mul3A_37 = vector.broadcast %rsqrt3A : vector<400x1xf32> to vector<400x128xf32>
    %mul3A_38 = arith.mulf %mul3A_37, %concatenate3A : vector<400x128xf32>
    %get3A_39 = arith.constant 0 : index
    %get3A_40 = arith.constant 0 : index
    %get3A_41 = vector.load %arg4[%get3A_39, %get3A_40] : memref<1x128xf32, #tpu.memory_space<vmem>>, vector<1x128xf32>
    %add3A_42 = vector.broadcast %get3A_41 : vector<1x128xf32> to vector<400x128xf32>
    %add3A_43 = arith.addf %mul3A_38, %add3A_42 : vector<400x128xf32>
    %max3A = arith.constant 0.000000e+00 : f32
    %max3A_44 = vector.broadcast %max3A : f32 to vector<400x128xf32>
    %max3A_45 = arith.maximumf %add3A_43, %max3A_44 : vector<400x128xf32>
    %mul3A_46 = arith.constant 400 : i32
    %mul3A_47 = arith.muli %arg0, %mul3A_46 : i32
    %get3A_48 = arith.constant 0 : index
    %get3A_49 = arith.index_cast %mul3A_47 : i32 to index
    %get3A_50 = arith.constant 0 : index
    %get3A_51 = vector.load %arg1[%get3A_48, %get3A_49, %get3A_50] : memref<2x10000x16xf32, #tpu.memory_space<vmem>>, vector<1x400x1xf32>
    %get3A_52 = vector.shape_cast %get3A_51 : vector<1x400x1xf32> to vector<400x1xf32>
    %mul3A_53 = arith.constant 400 : i32
    %mul3A_54 = arith.muli %arg0, %mul3A_53 : i32
    %get3A_55 = arith.constant 1 : index
    %get3A_56 = arith.index_cast %mul3A_54 : i32 to index
    %get3A_57 = arith.constant 0 : index
    %get3A_58 = vector.load %arg1[%get3A_55, %get3A_56, %get3A_57] : memref<2x10000x16xf32, #tpu.memory_space<vmem>>, vector<1x400x1xf32>
    %get3A_59 = vector.shape_cast %get3A_58 : vector<1x400x1xf32> to vector<400x1xf32>
    %add3A_60 = arith.addf %get3A_52, %get3A_59 : vector<400x1xf32>
    %add3A_61 = arith.constant 1.000000e+00 : f32
    %add3A_62 = vector.broadcast %add3A_61 : f32 to vector<400x1xf32>
    %add3A_63 = arith.addf %add3A_60, %add3A_62 : vector<400x1xf32>
    %rsqrt3A_64 = math.rsqrt %add3A_63 : vector<400x1xf32>
    %get3A_65 = arith.constant 0 : index
    %get3A_66 = arith.constant 0 : index
    %get3A_67 = vector.load %arg5[%get3A_65, %get3A_66] : memref<128x128xf32, #tpu.memory_space<vmem>>, vector<128x128xf32>
    %dot_general3A = arith.constant dense<0.000000e+00> : vector<400x128xf32>
    %dot_general3A_68 = tpu.matmul %max3A_45, %get3A_67, %dot_general3A {dimension_numbers = #tpu.dot_dimension_numbers<[1], [0], [0], [1], [0, 0, 1, 1], [], []>, precision = #tpu.contract_precision<fp32>, transpose_lhs_hint = false} : vector<400x128xf32>, vector<128x128xf32>, vector<400x128xf32> -> vector<400x128xf32>
    %mul3A_69 = vector.broadcast %rsqrt3A_64 : vector<400x1xf32> to vector<400x128xf32>
    %mul3A_70 = arith.mulf %mul3A_69, %dot_general3A_68 : vector<400x128xf32>
    %slice3A = vector.extract_strided_slice %mul3A_70 {offsets = [0, 0], sizes = [400, 64], strides = [1, 1]} : vector<400x128xf32> to vector<400x64xf32>
    %swap3A = arith.constant 0 : index
    %swap3A_71 = arith.constant 0 : index
    %swap3A_72 = arith.constant 0 : index
    %swap3A_73 = vector.load %arg6[%swap3A, %swap3A_71, %swap3A_72] : memref<2x400x64xf32, #tpu.memory_space<vmem>>, vector<1x400x64xf32>
    %swap3A_74 = vector.shape_cast %swap3A_73 : vector<1x400x64xf32> to vector<400x64xf32>
    %swap3A_75 = vector.shape_cast %slice3A : vector<400x64xf32> to vector<1x400x64xf32>
    tpu.vector_store %arg6[%swap3A, %swap3A_71, %swap3A_72], %swap3A_75 {strides = array<i32>} : memref<2x400x64xf32, #tpu.memory_space<vmem>>, vector<1x400x64xf32>,
    %slice3A_76 = vector.extract_strided_slice %mul3A_70 {offsets = [0, 64], sizes = [400, 64], strides = [1, 1]} : vector<400x128xf32> to vector<400x64xf32>
    %swap3A_77 = arith.constant 1 : index
    %swap3A_78 = arith.constant 0 : index
    %swap3A_79 = arith.constant 0 : index
    %swap3A_80 = vector.load %arg6[%swap3A_77, %swap3A_78, %swap3A_79] : memref<2x400x64xf32, #tpu.memory_space<vmem>>, vector<1x400x64xf32>
    %swap3A_81 = vector.shape_cast %swap3A_80 : vector<1x400x64xf32> to vector<400x64xf32>
    %swap3A_82 = vector.shape_cast %slice3A_76 : vector<400x64xf32> to vector<1x400x64xf32>
    tpu.vector_store %arg6[%swap3A_77, %swap3A_78, %swap3A_79], %swap3A_82 {strides = array<i32>} : memref<2x400x64xf32, #tpu.memory_space<vmem>>, vector<1x400x64xf32>,
    return
  }
  func.func @transform_0(%arg0: i32) -> (i32, i32, i32) {
    %c0_i32 = arith.constant 0 : i32
    %c0_i32_0 = arith.constant 0 : i32
    %c0_i32_1 = arith.constant 0 : i32
    %c0_i32_2 = arith.constant 0 : i32
    return %c0_i32, %c0_i32_0, %c0_i32_1 : i32, i32, i32
  }
  func.func @transform_1(%arg0: i32) -> (i32, i32, i32) {
    %c0_i32 = arith.constant 0 : i32
    %c0_i32_0 = arith.constant 0 : i32
    %c0_i32_1 = arith.constant 0 : i32
    return %c0_i32, %arg0, %c0_i32_0 : i32, i32, i32
  }
  func.func @transform_2(%arg0: i32) -> (i32, i32, i32) {
    %c0_i32 = arith.constant 0 : i32
    %c0_i32_0 = arith.constant 0 : i32
    %c0_i32_1 = arith.constant 0 : i32
    return %c0_i32, %arg0, %c0_i32_0 : i32, i32, i32
  }
  func.func @transform_3(%arg0: i32) -> (i32, i32) {
    %c0_i32 = arith.constant 0 : i32
    %c0_i32_0 = arith.constant 0 : i32
    %c0_i32_1 = arith.constant 0 : i32
    return %c0_i32, %c0_i32_0 : i32, i32
  }
  func.func @transform_4(%arg0: i32) -> (i32, i32) {
    %c0_i32 = arith.constant 0 : i32
    %c0_i32_0 = arith.constant 0 : i32
    %c0_i32_1 = arith.constant 0 : i32
    return %c0_i32, %c0_i32_0 : i32, i32
  }
  func.func @transform_5(%arg0: i32) -> (i32, i32, i32) {
    %c0_i32 = arith.constant 0 : i32
    %c0_i32_0 = arith.constant 0 : i32
    %c0_i32_1 = arith.constant 0 : i32
    return %c0_i32, %arg0, %c0_i32_0 : i32, i32, i32
  }
}

module attributes {stable_mosaic.version = 14 : i64} {
  func.func @_pool_body(%arg0: i32, %arg1: memref<2x10000x16xf32, #tpu.memory_space<vmem>>, %arg2: memref<2x400x64xf32, #tpu.memory_space<vmem>>, %arg3: memref<2x400x64xf32, #tpu.memory_space<vmem>>, %arg4: memref<1x128xf32, #tpu.memory_space<vmem>>, %arg5: memref<25x400xi32, #tpu.memory_space<vmem>>, %arg6: memref<64x128xf32, #tpu.memory_space<vmem>>, %arg7: memref<64x128xf32, #tpu.memory_space<vmem>>, %arg8: memref<64x128xf32, #tpu.memory_space<vmem>>) attributes {dimension_semantics = [#tpu.dimension_semantics<arbitrary>], iteration_bounds = array<i64: 25>, scalar_prefetch = 0 : i64, scratch_operands = 2 : i64, tpu.core_type = #tpu.core_type<tc>, window_params = [{pipeline_mode = #tpu.pipeline_mode<synchronous>, transform_indices = @transform_0, window_bounds = array<i64: 2, 10000, 16>}, {transform_indices = @transform_1, window_bounds = array<i64: 2, 400, 64>}, {transform_indices = @transform_2, window_bounds = array<i64: 2, 400, 64>}, {pipeline_mode = #tpu.pipeline_mode<synchronous>, transform_indices = @transform_3, window_bounds = array<i64: 1, 128>}, {pipeline_mode = #tpu.pipeline_mode<synchronous>, transform_indices = @transform_4, window_bounds = array<i64: 25, 400>}, {pipeline_mode = #tpu.pipeline_mode<synchronous>, transform_indices = @transform_5, window_bounds = array<i64: 64, 128>}]} {
    %eq3A = arith.constant 0 : i32
    %eq3A_0 = arith.cmpi eq, %arg0, %eq3A : i32
    %convert_element_type3A = arith.extui %eq3A_0 : i1 to i32
    %cond3A = arith.constant 0 : i32
    %cond3A_1 = arith.cmpi ne, %convert_element_type3A, %cond3A : i32
    scf.if %cond3A_1 {
      %broadcast_in_dim3A_79 = arith.constant 0.000000e+00 : f32
      %broadcast_in_dim3A_80 = vector.broadcast %broadcast_in_dim3A_79 : f32 to vector<64x128xf32>
      %swap3A_81 = arith.constant 0 : index
      %swap3A_82 = arith.constant 0 : index
      %swap3A_83 = vector.load %arg7[%swap3A_81, %swap3A_82] : memref<64x128xf32, #tpu.memory_space<vmem>>, vector<64x128xf32>
      tpu.vector_store %arg7[%swap3A_81, %swap3A_82], %broadcast_in_dim3A_80 {strides = array<i32>} : memref<64x128xf32, #tpu.memory_space<vmem>>, vector<64x128xf32>,
      %broadcast_in_dim3A_84 = arith.constant 0.000000e+00 : f32
      %broadcast_in_dim3A_85 = vector.broadcast %broadcast_in_dim3A_84 : f32 to vector<64x128xf32>
      %swap3A_86 = arith.constant 0 : index
      %swap3A_87 = arith.constant 0 : index
      %swap3A_88 = vector.load %arg8[%swap3A_86, %swap3A_87] : memref<64x128xf32, #tpu.memory_space<vmem>>, vector<64x128xf32>
      tpu.vector_store %arg8[%swap3A_86, %swap3A_87], %broadcast_in_dim3A_85 {strides = array<i32>} : memref<64x128xf32, #tpu.memory_space<vmem>>, vector<64x128xf32>,
    } else {
    }
    %mul3A = arith.constant 400 : i32
    %mul3A_2 = arith.muli %arg0, %mul3A : i32
    %get3A = arith.constant 0 : index
    %get3A_3 = arith.index_cast %mul3A_2 : i32 to index
    %get3A_4 = arith.constant 0 : index
    %get3A_5 = vector.load %arg1[%get3A, %get3A_3, %get3A_4] : memref<2x10000x16xf32, #tpu.memory_space<vmem>>, vector<1x400x1xf32>
    %get3A_6 = vector.shape_cast %get3A_5 : vector<1x400x1xf32> to vector<400x1xf32>
    %mul3A_7 = arith.constant 400 : i32
    %mul3A_8 = arith.muli %arg0, %mul3A_7 : i32
    %get3A_9 = arith.constant 1 : index
    %get3A_10 = arith.index_cast %mul3A_8 : i32 to index
    %get3A_11 = arith.constant 0 : index
    %get3A_12 = vector.load %arg1[%get3A_9, %get3A_10, %get3A_11] : memref<2x10000x16xf32, #tpu.memory_space<vmem>>, vector<1x400x1xf32>
    %get3A_13 = vector.shape_cast %get3A_12 : vector<1x400x1xf32> to vector<400x1xf32>
    %add3A = arith.addf %get3A_6, %get3A_13 : vector<400x1xf32>
    %add3A_14 = arith.constant 1.000000e+00 : f32
    %add3A_15 = vector.broadcast %add3A_14 : f32 to vector<400x1xf32>
    %add3A_16 = arith.addf %add3A, %add3A_15 : vector<400x1xf32>
    %rsqrt3A = math.rsqrt %add3A_16 : vector<400x1xf32>
    %get3A_17 = arith.constant 0 : index
    %get3A_18 = arith.constant 0 : index
    %get3A_19 = arith.constant 0 : index
    %get3A_20 = vector.load %arg2[%get3A_17, %get3A_18, %get3A_19] : memref<2x400x64xf32, #tpu.memory_space<vmem>>, vector<1x400x64xf32>
    %get3A_21 = vector.shape_cast %get3A_20 : vector<1x400x64xf32> to vector<400x64xf32>
    %get3A_22 = arith.constant 0 : index
    %get3A_23 = arith.constant 0 : index
    %get3A_24 = arith.constant 0 : index
    %get3A_25 = vector.load %arg3[%get3A_22, %get3A_23, %get3A_24] : memref<2x400x64xf32, #tpu.memory_space<vmem>>, vector<1x400x64xf32>
    %get3A_26 = vector.shape_cast %get3A_25 : vector<1x400x64xf32> to vector<400x64xf32>
    %add3A_27 = arith.addf %get3A_21, %get3A_26 : vector<400x64xf32>
    %get3A_28 = arith.constant 1 : index
    %get3A_29 = arith.constant 0 : index
    %get3A_30 = arith.constant 0 : index
    %get3A_31 = vector.load %arg2[%get3A_28, %get3A_29, %get3A_30] : memref<2x400x64xf32, #tpu.memory_space<vmem>>, vector<1x400x64xf32>
    %get3A_32 = vector.shape_cast %get3A_31 : vector<1x400x64xf32> to vector<400x64xf32>
    %get3A_33 = arith.constant 1 : index
    %get3A_34 = arith.constant 0 : index
    %get3A_35 = arith.constant 0 : index
    %get3A_36 = vector.load %arg3[%get3A_33, %get3A_34, %get3A_35] : memref<2x400x64xf32, #tpu.memory_space<vmem>>, vector<1x400x64xf32>
    %get3A_37 = vector.shape_cast %get3A_36 : vector<1x400x64xf32> to vector<400x64xf32>
    %add3A_38 = arith.addf %get3A_32, %get3A_37 : vector<400x64xf32>
    %concatenate3A = tpu.concatenate %add3A_27, %add3A_38 in 1 : vector<400x64xf32>, vector<400x64xf32> -> vector<400x128xf32>
    %mul3A_39 = vector.broadcast %rsqrt3A : vector<400x1xf32> to vector<400x128xf32>
    %mul3A_40 = arith.mulf %mul3A_39, %concatenate3A : vector<400x128xf32>
    %get3A_41 = arith.constant 0 : index
    %get3A_42 = arith.constant 0 : index
    %get3A_43 = vector.load %arg4[%get3A_41, %get3A_42] : memref<1x128xf32, #tpu.memory_space<vmem>>, vector<1x128xf32>
    %add3A_44 = vector.broadcast %get3A_43 : vector<1x128xf32> to vector<400x128xf32>
    %add3A_45 = arith.addf %mul3A_40, %add3A_44 : vector<400x128xf32>
    %max3A = arith.constant 0.000000e+00 : f32
    %max3A_46 = vector.broadcast %max3A : f32 to vector<400x128xf32>
    %max3A_47 = arith.maximumf %add3A_45, %max3A_46 : vector<400x128xf32>
    %get3A_48 = arith.index_cast %arg0 : i32 to index
    %get3A_49 = arith.constant 0 : index
    %get3A_50 = vector.load %arg5[%get3A_48, %get3A_49] : memref<25x400xi32, #tpu.memory_space<vmem>>, vector<1x400xi32>
    %get3A_51 = vector.shape_cast %get3A_50 : vector<1x400xi32> to vector<400xi32>
    %iota3A = tpu.iota {dimensions = array<i32: 0>} : vector<64x400xi32>
    %broadcast_in_dim3A = vector.shape_cast %get3A_51 : vector<400xi32> to vector<1x400xi32>
    %eq3A_52 = vector.broadcast %broadcast_in_dim3A : vector<1x400xi32> to vector<64x400xi32>
    %eq3A_53 = arith.cmpi eq, %iota3A, %eq3A_52 : vector<64x400xi32>
    %convert_element_type3A_54 = arith.extui %eq3A_53 : vector<64x400xi1> to vector<64x400xi32>
    %convert_element_type3A_55 = arith.sitofp %convert_element_type3A_54 : vector<64x400xi32> to vector<64x400xf32>
    %get3A_56 = arith.constant 0 : index
    %get3A_57 = arith.constant 0 : index
    %get3A_58 = vector.load %arg7[%get3A_56, %get3A_57] : memref<64x128xf32, #tpu.memory_space<vmem>>, vector<64x128xf32>
    %dot_general3A = arith.constant dense<0.000000e+00> : vector<64x128xf32>
    %dot_general3A_59 = tpu.matmul %convert_element_type3A_55, %max3A_47, %dot_general3A {dimension_numbers = #tpu.dot_dimension_numbers<[1], [0], [0], [1], [0, 0, 1, 1], [], []>, precision = #tpu.contract_precision<fp32>, transpose_lhs_hint = false} : vector<64x400xf32>, vector<400x128xf32>, vector<64x128xf32> -> vector<64x128xf32>
    %add3A_60 = arith.addf %get3A_58, %dot_general3A_59 : vector<64x128xf32>
    %swap3A = arith.constant 0 : index
    %swap3A_61 = arith.constant 0 : index
    %swap3A_62 = vector.load %arg7[%swap3A, %swap3A_61] : memref<64x128xf32, #tpu.memory_space<vmem>>, vector<64x128xf32>
    tpu.vector_store %arg7[%swap3A, %swap3A_61], %add3A_60 {strides = array<i32>} : memref<64x128xf32, #tpu.memory_space<vmem>>, vector<64x128xf32>,
    %get3A_63 = arith.constant 0 : index
    %get3A_64 = arith.constant 0 : index
    %get3A_65 = vector.load %arg8[%get3A_63, %get3A_64] : memref<64x128xf32, #tpu.memory_space<vmem>>, vector<64x128xf32>
    %broadcast_in_dim3A_66 = arith.constant 1.000000e+00 : f32
    %broadcast_in_dim3A_67 = vector.broadcast %broadcast_in_dim3A_66 : f32 to vector<400x128xf32>
    %dot_general3A_68 = arith.constant dense<0.000000e+00> : vector<64x128xf32>
    %dot_general3A_69 = tpu.matmul %convert_element_type3A_55, %broadcast_in_dim3A_67, %dot_general3A_68 {dimension_numbers = #tpu.dot_dimension_numbers<[1], [0], [0], [1], [0, 0, 1, 1], [], []>, precision = #tpu.contract_precision<fp32>, transpose_lhs_hint = false} : vector<64x400xf32>, vector<400x128xf32>, vector<64x128xf32> -> vector<64x128xf32>
    %add3A_70 = arith.addf %get3A_65, %dot_general3A_69 : vector<64x128xf32>
    %swap3A_71 = arith.constant 0 : index
    %swap3A_72 = arith.constant 0 : index
    %swap3A_73 = vector.load %arg8[%swap3A_71, %swap3A_72] : memref<64x128xf32, #tpu.memory_space<vmem>>, vector<64x128xf32>
    tpu.vector_store %arg8[%swap3A_71, %swap3A_72], %add3A_70 {strides = array<i32>} : memref<64x128xf32, #tpu.memory_space<vmem>>, vector<64x128xf32>,
    %eq3A_74 = arith.constant 24 : i32
    %eq3A_75 = arith.cmpi eq, %arg0, %eq3A_74 : i32
    %convert_element_type3A_76 = arith.extui %eq3A_75 : i1 to i32
    %cond3A_77 = arith.constant 0 : i32
    %cond3A_78 = arith.cmpi ne, %convert_element_type3A_76, %cond3A_77 : i32
    scf.if %cond3A_78 {
      %get3A_79 = arith.constant 0 : index
      %get3A_80 = arith.constant 0 : index
      %get3A_81 = vector.load %arg7[%get3A_79, %get3A_80] : memref<64x128xf32, #tpu.memory_space<vmem>>, vector<64x128xf32>
      %get3A_82 = arith.constant 0 : index
      %get3A_83 = arith.constant 0 : index
      %get3A_84 = vector.load %arg8[%get3A_82, %get3A_83] : memref<64x128xf32, #tpu.memory_space<vmem>>, vector<64x128xf32>
      %max3A_85 = arith.constant 1.000000e+00 : f32
      %max3A_86 = vector.broadcast %max3A_85 : f32 to vector<64x128xf32>
      %max3A_87 = arith.maximumf %get3A_84, %max3A_86 : vector<64x128xf32>
      %div3A = arith.divf %get3A_81, %max3A_87 : vector<64x128xf32>
      %swap3A_88 = arith.constant 0 : index
      %swap3A_89 = arith.constant 0 : index
      %swap3A_90 = vector.load %arg6[%swap3A_88, %swap3A_89] : memref<64x128xf32, #tpu.memory_space<vmem>>, vector<64x128xf32>
      tpu.vector_store %arg6[%swap3A_88, %swap3A_89], %div3A {strides = array<i32>} : memref<64x128xf32, #tpu.memory_space<vmem>>, vector<64x128xf32>,
    } else {
    }
    return
  }
  func.func @transform_0(%arg0: i32) -> (i32, i32, i32) {
    %c0_i32 = arith.constant 0 : i32
    %c0_i32_0 = arith.constant 0 : i32
    %c0_i32_1 = arith.constant 0 : i32
    %c0_i32_2 = arith.constant 0 : i32
    return %c0_i32, %c0_i32_0, %c0_i32_1 : i32, i32, i32
  }
  func.func @transform_1(%arg0: i32) -> (i32, i32, i32) {
    %c0_i32 = arith.constant 0 : i32
    %c0_i32_0 = arith.constant 0 : i32
    %c0_i32_1 = arith.constant 0 : i32
    return %c0_i32, %arg0, %c0_i32_0 : i32, i32, i32
  }
  func.func @transform_2(%arg0: i32) -> (i32, i32, i32) {
    %c0_i32 = arith.constant 0 : i32
    %c0_i32_0 = arith.constant 0 : i32
    %c0_i32_1 = arith.constant 0 : i32
    return %c0_i32, %arg0, %c0_i32_0 : i32, i32, i32
  }
  func.func @transform_3(%arg0: i32) -> (i32, i32) {
    %c0_i32 = arith.constant 0 : i32
    %c0_i32_0 = arith.constant 0 : i32
    %c0_i32_1 = arith.constant 0 : i32
    return %c0_i32, %c0_i32_0 : i32, i32
  }
  func.func @transform_4(%arg0: i32) -> (i32, i32) {
    %c0_i32 = arith.constant 0 : i32
    %c0_i32_0 = arith.constant 0 : i32
    %c0_i32_1 = arith.constant 0 : i32
    return %c0_i32, %c0_i32_0 : i32, i32
  }
  func.func @transform_5(%arg0: i32) -> (i32, i32) {
    %c0_i32 = arith.constant 0 : i32
    %c0_i32_0 = arith.constant 0 : i32
    %c0_i32_1 = arith.constant 0 : i32
    return %c0_i32, %c0_i32_0 : i32, i32
  }
}

</mosaic_0001>

<sc_bundles>
// kernel: kernel.10.cloned.1.call-start
scs
__scs_entry_jumppad:
0x0: {  	(pc) =	sbr.rel $0x88, $3  }
0x1: {  	(tag) =	ssettag $0x0;
	lr =	simm.s32 $0x1  }
0x2: {  	[smem:$0x3F98] =	sst lr;
	_ =	strace $0xD0000000  }
0x3: {  	_ = 	snop  }
0x4: {  	_ = 	snop  }
0x5: {  	_ = 	snop  }
0x6: {  	_ = 	snop  }
0x7: {  	_ = 	snop  }
__scs_overlays_trampoline_lowered:
0x8: {  	[smem:$0x3FA7] =	sst s0  }
0x9: {  	[smem:$0x3FA8] =	sst s1  }
0xa: {  	[smem:$0x3FA9] =	sst s2  }
0xb: {  	[smem:$0x3FAA] =	sst s3  }
0xc: {  	[smem:$0x3FAB] =	sst s4  }
0xd: {  	[smem:$0x3FAC] =	sst s5  }
0xe: {  	[smem:$0x3FAD] =	sst s6  }
0xf: {  	[smem:$0x3FAE] =	sst s7  }
0x10: {  	[smem:$0x3FAF] =	sst s8  }
0x11: {  	[smem:$0x3FB0] =	sst s9;
	s0 =	simm.s32 @!p0 $0x0  }
0x12: {  	s1 =	sld [smem:$0x3F96];
	s0 =	simm.s32 @p0 $0x1  }
0x13: {  	[smem:$0x3FB1] =	sst s0;
	s0 =	simm.s32 @!p1 $0x0  }
0x14: {  	s2 =	sld [smem:$0x3F95];
	s0 =	simm.s32 @p1 $0x1  }
0x15: {  	[smem:$0x3FB2] =	sst s0;
	s0 =	simm.s32 @!p2 $0x0  }
0x16: {  	s3 =	sld [smem:$0x3FDB];
	s0 =	simm.s32 @p2 $0x1  }
0x17: {  	s4 =	simm.s32 $0x1BF5;
	[smem:$0x3FB4] =	sst s0  }
0x18: {  	s0 =	sld [smem:$0x3F97];
	_ =	swait.ge [sflag:s4], $0x0  }
0x19: {  	s7 =	sld [smem:$0x3F98]  }
0x1a: {  	s8 =	sadd.s32 $0xFFFFE003, lr  }
0x1b: {  	s9 =	sadd.s32 $0xFFFFFEF7, lr;
	s5 =	simm.s32 $0xFFFFFFFF;
	p2 =	slt.u32 s8, $0xFFFFF086  }
0x1c: {  	p1 =	slt.u32 s9, $0xF7A;
	s5 =	simm.s32 @!p2 $0x0  }
0x1d: {  	s5 =	simm.s32 @p1 $0x1;
	p0 =	seq.s32 s7, s2  }
0x1e: {  	s7 =	smul.u32 @!p0 $0xF7A, s2;
	p2 =	seq.s32 @!p0 s5, $0x0  }
0x1f: {  	s9 =	smul.u32 $0xF7A, s1;
	s8 =	simm.s32 @!p0 $0x1BF5;
	p2 =	por !p2, p0  }
0x20: {  	[sflag:s8] =	ssyncset.s32 @!p0 $0xFFFFF086;
	s6 =	sadd.s32 @!p0 s3, s7;
	s7 =	simm.s32 @!p0 $0x108  }
0x21: {  	s3 =	sadd.s32 s3, s9;
	s6 =	sadd.s32 @!p0 $0x88, s6;
	s7 =	simm.s32 @p2 $0x1082  }
0x22: {  	[simem:s7], [sflag:s8] =	dma.local @!p0 [hbm:s6], $0xF7A  }
0x23: {  	s9 =	sor.u32 $0xD0000000, s2;
	s6 =	simm.s32 $0x108;
	_ =	swait.ge @!p0 [sflag:s8], $0x0  }
0x24: {  	s3 =	sadd.s32 $0x88, s3;
	s6 =	simm.s32 @!p1 $0x1082;
	[sflag:s4] =	ssyncset.s32 $0xFFFFF086  }
0x25: {  	[simem:s6], [sflag:s4] =	dma.local [hbm:s3], $0xF7A  }
0x26: {  	[smem:$0x3F98] =	sst s1;
	(tag) =	ssettag s2;
	_ =	strace s9  }
0x27: {  	s1 =	sld [smem:$0x3FA8]  }
0x28: {  	s2 =	sld [smem:$0x3FA9]  }
0x29: {  	s4 =	sld [smem:$0x3FAB]  }
0x2a: {  	p0 =	seq.s32 s5, $0x0;
	s5 =	sld [smem:$0x3FAC]  }
0x2b: {  	s6 =	sld [smem:$0x3FAD]  }
0x2c: {  	s7 =	sld [smem:$0x3FAE]  }
0x2d: {  	s3 =	simm.s32 $0x108;
	s8 =	sld [smem:$0x3FAF]  }
0x2e: {  	s3 =	simm.s32 @!p0 $0x1082;
	s9 =	sld [smem:$0x3FB0]  }
0x2f: {  	lr =	sadd.s32 s0, s3;
	s0 =	sld [smem:$0x3FA7]  }
0x30: {  	s3 =	sld [smem:$0x3FAA]  }
0x31: {  	[smem:$0x3FB3] =	sst s10  }
0x32: {  	s10 =	sld [smem:$0x3FB1];
	_ =	sdelay $0x3  }
0x33: {  	p0 =	seq.s32 s10, $0x1;
	s10 =	sld [smem:$0x3FB3];
	_ =	sdelay $0x3  }
0x34: {  	[smem:$0x3FB3] =	sst s10  }
0x35: {  	s10 =	sld [smem:$0x3FB2];
	_ =	sdelay $0x3  }
0x36: {  	p1 =	seq.s32 s10, $0x1;
	s10 =	sld [smem:$0x3FB3];
	_ =	sdelay $0x3  }
0x37: {  	[smem:$0x3FB3] =	sst s10  }
0x38: {  	s10 =	sld [smem:$0x3FB4]  }
0x39: {  	_ = 	snop;
	(pc) =	sbr.ind lr, $3  }
0x3a: {  	_ = 	snop  }
0x3b: {  	_ = 	snop  }
0x3c: {  	p2 =	seq.s32 s10, $0x1;
	s10 =	sld [smem:$0x3FB3]  }
0x3d: {  	_ =	shalt  }
0x3e: {  	_ =	shalt  }
0x3f: {  	_ =	shalt  }
0x40: {  	_ =	shalt  }
0x41: {  	_ =	shalt  }
0x42: {  	_ =	shalt  }
0x43: {  	_ =	shalt  }
0x44: {  	_ =	shalt  }
0x45: {  	_ =	shalt  }
0x46: {  	_ =	shalt  }
0x47: {  	_ =	shalt  }
0x48: {  	_ =	shalt  }
0x49: {  	_ =	shalt  }
0x4a: {  	_ =	shalt  }
0x4b: {  	_ =	shalt  }
0x4c: {  	_ =	shalt  }
0x4d: {  	_ =	shalt  }
0x4e: {  	_ =	shalt  }
0x4f: {  	_ =	shalt  }
0x50: {  	_ =	shalt  }
0x51: {  	_ =	shalt  }
0x52: {  	_ =	shalt  }
0x53: {  	_ =	shalt  }
0x54: {  	_ =	shalt  }
0x55: {  	_ =	shalt  }
0x56: {  	_ =	shalt  }
0x57: {  	_ =	shalt  }
0x58: {  	_ =	shalt  }
0x59: {  	_ =	shalt  }
0x5a: {  	_ =	shalt  }
0x5b: {  	_ =	shalt  }
0x5c: {  	_ =	shalt  }
0x5d: {  	_ =	shalt  }
0x5e: {  	_ =	shalt  }
0x5f: {  	_ =	shalt  }
0x60: {  	_ =	shalt  }
0x61: {  	_ =	shalt  }
0x62: {  	_ =	shalt  }
0x63: {  	_ =	shalt  }
0x64: {  	_ =	shalt  }
0x65: {  	_ =	shalt  }
0x66: {  	_ =	shalt  }
0x67: {  	_ =	shalt  }
0x68: {  	_ =	shalt  }
0x69: {  	_ =	shalt  }
0x6a: {  	_ =	shalt  }
0x6b: {  	_ =	shalt  }
0x6c: {  	_ =	shalt  }
0x6d: {  	_ =	shalt  }
0x6e: {  	_ =	shalt  }
0x6f: {  	_ =	shalt  }
0x70: {  	_ =	shalt  }
0x71: {  	_ =	shalt  }
0x72: {  	_ =	shalt  }
0x73: {  	_ =	shalt  }
0x74: {  	_ =	shalt  }
0x75: {  	_ =	shalt  }
0x76: {  	_ =	shalt  }
0x77: {  	_ =	shalt  }
0x78: {  	_ =	shalt  }
0x79: {  	_ =	shalt  }
0x7a: {  	_ =	shalt  }
0x7b: {  	_ =	shalt  }
0x7c: {  	_ =	shalt  }
0x7d: {  	_ =	shalt  }
0x7e: {  	_ =	shalt  }
0x7f: {  	_ =	shalt  }
0x80: {  	_ =	shalt  }
0x81: {  	_ =	shalt  }
0x82: {  	_ =	shalt  }
0x83: {  	_ =	shalt  }
0x84: {  	_ =	shalt  }
0x85: {  	_ =	shalt  }
0x86: {  	_ =	shalt  }
0x87: {  	_ =	shalt  }
.Lfunc_end0:
.L_simem_size_0:
called_computation_lowered:
.L_overlay_start_0:
0x88: {  	s2 =	sld [smem:$0x3FD9]  }
0x89: {  	s3 =	sld [smem:$0x3FFE];
	_ =	sdelay $0x1  }
0x8a: {  	s1 =	srdreg.scid  }
0x8b: {  	s0 =	sand.u32 $0x1, s1  }
0x8c: {  	s16 =	sshll.u32 s0, $0xA;
	s2 =	sadd.s32 s3, s2  }
0x8d: {  	s2 =	sadd.s32 s2, s16  }
0x8e: {  	[smem:$0x3FBF] =	sst s2  }
0x8f: {  	_ = 	snop  }
0x90: {  	(tm) =	ssettm $0x1  }
0x91: {  	s17 =	sld [smem:$0x3FFB];
	_ =	sdelay $0x3  }
0x92: {  	_ =	strace s17  }
0x93: {  	s2 =	sld [smem:$0x3FFC];
	_ =	sdelay $0x3  }
0x94: {  	_ =	strace s2  }
0x95: {  	s2 =	sld [smem:$0x3FFD];
	_ =	sdelay $0x3  }
0x96: {  	_ =	strace s2  }
0x97: {  	_ =	strace $0x8FFFFFFF  }
0x98: {  	s18 =	sld [smem:$0x3FDB];
	_ =	sdelay $0x1  }
0x99: {  	s19 =	simm.s32 $_scs_section_size  }
0x9a: {  	s4 =	simm.s32 $_size__tile_overlayer_lowered;
	s5 =	simm.s32 $_tile_overlayer_lowered  }
0x9b: {  	s22 =	simm.s32 $0x1BFF;
	s21 =	sshll.u32 s5, $0x1;
	s2 =	sadd.s32 s19, s18  }
0x9c: {  	s6 =	simm.s32 $0x0;
	s20 =	sshll.u32 s4, $0x1;
	s4 =	sadd.s32 s21, s2  }
0x9d: {  	[timem:s6], [sflag:s22] =	dma.local [hbm:s4], s20  }
0x9e: {  	_ =	swait.ge [sflag:s22], s20  }
0x9f: {  	s3 =	ssub.s32 $0x0, s20;
	[sflag:s22] =	ssyncset.done $0x0  }
0xa0: {  	[sflag:s22] =	ssyncadd.s32 s3;
	_ =	sdelay $0x1  }
0xa1: {  	s23 =	simm.s32 $0x1B8B  }
0xa2: {  	_ =	swait.ge [sflag:s23], $0x1  }
0xa3: {  	[sflag:s23] =	ssyncset.done $0x0  }
0xa4: {  	s25 =	simm.s32 $0x1B8E;
	s24 =	sld [smem:$0x3FFE];
	[sflag:s23] =	ssyncadd.s32 $0xFFFFFFFF  }
0xa5: {  	s26 =	simm.s32 $execute0_lowered;
	[smem:$0x3FD2] =	sst s25  }
0xa6: {  	s4 =	sshll.u32 s26, $0x1;
	_ =	strace $0x80000046;
	[dreg:$0x1] =	wrdreg $0xFFFFFFFF  }
0xa7: {  	s28 =	simm.s32 $_size_execute0_lowered;
	s2 =	sadd.s32 s2, s4;
	[dreg:$0x0] =	wrdreg $0x0  }
0xa8: {  	s4 =	sshll.u32 s28, $0x1;
	[dreg:$0x2] =	wrdreg s2  }
0xa9: {  	[dreg:$0x3] =	wrdreg s4  }
0xaa: {  	[dreg:$0x4] =	wrdreg $0xC0  }
0xab: {  	_ =	task [dreg:s6], $0x5FFFF  }
0xac: {  	[dreg:$0x1] =	wrdreg $0xFFFFFFFF  }
0xad: {  	[dreg:$0x0] =	wrdreg $0x60  }
0xae: {  	[dreg:$0x2] =	wrdreg s24  }
0xaf: {  	[dreg:$0x3] =	wrdreg $0x53200  }
0xb0: {  	[dreg:$0x4] =	wrdreg $0x9  }
0xb1: {  	_ =	task.clear_ibuf [dreg:s6], $0x5FFFF;
	_ =	strace $0x90000046  }
0xb2: {  	s29 =	simm.s32 $0x9;
	_ =	strace $0x80000048  }
0xb3: {  	_ =	swait.ge [sflag:s29], $0x1  }
0xb4: {  	[sflag:s29] =	ssyncadd.s32 $0xFFFFFFFF  }
0xb5: {  	_ =	strace $0x90000048  }
0xb6: {  	_ =	sfence  }
0xb7: {  	s30 =	sld [smem:$0x0];
	_ =	sdelay $0x2  }
0xb8: {  	s31 =	sshll.u32 s1, $0xD;
	s1 =	sshrl.u32 s1, $0x2  }
0xb9: {  	s3 =	sand.u32 $0x4000, s31;
	s1 =	sadd.s32 s1, s30  }
0xba: {  	s0 =	sor.u32 s3, s0;
	s1 =	sshll.u32 s1, $0x11  }
0xbb: {  	s0 =	sor.u32 s1, s0  }
0xbc: {  	s0 =	sadd.s32 $0x8F2B, s0  }
0xbd: {  	[sflag:s0] =	ssyncadd.remote.s32 $0x1  }
0xbe: {  	_ =	sfence.sel $0xFFFF  }
0xbf: {  	[dreg:$0x0] =	wrdreg $0xFFFFFFFF;
	(pc) =	sbr.abs _section_cstart, $3  }
0xc0: {  	[dreg:$0x1] =	wrdreg $0xFFFFFFFF  }
0xc1: {  	_ =	task.clear_ibuf [dreg:s6], $0x2FFFF;
	_ =	strace $0x9FFFFFFF  }
0xc2: {  	(tm) =	ssettm $0x7FFFFFFF  }
0xc3: {  	_ =	shalt  }
tec
execute0_lowered:
.L_overlay_start_1:
0x0: {  	(tag) =	ssettag $0x1  }
0x1: {  	s4 =	rddreg [dreg:$0x0]  }
0x2: {  	s2 =	rddreg [dreg:$0x1];
	s1 =	srdreg.scid  }
0x3: {  	s0 =	rddreg [dreg:$0x2];
	s3 =	simm.s32 $0x0;
	s10 =	simm.s32 $0x1  }
0x4: {  	s11 =	simm.s32 $0x50;
	s12 =	simm.s32 $0x2710;
	s5 =	sand.u32 $0x1, s1  }
0x5: {  	s15 =	simm.s32 $0x0;
	s1 =	stileid.u32;
	s6 =	smul.u32 $0x27100, s5  }
0x6: {  	[smem:$0x7FF] =	sst s3;
	s7 =	sshll.u32 s5, $0x4;
	s8 =	smul.u32 $0x2710, s1  }
0x7: {  	_ =	strace $0x80000047;
	s5 =	ssub.s32 $0x2, s5;
	s29 =	smul.u32 $0x9C40, s1  }
0x8: {  	s13 =	sshll.u32 s1, $0x6;
	s7 =	sor.u32 s1, s7;
	s30 =	sshrl.u32 s5, $0x1  }
0x9: {  	s13 =	sor.u32 $0x1C02, s13;
	s7 =	smul.u32 $0x4E2, s7;
	s6 =	sadd.s32 s8, s6  }
0xa: {  	s9 =	ssub.s32 s5, s30;
	s31 =	sshrl.u32 s29, $0x2;
	s8 =	simm.s32 $0x2C10  }
0xb: {  	s6 =	sshrl.u32 s6, $0x3;
	s5 =	sadd.s32 s31, s2;
	s7 =	sadd.s32 s7, s4  }
0xc: {  	s6 =	sadd.s32 s6, s4;
	s14 =	sshrl.u32 s5, $0x3;
	s4 =	sadd.s32 $0x3200, s7  }
0xd: {  	v0 =	vimm.f32 $1.000000000e+00;
	v1 =	vimm.f32 $0.0e+00;
	s6 =	sadd.s32 $0xD000, s6;
	s7 =	smax.u32 s9, $0x1;
	s9 =	simm.s32 $0x2  }
.LBB2_1:
0xe: {  	[tilespmem:s3], [sflag:$0x1] =	stream.linear.gather [hbm4b:s4+s3], $0x2710, $0x38;
	[tilespmem:$0x7A30] =	vst v63  }
0xf: {  	s16 =	simm.s32 $0x0  }
.LBB2_2:
0x10: {  	p0 =	sne.s32 s16, $0x13C0  }
.Ltmp0:
0x11: {  	_ = 	snop;
	(pc) =	sbr.rel @p0 .LBB2_2-.Ltmp0, $3  }
0x12: {  	_ =	sdelay $0x1  }
0x13: {  	s17 =	sshra.s32 s16, $0x2  }
0x14: {  	s16 =	sadd.s32 $0x40, s16;
	[tilespmem:s17+$0x2710] =	vst v0  }
0x15: {  	s16 =	simm.s32 $0x40;
	s17 =	simm.s32 $0x0  }
.LBB2_4:
0x16: {  	p0 =	sne.s32 s16, $0x9C00;
	[tilespmem:s17+$0x2C10] =	vst v1;
	s17 =	smov.u32 s16;
	s16 =	sadd.s32 $0x40, s16  }
.Ltmp1:
0x17: {  	(pc) =	sbr.rel @p0 .LBB2_4-.Ltmp1, $2  }
0x18: {  	_ =	sdelay $0x2  }
0x19: {  	s17 =	sshra.s32 s17, $0x2  }
0x1a: {  	[tilespmem:s17+$0x2C10] =	vst v1  }
0x1b: {  	[spmem:s5] =	stream.linear.scatter [tilespmem:s8], [sflag:$0x2], $0x2710, $0x38;
	[tilespmem:$0x7A30] =	vst v63  }
0x1c: {  	_ =	swait.ge [sflag:s9], $0x2710  }
0x1d: {  	[sflag:s9] =	ssyncset.done $0x0  }
0x1e: {  	[sflag:s9] =	ssyncadd.s32 $0xFFFFD8F0  }
0x1f: {  	_ =	swait.ge [sflag:s10], $0x2710  }
0x20: {  	[sflag:s10] =	ssyncset.done $0x0  }
0x21: {  	[sflag:s10] =	ssyncadd.s32 $0xFFFFD8F0  }
0x22: {  	s16 =	simm.s32 $0x0;
	[bflag:$0x0] =	sbarrier.arrive $0xFFFF  }
.LBB2_6:
0x23: {  	p0 =	sne.s32 s16, $0x9B00  }
.Ltmp2:
0x24: {  	_ = 	snop;
	(pc) =	sbr.rel @p0 .LBB2_6-.Ltmp2, $3  }
0x25: {  	_ =	sdelay $0x1  }
0x26: {  	s17 =	sshra.s32 s16, $0x2;
	s16 =	sadd.s32 $0x140, s16  }
0x27: {  	[spmem:s2] =	stream.indirect.scatter.add.f32 [tilespmem:s12], [sflag:$0x1], $0x10, s17, s11, $0xb8;
	[tilespmem:$0x7A30] =	vst v63  }
0x28: {  	_ =	swait.ge [sflag:s10], $0x500  }
0x29: {  	s16 =	simm.s32 $0x7C;
	[sflag:s10] =	ssyncset.done $0x0  }
.LBB2_8:
0x2a: {  	p0 =	sne.s32 s16, $0x1;
	s16 =	sadd.s32 $0xFFFFFFFF, s16;
	[sflag:s10] =	ssyncadd.s32 $0xFFFFFB00  }
.Ltmp3:
0x2b: {  	(pc) =	sbr.rel @p0 .LBB2_8-.Ltmp3, $3  }
0x2c: {  	_ =	sdelay $0x1  }
0x2d: {  	_ =	swait.ge [sflag:s10], $0x500  }
0x2e: {  	[sflag:s10] =	ssyncset.done $0x0  }
0x2f: {  	s15 =	sadd.s32 $0x1, s15  }
0x30: {  	[sflag:s10] =	ssyncadd.s32 $0xFFFFFB00;
	p0 =	sne.s32 s15, s7  }
.Ltmp4:
0x31: {  	[bflag:$0x0] =	sbarrier.arrive $0xFFFF;
	(pc) =	sbr.rel @p0 .LBB2_1-.Ltmp4, $4  }
0x32: {  	[hbm:s6], [sflag:s13] =	dma.local [spmem:s14], $0x4E2  }
0x33: {  	_ =	swait.ge [sflag:s9], $0x4E2  }
0x34: {  	[sflag:s9] =	ssyncset.done $0x0  }
0x35: {  	[sflag:s9] =	ssyncadd.s32 $0xFFFFFB1E  }
0x36: {  	_ =	sfence.sel $0x180000  }
0x37: {  	[bflag:$0x0] =	sbarrier.arrive $0xFFFF  }
0x38: {  	p0 =	sne.s32 s1, $0x0;
	_ =	strace $0x90000047  }
0x39: {  	s0 =	sadd.s32 @!p0 $0x100000, s0;
	[bflag:$0x2] =	sbarrier.arrive $0xFFFF  }
0x3a: {  	[sflag:s0] =	ssyncadd.tile.s32 @!p0 $0x1;
	_ =	shalt  }
.Lfunc_end2:
_tile_overlayer_lowered:
.L_overlay_start_2:
0x3b: {  	(tag) =	ssettag $0x2  }
0x3c: {  	s0 =	rddreg [dreg:$0x0];
	s2 =	stileid.u32  }
0x3d: {  	s1 =	rddreg [dreg:$0x1];
	p0 =	sne.s32 s2, $0x0  }
0x3e: {  	s3 =	rddreg [dreg:$0x2];
	[bflag:$0x3] =	sbarrier.arrive $0xFFFF;
	s2 =	simm.s32 @!p0 $0x1C02  }
0x3f: {  	[timem:s3], [sflag:s2] =	dma.local @!p0 [hbm:s0], s1  }
0x40: {  	s0 =	simm.s32 @!p0 $0x2  }
0x41: {  	_ =	swait.ge @!p0 [sflag:s0], s1  }
0x42: {  	s1 =	ssub.s32 @!p0 $0x0, s1;
	[sflag:s0] =	ssyncset.done @!p0 $0x0  }
0x43: {  	[sflag:s0] =	ssyncadd.s32 @!p0 s1  }
0x44: {  	[bflag:$0x3] =	sbarrier.arrive $0xFFFF  }
0x45: {  	_ =	shalt  }

// kernel: kernel.13.cloned.1.call-start
scs
__scs_entry_jumppad:
0x0: {  	(pc) =	sbr.rel $0x88, $3  }
0x1: {  	(tag) =	ssettag $0x0;
	lr =	simm.s32 $0x1  }
0x2: {  	[smem:$0x3F98] =	sst lr;
	_ =	strace $0xD0000000  }
0x3: {  	_ = 	snop  }
0x4: {  	_ = 	snop  }
0x5: {  	_ = 	snop  }
0x6: {  	_ = 	snop  }
0x7: {  	_ = 	snop  }
__scs_overlays_trampoline_lowered:
0x8: {  	[smem:$0x3FA7] =	sst s0  }
0x9: {  	[smem:$0x3FA8] =	sst s1  }
0xa: {  	[smem:$0x3FA9] =	sst s2  }
0xb: {  	[smem:$0x3FAA] =	sst s3  }
0xc: {  	[smem:$0x3FAB] =	sst s4  }
0xd: {  	[smem:$0x3FAC] =	sst s5  }
0xe: {  	[smem:$0x3FAD] =	sst s6  }
0xf: {  	[smem:$0x3FAE] =	sst s7  }
0x10: {  	[smem:$0x3FAF] =	sst s8  }
0x11: {  	[smem:$0x3FB0] =	sst s9;
	s0 =	simm.s32 @!p0 $0x0  }
0x12: {  	s1 =	sld [smem:$0x3F96];
	s0 =	simm.s32 @p0 $0x1  }
0x13: {  	[smem:$0x3FB1] =	sst s0;
	s0 =	simm.s32 @!p1 $0x0  }
0x14: {  	s2 =	sld [smem:$0x3F95];
	s0 =	simm.s32 @p1 $0x1  }
0x15: {  	[smem:$0x3FB2] =	sst s0;
	s0 =	simm.s32 @!p2 $0x0  }
0x16: {  	s3 =	sld [smem:$0x3FDB];
	s0 =	simm.s32 @p2 $0x1  }
0x17: {  	s4 =	simm.s32 $0x1BF5;
	[smem:$0x3FB4] =	sst s0  }
0x18: {  	s0 =	sld [smem:$0x3F97];
	_ =	swait.ge [sflag:s4], $0x0  }
0x19: {  	s7 =	sld [smem:$0x3F98]  }
0x1a: {  	s8 =	sadd.s32 $0xFFFFE003, lr  }
0x1b: {  	s9 =	sadd.s32 $0xFFFFFEF7, lr;
	s5 =	simm.s32 $0xFFFFFFFF;
	p2 =	slt.u32 s8, $0xFFFFF086  }
0x1c: {  	p1 =	slt.u32 s9, $0xF7A;
	s5 =	simm.s32 @!p2 $0x0  }
0x1d: {  	s5 =	simm.s32 @p1 $0x1;
	p0 =	seq.s32 s7, s2  }
0x1e: {  	s7 =	smul.u32 @!p0 $0xF7A, s2;
	p2 =	seq.s32 @!p0 s5, $0x0  }
0x1f: {  	s9 =	smul.u32 $0xF7A, s1;
	s8 =	simm.s32 @!p0 $0x1BF5;
	p2 =	por !p2, p0  }
0x20: {  	[sflag:s8] =	ssyncset.s32 @!p0 $0xFFFFF086;
	s6 =	sadd.s32 @!p0 s3, s7;
	s7 =	simm.s32 @!p0 $0x108  }
0x21: {  	s3 =	sadd.s32 s3, s9;
	s6 =	sadd.s32 @!p0 $0x88, s6;
	s7 =	simm.s32 @p2 $0x1082  }
0x22: {  	[simem:s7], [sflag:s8] =	dma.local @!p0 [hbm:s6], $0xF7A  }
0x23: {  	s9 =	sor.u32 $0xD0000000, s2;
	s6 =	simm.s32 $0x108;
	_ =	swait.ge @!p0 [sflag:s8], $0x0  }
0x24: {  	s3 =	sadd.s32 $0x88, s3;
	s6 =	simm.s32 @!p1 $0x1082;
	[sflag:s4] =	ssyncset.s32 $0xFFFFF086  }
0x25: {  	[simem:s6], [sflag:s4] =	dma.local [hbm:s3], $0xF7A  }
0x26: {  	[smem:$0x3F98] =	sst s1;
	(tag) =	ssettag s2;
	_ =	strace s9  }
0x27: {  	s1 =	sld [smem:$0x3FA8]  }
0x28: {  	s2 =	sld [smem:$0x3FA9]  }
0x29: {  	s4 =	sld [smem:$0x3FAB]  }
0x2a: {  	p0 =	seq.s32 s5, $0x0;
	s5 =	sld [smem:$0x3FAC]  }
0x2b: {  	s6 =	sld [smem:$0x3FAD]  }
0x2c: {  	s7 =	sld [smem:$0x3FAE]  }
0x2d: {  	s3 =	simm.s32 $0x108;
	s8 =	sld [smem:$0x3FAF]  }
0x2e: {  	s3 =	simm.s32 @!p0 $0x1082;
	s9 =	sld [smem:$0x3FB0]  }
0x2f: {  	lr =	sadd.s32 s0, s3;
	s0 =	sld [smem:$0x3FA7]  }
0x30: {  	s3 =	sld [smem:$0x3FAA]  }
0x31: {  	[smem:$0x3FB3] =	sst s10  }
0x32: {  	s10 =	sld [smem:$0x3FB1];
	_ =	sdelay $0x3  }
0x33: {  	p0 =	seq.s32 s10, $0x1;
	s10 =	sld [smem:$0x3FB3];
	_ =	sdelay $0x3  }
0x34: {  	[smem:$0x3FB3] =	sst s10  }
0x35: {  	s10 =	sld [smem:$0x3FB2];
	_ =	sdelay $0x3  }
0x36: {  	p1 =	seq.s32 s10, $0x1;
	s10 =	sld [smem:$0x3FB3];
	_ =	sdelay $0x3  }
0x37: {  	[smem:$0x3FB3] =	sst s10  }
0x38: {  	s10 =	sld [smem:$0x3FB4]  }
0x39: {  	_ = 	snop;
	(pc) =	sbr.ind lr, $3  }
0x3a: {  	_ = 	snop  }
0x3b: {  	_ = 	snop  }
0x3c: {  	p2 =	seq.s32 s10, $0x1;
	s10 =	sld [smem:$0x3FB3]  }
0x3d: {  	_ =	shalt  }
0x3e: {  	_ =	shalt  }
0x3f: {  	_ =	shalt  }
0x40: {  	_ =	shalt  }
0x41: {  	_ =	shalt  }
0x42: {  	_ =	shalt  }
0x43: {  	_ =	shalt  }
0x44: {  	_ =	shalt  }
0x45: {  	_ =	shalt  }
0x46: {  	_ =	shalt  }
0x47: {  	_ =	shalt  }
0x48: {  	_ =	shalt  }
0x49: {  	_ =	shalt  }
0x4a: {  	_ =	shalt  }
0x4b: {  	_ =	shalt  }
0x4c: {  	_ =	shalt  }
0x4d: {  	_ =	shalt  }
0x4e: {  	_ =	shalt  }
0x4f: {  	_ =	shalt  }
0x50: {  	_ =	shalt  }
0x51: {  	_ =	shalt  }
0x52: {  	_ =	shalt  }
0x53: {  	_ =	shalt  }
0x54: {  	_ =	shalt  }
0x55: {  	_ =	shalt  }
0x56: {  	_ =	shalt  }
0x57: {  	_ =	shalt  }
0x58: {  	_ =	shalt  }
0x59: {  	_ =	shalt  }
0x5a: {  	_ =	shalt  }
0x5b: {  	_ =	shalt  }
0x5c: {  	_ =	shalt  }
0x5d: {  	_ =	shalt  }
0x5e: {  	_ =	shalt  }
0x5f: {  	_ =	shalt  }
0x60: {  	_ =	shalt  }
0x61: {  	_ =	shalt  }
0x62: {  	_ =	shalt  }
0x63: {  	_ =	shalt  }
0x64: {  	_ =	shalt  }
0x65: {  	_ =	shalt  }
0x66: {  	_ =	shalt  }
0x67: {  	_ =	shalt  }
0x68: {  	_ =	shalt  }
0x69: {  	_ =	shalt  }
0x6a: {  	_ =	shalt  }
0x6b: {  	_ =	shalt  }
0x6c: {  	_ =	shalt  }
0x6d: {  	_ =	shalt  }
0x6e: {  	_ =	shalt  }
0x6f: {  	_ =	shalt  }
0x70: {  	_ =	shalt  }
0x71: {  	_ =	shalt  }
0x72: {  	_ =	shalt  }
0x73: {  	_ =	shalt  }
0x74: {  	_ =	shalt  }
0x75: {  	_ =	shalt  }
0x76: {  	_ =	shalt  }
0x77: {  	_ =	shalt  }
0x78: {  	_ =	shalt  }
0x79: {  	_ =	shalt  }
0x7a: {  	_ =	shalt  }
0x7b: {  	_ =	shalt  }
0x7c: {  	_ =	shalt  }
0x7d: {  	_ =	shalt  }
0x7e: {  	_ =	shalt  }
0x7f: {  	_ =	shalt  }
0x80: {  	_ =	shalt  }
0x81: {  	_ =	shalt  }
0x82: {  	_ =	shalt  }
0x83: {  	_ =	shalt  }
0x84: {  	_ =	shalt  }
0x85: {  	_ =	shalt  }
0x86: {  	_ =	shalt  }
0x87: {  	_ =	shalt  }
.Lfunc_end0:
.L_simem_size_0:
called_computation.1_lowered:
.L_overlay_start_0:
0x88: {  	s2 =	sld [smem:$0x3FD9]  }
0x89: {  	s3 =	sld [smem:$0x3FFE];
	_ =	sdelay $0x1  }
0x8a: {  	s1 =	srdreg.scid  }
0x8b: {  	s0 =	sand.u32 $0x1, s1  }
0x8c: {  	s16 =	sshll.u32 s0, $0xA;
	s2 =	sadd.s32 s3, s2  }
0x8d: {  	s2 =	sadd.s32 s2, s16  }
0x8e: {  	[smem:$0x3FBF] =	sst s2  }
0x8f: {  	_ = 	snop  }
0x90: {  	(tm) =	ssettm $0x1  }
0x91: {  	s17 =	sld [smem:$0x3FFB];
	_ =	sdelay $0x3  }
0x92: {  	_ =	strace s17  }
0x93: {  	s2 =	sld [smem:$0x3FFC];
	_ =	sdelay $0x3  }
0x94: {  	_ =	strace s2  }
0x95: {  	s2 =	sld [smem:$0x3FFD];
	_ =	sdelay $0x3  }
0x96: {  	_ =	strace s2  }
0x97: {  	_ =	strace $0x8FFFFFFF  }
0x98: {  	s18 =	sld [smem:$0x3FDB];
	_ =	sdelay $0x1  }
0x99: {  	s19 =	simm.s32 $_scs_section_size  }
0x9a: {  	s4 =	simm.s32 $_size__tile_overlayer_lowered;
	s5 =	simm.s32 $_tile_overlayer_lowered  }
0x9b: {  	s22 =	simm.s32 $0x1BFF;
	s21 =	sshll.u32 s5, $0x1;
	s2 =	sadd.s32 s19, s18  }
0x9c: {  	s6 =	simm.s32 $0x0;
	s20 =	sshll.u32 s4, $0x1;
	s4 =	sadd.s32 s21, s2  }
0x9d: {  	[timem:s6], [sflag:s22] =	dma.local [hbm:s4], s20  }
0x9e: {  	_ =	swait.ge [sflag:s22], s20  }
0x9f: {  	s3 =	ssub.s32 $0x0, s20;
	[sflag:s22] =	ssyncset.done $0x0  }
0xa0: {  	[sflag:s22] =	ssyncadd.s32 s3;
	_ =	sdelay $0x1  }
0xa1: {  	s23 =	simm.s32 $0x1B8B  }
0xa2: {  	_ =	swait.ge [sflag:s23], $0x1  }
0xa3: {  	[sflag:s23] =	ssyncset.done $0x0  }
0xa4: {  	s25 =	simm.s32 $0x1B8E;
	s24 =	sld [smem:$0x3FFE];
	[sflag:s23] =	ssyncadd.s32 $0xFFFFFFFF  }
0xa5: {  	s26 =	simm.s32 $execute0_lowered;
	[smem:$0x3FD2] =	sst s25  }
0xa6: {  	s4 =	sshll.u32 s26, $0x1;
	_ =	strace $0x80000049;
	[dreg:$0x1] =	wrdreg $0xFFFFFFFF  }
0xa7: {  	s28 =	simm.s32 $_size_execute0_lowered;
	s2 =	sadd.s32 s2, s4;
	[dreg:$0x0] =	wrdreg $0x0  }
0xa8: {  	s4 =	sshll.u32 s28, $0x1;
	[dreg:$0x2] =	wrdreg s2  }
0xa9: {  	[dreg:$0x3] =	wrdreg s4  }
0xaa: {  	[dreg:$0x4] =	wrdreg $0xC0  }
0xab: {  	_ =	task [dreg:s6], $0x5FFFF  }
0xac: {  	[dreg:$0x1] =	wrdreg $0xFFFFFFFF  }
0xad: {  	[dreg:$0x0] =	wrdreg $0x60  }
0xae: {  	[dreg:$0x2] =	wrdreg s24  }
0xaf: {  	[dreg:$0x3] =	wrdreg $0x15B800  }
0xb0: {  	[dreg:$0x4] =	wrdreg $0x9  }
0xb1: {  	_ =	task.clear_ibuf [dreg:s6], $0x5FFFF;
	_ =	strace $0x90000049  }
0xb2: {  	s29 =	simm.s32 $0x9;
	_ =	strace $0x8000004B  }
0xb3: {  	_ =	swait.ge [sflag:s29], $0x1  }
0xb4: {  	[sflag:s29] =	ssyncadd.s32 $0xFFFFFFFF  }
0xb5: {  	_ =	strace $0x9000004B  }
0xb6: {  	_ =	sfence  }
0xb7: {  	s30 =	sld [smem:$0x0];
	_ =	sdelay $0x2  }
0xb8: {  	s31 =	sshll.u32 s1, $0xD;
	s1 =	sshrl.u32 s1, $0x2  }
0xb9: {  	s3 =	sand.u32 $0x4000, s31;
	s1 =	sadd.s32 s1, s30  }
0xba: {  	s0 =	sor.u32 s3, s0;
	s1 =	sshll.u32 s1, $0x11  }
0xbb: {  	s0 =	sor.u32 s1, s0  }
0xbc: {  	s0 =	sadd.s32 $0x8F2B, s0  }
0xbd: {  	[sflag:s0] =	ssyncadd.remote.s32 $0x1  }
0xbe: {  	_ =	sfence.sel $0xFFFF  }
0xbf: {  	[dreg:$0x0] =	wrdreg $0xFFFFFFFF;
	(pc) =	sbr.abs _section_cstart, $3  }
0xc0: {  	[dreg:$0x1] =	wrdreg $0xFFFFFFFF  }
0xc1: {  	_ =	task.clear_ibuf [dreg:s6], $0x2FFFF;
	_ =	strace $0x9FFFFFFF  }
0xc2: {  	(tm) =	ssettm $0x7FFFFFFF  }
0xc3: {  	_ =	shalt  }
tec
execute0_lowered:
.L_overlay_start_1:
0x0: {  	(tag) =	ssettag $0x1  }
0x1: {  	s0 =	rddreg [dreg:$0x0]  }
0x2: {  	s1 =	srdreg.scid;
	s2 =	rddreg [dreg:$0x1]  }
0x3: {  	s8 =	stileid.u32;
	s3 =	simm.s32 $0x0;
	s15 =	simm.s32 $0x13C40  }
0x4: {  	s16 =	simm.s32 $0x6;
	s17 =	simm.s32 $0x1;
	s18 =	simm.s32 $0x2  }
0x5: {  	s19 =	simm.s32 $0x7D;
	s20 =	simm.s32 $0xA000;
	s22 =	simm.s32 $0xBF40  }
0x6: {  	s29 =	simm.s32 $0x11D00;
	s30 =	simm.s32 $0x3;
	s5 =	smul.u32 $0xA00, s8  }
0x7: {  	s31 =	simm.s32 $0x4;
	s23 =	simm.s32 $0x9F00;
	s7 =	smul.u32 $0x9C40, s8  }
0x8: {  	s28 =	simm.s32 $0x0;
	s1 =	sand.u32 $0x1, s1;
	s24 =	smul.u32 $0x27100, s8  }
0x9: {  	[smem:$0x7FF] =	sst s3;
	s4 =	smul.u32 $0x9C400, s1;
	s1 =	ssub.s32 $0x2, s1  }
0xa: {  	_ =	strace $0x8000004A;
	s25 =	sadd.s32 s5, s0;
	s26 =	sshrl.u32 s1, $0x1  }
0xb: {  	s6 =	sshrl.u32 s4, $0x3;
	s4 =	sadd.s32 s7, s4;
	s1 =	ssub.s32 s1, s26  }
0xc: {  	s5 =	sadd.s32 $0x20E00, s25;
	s26 =	simm.s32 $0xFDC0;
	s11 =	sadd.s32 s6, s0  }
0xd: {  	s4 =	sshrl.u32 s4, $0x3;
	s6 =	sshrl.u32 s24, $0x2;
	s13 =	smax.u32 s1, $0x1  }
0xe: {  	s24 =	simm.s32 $0xDE80;
	s0 =	sadd.s32 s4, s0;
	s4 =	sadd.s32 s6, s2  }
0xf: {  	s6 =	sadd.s32 $0x16E00, s25;
	s11 =	sadd.s32 $0xC7200, s11;
	s25 =	simm.s32 $0x9F80  }
0x10: {  	s7 =	sadd.s32 $0x1F40, s4;
	s8 =	sadd.s32 $0x3E80, s4;
	s9 =	sadd.s32 $0x5DC0, s4  }
0x11: {  	v0 =	vimm.f32 $0.0e+00;
	s10 =	sadd.s32 $0x7D00, s4;
	s12 =	sadd.s32 $0xEE400, s0;
	s0 =	simm.s32 $0x5  }
.LBB2_1:
0x12: {  	[tilespmem:s3], [sflag:$0x1] =	stream.linear.gather [hbm4b:s5+s3], $0x5000, $0x38;
	[tilespmem:$0x1F7C0] =	vst v63  }
0x13: {  	s1 =	simm.s32 $0x5000  }
0x14: {  	[tilespmem:s1], [sflag:$0x2] =	stream.linear.gather [hbm4b:s6+s3], $0x5000, $0x38;
	[tilespmem:$0x1F7C0] =	vst v63  }
0x15: {  	s14 =	simm.s32 $0x100;
	s1 =	simm.s32 $0x0  }
.LBB2_2:
0x16: {  	p0 =	sne.s32 s14, $0x7C00;
	[tilespmem:s1+$0x13C70] =	vst v0;
	s21 =	smov.u32 s14;
	s14 =	sadd.s32 $0x100, s14  }
.Ltmp0:
0x17: {  	[tilespmem:s1+$0x13C60] =	vst v0;
	(pc) =	sbr.rel @p0 .LBB2_2-.Ltmp0, $3  }
0x18: {  	[tilespmem:s1+$0x13C40] =	vst v0  }
0x19: {  	[tilespmem:s1+$0x13C50] =	vst v0;
	_ =	sdelay $0x1  }
0x1a: {  	s1 =	sshra.s32 s21, $0x2  }
0x1b: {  	[tilespmem:s1+$0x13C70] =	vst v0  }
0x1c: {  	[tilespmem:s1+$0x13C60] =	vst v0  }
0x1d: {  	[tilespmem:s1+$0x13C40] =	vst v0  }
0x1e: {  	[tilespmem:s1+$0x13C50] =	vst v0  }
0x1f: {  	[spmem:s4] =	stream.linear.scatter [tilespmem:s15], [sflag:$0x6], $0x1F40, $0x38;
	[tilespmem:$0x1F7C0] =	vst v63  }
0x20: {  	_ =	swait.ge [sflag:s16], $0x1F40  }
0x21: {  	[sflag:s16] =	ssyncset.done $0x0  }
0x22: {  	[sflag:s16] =	ssyncadd.s32 $0xFFFFE0C0  }
0x23: {  	[spmem:s7] =	stream.linear.scatter [tilespmem:s15], [sflag:$0x6], $0x1F40, $0x38;
	[tilespmem:$0x1F7C0] =	vst v63  }
0x24: {  	_ =	swait.ge [sflag:s16], $0x1F40  }
0x25: {  	[sflag:s16] =	ssyncset.done $0x0  }
0x26: {  	[sflag:s16] =	ssyncadd.s32 $0xFFFFE0C0  }
0x27: {  	[spmem:s8] =	stream.linear.scatter [tilespmem:s15], [sflag:$0x6], $0x1F40, $0x38;
	[tilespmem:$0x1F7C0] =	vst v63  }
0x28: {  	_ =	swait.ge [sflag:s16], $0x1F40  }
0x29: {  	[sflag:s16] =	ssyncset.done $0x0  }
0x2a: {  	[sflag:s16] =	ssyncadd.s32 $0xFFFFE0C0  }
0x2b: {  	[spmem:s9] =	stream.linear.scatter [tilespmem:s15], [sflag:$0x6], $0x1F40, $0x38;
	[tilespmem:$0x1F7C0] =	vst v63  }
0x2c: {  	_ =	swait.ge [sflag:s16], $0x1F40  }
0x2d: {  	[sflag:s16] =	ssyncset.done $0x0  }
0x2e: {  	[sflag:s16] =	ssyncadd.s32 $0xFFFFE0C0  }
0x2f: {  	[spmem:s10] =	stream.linear.scatter [tilespmem:s15], [sflag:$0x6], $0x1F40, $0x38;
	[tilespmem:$0x1F7C0] =	vst v63  }
0x30: {  	_ =	swait.ge [sflag:s16], $0x1F40  }
0x31: {  	[sflag:s16] =	ssyncset.done $0x0  }
0x32: {  	[sflag:s16] =	ssyncadd.s32 $0xFFFFE0C0  }
0x33: {  	_ =	swait.ge [sflag:s17], $0x5000  }
0x34: {  	[sflag:s17] =	ssyncset.done $0x0  }
0x35: {  	[sflag:s17] =	ssyncadd.s32 $0xFFFFB000  }
0x36: {  	_ =	swait.ge [sflag:s18], $0x5000  }
0x37: {  	[sflag:s18] =	ssyncset.done $0x0  }
0x38: {  	[sflag:s18] =	ssyncadd.s32 $0xFFFFB000  }
0x39: {  	s14 =	simm.s32 $0x0;
	[bflag:$0x0] =	sbarrier.arrive $0xFFFF  }
0x3a: {  	[tilespmem:s20], [sflag:$0x1] =	stream.indirect.gather [hbm4b:s11+s19], $0x40, s14, s19, $0xb8;
	[tilespmem:$0x1F7C0] =	vst v63  }
0x3b: {  	s21 =	simm.s32 $0x80  }
0x3c: {  	[tilespmem:s22], [sflag:$0x2] =	stream.indirect.gather [hbm4b:s11+s19], $0x40, s21, s19, $0xb8;
	[tilespmem:$0x1F7C0] =	vst v63  }
0x3d: {  	s14 =	simm.s32 $0x100  }
0x3e: {  	[tilespmem:s24], [sflag:$0x3] =	stream.indirect.gather [hbm4b:s11+s19], $0x40, s14, s19, $0xb8;
	[tilespmem:$0x1F7C0] =	vst v63  }
0x3f: {  	s21 =	simm.s32 $0x180  }
0x40: {  	[tilespmem:s26], [sflag:$0x4] =	stream.indirect.gather [hbm4b:s11+s19], $0x40, s21, s19, $0xb8;
	[tilespmem:$0x1F7C0] =	vst v63  }
0x41: {  	s14 =	simm.s32 $0x200  }
0x42: {  	[tilespmem:s29], [sflag:$0x5] =	stream.indirect.gather [hbm4b:s11+s19], $0x40, s14, s19, $0xb8;
	[tilespmem:$0x1F7C0] =	vst v63  }
0x43: {  	_ =	swait.ge [sflag:s17], $0x1F40  }
0x44: {  	[sflag:s17] =	ssyncset.done $0x0  }
0x45: {  	s21 =	simm.s32 $0x5000;
	[sflag:s17] =	ssyncadd.s32 $0xFFFFE0C0  }
0x46: {  	[spmem:s2] =	stream.indirect.scatter.add.f32 [tilespmem:s20], [sflag:$0x1], $0x40, s21, s19, $0xb8;
	[tilespmem:$0x1F7C0] =	vst v63  }
0x47: {  	_ =	swait.ge [sflag:s18], $0x1F40  }
0x48: {  	[sflag:s18] =	ssyncset.done $0x0  }
0x49: {  	s14 =	simm.s32 $0x5080;
	[sflag:s18] =	ssyncadd.s32 $0xFFFFE0C0  }
0x4a: {  	[spmem:s2] =	stream.indirect.scatter.add.f32 [tilespmem:s22], [sflag:$0x2], $0x40, s14, s19, $0xb8;
	[tilespmem:$0x1F7C0] =	vst v63  }
0x4b: {  	_ =	swait.ge [sflag:s30], $0x1F40  }
0x4c: {  	[sflag:s30] =	ssyncset.done $0x0  }
0x4d: {  	s21 =	simm.s32 $0x5100;
	[sflag:s30] =	ssyncadd.s32 $0xFFFFE0C0  }
0x4e: {  	[spmem:s2] =	stream.indirect.scatter.add.f32 [tilespmem:s24], [sflag:$0x3], $0x40, s21, s19, $0xb8;
	[tilespmem:$0x1F7C0] =	vst v63  }
0x4f: {  	_ =	swait.ge [sflag:s31], $0x1F40  }
0x50: {  	[sflag:s31] =	ssyncset.done $0x0  }
0x51: {  	s14 =	simm.s32 $0x5180;
	[sflag:s31] =	ssyncadd.s32 $0xFFFFE0C0  }
0x52: {  	[spmem:s2] =	stream.indirect.scatter.add.f32 [tilespmem:s26], [sflag:$0x4], $0x40, s14, s19, $0xb8;
	[tilespmem:$0x1F7C0] =	vst v63  }
0x53: {  	_ =	swait.ge [sflag:s0], $0x1F40  }
0x54: {  	[sflag:s0] =	ssyncset.done $0x0  }
0x55: {  	s21 =	simm.s32 $0x5200;
	[sflag:s0] =	ssyncadd.s32 $0xFFFFE0C0  }
0x56: {  	[spmem:s2] =	stream.indirect.scatter.add.f32 [tilespmem:s29], [sflag:$0x5], $0x40, s21, s19, $0xb8;
	[tilespmem:$0x1F7C0] =	vst v63  }
0x57: {  	_ =	swait.ge [sflag:s17], $0x1F40  }
0x58: {  	[sflag:s17] =	ssyncset.done $0x0  }
0x59: {  	s14 =	simm.s32 $0x280;
	[sflag:s17] =	ssyncadd.s32 $0xFFFFE0C0  }
0x5a: {  	[tilespmem:s20], [sflag:$0x1] =	stream.indirect.gather [hbm4b:s11+s19], $0x40, s14, s19, $0xb8;
	[tilespmem:$0x1F7C0] =	vst v63  }
0x5b: {  	_ =	swait.ge [sflag:s18], $0x1F40  }
0x5c: {  	[sflag:s18] =	ssyncset.done $0x0  }
0x5d: {  	s21 =	simm.s32 $0x300;
	[sflag:s18] =	ssyncadd.s32 $0xFFFFE0C0  }
0x5e: {  	[tilespmem:s22], [sflag:$0x2] =	stream.indirect.gather [hbm4b:s11+s19], $0x40, s21, s19, $0xb8;
	[tilespmem:$0x1F7C0] =	vst v63  }
0x5f: {  	_ =	swait.ge [sflag:s30], $0x1F40  }
0x60: {  	[sflag:s30] =	ssyncset.done $0x0  }
0x61: {  	s14 =	simm.s32 $0x380;
	[sflag:s30] =	ssyncadd.s32 $0xFFFFE0C0  }
0x62: {  	[tilespmem:s24], [sflag:$0x3] =	stream.indirect.gather [hbm4b:s11+s19], $0x40, s14, s19, $0xb8;
	[tilespmem:$0x1F7C0] =	vst v63  }
0x63: {  	_ =	swait.ge [sflag:s31], $0x1F40  }
0x64: {  	[sflag:s31] =	ssyncset.done $0x0  }
0x65: {  	s21 =	simm.s32 $0x400;
	[sflag:s31] =	ssyncadd.s32 $0xFFFFE0C0  }
0x66: {  	[tilespmem:s26], [sflag:$0x4] =	stream.indirect.gather [hbm4b:s11+s19], $0x40, s21, s19, $0xb8;
	[tilespmem:$0x1F7C0] =	vst v63  }
0x67: {  	_ =	swait.ge [sflag:s0], $0x1F40  }
0x68: {  	[sflag:s0] =	ssyncset.done $0x0  }
0x69: {  	s1 =	simm.s32 $0x480;
	s14 =	simm.s32 $0xA00;
	[sflag:s0] =	ssyncadd.s32 $0xFFFFE0C0  }
.LBB2_4:
0x6a: {  	[tilespmem:s29], [sflag:$0x5] =	stream.indirect.gather [hbm4b:s11+s19], $0x40, s1, s19, $0xb8;
	[tilespmem:$0x1F7C0] =	vst v63  }
0x6b: {  	s1 =	smov.u32 s14  }
0x6c: {  	p0 =	sne.s32 s14, $0x12C00;
	s14 =	sadd.s32 $0xA00, s14;
	_ =	swait.ge [sflag:s17], $0x1F40  }
0x6d: {  	s1 =	sshra.s32 s1, $0x2;
	[sflag:s17] =	ssyncset.done $0x0  }
0x6e: {  	s21 =	sadd.s32 $0x5000, s1;
	[sflag:s17] =	ssyncadd.s32 $0xFFFFE0C0  }
0x6f: {  	[spmem:s2] =	stream.indirect.scatter.add.f32 [tilespmem:s20], [sflag:$0x1], $0x40, s21, s19, $0xb8;
	[tilespmem:$0x1F7C0] =	vst v63  }
0x70: {  	_ =	swait.ge [sflag:s18], $0x1F40  }
0x71: {  	[sflag:s18] =	ssyncset.done $0x0  }
0x72: {  	s21 =	sadd.s32 $0x5080, s1;
	[sflag:s18] =	ssyncadd.s32 $0xFFFFE0C0  }
0x73: {  	[spmem:s2] =	stream.indirect.scatter.add.f32 [tilespmem:s22], [sflag:$0x2], $0x40, s21, s19, $0xb8;
	[tilespmem:$0x1F7C0] =	vst v63  }
0x74: {  	_ =	swait.ge [sflag:s30], $0x1F40  }
0x75: {  	[sflag:s30] =	ssyncset.done $0x0  }
0x76: {  	s21 =	sadd.s32 $0x5100, s1;
	[sflag:s30] =	ssyncadd.s32 $0xFFFFE0C0  }
0x77: {  	[spmem:s2] =	stream.indirect.scatter.add.f32 [tilespmem:s24], [sflag:$0x3], $0x40, s21, s19, $0xb8;
	[tilespmem:$0x1F7C0] =	vst v63  }
0x78: {  	_ =	swait.ge [sflag:s31], $0x1F40  }
0x79: {  	[sflag:s31] =	ssyncset.done $0x0  }
0x7a: {  	s21 =	sadd.s32 $0x5180, s1;
	[sflag:s31] =	ssyncadd.s32 $0xFFFFE0C0  }
0x7b: {  	[spmem:s2] =	stream.indirect.scatter.add.f32 [tilespmem:s26], [sflag:$0x4], $0x40, s21, s19, $0xb8;
	[tilespmem:$0x1F7C0] =	vst v63  }
0x7c: {  	_ =	swait.ge [sflag:s0], $0x1F40  }
0x7d: {  	[sflag:s0] =	ssyncset.done $0x0  }
0x7e: {  	s21 =	sadd.s32 $0x5200, s1;
	[sflag:s0] =	ssyncadd.s32 $0xFFFFE0C0  }
0x7f: {  	[spmem:s2] =	stream.indirect.scatter.add.f32 [tilespmem:s29], [sflag:$0x5], $0x40, s21, s19, $0xb8;
	[tilespmem:$0x1F7C0] =	vst v63  }
0x80: {  	_ =	swait.ge [sflag:s17], $0x1F40  }
0x81: {  	[sflag:s17] =	ssyncset.done $0x0  }
0x82: {  	s21 =	sadd.s32 $0x280, s1;
	[sflag:s17] =	ssyncadd.s32 $0xFFFFE0C0  }
0x83: {  	[tilespmem:s20], [sflag:$0x1] =	stream.indirect.gather [hbm4b:s11+s19], $0x40, s21, s19, $0xb8;
	[tilespmem:$0x1F7C0] =	vst v63  }
0x84: {  	_ =	swait.ge [sflag:s18], $0x1F40  }
0x85: {  	[sflag:s18] =	ssyncset.done $0x0  }
0x86: {  	s21 =	sadd.s32 $0x300, s1;
	[sflag:s18] =	ssyncadd.s32 $0xFFFFE0C0  }
0x87: {  	[tilespmem:s22], [sflag:$0x2] =	stream.indirect.gather [hbm4b:s11+s19], $0x40, s21, s19, $0xb8;
	[tilespmem:$0x1F7C0] =	vst v63  }
0x88: {  	_ =	swait.ge [sflag:s30], $0x1F40  }
0x89: {  	[sflag:s30] =	ssyncset.done $0x0  }
0x8a: {  	s21 =	sadd.s32 $0x380, s1;
	[sflag:s30] =	ssyncadd.s32 $0xFFFFE0C0  }
0x8b: {  	[tilespmem:s24], [sflag:$0x3] =	stream.indirect.gather [hbm4b:s11+s19], $0x40, s21, s19, $0xb8;
	[tilespmem:$0x1F7C0] =	vst v63  }
0x8c: {  	_ =	swait.ge [sflag:s31], $0x1F40  }
0x8d: {  	[sflag:s31] =	ssyncset.done $0x0  }
.Ltmp1:
0x8e: {  	s21 =	sadd.s32 $0x400, s1;
	[sflag:s31] =	ssyncadd.s32 $0xFFFFE0C0;
	(pc) =	sbr.rel @p0 .LBB2_4-.Ltmp1, $4  }
0x8f: {  	[tilespmem:s26], [sflag:$0x4] =	stream.indirect.gather [hbm4b:s11+s19], $0x40, s21, s19, $0xb8;
	[tilespmem:$0x1F7C0] =	vst v63  }
0x90: {  	_ =	swait.ge [sflag:s0], $0x1F40  }
0x91: {  	[sflag:s0] =	ssyncset.done $0x0  }
0x92: {  	s1 =	sadd.s32 $0x480, s1;
	[sflag:s0] =	ssyncadd.s32 $0xFFFFE0C0  }
0x93: {  	[tilespmem:s29], [sflag:$0x5] =	stream.indirect.gather [hbm4b:s11+s19], $0x40, s1, s19, $0xb8;
	[tilespmem:$0x1F7C0] =	vst v63  }
0x94: {  	_ =	swait.ge [sflag:s17], $0x1F40  }
0x95: {  	[sflag:s17] =	ssyncset.done $0x0  }
0x96: {  	s14 =	simm.s32 $0x9D80;
	[sflag:s17] =	ssyncadd.s32 $0xFFFFE0C0  }
0x97: {  	[spmem:s2] =	stream.indirect.scatter.add.f32 [tilespmem:s20], [sflag:$0x1], $0x40, s14, s19, $0xb8;
	[tilespmem:$0x1F7C0] =	vst v63  }
0x98: {  	_ =	swait.ge [sflag:s18], $0x1F40  }
0x99: {  	[sflag:s18] =	ssyncset.done $0x0  }
0x9a: {  	s21 =	simm.s32 $0x9E00;
	[sflag:s18] =	ssyncadd.s32 $0xFFFFE0C0  }
0x9b: {  	[spmem:s2] =	stream.indirect.scatter.add.f32 [tilespmem:s22], [sflag:$0x2], $0x40, s21, s19, $0xb8;
	[tilespmem:$0x1F7C0] =	vst v63  }
0x9c: {  	_ =	swait.ge [sflag:s30], $0x1F40  }
0x9d: {  	[sflag:s30] =	ssyncset.done $0x0  }
0x9e: {  	s14 =	simm.s32 $0x9E80;
	[sflag:s30] =	ssyncadd.s32 $0xFFFFE0C0  }
0x9f: {  	[spmem:s2] =	stream.indirect.scatter.add.f32 [tilespmem:s24], [sflag:$0x3], $0x40, s14, s19, $0xb8;
	[tilespmem:$0x1F7C0] =	vst v63  }
0xa0: {  	_ =	swait.ge [sflag:s31], $0x1F40  }
0xa1: {  	[sflag:s31] =	ssyncset.done $0x0  }
0xa2: {  	[sflag:s31] =	ssyncadd.s32 $0xFFFFE0C0  }
0xa3: {  	[spmem:s2] =	stream.indirect.scatter.add.f32 [tilespmem:s26], [sflag:$0x4], $0x40, s23, s19, $0xb8;
	[tilespmem:$0x1F7C0] =	vst v63  }
0xa4: {  	_ =	swait.ge [sflag:s0], $0x1F40  }
0xa5: {  	[sflag:s0] =	ssyncset.done $0x0  }
0xa6: {  	[sflag:s0] =	ssyncadd.s32 $0xFFFFE0C0  }
0xa7: {  	[spmem:s2] =	stream.indirect.scatter.add.f32 [tilespmem:s29], [sflag:$0x5], $0x40, s25, s19, $0xb8;
	[tilespmem:$0x1F7C0] =	vst v63  }
0xa8: {  	_ =	swait.ge [sflag:s17], $0x1F40  }
0xa9: {  	[sflag:s17] =	ssyncset.done $0x0  }
0xaa: {  	[sflag:s17] =	ssyncadd.s32 $0xFFFFE0C0  }
0xab: {  	_ =	swait.ge [sflag:s18], $0x1F40  }
0xac: {  	[sflag:s18] =	ssyncset.done $0x0  }
0xad: {  	[sflag:s18] =	ssyncadd.s32 $0xFFFFE0C0  }
0xae: {  	_ =	swait.ge [sflag:s30], $0x1F40  }
0xaf: {  	[sflag:s30] =	ssyncset.done $0x0  }
0xb0: {  	[sflag:s30] =	ssyncadd.s32 $0xFFFFE0C0  }
0xb1: {  	_ =	swait.ge [sflag:s31], $0x1F40  }
0xb2: {  	[sflag:s31] =	ssyncset.done $0x0  }
0xb3: {  	[sflag:s31] =	ssyncadd.s32 $0xFFFFE0C0  }
0xb4: {  	s21 =	stileid.u32;
	_ =	swait.ge [sflag:s0], $0x1F40  }
0xb5: {  	s28 =	sadd.s32 $0x1, s28;
	s1 =	sshll.u32 s21, $0x6;
	[sflag:s0] =	ssyncset.done $0x0  }
0xb6: {  	p0 =	sne.s32 s28, s13;
	s1 =	sor.u32 $0x1C06, s1;
	[sflag:s0] =	ssyncadd.s32 $0xFFFFE0C0  }
.Ltmp2:
0xb7: {  	s14 =	sshrl.u32 s4, $0x3;
	[bflag:$0x0] =	sbarrier.arrive $0xFFFF;
	(pc) =	sbr.rel @p0 .LBB2_1-.Ltmp2, $4  }
0xb8: {  	[hbm:s12], [sflag:s1] =	dma.local [spmem:s14], $0x1388  }
0xb9: {  	_ =	swait.ge [sflag:s16], $0x1388  }
0xba: {  	[sflag:s16] =	ssyncset.done $0x0  }
0xbb: {  	[sflag:s16] =	ssyncadd.s32 $0xFFFFEC78  }
0xbc: {  	_ =	sfence.sel $0x180000  }
0xbd: {  	[bflag:$0x0] =	sbarrier.arrive $0xFFFF  }
0xbe: {  	_ =	strace $0x9000004A  }
0xbf: {  	s0 =	stileid.u32;
	[bflag:$0x2] =	sbarrier.arrive $0xFFFF  }
0xc0: {  	p0 =	sne.s32 s0, $0x0;
	s0 =	rddreg [dreg:$0x2]  }
0xc1: {  	s0 =	sadd.s32 @!p0 $0x100000, s0  }
0xc2: {  	[sflag:s0] =	ssyncadd.tile.s32 @!p0 $0x1;
	_ =	shalt  }
.Lfunc_end2:
_tile_overlayer_lowered:
.L_overlay_start_2:
0xc3: {  	(tag) =	ssettag $0x2  }
0xc4: {  	s0 =	rddreg [dreg:$0x0];
	s2 =	stileid.u32  }
0xc5: {  	s1 =	rddreg [dreg:$0x1];
	p0 =	sne.s32 s2, $0x0  }
0xc6: {  	s3 =	rddreg [dreg:$0x2];
	[bflag:$0x3] =	sbarrier.arrive $0xFFFF;
	s2 =	simm.s32 @!p0 $0x1C06  }
0xc7: {  	[timem:s3], [sflag:s2] =	dma.local @!p0 [hbm:s0], s1  }
0xc8: {  	s0 =	simm.s32 @!p0 $0x6  }
0xc9: {  	_ =	swait.ge @!p0 [sflag:s0], s1  }
0xca: {  	s1 =	ssub.s32 @!p0 $0x0, s1;
	[sflag:s0] =	ssyncset.done @!p0 $0x0  }
0xcb: {  	[sflag:s0] =	ssyncadd.s32 @!p0 s1  }
0xcc: {  	[bflag:$0x3] =	sbarrier.arrive $0xFFFF  }
0xcd: {  	_ =	shalt  }

// kernel: kernel.16.cloned.1.call-start
scs
__scs_entry_jumppad:
0x0: {  	(pc) =	sbr.rel $0x88, $3  }
0x1: {  	(tag) =	ssettag $0x0;
	lr =	simm.s32 $0x1  }
0x2: {  	[smem:$0x3F98] =	sst lr;
	_ =	strace $0xD0000000  }
0x3: {  	_ = 	snop  }
0x4: {  	_ = 	snop  }
0x5: {  	_ = 	snop  }
0x6: {  	_ = 	snop  }
0x7: {  	_ = 	snop  }
__scs_overlays_trampoline_lowered:
0x8: {  	[smem:$0x3FA7] =	sst s0  }
0x9: {  	[smem:$0x3FA8] =	sst s1  }
0xa: {  	[smem:$0x3FA9] =	sst s2  }
0xb: {  	[smem:$0x3FAA] =	sst s3  }
0xc: {  	[smem:$0x3FAB] =	sst s4  }
0xd: {  	[smem:$0x3FAC] =	sst s5  }
0xe: {  	[smem:$0x3FAD] =	sst s6  }
0xf: {  	[smem:$0x3FAE] =	sst s7  }
0x10: {  	[smem:$0x3FAF] =	sst s8  }
0x11: {  	[smem:$0x3FB0] =	sst s9;
	s0 =	simm.s32 @!p0 $0x0  }
0x12: {  	s1 =	sld [smem:$0x3F96];
	s0 =	simm.s32 @p0 $0x1  }
0x13: {  	[smem:$0x3FB1] =	sst s0;
	s0 =	simm.s32 @!p1 $0x0  }
0x14: {  	s2 =	sld [smem:$0x3F95];
	s0 =	simm.s32 @p1 $0x1  }
0x15: {  	[smem:$0x3FB2] =	sst s0;
	s0 =	simm.s32 @!p2 $0x0  }
0x16: {  	s3 =	sld [smem:$0x3FDB];
	s0 =	simm.s32 @p2 $0x1  }
0x17: {  	s4 =	simm.s32 $0x1BF5;
	[smem:$0x3FB4] =	sst s0  }
0x18: {  	s0 =	sld [smem:$0x3F97];
	_ =	swait.ge [sflag:s4], $0x0  }
0x19: {  	s7 =	sld [smem:$0x3F98]  }
0x1a: {  	s8 =	sadd.s32 $0xFFFFE003, lr  }
0x1b: {  	s9 =	sadd.s32 $0xFFFFFEF7, lr;
	s5 =	simm.s32 $0xFFFFFFFF;
	p2 =	slt.u32 s8, $0xFFFFF086  }
0x1c: {  	p1 =	slt.u32 s9, $0xF7A;
	s5 =	simm.s32 @!p2 $0x0  }
0x1d: {  	s5 =	simm.s32 @p1 $0x1;
	p0 =	seq.s32 s7, s2  }
0x1e: {  	s7 =	smul.u32 @!p0 $0xF7A, s2;
	p2 =	seq.s32 @!p0 s5, $0x0  }
0x1f: {  	s9 =	smul.u32 $0xF7A, s1;
	s8 =	simm.s32 @!p0 $0x1BF5;
	p2 =	por !p2, p0  }
0x20: {  	[sflag:s8] =	ssyncset.s32 @!p0 $0xFFFFF086;
	s6 =	sadd.s32 @!p0 s3, s7;
	s7 =	simm.s32 @!p0 $0x108  }
0x21: {  	s3 =	sadd.s32 s3, s9;
	s6 =	sadd.s32 @!p0 $0x88, s6;
	s7 =	simm.s32 @p2 $0x1082  }
0x22: {  	[simem:s7], [sflag:s8] =	dma.local @!p0 [hbm:s6], $0xF7A  }
0x23: {  	s9 =	sor.u32 $0xD0000000, s2;
	s6 =	simm.s32 $0x108;
	_ =	swait.ge @!p0 [sflag:s8], $0x0  }
0x24: {  	s3 =	sadd.s32 $0x88, s3;
	s6 =	simm.s32 @!p1 $0x1082;
	[sflag:s4] =	ssyncset.s32 $0xFFFFF086  }
0x25: {  	[simem:s6], [sflag:s4] =	dma.local [hbm:s3], $0xF7A  }
0x26: {  	[smem:$0x3F98] =	sst s1;
	(tag) =	ssettag s2;
	_ =	strace s9  }
0x27: {  	s1 =	sld [smem:$0x3FA8]  }
0x28: {  	s2 =	sld [smem:$0x3FA9]  }
0x29: {  	s4 =	sld [smem:$0x3FAB]  }
0x2a: {  	p0 =	seq.s32 s5, $0x0;
	s5 =	sld [smem:$0x3FAC]  }
0x2b: {  	s6 =	sld [smem:$0x3FAD]  }
0x2c: {  	s7 =	sld [smem:$0x3FAE]  }
0x2d: {  	s3 =	simm.s32 $0x108;
	s8 =	sld [smem:$0x3FAF]  }
0x2e: {  	s3 =	simm.s32 @!p0 $0x1082;
	s9 =	sld [smem:$0x3FB0]  }
0x2f: {  	lr =	sadd.s32 s0, s3;
	s0 =	sld [smem:$0x3FA7]  }
0x30: {  	s3 =	sld [smem:$0x3FAA]  }
0x31: {  	[smem:$0x3FB3] =	sst s10  }
0x32: {  	s10 =	sld [smem:$0x3FB1];
	_ =	sdelay $0x3  }
0x33: {  	p0 =	seq.s32 s10, $0x1;
	s10 =	sld [smem:$0x3FB3];
	_ =	sdelay $0x3  }
0x34: {  	[smem:$0x3FB3] =	sst s10  }
0x35: {  	s10 =	sld [smem:$0x3FB2];
	_ =	sdelay $0x3  }
0x36: {  	p1 =	seq.s32 s10, $0x1;
	s10 =	sld [smem:$0x3FB3];
	_ =	sdelay $0x3  }
0x37: {  	[smem:$0x3FB3] =	sst s10  }
0x38: {  	s10 =	sld [smem:$0x3FB4]  }
0x39: {  	_ = 	snop;
	(pc) =	sbr.ind lr, $3  }
0x3a: {  	_ = 	snop  }
0x3b: {  	_ = 	snop  }
0x3c: {  	p2 =	seq.s32 s10, $0x1;
	s10 =	sld [smem:$0x3FB3]  }
0x3d: {  	_ =	shalt  }
0x3e: {  	_ =	shalt  }
0x3f: {  	_ =	shalt  }
0x40: {  	_ =	shalt  }
0x41: {  	_ =	shalt  }
0x42: {  	_ =	shalt  }
0x43: {  	_ =	shalt  }
0x44: {  	_ =	shalt  }
0x45: {  	_ =	shalt  }
0x46: {  	_ =	shalt  }
0x47: {  	_ =	shalt  }
0x48: {  	_ =	shalt  }
0x49: {  	_ =	shalt  }
0x4a: {  	_ =	shalt  }
0x4b: {  	_ =	shalt  }
0x4c: {  	_ =	shalt  }
0x4d: {  	_ =	shalt  }
0x4e: {  	_ =	shalt  }
0x4f: {  	_ =	shalt  }
0x50: {  	_ =	shalt  }
0x51: {  	_ =	shalt  }
0x52: {  	_ =	shalt  }
0x53: {  	_ =	shalt  }
0x54: {  	_ =	shalt  }
0x55: {  	_ =	shalt  }
0x56: {  	_ =	shalt  }
0x57: {  	_ =	shalt  }
0x58: {  	_ =	shalt  }
0x59: {  	_ =	shalt  }
0x5a: {  	_ =	shalt  }
0x5b: {  	_ =	shalt  }
0x5c: {  	_ =	shalt  }
0x5d: {  	_ =	shalt  }
0x5e: {  	_ =	shalt  }
0x5f: {  	_ =	shalt  }
0x60: {  	_ =	shalt  }
0x61: {  	_ =	shalt  }
0x62: {  	_ =	shalt  }
0x63: {  	_ =	shalt  }
0x64: {  	_ =	shalt  }
0x65: {  	_ =	shalt  }
0x66: {  	_ =	shalt  }
0x67: {  	_ =	shalt  }
0x68: {  	_ =	shalt  }
0x69: {  	_ =	shalt  }
0x6a: {  	_ =	shalt  }
0x6b: {  	_ =	shalt  }
0x6c: {  	_ =	shalt  }
0x6d: {  	_ =	shalt  }
0x6e: {  	_ =	shalt  }
0x6f: {  	_ =	shalt  }
0x70: {  	_ =	shalt  }
0x71: {  	_ =	shalt  }
0x72: {  	_ =	shalt  }
0x73: {  	_ =	shalt  }
0x74: {  	_ =	shalt  }
0x75: {  	_ =	shalt  }
0x76: {  	_ =	shalt  }
0x77: {  	_ =	shalt  }
0x78: {  	_ =	shalt  }
0x79: {  	_ =	shalt  }
0x7a: {  	_ =	shalt  }
0x7b: {  	_ =	shalt  }
0x7c: {  	_ =	shalt  }
0x7d: {  	_ =	shalt  }
0x7e: {  	_ =	shalt  }
0x7f: {  	_ =	shalt  }
0x80: {  	_ =	shalt  }
0x81: {  	_ =	shalt  }
0x82: {  	_ =	shalt  }
0x83: {  	_ =	shalt  }
0x84: {  	_ =	shalt  }
0x85: {  	_ =	shalt  }
0x86: {  	_ =	shalt  }
0x87: {  	_ =	shalt  }
.Lfunc_end0:
.L_simem_size_0:
called_computation.2_lowered:
.L_overlay_start_0:
0x88: {  	s2 =	sld [smem:$0x3FD9]  }
0x89: {  	s3 =	sld [smem:$0x3FFE];
	_ =	sdelay $0x1  }
0x8a: {  	s1 =	srdreg.scid  }
0x8b: {  	s0 =	sand.u32 $0x1, s1  }
0x8c: {  	s16 =	sshll.u32 s0, $0xA;
	s2 =	sadd.s32 s3, s2  }
0x8d: {  	s2 =	sadd.s32 s2, s16  }
0x8e: {  	[smem:$0x3FBF] =	sst s2  }
0x8f: {  	_ = 	snop  }
0x90: {  	(tm) =	ssettm $0x1  }
0x91: {  	s17 =	sld [smem:$0x3FFB];
	_ =	sdelay $0x3  }
0x92: {  	_ =	strace s17  }
0x93: {  	s2 =	sld [smem:$0x3FFC];
	_ =	sdelay $0x3  }
0x94: {  	_ =	strace s2  }
0x95: {  	s2 =	sld [smem:$0x3FFD];
	_ =	sdelay $0x3  }
0x96: {  	_ =	strace s2  }
0x97: {  	_ =	strace $0x8FFFFFFF  }
0x98: {  	s18 =	sld [smem:$0x3FDB];
	_ =	sdelay $0x1  }
0x99: {  	s19 =	simm.s32 $_scs_section_size  }
0x9a: {  	s4 =	simm.s32 $_size__tile_overlayer_lowered;
	s5 =	simm.s32 $_tile_overlayer_lowered  }
0x9b: {  	s22 =	simm.s32 $0x1BFF;
	s21 =	sshll.u32 s5, $0x1;
	s2 =	sadd.s32 s19, s18  }
0x9c: {  	s6 =	simm.s32 $0x0;
	s20 =	sshll.u32 s4, $0x1;
	s4 =	sadd.s32 s21, s2  }
0x9d: {  	[timem:s6], [sflag:s22] =	dma.local [hbm:s4], s20  }
0x9e: {  	_ =	swait.ge [sflag:s22], s20  }
0x9f: {  	s3 =	ssub.s32 $0x0, s20;
	[sflag:s22] =	ssyncset.done $0x0  }
0xa0: {  	[sflag:s22] =	ssyncadd.s32 s3;
	_ =	sdelay $0x1  }
0xa1: {  	s23 =	simm.s32 $0x1B8B  }
0xa2: {  	_ =	swait.ge [sflag:s23], $0x1  }
0xa3: {  	[sflag:s23] =	ssyncset.done $0x0  }
0xa4: {  	s25 =	simm.s32 $0x1B8E;
	s24 =	sld [smem:$0x3FFE];
	[sflag:s23] =	ssyncadd.s32 $0xFFFFFFFF  }
0xa5: {  	s26 =	simm.s32 $execute0_lowered;
	[smem:$0x3FD2] =	sst s25  }
0xa6: {  	s4 =	sshll.u32 s26, $0x1;
	_ =	strace $0x8000004C;
	[dreg:$0x1] =	wrdreg $0xFFFFFFFF  }
0xa7: {  	s28 =	simm.s32 $_size_execute0_lowered;
	s2 =	sadd.s32 s2, s4;
	[dreg:$0x0] =	wrdreg $0x0  }
0xa8: {  	s4 =	sshll.u32 s28, $0x1;
	[dreg:$0x2] =	wrdreg s2  }
0xa9: {  	[dreg:$0x3] =	wrdreg s4  }
0xaa: {  	[dreg:$0x4] =	wrdreg $0xC0  }
0xab: {  	_ =	task [dreg:s6], $0x5FFFF  }
0xac: {  	[dreg:$0x1] =	wrdreg $0xFFFFFFFF  }
0xad: {  	[dreg:$0x0] =	wrdreg $0x60  }
0xae: {  	[dreg:$0x2] =	wrdreg s24  }
0xaf: {  	[dreg:$0x3] =	wrdreg $0x15B800  }
0xb0: {  	[dreg:$0x4] =	wrdreg $0x9  }
0xb1: {  	_ =	task.clear_ibuf [dreg:s6], $0x5FFFF;
	_ =	strace $0x9000004C  }
0xb2: {  	s29 =	simm.s32 $0x9;
	_ =	strace $0x8000004E  }
0xb3: {  	_ =	swait.ge [sflag:s29], $0x1  }
0xb4: {  	[sflag:s29] =	ssyncadd.s32 $0xFFFFFFFF  }
0xb5: {  	_ =	strace $0x9000004E  }
0xb6: {  	_ =	sfence  }
0xb7: {  	s30 =	sld [smem:$0x0];
	_ =	sdelay $0x2  }
0xb8: {  	s31 =	sshll.u32 s1, $0xD;
	s1 =	sshrl.u32 s1, $0x2  }
0xb9: {  	s3 =	sand.u32 $0x4000, s31;
	s1 =	sadd.s32 s1, s30  }
0xba: {  	s0 =	sor.u32 s3, s0;
	s1 =	sshll.u32 s1, $0x11  }
0xbb: {  	s0 =	sor.u32 s1, s0  }
0xbc: {  	s0 =	sadd.s32 $0x8F2B, s0  }
0xbd: {  	[sflag:s0] =	ssyncadd.remote.s32 $0x1  }
0xbe: {  	_ =	sfence.sel $0xFFFF  }
0xbf: {  	[dreg:$0x0] =	wrdreg $0xFFFFFFFF;
	(pc) =	sbr.abs _section_cstart, $3  }
0xc0: {  	[dreg:$0x1] =	wrdreg $0xFFFFFFFF  }
0xc1: {  	_ =	task.clear_ibuf [dreg:s6], $0x2FFFF;
	_ =	strace $0x9FFFFFFF  }
0xc2: {  	(tm) =	ssettm $0x7FFFFFFF  }
0xc3: {  	_ =	shalt  }
tec
execute0_lowered:
.L_overlay_start_1:
0x0: {  	(tag) =	ssettag $0x1  }
0x1: {  	s0 =	rddreg [dreg:$0x0]  }
0x2: {  	s1 =	srdreg.scid;
	s2 =	rddreg [dreg:$0x1]  }
0x3: {  	s8 =	stileid.u32;
	s3 =	simm.s32 $0x0;
	s15 =	simm.s32 $0x13C40  }
0x4: {  	s16 =	simm.s32 $0x6;
	s17 =	simm.s32 $0x1;
	s18 =	simm.s32 $0x2  }
0x5: {  	s19 =	simm.s32 $0x7D;
	s20 =	simm.s32 $0xA000;
	s22 =	simm.s32 $0xBF40  }
0x6: {  	s29 =	simm.s32 $0x11D00;
	s30 =	simm.s32 $0x3;
	s5 =	smul.u32 $0xA00, s8  }
0x7: {  	s31 =	simm.s32 $0x4;
	s23 =	simm.s32 $0x9F00;
	s7 =	smul.u32 $0x9C40, s8  }
0x8: {  	s28 =	simm.s32 $0x0;
	s1 =	sand.u32 $0x1, s1;
	s24 =	smul.u32 $0x27100, s8  }
0x9: {  	[smem:$0x7FF] =	sst s3;
	s4 =	smul.u32 $0x9C400, s1;
	s1 =	ssub.s32 $0x2, s1  }
0xa: {  	_ =	strace $0x8000004D;
	s25 =	sadd.s32 s5, s0;
	s26 =	sshrl.u32 s1, $0x1  }
0xb: {  	s6 =	sshrl.u32 s4, $0x3;
	s4 =	sadd.s32 s7, s4;
	s1 =	ssub.s32 s1, s26  }
0xc: {  	s5 =	sadd.s32 $0x20E00, s25;
	s26 =	simm.s32 $0xFDC0;
	s11 =	sadd.s32 s6, s0  }
0xd: {  	s4 =	sshrl.u32 s4, $0x3;
	s6 =	sshrl.u32 s24, $0x2;
	s13 =	smax.u32 s1, $0x1  }
0xe: {  	s24 =	simm.s32 $0xDE80;
	s0 =	sadd.s32 s4, s0;
	s4 =	sadd.s32 s6, s2  }
0xf: {  	s6 =	sadd.s32 $0x16E00, s25;
	s11 =	sadd.s32 $0x79000, s11;
	s25 =	simm.s32 $0x9F80  }
0x10: {  	s7 =	sadd.s32 $0x1F40, s4;
	s8 =	sadd.s32 $0x3E80, s4;
	s9 =	sadd.s32 $0x5DC0, s4  }
0x11: {  	v0 =	vimm.f32 $0.0e+00;
	s10 =	sadd.s32 $0x7D00, s4;
	s12 =	sadd.s32 $0xA0200, s0;
	s0 =	simm.s32 $0x5  }
.LBB2_1:
0x12: {  	[tilespmem:s3], [sflag:$0x1] =	stream.linear.gather [hbm4b:s5+s3], $0x5000, $0x38;
	[tilespmem:$0x1F7C0] =	vst v63  }
0x13: {  	s1 =	simm.s32 $0x5000  }
0x14: {  	[tilespmem:s1], [sflag:$0x2] =	stream.linear.gather [hbm4b:s6+s3], $0x5000, $0x38;
	[tilespmem:$0x1F7C0] =	vst v63  }
0x15: {  	s14 =	simm.s32 $0x100;
	s1 =	simm.s32 $0x0  }
.LBB2_2:
0x16: {  	p0 =	sne.s32 s14, $0x7C00;
	[tilespmem:s1+$0x13C70] =	vst v0;
	s21 =	smov.u32 s14;
	s14 =	sadd.s32 $0x100, s14  }
.Ltmp0:
0x17: {  	[tilespmem:s1+$0x13C60] =	vst v0;
	(pc) =	sbr.rel @p0 .LBB2_2-.Ltmp0, $3  }
0x18: {  	[tilespmem:s1+$0x13C40] =	vst v0  }
0x19: {  	[tilespmem:s1+$0x13C50] =	vst v0;
	_ =	sdelay $0x1  }
0x1a: {  	s1 =	sshra.s32 s21, $0x2  }
0x1b: {  	[tilespmem:s1+$0x13C70] =	vst v0  }
0x1c: {  	[tilespmem:s1+$0x13C60] =	vst v0  }
0x1d: {  	[tilespmem:s1+$0x13C40] =	vst v0  }
0x1e: {  	[tilespmem:s1+$0x13C50] =	vst v0  }
0x1f: {  	[spmem:s4] =	stream.linear.scatter [tilespmem:s15], [sflag:$0x6], $0x1F40, $0x38;
	[tilespmem:$0x1F7C0] =	vst v63  }
0x20: {  	_ =	swait.ge [sflag:s16], $0x1F40  }
0x21: {  	[sflag:s16] =	ssyncset.done $0x0  }
0x22: {  	[sflag:s16] =	ssyncadd.s32 $0xFFFFE0C0  }
0x23: {  	[spmem:s7] =	stream.linear.scatter [tilespmem:s15], [sflag:$0x6], $0x1F40, $0x38;
	[tilespmem:$0x1F7C0] =	vst v63  }
0x24: {  	_ =	swait.ge [sflag:s16], $0x1F40  }
0x25: {  	[sflag:s16] =	ssyncset.done $0x0  }
0x26: {  	[sflag:s16] =	ssyncadd.s32 $0xFFFFE0C0  }
0x27: {  	[spmem:s8] =	stream.linear.scatter [tilespmem:s15], [sflag:$0x6], $0x1F40, $0x38;
	[tilespmem:$0x1F7C0] =	vst v63  }
0x28: {  	_ =	swait.ge [sflag:s16], $0x1F40  }
0x29: {  	[sflag:s16] =	ssyncset.done $0x0  }
0x2a: {  	[sflag:s16] =	ssyncadd.s32 $0xFFFFE0C0  }
0x2b: {  	[spmem:s9] =	stream.linear.scatter [tilespmem:s15], [sflag:$0x6], $0x1F40, $0x38;
	[tilespmem:$0x1F7C0] =	vst v63  }
0x2c: {  	_ =	swait.ge [sflag:s16], $0x1F40  }
0x2d: {  	[sflag:s16] =	ssyncset.done $0x0  }
0x2e: {  	[sflag:s16] =	ssyncadd.s32 $0xFFFFE0C0  }
0x2f: {  	[spmem:s10] =	stream.linear.scatter [tilespmem:s15], [sflag:$0x6], $0x1F40, $0x38;
	[tilespmem:$0x1F7C0] =	vst v63  }
0x30: {  	_ =	swait.ge [sflag:s16], $0x1F40  }
0x31: {  	[sflag:s16] =	ssyncset.done $0x0  }
0x32: {  	[sflag:s16] =	ssyncadd.s32 $0xFFFFE0C0  }
0x33: {  	_ =	swait.ge [sflag:s17], $0x5000  }
0x34: {  	[sflag:s17] =	ssyncset.done $0x0  }
0x35: {  	[sflag:s17] =	ssyncadd.s32 $0xFFFFB000  }
0x36: {  	_ =	swait.ge [sflag:s18], $0x5000  }
0x37: {  	[sflag:s18] =	ssyncset.done $0x0  }
0x38: {  	[sflag:s18] =	ssyncadd.s32 $0xFFFFB000  }
0x39: {  	s14 =	simm.s32 $0x0;
	[bflag:$0x0] =	sbarrier.arrive $0xFFFF  }
0x3a: {  	[tilespmem:s20], [sflag:$0x1] =	stream.indirect.gather [hbm4b:s11+s19], $0x40, s14, s19, $0xb8;
	[tilespmem:$0x1F7C0] =	vst v63  }
0x3b: {  	s21 =	simm.s32 $0x80  }
0x3c: {  	[tilespmem:s22], [sflag:$0x2] =	stream.indirect.gather [hbm4b:s11+s19], $0x40, s21, s19, $0xb8;
	[tilespmem:$0x1F7C0] =	vst v63  }
0x3d: {  	s14 =	simm.s32 $0x100  }
0x3e: {  	[tilespmem:s24], [sflag:$0x3] =	stream.indirect.gather [hbm4b:s11+s19], $0x40, s14, s19, $0xb8;
	[tilespmem:$0x1F7C0] =	vst v63  }
0x3f: {  	s21 =	simm.s32 $0x180  }
0x40: {  	[tilespmem:s26], [sflag:$0x4] =	stream.indirect.gather [hbm4b:s11+s19], $0x40, s21, s19, $0xb8;
	[tilespmem:$0x1F7C0] =	vst v63  }
0x41: {  	s14 =	simm.s32 $0x200  }
0x42: {  	[tilespmem:s29], [sflag:$0x5] =	stream.indirect.gather [hbm4b:s11+s19], $0x40, s14, s19, $0xb8;
	[tilespmem:$0x1F7C0] =	vst v63  }
0x43: {  	_ =	swait.ge [sflag:s17], $0x1F40  }
0x44: {  	[sflag:s17] =	ssyncset.done $0x0  }
0x45: {  	s21 =	simm.s32 $0x5000;
	[sflag:s17] =	ssyncadd.s32 $0xFFFFE0C0  }
0x46: {  	[spmem:s2] =	stream.indirect.scatter.add.f32 [tilespmem:s20], [sflag:$0x1], $0x40, s21, s19, $0xb8;
	[tilespmem:$0x1F7C0] =	vst v63  }
0x47: {  	_ =	swait.ge [sflag:s18], $0x1F40  }
0x48: {  	[sflag:s18] =	ssyncset.done $0x0  }
0x49: {  	s14 =	simm.s32 $0x5080;
	[sflag:s18] =	ssyncadd.s32 $0xFFFFE0C0  }
0x4a: {  	[spmem:s2] =	stream.indirect.scatter.add.f32 [tilespmem:s22], [sflag:$0x2], $0x40, s14, s19, $0xb8;
	[tilespmem:$0x1F7C0] =	vst v63  }
0x4b: {  	_ =	swait.ge [sflag:s30], $0x1F40  }
0x4c: {  	[sflag:s30] =	ssyncset.done $0x0  }
0x4d: {  	s21 =	simm.s32 $0x5100;
	[sflag:s30] =	ssyncadd.s32 $0xFFFFE0C0  }
0x4e: {  	[spmem:s2] =	stream.indirect.scatter.add.f32 [tilespmem:s24], [sflag:$0x3], $0x40, s21, s19, $0xb8;
	[tilespmem:$0x1F7C0] =	vst v63  }
0x4f: {  	_ =	swait.ge [sflag:s31], $0x1F40  }
0x50: {  	[sflag:s31] =	ssyncset.done $0x0  }
0x51: {  	s14 =	simm.s32 $0x5180;
	[sflag:s31] =	ssyncadd.s32 $0xFFFFE0C0  }
0x52: {  	[spmem:s2] =	stream.indirect.scatter.add.f32 [tilespmem:s26], [sflag:$0x4], $0x40, s14, s19, $0xb8;
	[tilespmem:$0x1F7C0] =	vst v63  }
0x53: {  	_ =	swait.ge [sflag:s0], $0x1F40  }
0x54: {  	[sflag:s0] =	ssyncset.done $0x0  }
0x55: {  	s21 =	simm.s32 $0x5200;
	[sflag:s0] =	ssyncadd.s32 $0xFFFFE0C0  }
0x56: {  	[spmem:s2] =	stream.indirect.scatter.add.f32 [tilespmem:s29], [sflag:$0x5], $0x40, s21, s19, $0xb8;
	[tilespmem:$0x1F7C0] =	vst v63  }
0x57: {  	_ =	swait.ge [sflag:s17], $0x1F40  }
0x58: {  	[sflag:s17] =	ssyncset.done $0x0  }
0x59: {  	s14 =	simm.s32 $0x280;
	[sflag:s17] =	ssyncadd.s32 $0xFFFFE0C0  }
0x5a: {  	[tilespmem:s20], [sflag:$0x1] =	stream.indirect.gather [hbm4b:s11+s19], $0x40, s14, s19, $0xb8;
	[tilespmem:$0x1F7C0] =	vst v63  }
0x5b: {  	_ =	swait.ge [sflag:s18], $0x1F40  }
0x5c: {  	[sflag:s18] =	ssyncset.done $0x0  }
0x5d: {  	s21 =	simm.s32 $0x300;
	[sflag:s18] =	ssyncadd.s32 $0xFFFFE0C0  }
0x5e: {  	[tilespmem:s22], [sflag:$0x2] =	stream.indirect.gather [hbm4b:s11+s19], $0x40, s21, s19, $0xb8;
	[tilespmem:$0x1F7C0] =	vst v63  }
0x5f: {  	_ =	swait.ge [sflag:s30], $0x1F40  }
0x60: {  	[sflag:s30] =	ssyncset.done $0x0  }
0x61: {  	s14 =	simm.s32 $0x380;
	[sflag:s30] =	ssyncadd.s32 $0xFFFFE0C0  }
0x62: {  	[tilespmem:s24], [sflag:$0x3] =	stream.indirect.gather [hbm4b:s11+s19], $0x40, s14, s19, $0xb8;
	[tilespmem:$0x1F7C0] =	vst v63  }
0x63: {  	_ =	swait.ge [sflag:s31], $0x1F40  }
0x64: {  	[sflag:s31] =	ssyncset.done $0x0  }
0x65: {  	s21 =	simm.s32 $0x400;
	[sflag:s31] =	ssyncadd.s32 $0xFFFFE0C0  }
0x66: {  	[tilespmem:s26], [sflag:$0x4] =	stream.indirect.gather [hbm4b:s11+s19], $0x40, s21, s19, $0xb8;
	[tilespmem:$0x1F7C0] =	vst v63  }
0x67: {  	_ =	swait.ge [sflag:s0], $0x1F40  }
0x68: {  	[sflag:s0] =	ssyncset.done $0x0  }
0x69: {  	s1 =	simm.s32 $0x480;
	s14 =	simm.s32 $0xA00;
	[sflag:s0] =	ssyncadd.s32 $0xFFFFE0C0  }
.LBB2_4:
0x6a: {  	[tilespmem:s29], [sflag:$0x5] =	stream.indirect.gather [hbm4b:s11+s19], $0x40, s1, s19, $0xb8;
	[tilespmem:$0x1F7C0] =	vst v63  }
0x6b: {  	s1 =	smov.u32 s14  }
0x6c: {  	p0 =	sne.s32 s14, $0x12C00;
	s14 =	sadd.s32 $0xA00, s14;
	_ =	swait.ge [sflag:s17], $0x1F40  }
0x6d: {  	s1 =	sshra.s32 s1, $0x2;
	[sflag:s17] =	ssyncset.done $0x0  }
0x6e: {  	s21 =	sadd.s32 $0x5000, s1;
	[sflag:s17] =	ssyncadd.s32 $0xFFFFE0C0  }
0x6f: {  	[spmem:s2] =	stream.indirect.scatter.add.f32 [tilespmem:s20], [sflag:$0x1], $0x40, s21, s19, $0xb8;
	[tilespmem:$0x1F7C0] =	vst v63  }
0x70: {  	_ =	swait.ge [sflag:s18], $0x1F40  }
0x71: {  	[sflag:s18] =	ssyncset.done $0x0  }
0x72: {  	s21 =	sadd.s32 $0x5080, s1;
	[sflag:s18] =	ssyncadd.s32 $0xFFFFE0C0  }
0x73: {  	[spmem:s2] =	stream.indirect.scatter.add.f32 [tilespmem:s22], [sflag:$0x2], $0x40, s21, s19, $0xb8;
	[tilespmem:$0x1F7C0] =	vst v63  }
0x74: {  	_ =	swait.ge [sflag:s30], $0x1F40  }
0x75: {  	[sflag:s30] =	ssyncset.done $0x0  }
0x76: {  	s21 =	sadd.s32 $0x5100, s1;
	[sflag:s30] =	ssyncadd.s32 $0xFFFFE0C0  }
0x77: {  	[spmem:s2] =	stream.indirect.scatter.add.f32 [tilespmem:s24], [sflag:$0x3], $0x40, s21, s19, $0xb8;
	[tilespmem:$0x1F7C0] =	vst v63  }
0x78: {  	_ =	swait.ge [sflag:s31], $0x1F40  }
0x79: {  	[sflag:s31] =	ssyncset.done $0x0  }
0x7a: {  	s21 =	sadd.s32 $0x5180, s1;
	[sflag:s31] =	ssyncadd.s32 $0xFFFFE0C0  }
0x7b: {  	[spmem:s2] =	stream.indirect.scatter.add.f32 [tilespmem:s26], [sflag:$0x4], $0x40, s21, s19, $0xb8;
	[tilespmem:$0x1F7C0] =	vst v63  }
0x7c: {  	_ =	swait.ge [sflag:s0], $0x1F40  }
0x7d: {  	[sflag:s0] =	ssyncset.done $0x0  }
0x7e: {  	s21 =	sadd.s32 $0x5200, s1;
	[sflag:s0] =	ssyncadd.s32 $0xFFFFE0C0  }
0x7f: {  	[spmem:s2] =	stream.indirect.scatter.add.f32 [tilespmem:s29], [sflag:$0x5], $0x40, s21, s19, $0xb8;
	[tilespmem:$0x1F7C0] =	vst v63  }
0x80: {  	_ =	swait.ge [sflag:s17], $0x1F40  }
0x81: {  	[sflag:s17] =	ssyncset.done $0x0  }
0x82: {  	s21 =	sadd.s32 $0x280, s1;
	[sflag:s17] =	ssyncadd.s32 $0xFFFFE0C0  }
0x83: {  	[tilespmem:s20], [sflag:$0x1] =	stream.indirect.gather [hbm4b:s11+s19], $0x40, s21, s19, $0xb8;
	[tilespmem:$0x1F7C0] =	vst v63  }
0x84: {  	_ =	swait.ge [sflag:s18], $0x1F40  }
0x85: {  	[sflag:s18] =	ssyncset.done $0x0  }
0x86: {  	s21 =	sadd.s32 $0x300, s1;
	[sflag:s18] =	ssyncadd.s32 $0xFFFFE0C0  }
0x87: {  	[tilespmem:s22], [sflag:$0x2] =	stream.indirect.gather [hbm4b:s11+s19], $0x40, s21, s19, $0xb8;
	[tilespmem:$0x1F7C0] =	vst v63  }
0x88: {  	_ =	swait.ge [sflag:s30], $0x1F40  }
0x89: {  	[sflag:s30] =	ssyncset.done $0x0  }
0x8a: {  	s21 =	sadd.s32 $0x380, s1;
	[sflag:s30] =	ssyncadd.s32 $0xFFFFE0C0  }
0x8b: {  	[tilespmem:s24], [sflag:$0x3] =	stream.indirect.gather [hbm4b:s11+s19], $0x40, s21, s19, $0xb8;
	[tilespmem:$0x1F7C0] =	vst v63  }
0x8c: {  	_ =	swait.ge [sflag:s31], $0x1F40  }
0x8d: {  	[sflag:s31] =	ssyncset.done $0x0  }
.Ltmp1:
0x8e: {  	s21 =	sadd.s32 $0x400, s1;
	[sflag:s31] =	ssyncadd.s32 $0xFFFFE0C0;
	(pc) =	sbr.rel @p0 .LBB2_4-.Ltmp1, $4  }
0x8f: {  	[tilespmem:s26], [sflag:$0x4] =	stream.indirect.gather [hbm4b:s11+s19], $0x40, s21, s19, $0xb8;
	[tilespmem:$0x1F7C0] =	vst v63  }
0x90: {  	_ =	swait.ge [sflag:s0], $0x1F40  }
0x91: {  	[sflag:s0] =	ssyncset.done $0x0  }
0x92: {  	s1 =	sadd.s32 $0x480, s1;
	[sflag:s0] =	ssyncadd.s32 $0xFFFFE0C0  }
0x93: {  	[tilespmem:s29], [sflag:$0x5] =	stream.indirect.gather [hbm4b:s11+s19], $0x40, s1, s19, $0xb8;
	[tilespmem:$0x1F7C0] =	vst v63  }
0x94: {  	_ =	swait.ge [sflag:s17], $0x1F40  }
0x95: {  	[sflag:s17] =	ssyncset.done $0x0  }
0x96: {  	s14 =	simm.s32 $0x9D80;
	[sflag:s17] =	ssyncadd.s32 $0xFFFFE0C0  }
0x97: {  	[spmem:s2] =	stream.indirect.scatter.add.f32 [tilespmem:s20], [sflag:$0x1], $0x40, s14, s19, $0xb8;
	[tilespmem:$0x1F7C0] =	vst v63  }
0x98: {  	_ =	swait.ge [sflag:s18], $0x1F40  }
0x99: {  	[sflag:s18] =	ssyncset.done $0x0  }
0x9a: {  	s21 =	simm.s32 $0x9E00;
	[sflag:s18] =	ssyncadd.s32 $0xFFFFE0C0  }
0x9b: {  	[spmem:s2] =	stream.indirect.scatter.add.f32 [tilespmem:s22], [sflag:$0x2], $0x40, s21, s19, $0xb8;
	[tilespmem:$0x1F7C0] =	vst v63  }
0x9c: {  	_ =	swait.ge [sflag:s30], $0x1F40  }
0x9d: {  	[sflag:s30] =	ssyncset.done $0x0  }
0x9e: {  	s14 =	simm.s32 $0x9E80;
	[sflag:s30] =	ssyncadd.s32 $0xFFFFE0C0  }
0x9f: {  	[spmem:s2] =	stream.indirect.scatter.add.f32 [tilespmem:s24], [sflag:$0x3], $0x40, s14, s19, $0xb8;
	[tilespmem:$0x1F7C0] =	vst v63  }
0xa0: {  	_ =	swait.ge [sflag:s31], $0x1F40  }
0xa1: {  	[sflag:s31] =	ssyncset.done $0x0  }
0xa2: {  	[sflag:s31] =	ssyncadd.s32 $0xFFFFE0C0  }
0xa3: {  	[spmem:s2] =	stream.indirect.scatter.add.f32 [tilespmem:s26], [sflag:$0x4], $0x40, s23, s19, $0xb8;
	[tilespmem:$0x1F7C0] =	vst v63  }
0xa4: {  	_ =	swait.ge [sflag:s0], $0x1F40  }
0xa5: {  	[sflag:s0] =	ssyncset.done $0x0  }
0xa6: {  	[sflag:s0] =	ssyncadd.s32 $0xFFFFE0C0  }
0xa7: {  	[spmem:s2] =	stream.indirect.scatter.add.f32 [tilespmem:s29], [sflag:$0x5], $0x40, s25, s19, $0xb8;
	[tilespmem:$0x1F7C0] =	vst v63  }
0xa8: {  	_ =	swait.ge [sflag:s17], $0x1F40  }
0xa9: {  	[sflag:s17] =	ssyncset.done $0x0  }
0xaa: {  	[sflag:s17] =	ssyncadd.s32 $0xFFFFE0C0  }
0xab: {  	_ =	swait.ge [sflag:s18], $0x1F40  }
0xac: {  	[sflag:s18] =	ssyncset.done $0x0  }
0xad: {  	[sflag:s18] =	ssyncadd.s32 $0xFFFFE0C0  }
0xae: {  	_ =	swait.ge [sflag:s30], $0x1F40  }
0xaf: {  	[sflag:s30] =	ssyncset.done $0x0  }
0xb0: {  	[sflag:s30] =	ssyncadd.s32 $0xFFFFE0C0  }
0xb1: {  	_ =	swait.ge [sflag:s31], $0x1F40  }
0xb2: {  	[sflag:s31] =	ssyncset.done $0x0  }
0xb3: {  	[sflag:s31] =	ssyncadd.s32 $0xFFFFE0C0  }
0xb4: {  	s21 =	stileid.u32;
	_ =	swait.ge [sflag:s0], $0x1F40  }
0xb5: {  	s28 =	sadd.s32 $0x1, s28;
	s1 =	sshll.u32 s21, $0x6;
	[sflag:s0] =	ssyncset.done $0x0  }
0xb6: {  	p0 =	sne.s32 s28, s13;
	s1 =	sor.u32 $0x1C06, s1;
	[sflag:s0] =	ssyncadd.s32 $0xFFFFE0C0  }
.Ltmp2:
0xb7: {  	s14 =	sshrl.u32 s4, $0x3;
	[bflag:$0x0] =	sbarrier.arrive $0xFFFF;
	(pc) =	sbr.rel @p0 .LBB2_1-.Ltmp2, $4  }
0xb8: {  	[hbm:s12], [sflag:s1] =	dma.local [spmem:s14], $0x1388  }
0xb9: {  	_ =	swait.ge [sflag:s16], $0x1388  }
0xba: {  	[sflag:s16] =	ssyncset.done $0x0  }
0xbb: {  	[sflag:s16] =	ssyncadd.s32 $0xFFFFEC78  }
0xbc: {  	_ =	sfence.sel $0x180000  }
0xbd: {  	[bflag:$0x0] =	sbarrier.arrive $0xFFFF  }
0xbe: {  	_ =	strace $0x9000004D  }
0xbf: {  	s0 =	stileid.u32;
	[bflag:$0x2] =	sbarrier.arrive $0xFFFF  }
0xc0: {  	p0 =	sne.s32 s0, $0x0;
	s0 =	rddreg [dreg:$0x2]  }
0xc1: {  	s0 =	sadd.s32 @!p0 $0x100000, s0  }
0xc2: {  	[sflag:s0] =	ssyncadd.tile.s32 @!p0 $0x1;
	_ =	shalt  }
.Lfunc_end2:
_tile_overlayer_lowered:
.L_overlay_start_2:
0xc3: {  	(tag) =	ssettag $0x2  }
0xc4: {  	s0 =	rddreg [dreg:$0x0];
	s2 =	stileid.u32  }
0xc5: {  	s1 =	rddreg [dreg:$0x1];
	p0 =	sne.s32 s2, $0x0  }
0xc6: {  	s3 =	rddreg [dreg:$0x2];
	[bflag:$0x3] =	sbarrier.arrive $0xFFFF;
	s2 =	simm.s32 @!p0 $0x1C06  }
0xc7: {  	[timem:s3], [sflag:s2] =	dma.local @!p0 [hbm:s0], s1  }
0xc8: {  	s0 =	simm.s32 @!p0 $0x6  }
0xc9: {  	_ =	swait.ge @!p0 [sflag:s0], s1  }
0xca: {  	s1 =	ssub.s32 @!p0 $0x0, s1;
	[sflag:s0] =	ssyncset.done @!p0 $0x0  }
0xcb: {  	[sflag:s0] =	ssyncadd.s32 @!p0 s1  }
0xcc: {  	[bflag:$0x3] =	sbarrier.arrive $0xFFFF  }
0xcd: {  	_ =	shalt  }

// kernel: kernel.19.cloned.1.call-start
scs
__scs_entry_jumppad:
0x0: {  	(pc) =	sbr.rel $0x88, $3  }
0x1: {  	(tag) =	ssettag $0x0;
	lr =	simm.s32 $0x1  }
0x2: {  	[smem:$0x3F98] =	sst lr;
	_ =	strace $0xD0000000  }
0x3: {  	_ = 	snop  }
0x4: {  	_ = 	snop  }
0x5: {  	_ = 	snop  }
0x6: {  	_ = 	snop  }
0x7: {  	_ = 	snop  }
__scs_overlays_trampoline_lowered:
0x8: {  	[smem:$0x3FA7] =	sst s0  }
0x9: {  	[smem:$0x3FA8] =	sst s1  }
0xa: {  	[smem:$0x3FA9] =	sst s2  }
0xb: {  	[smem:$0x3FAA] =	sst s3  }
0xc: {  	[smem:$0x3FAB] =	sst s4  }
0xd: {  	[smem:$0x3FAC] =	sst s5  }
0xe: {  	[smem:$0x3FAD] =	sst s6  }
0xf: {  	[smem:$0x3FAE] =	sst s7  }
0x10: {  	[smem:$0x3FAF] =	sst s8  }
0x11: {  	[smem:$0x3FB0] =	sst s9;
	s0 =	simm.s32 @!p0 $0x0  }
0x12: {  	s1 =	sld [smem:$0x3F96];
	s0 =	simm.s32 @p0 $0x1  }
0x13: {  	[smem:$0x3FB1] =	sst s0;
	s0 =	simm.s32 @!p1 $0x0  }
0x14: {  	s2 =	sld [smem:$0x3F95];
	s0 =	simm.s32 @p1 $0x1  }
0x15: {  	[smem:$0x3FB2] =	sst s0;
	s0 =	simm.s32 @!p2 $0x0  }
0x16: {  	s3 =	sld [smem:$0x3FDB];
	s0 =	simm.s32 @p2 $0x1  }
0x17: {  	s4 =	simm.s32 $0x1BF5;
	[smem:$0x3FB4] =	sst s0  }
0x18: {  	s0 =	sld [smem:$0x3F97];
	_ =	swait.ge [sflag:s4], $0x0  }
0x19: {  	s7 =	sld [smem:$0x3F98]  }
0x1a: {  	s8 =	sadd.s32 $0xFFFFE003, lr  }
0x1b: {  	s9 =	sadd.s32 $0xFFFFFEF7, lr;
	s5 =	simm.s32 $0xFFFFFFFF;
	p2 =	slt.u32 s8, $0xFFFFF086  }
0x1c: {  	p1 =	slt.u32 s9, $0xF7A;
	s5 =	simm.s32 @!p2 $0x0  }
0x1d: {  	s5 =	simm.s32 @p1 $0x1;
	p0 =	seq.s32 s7, s2  }
0x1e: {  	s7 =	smul.u32 @!p0 $0xF7A, s2;
	p2 =	seq.s32 @!p0 s5, $0x0  }
0x1f: {  	s9 =	smul.u32 $0xF7A, s1;
	s8 =	simm.s32 @!p0 $0x1BF5;
	p2 =	por !p2, p0  }
0x20: {  	[sflag:s8] =	ssyncset.s32 @!p0 $0xFFFFF086;
	s6 =	sadd.s32 @!p0 s3, s7;
	s7 =	simm.s32 @!p0 $0x108  }
0x21: {  	s3 =	sadd.s32 s3, s9;
	s6 =	sadd.s32 @!p0 $0x88, s6;
	s7 =	simm.s32 @p2 $0x1082  }
0x22: {  	[simem:s7], [sflag:s8] =	dma.local @!p0 [hbm:s6], $0xF7A  }
0x23: {  	s9 =	sor.u32 $0xD0000000, s2;
	s6 =	simm.s32 $0x108;
	_ =	swait.ge @!p0 [sflag:s8], $0x0  }
0x24: {  	s3 =	sadd.s32 $0x88, s3;
	s6 =	simm.s32 @!p1 $0x1082;
	[sflag:s4] =	ssyncset.s32 $0xFFFFF086  }
0x25: {  	[simem:s6], [sflag:s4] =	dma.local [hbm:s3], $0xF7A  }
0x26: {  	[smem:$0x3F98] =	sst s1;
	(tag) =	ssettag s2;
	_ =	strace s9  }
0x27: {  	s1 =	sld [smem:$0x3FA8]  }
0x28: {  	s2 =	sld [smem:$0x3FA9]  }
0x29: {  	s4 =	sld [smem:$0x3FAB]  }
0x2a: {  	p0 =	seq.s32 s5, $0x0;
	s5 =	sld [smem:$0x3FAC]  }
0x2b: {  	s6 =	sld [smem:$0x3FAD]  }
0x2c: {  	s7 =	sld [smem:$0x3FAE]  }
0x2d: {  	s3 =	simm.s32 $0x108;
	s8 =	sld [smem:$0x3FAF]  }
0x2e: {  	s3 =	simm.s32 @!p0 $0x1082;
	s9 =	sld [smem:$0x3FB0]  }
0x2f: {  	lr =	sadd.s32 s0, s3;
	s0 =	sld [smem:$0x3FA7]  }
0x30: {  	s3 =	sld [smem:$0x3FAA]  }
0x31: {  	[smem:$0x3FB3] =	sst s10  }
0x32: {  	s10 =	sld [smem:$0x3FB1];
	_ =	sdelay $0x3  }
0x33: {  	p0 =	seq.s32 s10, $0x1;
	s10 =	sld [smem:$0x3FB3];
	_ =	sdelay $0x3  }
0x34: {  	[smem:$0x3FB3] =	sst s10  }
0x35: {  	s10 =	sld [smem:$0x3FB2];
	_ =	sdelay $0x3  }
0x36: {  	p1 =	seq.s32 s10, $0x1;
	s10 =	sld [smem:$0x3FB3];
	_ =	sdelay $0x3  }
0x37: {  	[smem:$0x3FB3] =	sst s10  }
0x38: {  	s10 =	sld [smem:$0x3FB4]  }
0x39: {  	_ = 	snop;
	(pc) =	sbr.ind lr, $3  }
0x3a: {  	_ = 	snop  }
0x3b: {  	_ = 	snop  }
0x3c: {  	p2 =	seq.s32 s10, $0x1;
	s10 =	sld [smem:$0x3FB3]  }
0x3d: {  	_ =	shalt  }
0x3e: {  	_ =	shalt  }
0x3f: {  	_ =	shalt  }
0x40: {  	_ =	shalt  }
0x41: {  	_ =	shalt  }
0x42: {  	_ =	shalt  }
0x43: {  	_ =	shalt  }
0x44: {  	_ =	shalt  }
0x45: {  	_ =	shalt  }
0x46: {  	_ =	shalt  }
0x47: {  	_ =	shalt  }
0x48: {  	_ =	shalt  }
0x49: {  	_ =	shalt  }
0x4a: {  	_ =	shalt  }
0x4b: {  	_ =	shalt  }
0x4c: {  	_ =	shalt  }
0x4d: {  	_ =	shalt  }
0x4e: {  	_ =	shalt  }
0x4f: {  	_ =	shalt  }
0x50: {  	_ =	shalt  }
0x51: {  	_ =	shalt  }
0x52: {  	_ =	shalt  }
0x53: {  	_ =	shalt  }
0x54: {  	_ =	shalt  }
0x55: {  	_ =	shalt  }
0x56: {  	_ =	shalt  }
0x57: {  	_ =	shalt  }
0x58: {  	_ =	shalt  }
0x59: {  	_ =	shalt  }
0x5a: {  	_ =	shalt  }
0x5b: {  	_ =	shalt  }
0x5c: {  	_ =	shalt  }
0x5d: {  	_ =	shalt  }
0x5e: {  	_ =	shalt  }
0x5f: {  	_ =	shalt  }
0x60: {  	_ =	shalt  }
0x61: {  	_ =	shalt  }
0x62: {  	_ =	shalt  }
0x63: {  	_ =	shalt  }
0x64: {  	_ =	shalt  }
0x65: {  	_ =	shalt  }
0x66: {  	_ =	shalt  }
0x67: {  	_ =	shalt  }
0x68: {  	_ =	shalt  }
0x69: {  	_ =	shalt  }
0x6a: {  	_ =	shalt  }
0x6b: {  	_ =	shalt  }
0x6c: {  	_ =	shalt  }
0x6d: {  	_ =	shalt  }
0x6e: {  	_ =	shalt  }
0x6f: {  	_ =	shalt  }
0x70: {  	_ =	shalt  }
0x71: {  	_ =	shalt  }
0x72: {  	_ =	shalt  }
0x73: {  	_ =	shalt  }
0x74: {  	_ =	shalt  }
0x75: {  	_ =	shalt  }
0x76: {  	_ =	shalt  }
0x77: {  	_ =	shalt  }
0x78: {  	_ =	shalt  }
0x79: {  	_ =	shalt  }
0x7a: {  	_ =	shalt  }
0x7b: {  	_ =	shalt  }
0x7c: {  	_ =	shalt  }
0x7d: {  	_ =	shalt  }
0x7e: {  	_ =	shalt  }
0x7f: {  	_ =	shalt  }
0x80: {  	_ =	shalt  }
0x81: {  	_ =	shalt  }
0x82: {  	_ =	shalt  }
0x83: {  	_ =	shalt  }
0x84: {  	_ =	shalt  }
0x85: {  	_ =	shalt  }
0x86: {  	_ =	shalt  }
0x87: {  	_ =	shalt  }
.Lfunc_end0:
.L_simem_size_0:
called_computation.3_lowered:
.L_overlay_start_0:
0x88: {  	s2 =	sld [smem:$0x3FD9]  }
0x89: {  	s3 =	sld [smem:$0x3FFE];
	_ =	sdelay $0x1  }
0x8a: {  	s1 =	srdreg.scid  }
0x8b: {  	s0 =	sand.u32 $0x1, s1  }
0x8c: {  	s16 =	sshll.u32 s0, $0xA;
	s2 =	sadd.s32 s3, s2  }
0x8d: {  	s2 =	sadd.s32 s2, s16  }
0x8e: {  	[smem:$0x3FBF] =	sst s2  }
0x8f: {  	_ = 	snop  }
0x90: {  	(tm) =	ssettm $0x1  }
0x91: {  	s17 =	sld [smem:$0x3FFB];
	_ =	sdelay $0x3  }
0x92: {  	_ =	strace s17  }
0x93: {  	s2 =	sld [smem:$0x3FFC];
	_ =	sdelay $0x3  }
0x94: {  	_ =	strace s2  }
0x95: {  	s2 =	sld [smem:$0x3FFD];
	_ =	sdelay $0x3  }
0x96: {  	_ =	strace s2  }
0x97: {  	_ =	strace $0x8FFFFFFF  }
0x98: {  	s18 =	sld [smem:$0x3FDB];
	_ =	sdelay $0x1  }
0x99: {  	s19 =	simm.s32 $_scs_section_size  }
0x9a: {  	s4 =	simm.s32 $_size__tile_overlayer_lowered;
	s5 =	simm.s32 $_tile_overlayer_lowered  }
0x9b: {  	s22 =	simm.s32 $0x1BFF;
	s21 =	sshll.u32 s5, $0x1;
	s2 =	sadd.s32 s19, s18  }
0x9c: {  	s6 =	simm.s32 $0x0;
	s20 =	sshll.u32 s4, $0x1;
	s4 =	sadd.s32 s21, s2  }
0x9d: {  	[timem:s6], [sflag:s22] =	dma.local [hbm:s4], s20  }
0x9e: {  	_ =	swait.ge [sflag:s22], s20  }
0x9f: {  	s3 =	ssub.s32 $0x0, s20;
	[sflag:s22] =	ssyncset.done $0x0  }
0xa0: {  	[sflag:s22] =	ssyncadd.s32 s3;
	_ =	sdelay $0x1  }
0xa1: {  	s23 =	simm.s32 $0x1B8B  }
0xa2: {  	_ =	swait.ge [sflag:s23], $0x1  }
0xa3: {  	[sflag:s23] =	ssyncset.done $0x0  }
0xa4: {  	s25 =	simm.s32 $0x1B8E;
	s24 =	sld [smem:$0x3FFE];
	[sflag:s23] =	ssyncadd.s32 $0xFFFFFFFF  }
0xa5: {  	s26 =	simm.s32 $execute0_lowered;
	[smem:$0x3FD2] =	sst s25  }
0xa6: {  	s4 =	sshll.u32 s26, $0x1;
	_ =	strace $0x8000004F;
	[dreg:$0x1] =	wrdreg $0xFFFFFFFF  }
0xa7: {  	s28 =	simm.s32 $_size_execute0_lowered;
	s2 =	sadd.s32 s2, s4;
	[dreg:$0x0] =	wrdreg $0x0  }
0xa8: {  	s4 =	sshll.u32 s28, $0x1;
	[dreg:$0x2] =	wrdreg s2  }
0xa9: {  	[dreg:$0x3] =	wrdreg s4  }
0xaa: {  	[dreg:$0x4] =	wrdreg $0xC0  }
0xab: {  	_ =	task [dreg:s6], $0x5FFFF  }
0xac: {  	[dreg:$0x1] =	wrdreg $0xFFFFFFFF  }
0xad: {  	[dreg:$0x0] =	wrdreg $0x60  }
0xae: {  	[dreg:$0x2] =	wrdreg s24  }
0xaf: {  	[dreg:$0x3] =	wrdreg $0x15B800  }
0xb0: {  	[dreg:$0x4] =	wrdreg $0x9  }
0xb1: {  	_ =	task.clear_ibuf [dreg:s6], $0x5FFFF;
	_ =	strace $0x9000004F  }
0xb2: {  	s29 =	simm.s32 $0x9;
	_ =	strace $0x80000051  }
0xb3: {  	_ =	swait.ge [sflag:s29], $0x1  }
0xb4: {  	[sflag:s29] =	ssyncadd.s32 $0xFFFFFFFF  }
0xb5: {  	_ =	strace $0x90000051  }
0xb6: {  	_ =	sfence  }
0xb7: {  	s30 =	sld [smem:$0x0];
	_ =	sdelay $0x2  }
0xb8: {  	s31 =	sshll.u32 s1, $0xD;
	s1 =	sshrl.u32 s1, $0x2  }
0xb9: {  	s3 =	sand.u32 $0x4000, s31;
	s1 =	sadd.s32 s1, s30  }
0xba: {  	s0 =	sor.u32 s3, s0;
	s1 =	sshll.u32 s1, $0x11  }
0xbb: {  	s0 =	sor.u32 s1, s0  }
0xbc: {  	s0 =	sadd.s32 $0x8F2B, s0  }
0xbd: {  	[sflag:s0] =	ssyncadd.remote.s32 $0x1  }
0xbe: {  	_ =	sfence.sel $0xFFFF  }
0xbf: {  	[dreg:$0x0] =	wrdreg $0xFFFFFFFF;
	(pc) =	sbr.abs _section_cstart, $3  }
0xc0: {  	[dreg:$0x1] =	wrdreg $0xFFFFFFFF  }
0xc1: {  	_ =	task.clear_ibuf [dreg:s6], $0x2FFFF;
	_ =	strace $0x9FFFFFFF  }
0xc2: {  	(tm) =	ssettm $0x7FFFFFFF  }
0xc3: {  	_ =	shalt  }
tec
execute0_lowered:
.L_overlay_start_1:
0x0: {  	(tag) =	ssettag $0x1  }
0x1: {  	s0 =	rddreg [dreg:$0x0]  }
0x2: {  	s1 =	srdreg.scid;
	s2 =	rddreg [dreg:$0x1]  }
0x3: {  	s8 =	stileid.u32;
	s3 =	simm.s32 $0x0;
	s15 =	simm.s32 $0x13C40  }
0x4: {  	s16 =	simm.s32 $0x6;
	s17 =	simm.s32 $0x1;
	s18 =	simm.s32 $0x2  }
0x5: {  	s19 =	simm.s32 $0x7D;
	s20 =	simm.s32 $0xA000;
	s22 =	simm.s32 $0xBF40  }
0x6: {  	s29 =	simm.s32 $0x11D00;
	s30 =	simm.s32 $0x3;
	s5 =	smul.u32 $0xA00, s8  }
0x7: {  	s31 =	simm.s32 $0x4;
	s23 =	simm.s32 $0x9F00;
	s7 =	smul.u32 $0x9C40, s8  }
0x8: {  	s28 =	simm.s32 $0x0;
	s1 =	sand.u32 $0x1, s1;
	s24 =	smul.u32 $0x27100, s8  }
0x9: {  	[smem:$0x7FF] =	sst s3;
	s4 =	smul.u32 $0x9C400, s1;
	s1 =	ssub.s32 $0x2, s1  }
0xa: {  	_ =	strace $0x80000050;
	s25 =	sadd.s32 s5, s0;
	s26 =	sshrl.u32 s1, $0x1  }
0xb: {  	s6 =	sshrl.u32 s4, $0x3;
	s4 =	sadd.s32 s7, s4;
	s1 =	ssub.s32 s1, s26  }
0xc: {  	s5 =	sadd.s32 $0x20E00, s25;
	s26 =	simm.s32 $0xFDC0;
	s11 =	sadd.s32 s6, s0  }
0xd: {  	s4 =	sshrl.u32 s4, $0x3;
	s6 =	sshrl.u32 s24, $0x2;
	s13 =	smax.u32 s1, $0x1  }
0xe: {  	s24 =	simm.s32 $0xDE80;
	s0 =	sadd.s32 s4, s0;
	s4 =	sadd.s32 s6, s2  }
0xf: {  	s6 =	sadd.s32 $0x16E00, s25;
	s11 =	sadd.s32 $0x79000, s11;
	s25 =	simm.s32 $0x9F80  }
0x10: {  	s7 =	sadd.s32 $0x1F40, s4;
	s8 =	sadd.s32 $0x3E80, s4;
	s9 =	sadd.s32 $0x5DC0, s4  }
0x11: {  	v0 =	vimm.f32 $0.0e+00;
	s10 =	sadd.s32 $0x7D00, s4;
	s12 =	sadd.s32 $0xA0200, s0;
	s0 =	simm.s32 $0x5  }
.LBB2_1:
0x12: {  	[tilespmem:s3], [sflag:$0x1] =	stream.linear.gather [hbm4b:s5+s3], $0x5000, $0x38;
	[tilespmem:$0x1F7C0] =	vst v63  }
0x13: {  	s1 =	simm.s32 $0x5000  }
0x14: {  	[tilespmem:s1], [sflag:$0x2] =	stream.linear.gather [hbm4b:s6+s3], $0x5000, $0x38;
	[tilespmem:$0x1F7C0] =	vst v63  }
0x15: {  	s14 =	simm.s32 $0x100;
	s1 =	simm.s32 $0x0  }
.LBB2_2:
0x16: {  	p0 =	sne.s32 s14, $0x7C00;
	[tilespmem:s1+$0x13C70] =	vst v0;
	s21 =	smov.u32 s14;
	s14 =	sadd.s32 $0x100, s14  }
.Ltmp0:
0x17: {  	[tilespmem:s1+$0x13C60] =	vst v0;
	(pc) =	sbr.rel @p0 .LBB2_2-.Ltmp0, $3  }
0x18: {  	[tilespmem:s1+$0x13C40] =	vst v0  }
0x19: {  	[tilespmem:s1+$0x13C50] =	vst v0;
	_ =	sdelay $0x1  }
0x1a: {  	s1 =	sshra.s32 s21, $0x2  }
0x1b: {  	[tilespmem:s1+$0x13C70] =	vst v0  }
0x1c: {  	[tilespmem:s1+$0x13C60] =	vst v0  }
0x1d: {  	[tilespmem:s1+$0x13C40] =	vst v0  }
0x1e: {  	[tilespmem:s1+$0x13C50] =	vst v0  }
0x1f: {  	[spmem:s4] =	stream.linear.scatter [tilespmem:s15], [sflag:$0x6], $0x1F40, $0x38;
	[tilespmem:$0x1F7C0] =	vst v63  }
0x20: {  	_ =	swait.ge [sflag:s16], $0x1F40  }
0x21: {  	[sflag:s16] =	ssyncset.done $0x0  }
0x22: {  	[sflag:s16] =	ssyncadd.s32 $0xFFFFE0C0  }
0x23: {  	[spmem:s7] =	stream.linear.scatter [tilespmem:s15], [sflag:$0x6], $0x1F40, $0x38;
	[tilespmem:$0x1F7C0] =	vst v63  }
0x24: {  	_ =	swait.ge [sflag:s16], $0x1F40  }
0x25: {  	[sflag:s16] =	ssyncset.done $0x0  }
0x26: {  	[sflag:s16] =	ssyncadd.s32 $0xFFFFE0C0  }
0x27: {  	[spmem:s8] =	stream.linear.scatter [tilespmem:s15], [sflag:$0x6], $0x1F40, $0x38;
	[tilespmem:$0x1F7C0] =	vst v63  }
0x28: {  	_ =	swait.ge [sflag:s16], $0x1F40  }
0x29: {  	[sflag:s16] =	ssyncset.done $0x0  }
0x2a: {  	[sflag:s16] =	ssyncadd.s32 $0xFFFFE0C0  }
0x2b: {  	[spmem:s9] =	stream.linear.scatter [tilespmem:s15], [sflag:$0x6], $0x1F40, $0x38;
	[tilespmem:$0x1F7C0] =	vst v63  }
0x2c: {  	_ =	swait.ge [sflag:s16], $0x1F40  }
0x2d: {  	[sflag:s16] =	ssyncset.done $0x0  }
0x2e: {  	[sflag:s16] =	ssyncadd.s32 $0xFFFFE0C0  }
0x2f: {  	[spmem:s10] =	stream.linear.scatter [tilespmem:s15], [sflag:$0x6], $0x1F40, $0x38;
	[tilespmem:$0x1F7C0] =	vst v63  }
0x30: {  	_ =	swait.ge [sflag:s16], $0x1F40  }
0x31: {  	[sflag:s16] =	ssyncset.done $0x0  }
0x32: {  	[sflag:s16] =	ssyncadd.s32 $0xFFFFE0C0  }
0x33: {  	_ =	swait.ge [sflag:s17], $0x5000  }
0x34: {  	[sflag:s17] =	ssyncset.done $0x0  }
0x35: {  	[sflag:s17] =	ssyncadd.s32 $0xFFFFB000  }
0x36: {  	_ =	swait.ge [sflag:s18], $0x5000  }
0x37: {  	[sflag:s18] =	ssyncset.done $0x0  }
0x38: {  	[sflag:s18] =	ssyncadd.s32 $0xFFFFB000  }
0x39: {  	s14 =	simm.s32 $0x0;
	[bflag:$0x0] =	sbarrier.arrive $0xFFFF  }
0x3a: {  	[tilespmem:s20], [sflag:$0x1] =	stream.indirect.gather [hbm4b:s11+s19], $0x40, s14, s19, $0xb8;
	[tilespmem:$0x1F7C0] =	vst v63  }
0x3b: {  	s21 =	simm.s32 $0x80  }
0x3c: {  	[tilespmem:s22], [sflag:$0x2] =	stream.indirect.gather [hbm4b:s11+s19], $0x40, s21, s19, $0xb8;
	[tilespmem:$0x1F7C0] =	vst v63  }
0x3d: {  	s14 =	simm.s32 $0x100  }
0x3e: {  	[tilespmem:s24], [sflag:$0x3] =	stream.indirect.gather [hbm4b:s11+s19], $0x40, s14, s19, $0xb8;
	[tilespmem:$0x1F7C0] =	vst v63  }
0x3f: {  	s21 =	simm.s32 $0x180  }
0x40: {  	[tilespmem:s26], [sflag:$0x4] =	stream.indirect.gather [hbm4b:s11+s19], $0x40, s21, s19, $0xb8;
	[tilespmem:$0x1F7C0] =	vst v63  }
0x41: {  	s14 =	simm.s32 $0x200  }
0x42: {  	[tilespmem:s29], [sflag:$0x5] =	stream.indirect.gather [hbm4b:s11+s19], $0x40, s14, s19, $0xb8;
	[tilespmem:$0x1F7C0] =	vst v63  }
0x43: {  	_ =	swait.ge [sflag:s17], $0x1F40  }
0x44: {  	[sflag:s17] =	ssyncset.done $0x0  }
0x45: {  	s21 =	simm.s32 $0x5000;
	[sflag:s17] =	ssyncadd.s32 $0xFFFFE0C0  }
0x46: {  	[spmem:s2] =	stream.indirect.scatter.add.f32 [tilespmem:s20], [sflag:$0x1], $0x40, s21, s19, $0xb8;
	[tilespmem:$0x1F7C0] =	vst v63  }
0x47: {  	_ =	swait.ge [sflag:s18], $0x1F40  }
0x48: {  	[sflag:s18] =	ssyncset.done $0x0  }
0x49: {  	s14 =	simm.s32 $0x5080;
	[sflag:s18] =	ssyncadd.s32 $0xFFFFE0C0  }
0x4a: {  	[spmem:s2] =	stream.indirect.scatter.add.f32 [tilespmem:s22], [sflag:$0x2], $0x40, s14, s19, $0xb8;
	[tilespmem:$0x1F7C0] =	vst v63  }
0x4b: {  	_ =	swait.ge [sflag:s30], $0x1F40  }
0x4c: {  	[sflag:s30] =	ssyncset.done $0x0  }
0x4d: {  	s21 =	simm.s32 $0x5100;
	[sflag:s30] =	ssyncadd.s32 $0xFFFFE0C0  }
0x4e: {  	[spmem:s2] =	stream.indirect.scatter.add.f32 [tilespmem:s24], [sflag:$0x3], $0x40, s21, s19, $0xb8;
	[tilespmem:$0x1F7C0] =	vst v63  }
0x4f: {  	_ =	swait.ge [sflag:s31], $0x1F40  }
0x50: {  	[sflag:s31] =	ssyncset.done $0x0  }
0x51: {  	s14 =	simm.s32 $0x5180;
	[sflag:s31] =	ssyncadd.s32 $0xFFFFE0C0  }
0x52: {  	[spmem:s2] =	stream.indirect.scatter.add.f32 [tilespmem:s26], [sflag:$0x4], $0x40, s14, s19, $0xb8;
	[tilespmem:$0x1F7C0] =	vst v63  }
0x53: {  	_ =	swait.ge [sflag:s0], $0x1F40  }
0x54: {  	[sflag:s0] =	ssyncset.done $0x0  }
0x55: {  	s21 =	simm.s32 $0x5200;
	[sflag:s0] =	ssyncadd.s32 $0xFFFFE0C0  }
0x56: {  	[spmem:s2] =	stream.indirect.scatter.add.f32 [tilespmem:s29], [sflag:$0x5], $0x40, s21, s19, $0xb8;
	[tilespmem:$0x1F7C0] =	vst v63  }
0x57: {  	_ =	swait.ge [sflag:s17], $0x1F40  }
0x58: {  	[sflag:s17] =	ssyncset.done $0x0  }
0x59: {  	s14 =	simm.s32 $0x280;
	[sflag:s17] =	ssyncadd.s32 $0xFFFFE0C0  }
0x5a: {  	[tilespmem:s20], [sflag:$0x1] =	stream.indirect.gather [hbm4b:s11+s19], $0x40, s14, s19, $0xb8;
	[tilespmem:$0x1F7C0] =	vst v63  }
0x5b: {  	_ =	swait.ge [sflag:s18], $0x1F40  }
0x5c: {  	[sflag:s18] =	ssyncset.done $0x0  }
0x5d: {  	s21 =	simm.s32 $0x300;
	[sflag:s18] =	ssyncadd.s32 $0xFFFFE0C0  }
0x5e: {  	[tilespmem:s22], [sflag:$0x2] =	stream.indirect.gather [hbm4b:s11+s19], $0x40, s21, s19, $0xb8;
	[tilespmem:$0x1F7C0] =	vst v63  }
0x5f: {  	_ =	swait.ge [sflag:s30], $0x1F40  }
0x60: {  	[sflag:s30] =	ssyncset.done $0x0  }
0x61: {  	s14 =	simm.s32 $0x380;
	[sflag:s30] =	ssyncadd.s32 $0xFFFFE0C0  }
0x62: {  	[tilespmem:s24], [sflag:$0x3] =	stream.indirect.gather [hbm4b:s11+s19], $0x40, s14, s19, $0xb8;
	[tilespmem:$0x1F7C0] =	vst v63  }
0x63: {  	_ =	swait.ge [sflag:s31], $0x1F40  }
0x64: {  	[sflag:s31] =	ssyncset.done $0x0  }
0x65: {  	s21 =	simm.s32 $0x400;
	[sflag:s31] =	ssyncadd.s32 $0xFFFFE0C0  }
0x66: {  	[tilespmem:s26], [sflag:$0x4] =	stream.indirect.gather [hbm4b:s11+s19], $0x40, s21, s19, $0xb8;
	[tilespmem:$0x1F7C0] =	vst v63  }
0x67: {  	_ =	swait.ge [sflag:s0], $0x1F40  }
0x68: {  	[sflag:s0] =	ssyncset.done $0x0  }
0x69: {  	s1 =	simm.s32 $0x480;
	s14 =	simm.s32 $0xA00;
	[sflag:s0] =	ssyncadd.s32 $0xFFFFE0C0  }
.LBB2_4:
0x6a: {  	[tilespmem:s29], [sflag:$0x5] =	stream.indirect.gather [hbm4b:s11+s19], $0x40, s1, s19, $0xb8;
	[tilespmem:$0x1F7C0] =	vst v63  }
0x6b: {  	s1 =	smov.u32 s14  }
0x6c: {  	p0 =	sne.s32 s14, $0x12C00;
	s14 =	sadd.s32 $0xA00, s14;
	_ =	swait.ge [sflag:s17], $0x1F40  }
0x6d: {  	s1 =	sshra.s32 s1, $0x2;
	[sflag:s17] =	ssyncset.done $0x0  }
0x6e: {  	s21 =	sadd.s32 $0x5000, s1;
	[sflag:s17] =	ssyncadd.s32 $0xFFFFE0C0  }
0x6f: {  	[spmem:s2] =	stream.indirect.scatter.add.f32 [tilespmem:s20], [sflag:$0x1], $0x40, s21, s19, $0xb8;
	[tilespmem:$0x1F7C0] =	vst v63  }
0x70: {  	_ =	swait.ge [sflag:s18], $0x1F40  }
0x71: {  	[sflag:s18] =	ssyncset.done $0x0  }
0x72: {  	s21 =	sadd.s32 $0x5080, s1;
	[sflag:s18] =	ssyncadd.s32 $0xFFFFE0C0  }
0x73: {  	[spmem:s2] =	stream.indirect.scatter.add.f32 [tilespmem:s22], [sflag:$0x2], $0x40, s21, s19, $0xb8;
	[tilespmem:$0x1F7C0] =	vst v63  }
0x74: {  	_ =	swait.ge [sflag:s30], $0x1F40  }
0x75: {  	[sflag:s30] =	ssyncset.done $0x0  }
0x76: {  	s21 =	sadd.s32 $0x5100, s1;
	[sflag:s30] =	ssyncadd.s32 $0xFFFFE0C0  }
0x77: {  	[spmem:s2] =	stream.indirect.scatter.add.f32 [tilespmem:s24], [sflag:$0x3], $0x40, s21, s19, $0xb8;
	[tilespmem:$0x1F7C0] =	vst v63  }
0x78: {  	_ =	swait.ge [sflag:s31], $0x1F40  }
0x79: {  	[sflag:s31] =	ssyncset.done $0x0  }
0x7a: {  	s21 =	sadd.s32 $0x5180, s1;
	[sflag:s31] =	ssyncadd.s32 $0xFFFFE0C0  }
0x7b: {  	[spmem:s2] =	stream.indirect.scatter.add.f32 [tilespmem:s26], [sflag:$0x4], $0x40, s21, s19, $0xb8;
	[tilespmem:$0x1F7C0] =	vst v63  }
0x7c: {  	_ =	swait.ge [sflag:s0], $0x1F40  }
0x7d: {  	[sflag:s0] =	ssyncset.done $0x0  }
0x7e: {  	s21 =	sadd.s32 $0x5200, s1;
	[sflag:s0] =	ssyncadd.s32 $0xFFFFE0C0  }
0x7f: {  	[spmem:s2] =	stream.indirect.scatter.add.f32 [tilespmem:s29], [sflag:$0x5], $0x40, s21, s19, $0xb8;
	[tilespmem:$0x1F7C0] =	vst v63  }
0x80: {  	_ =	swait.ge [sflag:s17], $0x1F40  }
0x81: {  	[sflag:s17] =	ssyncset.done $0x0  }
0x82: {  	s21 =	sadd.s32 $0x280, s1;
	[sflag:s17] =	ssyncadd.s32 $0xFFFFE0C0  }
0x83: {  	[tilespmem:s20], [sflag:$0x1] =	stream.indirect.gather [hbm4b:s11+s19], $0x40, s21, s19, $0xb8;
	[tilespmem:$0x1F7C0] =	vst v63  }
0x84: {  	_ =	swait.ge [sflag:s18], $0x1F40  }
0x85: {  	[sflag:s18] =	ssyncset.done $0x0  }
0x86: {  	s21 =	sadd.s32 $0x300, s1;
	[sflag:s18] =	ssyncadd.s32 $0xFFFFE0C0  }
0x87: {  	[tilespmem:s22], [sflag:$0x2] =	stream.indirect.gather [hbm4b:s11+s19], $0x40, s21, s19, $0xb8;
	[tilespmem:$0x1F7C0] =	vst v63  }
0x88: {  	_ =	swait.ge [sflag:s30], $0x1F40  }
0x89: {  	[sflag:s30] =	ssyncset.done $0x0  }
0x8a: {  	s21 =	sadd.s32 $0x380, s1;
	[sflag:s30] =	ssyncadd.s32 $0xFFFFE0C0  }
0x8b: {  	[tilespmem:s24], [sflag:$0x3] =	stream.indirect.gather [hbm4b:s11+s19], $0x40, s21, s19, $0xb8;
	[tilespmem:$0x1F7C0] =	vst v63  }
0x8c: {  	_ =	swait.ge [sflag:s31], $0x1F40  }
0x8d: {  	[sflag:s31] =	ssyncset.done $0x0  }
.Ltmp1:
0x8e: {  	s21 =	sadd.s32 $0x400, s1;
	[sflag:s31] =	ssyncadd.s32 $0xFFFFE0C0;
	(pc) =	sbr.rel @p0 .LBB2_4-.Ltmp1, $4  }
0x8f: {  	[tilespmem:s26], [sflag:$0x4] =	stream.indirect.gather [hbm4b:s11+s19], $0x40, s21, s19, $0xb8;
	[tilespmem:$0x1F7C0] =	vst v63  }
0x90: {  	_ =	swait.ge [sflag:s0], $0x1F40  }
0x91: {  	[sflag:s0] =	ssyncset.done $0x0  }
0x92: {  	s1 =	sadd.s32 $0x480, s1;
	[sflag:s0] =	ssyncadd.s32 $0xFFFFE0C0  }
0x93: {  	[tilespmem:s29], [sflag:$0x5] =	stream.indirect.gather [hbm4b:s11+s19], $0x40, s1, s19, $0xb8;
	[tilespmem:$0x1F7C0] =	vst v63  }
0x94: {  	_ =	swait.ge [sflag:s17], $0x1F40  }
0x95: {  	[sflag:s17] =	ssyncset.done $0x0  }
0x96: {  	s14 =	simm.s32 $0x9D80;
	[sflag:s17] =	ssyncadd.s32 $0xFFFFE0C0  }
0x97: {  	[spmem:s2] =	stream.indirect.scatter.add.f32 [tilespmem:s20], [sflag:$0x1], $0x40, s14, s19, $0xb8;
	[tilespmem:$0x1F7C0] =	vst v63  }
0x98: {  	_ =	swait.ge [sflag:s18], $0x1F40  }
0x99: {  	[sflag:s18] =	ssyncset.done $0x0  }
0x9a: {  	s21 =	simm.s32 $0x9E00;
	[sflag:s18] =	ssyncadd.s32 $0xFFFFE0C0  }
0x9b: {  	[spmem:s2] =	stream.indirect.scatter.add.f32 [tilespmem:s22], [sflag:$0x2], $0x40, s21, s19, $0xb8;
	[tilespmem:$0x1F7C0] =	vst v63  }
0x9c: {  	_ =	swait.ge [sflag:s30], $0x1F40  }
0x9d: {  	[sflag:s30] =	ssyncset.done $0x0  }
0x9e: {  	s14 =	simm.s32 $0x9E80;
	[sflag:s30] =	ssyncadd.s32 $0xFFFFE0C0  }
0x9f: {  	[spmem:s2] =	stream.indirect.scatter.add.f32 [tilespmem:s24], [sflag:$0x3], $0x40, s14, s19, $0xb8;
	[tilespmem:$0x1F7C0] =	vst v63  }
0xa0: {  	_ =	swait.ge [sflag:s31], $0x1F40  }
0xa1: {  	[sflag:s31] =	ssyncset.done $0x0  }
0xa2: {  	[sflag:s31] =	ssyncadd.s32 $0xFFFFE0C0  }
0xa3: {  	[spmem:s2] =	stream.indirect.scatter.add.f32 [tilespmem:s26], [sflag:$0x4], $0x40, s23, s19, $0xb8;
	[tilespmem:$0x1F7C0] =	vst v63  }
0xa4: {  	_ =	swait.ge [sflag:s0], $0x1F40  }
0xa5: {  	[sflag:s0] =	ssyncset.done $0x0  }
0xa6: {  	[sflag:s0] =	ssyncadd.s32 $0xFFFFE0C0  }
0xa7: {  	[spmem:s2] =	stream.indirect.scatter.add.f32 [tilespmem:s29], [sflag:$0x5], $0x40, s25, s19, $0xb8;
	[tilespmem:$0x1F7C0] =	vst v63  }
0xa8: {  	_ =	swait.ge [sflag:s17], $0x1F40  }
0xa9: {  	[sflag:s17] =	ssyncset.done $0x0  }
0xaa: {  	[sflag:s17] =	ssyncadd.s32 $0xFFFFE0C0  }
0xab: {  	_ =	swait.ge [sflag:s18], $0x1F40  }
0xac: {  	[sflag:s18] =	ssyncset.done $0x0  }
0xad: {  	[sflag:s18] =	ssyncadd.s32 $0xFFFFE0C0  }
0xae: {  	_ =	swait.ge [sflag:s30], $0x1F40  }
0xaf: {  	[sflag:s30] =	ssyncset.done $0x0  }
0xb0: {  	[sflag:s30] =	ssyncadd.s32 $0xFFFFE0C0  }
0xb1: {  	_ =	swait.ge [sflag:s31], $0x1F40  }
0xb2: {  	[sflag:s31] =	ssyncset.done $0x0  }
0xb3: {  	[sflag:s31] =	ssyncadd.s32 $0xFFFFE0C0  }
0xb4: {  	s21 =	stileid.u32;
	_ =	swait.ge [sflag:s0], $0x1F40  }
0xb5: {  	s28 =	sadd.s32 $0x1, s28;
	s1 =	sshll.u32 s21, $0x6;
	[sflag:s0] =	ssyncset.done $0x0  }
0xb6: {  	p0 =	sne.s32 s28, s13;
	s1 =	sor.u32 $0x1C06, s1;
	[sflag:s0] =	ssyncadd.s32 $0xFFFFE0C0  }
.Ltmp2:
0xb7: {  	s14 =	sshrl.u32 s4, $0x3;
	[bflag:$0x0] =	sbarrier.arrive $0xFFFF;
	(pc) =	sbr.rel @p0 .LBB2_1-.Ltmp2, $4  }
0xb8: {  	[hbm:s12], [sflag:s1] =	dma.local [spmem:s14], $0x1388  }
0xb9: {  	_ =	swait.ge [sflag:s16], $0x1388  }
0xba: {  	[sflag:s16] =	ssyncset.done $0x0  }
0xbb: {  	[sflag:s16] =	ssyncadd.s32 $0xFFFFEC78  }
0xbc: {  	_ =	sfence.sel $0x180000  }
0xbd: {  	[bflag:$0x0] =	sbarrier.arrive $0xFFFF  }
0xbe: {  	_ =	strace $0x90000050  }
0xbf: {  	s0 =	stileid.u32;
	[bflag:$0x2] =	sbarrier.arrive $0xFFFF  }
0xc0: {  	p0 =	sne.s32 s0, $0x0;
	s0 =	rddreg [dreg:$0x2]  }
0xc1: {  	s0 =	sadd.s32 @!p0 $0x100000, s0  }
0xc2: {  	[sflag:s0] =	ssyncadd.tile.s32 @!p0 $0x1;
	_ =	shalt  }
.Lfunc_end2:
_tile_overlayer_lowered:
.L_overlay_start_2:
0xc3: {  	(tag) =	ssettag $0x2  }
0xc4: {  	s0 =	rddreg [dreg:$0x0];
	s2 =	stileid.u32  }
0xc5: {  	s1 =	rddreg [dreg:$0x1];
	p0 =	sne.s32 s2, $0x0  }
0xc6: {  	s3 =	rddreg [dreg:$0x2];
	[bflag:$0x3] =	sbarrier.arrive $0xFFFF;
	s2 =	simm.s32 @!p0 $0x1C06  }
0xc7: {  	[timem:s3], [sflag:s2] =	dma.local @!p0 [hbm:s0], s1  }
0xc8: {  	s0 =	simm.s32 @!p0 $0x6  }
0xc9: {  	_ =	swait.ge @!p0 [sflag:s0], s1  }
0xca: {  	s1 =	ssub.s32 @!p0 $0x0, s1;
	[sflag:s0] =	ssyncset.done @!p0 $0x0  }
0xcb: {  	[sflag:s0] =	ssyncadd.s32 @!p0 s1  }
0xcc: {  	[bflag:$0x3] =	sbarrier.arrive $0xFFFF  }
0xcd: {  	_ =	shalt  }

</sc_bundles>
